<compile_context>
chip_gen: v7x
topology: tpu7x:2x2x1
jax: 0.10.2.dev20260603
libtpu: 0.0.44.dev20260713+nightly
codegen_flags: <defaults>
</compile_context>

<pallas_src>
import functools

import jax
import jax.numpy as jnp
from jax import lax
from jax.experimental import pallas as pl
from jax.experimental.pallas import tpu as pltpu
from jax.experimental.pallas import tpu_sc as plsc

N = 10000
NP = 10240
E = 320000
NC = 2
NS = 16
NT = NC * NS
CH = 125
NCHUNK = 80
RPT = NP // NS
D = 64
NBUF = 8

_mesh = plsc.VectorSubcoreMesh(
    core_axis_name="c", subcore_axis_name="s", num_cores=NC, num_subcores=NS)
_sc_params = pltpu.CompilerParams(use_tc_tiling_on_sc=False)

_ZCHUNKS = [(o, min(CH, RPT - o)) for o in range(0, RPT, CH)]


def _fill_rows(buf, rows, cols, value):
    vec = jnp.full((16,), value, jnp.float32)

    def body(r, carry):
        for k in range(cols // 16):
            buf[r, pl.ds(k * 16, 16)] = vec
        return carry

    lax.fori_loop(0, rows, body, 0)


def _deg_body(se_hbm, deg_hbm, idx_v, ones_v, hist_sh, sem):
    c = lax.axis_index("c")
    s = lax.axis_index("s")
    _fill_rows(ones_v, CH, 16, 0.0)
    for off, sz in _ZCHUNKS:
        pltpu.sync_copy(ones_v.at[pl.ds(0, sz)],
                        hist_sh.at[pl.ds(s * RPT + off, sz)])
    _fill_rows(ones_v, CH, 16, 1.0)
    plsc.subcore_barrier()

    GRP = 40

    def do_slice(sl, carry):
        pltpu.sync_copy(se_hbm.at[c, sl], idx_v)

        def group(g, inner):
            def fire(j, x):
                pltpu.async_copy(ones_v, hist_sh.at[idx_v.at[g * GRP + j]],
                                 sem, add=True)
                return x

            lax.fori_loop(0, GRP, fire, 0)

            def drain(j, x):
                pltpu.make_async_copy(ones_v, hist_sh.at[idx_v.at[g * GRP + j]],
                                      sem).wait()
                return x

            lax.fori_loop(0, GRP, drain, 0)
            return inner

        lax.fori_loop(0, NCHUNK // GRP, group, 0)
        return carry

    lax.fori_loop(2 * s, 2 * s + 2, do_slice, 0)
    plsc.subcore_barrier()
    pltpu.sync_copy(hist_sh.at[pl.ds(s * RPT, RPT)],
                    deg_hbm.at[c, pl.ds(s * RPT, RPT)])


_deg_call = pl.kernel(
    _deg_body,
    out_type=jax.ShapeDtypeStruct((NC, NP, 16), jnp.float32),
    mesh=_mesh,
    compiler_params=_sc_params,
    scratch_types=[
        pltpu.VMEM((NCHUNK, CH), jnp.int32),
        pltpu.VMEM((CH, 16), jnp.float32),
        pltpu.VMEM_SHARED((NP, 16), jnp.float32),
        pltpu.SemaphoreType.DMA,
    ],
)


def _edge_body(K, t_hbm, se_hbm, out_hbm,
               sidx_v, didx_v, bufs, gsems, ssems, agg_sh):
    c = lax.axis_index("c")
    s = lax.axis_index("s")
    sl = c * NS + s

    pltpu.sync_copy(se_hbm.at[0, sl], sidx_v)
    pltpu.sync_copy(se_hbm.at[1, sl], didx_v)

    for k in range(K):
        _fill_rows(bufs[0], CH, D, 0.0)
        for off, sz in _ZCHUNKS:
            pltpu.sync_copy(bufs[0].at[pl.ds(0, sz)],
                            agg_sh.at[pl.ds(s * RPT + off, sz)])
        plsc.subcore_barrier()

        def gather(j, t):
            pltpu.async_copy(t_hbm.at[k].at[sidx_v.at[j]], bufs[t], gsems[t])

        def gwait(j, t):
            pltpu.make_async_copy(t_hbm.at[k].at[sidx_v.at[j]],
                                  bufs[t], gsems[t]).wait()

        def scat(j, t):
            pltpu.async_copy(bufs[t], agg_sh.at[didx_v.at[j]], ssems[t],
                             add=True)

        def swait(j, t):
            pltpu.make_async_copy(bufs[t], agg_sh.at[didx_v.at[j]],
                                  ssems[t]).wait()

        for t in range(NBUF):
            gather(t, t)

        def step(i, carry):
            j = NBUF * i
            for t in range(NBUF):
                gwait(j + t, t)
                scat(j + t, t)
            for t in range(NBUF):
                swait(j + t, t)

                @pl.when(j + t + NBUF < NCHUNK)
                def _():
                    gather(j + t + NBUF, t)

            return carry

        lax.fori_loop(0, NCHUNK // NBUF, step, 0)
        plsc.subcore_barrier()
        pltpu.sync_copy(agg_sh.at[pl.ds(s * RPT, RPT)],
                        out_hbm.at[c, k, pl.ds(s * RPT, RPT)])


def _make_edge_call(K):
    return pl.kernel(
        functools.partial(_edge_body, K),
        out_type=jax.ShapeDtypeStruct((NC, K, NP, D), jnp.float32),
        mesh=_mesh,
        compiler_params=_sc_params,
        scratch_types=[
            pltpu.VMEM((NCHUNK, CH), jnp.int32),
            pltpu.VMEM((NCHUNK, CH), jnp.int32),
            [pltpu.VMEM((CH, D), jnp.float32)] * NBUF,
            [pltpu.SemaphoreType.DMA] * NBUF,
            [pltpu.SemaphoreType.DMA] * NBUF,
            pltpu.VMEM_SHARED((NP, D), jnp.float32),
        ],
    )


_edge_call_l1 = _make_edge_call(2)
_edge_call_l2 = _make_edge_call(1)


def _norms(deg_ref):
    deg = deg_ref[...]
    nsrc = lax.rsqrt(jnp.maximum(deg[0, :N, 0:1], 1.0))
    ndst = lax.rsqrt(jnp.maximum(deg[1, :N, 0:1], 1.0))
    return nsrc, ndst


def _tc_mm1_body(feat_ref, w1_ref, xw_ref):
    xw_ref[...] = jnp.dot(feat_ref[...], w1_ref[...],
                          preferred_element_type=jnp.float32)


def _tc_scale_body(xw_ref, deg_ref, t1_ref):
    nsrc, _ = _norms(deg_ref)
    t1 = xw_ref[...] * nsrc
    t1_ref[...] = jnp.stack([t1[:, :D], t1[:, D:]])


def _tc_b_body(p_ref, deg_ref, w2_ref, t2_ref):
    nsrc, ndst = _norms(deg_ref)
    agg = p_ref[0] + p_ref[1]
    h1 = jnp.concatenate([agg[0, :N], agg[1, :N]], axis=1) * ndst
    h1 = jnp.maximum(h1, 0.0)
    t2_ref[...] = jnp.dot(h1 * nsrc, w2_ref[...],
                          preferred_element_type=jnp.float32)[None]


def _tc_c_body(p_ref, deg_ref, out_ref):
    _, ndst = _norms(deg_ref)
    out_ref[...] = (p_ref[0, 0, :N] + p_ref[1, 0, :N]) * ndst


def kernel(features, edge_index, W1, W2):
    se = edge_index.reshape(2, NT, NCHUNK, CH)

    xw = pl.pallas_call(
        _tc_mm1_body,
        out_shape=jax.ShapeDtypeStruct((N, 128), jnp.float32),
    )(features, W1)

    deg2 = _deg_call(se)

    t1 = pl.pallas_call(
        _tc_scale_body,
        out_shape=jax.ShapeDtypeStruct((2, N, D), jnp.float32),
    )(xw, deg2)

    p1 = _edge_call_l1(t1, se)

    t2 = pl.pallas_call(
        _tc_b_body,
        out_shape=jax.ShapeDtypeStruct((1, N, D), jnp.float32),
    )(p1, deg2, W2)

    p2 = _edge_call_l2(t2, se)

    out = pl.pallas_call(
        _tc_c_body,
        out_shape=jax.ShapeDtypeStruct((N, D), jnp.float32),
    )(p2, deg2)

    return out

# --- scband reference (transcript-rebuilt; emitter-appended) ---
"""Pipeline reference for scband-gcn-31310311587979 (READ-ONLY COPY).

The authoritative reference and input builder live on the scoring server;
editing this copy changes nothing except your own understanding.
"""

import jax, jax.numpy as jnp
import numpy as np

N = 10000
E = 320000
IN_FEATS = 128
HID = 64  # n_hidden; intermediate width = 2*HID = 128


def setup_inputs(seed: int = 0) -> dict:
    key = jax.random.key(seed)
    k1, k2, k3, k4 = jax.random.split(key, 4)
    features = jax.random.normal(k1, (N, IN_FEATS), dtype=jnp.float32)
    edge_index = jax.random.randint(k2, (2, E), 0, N, dtype=jnp.int32)
    # GraphConv weights (bias=False). Glorot-ish init.
    W1 = jax.random.normal(k3, (IN_FEATS, 2 * HID), dtype=jnp.float32) * (1.0 / np.sqrt(IN_FEATS))
    W2 = jax.random.normal(k4, (2 * HID, HID), dtype=jnp.float32) * (1.0 / np.sqrt(2 * HID))
    return {"features": features, "edge_index": edge_index, "W1": W1, "W2": W2}


def _graph_conv(x, W, src, dst, norm_src, norm_dst, activation):
    # DGL GraphConv with norm='both', bias=False:
    # h = D_out^{-1/2} gathered, aggregated, then D_in^{-1/2} on dst.
    h = x * norm_src[:, None]
    h = h @ W
    m = jnp.take(h, src, axis=0)              # gather per edge
    agg = jax.ops.segment_sum(m, dst, num_segments=N)  # scatter-add
    out = agg * norm_dst[:, None]
    if activation:
        out = jax.nn.relu(out)
    return out


def reference(features, edge_index, W1, W2):
    src = edge_index[0]
    dst = edge_index[1]
    ones = jnp.ones((E,), dtype=jnp.float32)
    deg_out = jax.ops.segment_sum(ones, src, num_segments=N)
    deg_in = jax.ops.segment_sum(ones, dst, num_segments=N)
    norm_src = jax.lax.rsqrt(jnp.maximum(deg_out, 1.0))
    norm_dst = jax.lax.rsqrt(jnp.maximum(deg_in, 1.0))
    # GCN.forward: layer0 (in->2*hid, relu), [dropout p=0.0 is identity], layer1 (2*hid->hid, no act)
    h = _graph_conv(features, W1, src, dst, norm_src, norm_dst, activation=True)
    h = _graph_conv(h, W2, src, dst, norm_src, norm_dst, activation=False)
    return h

if __name__ == "__main__":
    import jax
    _d = setup_inputs()
    print(jax.jit(kernel)(*tuple(_d.values())))

</pallas_src>

<mosaic_0001>
#map = affine_map<(d0, d1) -> (0, 0, 0, 0)>
#map1 = affine_map<(d0, d1) -> (0, 0, 0)>
module attributes {stable_mosaic.version = 14 : i64} {
  func.func @_deg_body(%arg0: i32, %arg1: i32, %arg2: memref<2x32x80x125xi32, #tpu.memory_space<hbm>>, %arg3: memref<2x10240x16xf32, #tpu.memory_space<hbm>>, %arg4: memref<80x125xi32, #tpu.memory_space<vmem>>, %arg5: memref<125x16xf32, #tpu.memory_space<vmem>>, %arg6: memref<10240x16xf32, #tpu.memory_space<vmem_shared>>, %arg7: memref<!tpu.dma_semaphore, #tpu.memory_space<semaphore_mem>>) attributes {dimension_semantics = [#tpu.dimension_semantics<core_parallel>, #tpu.dimension_semantics<subcore_parallel>], iteration_bounds = array<i64: 2, 16>, scalar_prefetch = 0 : i64, scratch_operands = 4 : i64, tpu.core_type = #tpu.core_type<sc_vector_subcore>, window_params = [{transform_indices = #map}, {transform_indices = #map1}]} {
    %broadcast_in_dim3A = arith.constant 0.000000e+00 : f32
    %broadcast_in_dim3A_0 = vector.broadcast %broadcast_in_dim3A : f32 to vector<16xf32>
    %scan3A = arith.constant 0 : i32
    %scan3A_1 = arith.constant 0 : i32
    %scan3A_2 = arith.constant 125 : i32
    %scan3A_3 = arith.addi %scan3A_1, %scan3A_2 : i32
    %scan3A_4 = arith.constant 1 : i32
    scf.for %scan3A_55 = %scan3A_1 to %scan3A_3 step %scan3A_4  : i32 {
      %swap3A = arith.index_cast %scan3A_55 : i32 to index
      %swap3A_56 = arith.constant 0 : index
      %swap3A_57 = tpu.vector_load %arg5[%swap3A, %swap3A_56] {strides = array<i32>} : memref<125x16xf32, #tpu.memory_space<vmem>>, vector<1x16xf32>,
      %swap3A_58 = vector.shape_cast %swap3A_57 : vector<1x16xf32> to vector<16xf32>
      %swap3A_59 = vector.shape_cast %broadcast_in_dim3A_0 : vector<16xf32> to vector<1x16xf32>
      tpu.vector_store %arg5[%swap3A, %swap3A_56], %swap3A_59 {strides = array<i32>} : memref<125x16xf32, #tpu.memory_space<vmem>>, vector<1x16xf32>,
    }
    %scan3A_5 = arith.constant 125 : i32
    %mul3A = arith.constant 640 : i32
    %mul3A_6 = arith.muli %arg1, %mul3A : i32
    %add3A = arith.constant 0 : i32
    %add3A_7 = arith.addi %mul3A_6, %add3A : i32
    "tpu.region"() ({
      %run_scoped3A = tpu.sem_alloc : memref<!tpu.dma_semaphore, #tpu.memory_space<semaphore_mem>>
      %dma_start3A = arith.constant 0 : i32
      %dma_start3A_55 = arith.constant 0 : i32
      %dma_start3A_56 = tpu.memref_slice %arg5[%dma_start3A, %dma_start3A_55] : memref<125x16xf32, #tpu.memory_space<vmem>> -> memref<125x16xf32, #tpu.memory_space<vmem>>
      %dma_start3A_57 = arith.constant 0 : i32
      %dma_start3A_58 = tpu.memref_slice %arg6[%add3A_7, %dma_start3A_57] : memref<10240x16xf32, #tpu.memory_space<vmem_shared>> -> memref<125x16xf32, #tpu.memory_space<vmem_shared>>
      %dma_start3A_59 = arith.constant 0 : i32
      %dma_start3A_60 = tpu.memref_slice %arg6[%add3A_7, %dma_start3A_59] : memref<10240x16xf32, #tpu.memory_space<vmem_shared>> -> memref<125x16xf32, #tpu.memory_space<vmem_shared>>
      %dma_start3A_61 = arith.constant 0 : i32
      %dma_start3A_62 = arith.constant 0 : i32
      %dma_start3A_63 = tpu.memref_slice %arg5[%dma_start3A_61, %dma_start3A_62] : memref<125x16xf32, #tpu.memory_space<vmem>> -> memref<125x16xf32, #tpu.memory_space<vmem>>
      tpu.enqueue_dma source(%dma_start3A_63 : memref<125x16xf32, #tpu.memory_space<vmem>>) target(%dma_start3A_60 : memref<125x16xf32, #tpu.memory_space<vmem_shared>>) target_semaphore(%run_scoped3A : memref<!tpu.dma_semaphore, #tpu.memory_space<semaphore_mem>>)
      %dma_wait3A = arith.constant 0 : i32
      %dma_wait3A_64 = arith.constant 0 : i32
      %dma_wait3A_65 = tpu.memref_slice %arg5[%dma_wait3A, %dma_wait3A_64] : memref<125x16xf32, #tpu.memory_space<vmem>> -> memref<125x16xf32, #tpu.memory_space<vmem>>
      %dma_wait3A_66 = arith.constant 0 : i32
      %dma_wait3A_67 = tpu.memref_slice %arg6[%add3A_7, %dma_wait3A_66] : memref<10240x16xf32, #tpu.memory_space<vmem_shared>> -> memref<125x16xf32, #tpu.memory_space<vmem_shared>>
      %dma_wait3A_68 = arith.constant 0 : i32
      %dma_wait3A_69 = tpu.memref_slice %arg6[%add3A_7, %dma_wait3A_68] : memref<10240x16xf32, #tpu.memory_space<vmem_shared>> -> memref<125x16xf32, #tpu.memory_space<vmem_shared>>
      %dma_wait3A_70 = arith.constant 0 : i32
      %dma_wait3A_71 = arith.constant 0 : i32
      %dma_wait3A_72 = tpu.memref_slice %arg5[%dma_wait3A_70, %dma_wait3A_71] : memref<125x16xf32, #tpu.memory_space<vmem>> -> memref<125x16xf32, #tpu.memory_space<vmem>>
      tpu.wait_dma2 semaphore(%run_scoped3A : memref<!tpu.dma_semaphore, #tpu.memory_space<semaphore_mem>>) src(%dma_wait3A_72 : memref<125x16xf32, #tpu.memory_space<vmem>>) dst(%dma_wait3A_69 : memref<125x16xf32, #tpu.memory_space<vmem_shared>>)
      tpu.yield
    }) : () -> ()
    %mul3A_8 = arith.constant 640 : i32
    %mul3A_9 = arith.muli %arg1, %mul3A_8 : i32
    %add3A_10 = arith.constant 125 : i32
    %add3A_11 = arith.addi %mul3A_9, %add3A_10 : i32
    "tpu.region"() ({
      %run_scoped3A = tpu.sem_alloc : memref<!tpu.dma_semaphore, #tpu.memory_space<semaphore_mem>>
      %dma_start3A = arith.constant 0 : i32
      %dma_start3A_55 = arith.constant 0 : i32
      %dma_start3A_56 = tpu.memref_slice %arg5[%dma_start3A, %dma_start3A_55] : memref<125x16xf32, #tpu.memory_space<vmem>> -> memref<125x16xf32, #tpu.memory_space<vmem>>
      %dma_start3A_57 = arith.constant 0 : i32
      %dma_start3A_58 = tpu.memref_slice %arg6[%add3A_11, %dma_start3A_57] : memref<10240x16xf32, #tpu.memory_space<vmem_shared>> -> memref<125x16xf32, #tpu.memory_space<vmem_shared>>
      %dma_start3A_59 = arith.constant 0 : i32
      %dma_start3A_60 = tpu.memref_slice %arg6[%add3A_11, %dma_start3A_59] : memref<10240x16xf32, #tpu.memory_space<vmem_shared>> -> memref<125x16xf32, #tpu.memory_space<vmem_shared>>
      %dma_start3A_61 = arith.constant 0 : i32
      %dma_start3A_62 = arith.constant 0 : i32
      %dma_start3A_63 = tpu.memref_slice %arg5[%dma_start3A_61, %dma_start3A_62] : memref<125x16xf32, #tpu.memory_space<vmem>> -> memref<125x16xf32, #tpu.memory_space<vmem>>
      tpu.enqueue_dma source(%dma_start3A_63 : memref<125x16xf32, #tpu.memory_space<vmem>>) target(%dma_start3A_60 : memref<125x16xf32, #tpu.memory_space<vmem_shared>>) target_semaphore(%run_scoped3A : memref<!tpu.dma_semaphore, #tpu.memory_space<semaphore_mem>>)
      %dma_wait3A = arith.constant 0 : i32
      %dma_wait3A_64 = arith.constant 0 : i32
      %dma_wait3A_65 = tpu.memref_slice %arg5[%dma_wait3A, %dma_wait3A_64] : memref<125x16xf32, #tpu.memory_space<vmem>> -> memref<125x16xf32, #tpu.memory_space<vmem>>
      %dma_wait3A_66 = arith.constant 0 : i32
      %dma_wait3A_67 = tpu.memref_slice %arg6[%add3A_11, %dma_wait3A_66] : memref<10240x16xf32, #tpu.memory_space<vmem_shared>> -> memref<125x16xf32, #tpu.memory_space<vmem_shared>>
      %dma_wait3A_68 = arith.constant 0 : i32
      %dma_wait3A_69 = tpu.memref_slice %arg6[%add3A_11, %dma_wait3A_68] : memref<10240x16xf32, #tpu.memory_space<vmem_shared>> -> memref<125x16xf32, #tpu.memory_space<vmem_shared>>
      %dma_wait3A_70 = arith.constant 0 : i32
      %dma_wait3A_71 = arith.constant 0 : i32
      %dma_wait3A_72 = tpu.memref_slice %arg5[%dma_wait3A_70, %dma_wait3A_71] : memref<125x16xf32, #tpu.memory_space<vmem>> -> memref<125x16xf32, #tpu.memory_space<vmem>>
      tpu.wait_dma2 semaphore(%run_scoped3A : memref<!tpu.dma_semaphore, #tpu.memory_space<semaphore_mem>>) src(%dma_wait3A_72 : memref<125x16xf32, #tpu.memory_space<vmem>>) dst(%dma_wait3A_69 : memref<125x16xf32, #tpu.memory_space<vmem_shared>>)
      tpu.yield
    }) : () -> ()
    %mul3A_12 = arith.constant 640 : i32
    %mul3A_13 = arith.muli %arg1, %mul3A_12 : i32
    %add3A_14 = arith.constant 250 : i32
    %add3A_15 = arith.addi %mul3A_13, %add3A_14 : i32
    "tpu.region"() ({
      %run_scoped3A = tpu.sem_alloc : memref<!tpu.dma_semaphore, #tpu.memory_space<semaphore_mem>>
      %dma_start3A = arith.constant 0 : i32
      %dma_start3A_55 = arith.constant 0 : i32
      %dma_start3A_56 = tpu.memref_slice %arg5[%dma_start3A, %dma_start3A_55] : memref<125x16xf32, #tpu.memory_space<vmem>> -> memref<125x16xf32, #tpu.memory_space<vmem>>
      %dma_start3A_57 = arith.constant 0 : i32
      %dma_start3A_58 = tpu.memref_slice %arg6[%add3A_15, %dma_start3A_57] : memref<10240x16xf32, #tpu.memory_space<vmem_shared>> -> memref<125x16xf32, #tpu.memory_space<vmem_shared>>
      %dma_start3A_59 = arith.constant 0 : i32
      %dma_start3A_60 = tpu.memref_slice %arg6[%add3A_15, %dma_start3A_59] : memref<10240x16xf32, #tpu.memory_space<vmem_shared>> -> memref<125x16xf32, #tpu.memory_space<vmem_shared>>
      %dma_start3A_61 = arith.constant 0 : i32
      %dma_start3A_62 = arith.constant 0 : i32
      %dma_start3A_63 = tpu.memref_slice %arg5[%dma_start3A_61, %dma_start3A_62] : memref<125x16xf32, #tpu.memory_space<vmem>> -> memref<125x16xf32, #tpu.memory_space<vmem>>
      tpu.enqueue_dma source(%dma_start3A_63 : memref<125x16xf32, #tpu.memory_space<vmem>>) target(%dma_start3A_60 : memref<125x16xf32, #tpu.memory_space<vmem_shared>>) target_semaphore(%run_scoped3A : memref<!tpu.dma_semaphore, #tpu.memory_space<semaphore_mem>>)
      %dma_wait3A = arith.constant 0 : i32
      %dma_wait3A_64 = arith.constant 0 : i32
      %dma_wait3A_65 = tpu.memref_slice %arg5[%dma_wait3A, %dma_wait3A_64] : memref<125x16xf32, #tpu.memory_space<vmem>> -> memref<125x16xf32, #tpu.memory_space<vmem>>
      %dma_wait3A_66 = arith.constant 0 : i32
      %dma_wait3A_67 = tpu.memref_slice %arg6[%add3A_15, %dma_wait3A_66] : memref<10240x16xf32, #tpu.memory_space<vmem_shared>> -> memref<125x16xf32, #tpu.memory_space<vmem_shared>>
      %dma_wait3A_68 = arith.constant 0 : i32
      %dma_wait3A_69 = tpu.memref_slice %arg6[%add3A_15, %dma_wait3A_68] : memref<10240x16xf32, #tpu.memory_space<vmem_shared>> -> memref<125x16xf32, #tpu.memory_space<vmem_shared>>
      %dma_wait3A_70 = arith.constant 0 : i32
      %dma_wait3A_71 = arith.constant 0 : i32
      %dma_wait3A_72 = tpu.memref_slice %arg5[%dma_wait3A_70, %dma_wait3A_71] : memref<125x16xf32, #tpu.memory_space<vmem>> -> memref<125x16xf32, #tpu.memory_space<vmem>>
      tpu.wait_dma2 semaphore(%run_scoped3A : memref<!tpu.dma_semaphore, #tpu.memory_space<semaphore_mem>>) src(%dma_wait3A_72 : memref<125x16xf32, #tpu.memory_space<vmem>>) dst(%dma_wait3A_69 : memref<125x16xf32, #tpu.memory_space<vmem_shared>>)
      tpu.yield
    }) : () -> ()
    %mul3A_16 = arith.constant 640 : i32
    %mul3A_17 = arith.muli %arg1, %mul3A_16 : i32
    %add3A_18 = arith.constant 375 : i32
    %add3A_19 = arith.addi %mul3A_17, %add3A_18 : i32
    "tpu.region"() ({
      %run_scoped3A = tpu.sem_alloc : memref<!tpu.dma_semaphore, #tpu.memory_space<semaphore_mem>>
      %dma_start3A = arith.constant 0 : i32
      %dma_start3A_55 = arith.constant 0 : i32
      %dma_start3A_56 = tpu.memref_slice %arg5[%dma_start3A, %dma_start3A_55] : memref<125x16xf32, #tpu.memory_space<vmem>> -> memref<125x16xf32, #tpu.memory_space<vmem>>
      %dma_start3A_57 = arith.constant 0 : i32
      %dma_start3A_58 = tpu.memref_slice %arg6[%add3A_19, %dma_start3A_57] : memref<10240x16xf32, #tpu.memory_space<vmem_shared>> -> memref<125x16xf32, #tpu.memory_space<vmem_shared>>
      %dma_start3A_59 = arith.constant 0 : i32
      %dma_start3A_60 = tpu.memref_slice %arg6[%add3A_19, %dma_start3A_59] : memref<10240x16xf32, #tpu.memory_space<vmem_shared>> -> memref<125x16xf32, #tpu.memory_space<vmem_shared>>
      %dma_start3A_61 = arith.constant 0 : i32
      %dma_start3A_62 = arith.constant 0 : i32
      %dma_start3A_63 = tpu.memref_slice %arg5[%dma_start3A_61, %dma_start3A_62] : memref<125x16xf32, #tpu.memory_space<vmem>> -> memref<125x16xf32, #tpu.memory_space<vmem>>
      tpu.enqueue_dma source(%dma_start3A_63 : memref<125x16xf32, #tpu.memory_space<vmem>>) target(%dma_start3A_60 : memref<125x16xf32, #tpu.memory_space<vmem_shared>>) target_semaphore(%run_scoped3A : memref<!tpu.dma_semaphore, #tpu.memory_space<semaphore_mem>>)
      %dma_wait3A = arith.constant 0 : i32
      %dma_wait3A_64 = arith.constant 0 : i32
      %dma_wait3A_65 = tpu.memref_slice %arg5[%dma_wait3A, %dma_wait3A_64] : memref<125x16xf32, #tpu.memory_space<vmem>> -> memref<125x16xf32, #tpu.memory_space<vmem>>
      %dma_wait3A_66 = arith.constant 0 : i32
      %dma_wait3A_67 = tpu.memref_slice %arg6[%add3A_19, %dma_wait3A_66] : memref<10240x16xf32, #tpu.memory_space<vmem_shared>> -> memref<125x16xf32, #tpu.memory_space<vmem_shared>>
      %dma_wait3A_68 = arith.constant 0 : i32
      %dma_wait3A_69 = tpu.memref_slice %arg6[%add3A_19, %dma_wait3A_68] : memref<10240x16xf32, #tpu.memory_space<vmem_shared>> -> memref<125x16xf32, #tpu.memory_space<vmem_shared>>
      %dma_wait3A_70 = arith.constant 0 : i32
      %dma_wait3A_71 = arith.constant 0 : i32
      %dma_wait3A_72 = tpu.memref_slice %arg5[%dma_wait3A_70, %dma_wait3A_71] : memref<125x16xf32, #tpu.memory_space<vmem>> -> memref<125x16xf32, #tpu.memory_space<vmem>>
      tpu.wait_dma2 semaphore(%run_scoped3A : memref<!tpu.dma_semaphore, #tpu.memory_space<semaphore_mem>>) src(%dma_wait3A_72 : memref<125x16xf32, #tpu.memory_space<vmem>>) dst(%dma_wait3A_69 : memref<125x16xf32, #tpu.memory_space<vmem_shared>>)
      tpu.yield
    }) : () -> ()
    %mul3A_20 = arith.constant 640 : i32
    %mul3A_21 = arith.muli %arg1, %mul3A_20 : i32
    %add3A_22 = arith.constant 500 : i32
    %add3A_23 = arith.addi %mul3A_21, %add3A_22 : i32
    "tpu.region"() ({
      %run_scoped3A = tpu.sem_alloc : memref<!tpu.dma_semaphore, #tpu.memory_space<semaphore_mem>>
      %dma_start3A = arith.constant 0 : i32
      %dma_start3A_55 = arith.constant 0 : i32
      %dma_start3A_56 = tpu.memref_slice %arg5[%dma_start3A, %dma_start3A_55] : memref<125x16xf32, #tpu.memory_space<vmem>> -> memref<125x16xf32, #tpu.memory_space<vmem>>
      %dma_start3A_57 = arith.constant 0 : i32
      %dma_start3A_58 = tpu.memref_slice %arg6[%add3A_23, %dma_start3A_57] : memref<10240x16xf32, #tpu.memory_space<vmem_shared>> -> memref<125x16xf32, #tpu.memory_space<vmem_shared>>
      %dma_start3A_59 = arith.constant 0 : i32
      %dma_start3A_60 = tpu.memref_slice %arg6[%add3A_23, %dma_start3A_59] : memref<10240x16xf32, #tpu.memory_space<vmem_shared>> -> memref<125x16xf32, #tpu.memory_space<vmem_shared>>
      %dma_start3A_61 = arith.constant 0 : i32
      %dma_start3A_62 = arith.constant 0 : i32
      %dma_start3A_63 = tpu.memref_slice %arg5[%dma_start3A_61, %dma_start3A_62] : memref<125x16xf32, #tpu.memory_space<vmem>> -> memref<125x16xf32, #tpu.memory_space<vmem>>
      tpu.enqueue_dma source(%dma_start3A_63 : memref<125x16xf32, #tpu.memory_space<vmem>>) target(%dma_start3A_60 : memref<125x16xf32, #tpu.memory_space<vmem_shared>>) target_semaphore(%run_scoped3A : memref<!tpu.dma_semaphore, #tpu.memory_space<semaphore_mem>>)
      %dma_wait3A = arith.constant 0 : i32
      %dma_wait3A_64 = arith.constant 0 : i32
      %dma_wait3A_65 = tpu.memref_slice %arg5[%dma_wait3A, %dma_wait3A_64] : memref<125x16xf32, #tpu.memory_space<vmem>> -> memref<125x16xf32, #tpu.memory_space<vmem>>
      %dma_wait3A_66 = arith.constant 0 : i32
      %dma_wait3A_67 = tpu.memref_slice %arg6[%add3A_23, %dma_wait3A_66] : memref<10240x16xf32, #tpu.memory_space<vmem_shared>> -> memref<125x16xf32, #tpu.memory_space<vmem_shared>>
      %dma_wait3A_68 = arith.constant 0 : i32
      %dma_wait3A_69 = tpu.memref_slice %arg6[%add3A_23, %dma_wait3A_68] : memref<10240x16xf32, #tpu.memory_space<vmem_shared>> -> memref<125x16xf32, #tpu.memory_space<vmem_shared>>
      %dma_wait3A_70 = arith.constant 0 : i32
      %dma_wait3A_71 = arith.constant 0 : i32
      %dma_wait3A_72 = tpu.memref_slice %arg5[%dma_wait3A_70, %dma_wait3A_71] : memref<125x16xf32, #tpu.memory_space<vmem>> -> memref<125x16xf32, #tpu.memory_space<vmem>>
      tpu.wait_dma2 semaphore(%run_scoped3A : memref<!tpu.dma_semaphore, #tpu.memory_space<semaphore_mem>>) src(%dma_wait3A_72 : memref<125x16xf32, #tpu.memory_space<vmem>>) dst(%dma_wait3A_69 : memref<125x16xf32, #tpu.memory_space<vmem_shared>>)
      tpu.yield
    }) : () -> ()
    %mul3A_24 = arith.constant 640 : i32
    %mul3A_25 = arith.muli %arg1, %mul3A_24 : i32
    %add3A_26 = arith.constant 625 : i32
    %add3A_27 = arith.addi %mul3A_25, %add3A_26 : i32
    "tpu.region"() ({
      %run_scoped3A = tpu.sem_alloc : memref<!tpu.dma_semaphore, #tpu.memory_space<semaphore_mem>>
      %dma_start3A = arith.constant 0 : i32
      %dma_start3A_55 = arith.constant 0 : i32
      %dma_start3A_56 = tpu.memref_slice %arg5[%dma_start3A, %dma_start3A_55] : memref<125x16xf32, #tpu.memory_space<vmem>> -> memref<15x16xf32, #tpu.memory_space<vmem>>
      %dma_start3A_57 = arith.constant 0 : i32
      %dma_start3A_58 = tpu.memref_slice %arg6[%add3A_27, %dma_start3A_57] : memref<10240x16xf32, #tpu.memory_space<vmem_shared>> -> memref<15x16xf32, #tpu.memory_space<vmem_shared>>
      %dma_start3A_59 = arith.constant 0 : i32
      %dma_start3A_60 = tpu.memref_slice %arg6[%add3A_27, %dma_start3A_59] : memref<10240x16xf32, #tpu.memory_space<vmem_shared>> -> memref<15x16xf32, #tpu.memory_space<vmem_shared>>
      %dma_start3A_61 = arith.constant 0 : i32
      %dma_start3A_62 = arith.constant 0 : i32
      %dma_start3A_63 = tpu.memref_slice %arg5[%dma_start3A_61, %dma_start3A_62] : memref<125x16xf32, #tpu.memory_space<vmem>> -> memref<15x16xf32, #tpu.memory_space<vmem>>
      tpu.enqueue_dma source(%dma_start3A_63 : memref<15x16xf32, #tpu.memory_space<vmem>>) target(%dma_start3A_60 : memref<15x16xf32, #tpu.memory_space<vmem_shared>>) target_semaphore(%run_scoped3A : memref<!tpu.dma_semaphore, #tpu.memory_space<semaphore_mem>>)
      %dma_wait3A = arith.constant 0 : i32
      %dma_wait3A_64 = arith.constant 0 : i32
      %dma_wait3A_65 = tpu.memref_slice %arg5[%dma_wait3A, %dma_wait3A_64] : memref<125x16xf32, #tpu.memory_space<vmem>> -> memref<15x16xf32, #tpu.memory_space<vmem>>
      %dma_wait3A_66 = arith.constant 0 : i32
      %dma_wait3A_67 = tpu.memref_slice %arg6[%add3A_27, %dma_wait3A_66] : memref<10240x16xf32, #tpu.memory_space<vmem_shared>> -> memref<15x16xf32, #tpu.memory_space<vmem_shared>>
      %dma_wait3A_68 = arith.constant 0 : i32
      %dma_wait3A_69 = tpu.memref_slice %arg6[%add3A_27, %dma_wait3A_68] : memref<10240x16xf32, #tpu.memory_space<vmem_shared>> -> memref<15x16xf32, #tpu.memory_space<vmem_shared>>
      %dma_wait3A_70 = arith.constant 0 : i32
      %dma_wait3A_71 = arith.constant 0 : i32
      %dma_wait3A_72 = tpu.memref_slice %arg5[%dma_wait3A_70, %dma_wait3A_71] : memref<125x16xf32, #tpu.memory_space<vmem>> -> memref<15x16xf32, #tpu.memory_space<vmem>>
      tpu.wait_dma2 semaphore(%run_scoped3A : memref<!tpu.dma_semaphore, #tpu.memory_space<semaphore_mem>>) src(%dma_wait3A_72 : memref<15x16xf32, #tpu.memory_space<vmem>>) dst(%dma_wait3A_69 : memref<15x16xf32, #tpu.memory_space<vmem_shared>>)
      tpu.yield
    }) : () -> ()
    %broadcast_in_dim3A_28 = arith.constant 1.000000e+00 : f32
    %broadcast_in_dim3A_29 = vector.broadcast %broadcast_in_dim3A_28 : f32 to vector<16xf32>
    %scan3A_30 = arith.constant 0 : i32
    %scan3A_31 = arith.constant 0 : i32
    %scan3A_32 = arith.constant 125 : i32
    %scan3A_33 = arith.addi %scan3A_31, %scan3A_32 : i32
    %scan3A_34 = arith.constant 1 : i32
    scf.for %scan3A_55 = %scan3A_31 to %scan3A_33 step %scan3A_34  : i32 {
      %swap3A = arith.index_cast %scan3A_55 : i32 to index
      %swap3A_56 = arith.constant 0 : index
      %swap3A_57 = tpu.vector_load %arg5[%swap3A, %swap3A_56] {strides = array<i32>} : memref<125x16xf32, #tpu.memory_space<vmem>>, vector<1x16xf32>,
      %swap3A_58 = vector.shape_cast %swap3A_57 : vector<1x16xf32> to vector<16xf32>
      %swap3A_59 = vector.shape_cast %broadcast_in_dim3A_29 : vector<16xf32> to vector<1x16xf32>
      tpu.vector_store %arg5[%swap3A, %swap3A_56], %swap3A_59 {strides = array<i32>} : memref<125x16xf32, #tpu.memory_space<vmem>>, vector<1x16xf32>,
    }
    %scan3A_35 = arith.constant 125 : i32
    %barrier3A = arith.constant 0 : index
    tpu.barrier barrier_id(%barrier3A)
    %mul3A_36 = arith.constant 2 : i32
    %mul3A_37 = arith.muli %mul3A_36, %arg1 : i32
    %mul3A_38 = arith.constant 2 : i32
    %mul3A_39 = arith.muli %mul3A_38, %arg1 : i32
    %add3A_40 = arith.constant 2 : i32
    %add3A_41 = arith.addi %mul3A_39, %add3A_40 : i32
    %while3A = arith.constant 0 : i32
    %while3A_42 = arith.subi %add3A_41, %mul3A_37 : i32
    %while3A_43 = arith.addi %mul3A_37, %while3A_42 : i32
    %while3A_44 = arith.constant 1 : i32
    %while3A_45 = arith.divsi %while3A_42, %while3A_44 : i32
    %while3A_46 = arith.muli %while3A_45, %while3A_44 : i32
    %while3A_47 = arith.addi %mul3A_37, %while3A_46 : i32
    %while3A_48 = arith.constant 1 : i32
    scf.for %while3A_55 = %mul3A_37 to %while3A_47 step %while3A_48  : i32 {
      "tpu.region"() ({
        %run_scoped3A = tpu.sem_alloc : memref<!tpu.dma_semaphore, #tpu.memory_space<semaphore_mem>>
        %dma_start3A = arith.constant 0 : i32
        %dma_start3A_62 = arith.constant 0 : i32
        %dma_start3A_63 = tpu.memref_slice %arg2[%arg0, %while3A_55, %dma_start3A, %dma_start3A_62] : memref<2x32x80x125xi32, #tpu.memory_space<hbm>> -> memref<1x1x80x125xi32, #tpu.memory_space<hbm>>
        %dma_start3A_64 = tpu.memref_squeeze %dma_start3A_63 : memref<1x1x80x125xi32, #tpu.memory_space<hbm>> -> memref<80x125xi32, #tpu.memory_space<hbm>>
        %dma_start3A_65 = arith.constant 0 : i32
        %dma_start3A_66 = arith.constant 0 : i32
        %dma_start3A_67 = tpu.memref_slice %arg2[%arg0, %while3A_55, %dma_start3A_65, %dma_start3A_66] : memref<2x32x80x125xi32, #tpu.memory_space<hbm>> -> memref<1x1x80x125xi32, #tpu.memory_space<hbm>>
        %dma_start3A_68 = tpu.memref_squeeze %dma_start3A_67 : memref<1x1x80x125xi32, #tpu.memory_space<hbm>> -> memref<80x125xi32, #tpu.memory_space<hbm>>
        tpu.enqueue_dma source(%dma_start3A_68 : memref<80x125xi32, #tpu.memory_space<hbm>>) target(%arg4 : memref<80x125xi32, #tpu.memory_space<vmem>>) target_semaphore(%run_scoped3A : memref<!tpu.dma_semaphore, #tpu.memory_space<semaphore_mem>>)
        %dma_wait3A = arith.constant 0 : i32
        %dma_wait3A_69 = arith.constant 0 : i32
        %dma_wait3A_70 = tpu.memref_slice %arg2[%arg0, %while3A_55, %dma_wait3A, %dma_wait3A_69] : memref<2x32x80x125xi32, #tpu.memory_space<hbm>> -> memref<1x1x80x125xi32, #tpu.memory_space<hbm>>
        %dma_wait3A_71 = tpu.memref_squeeze %dma_wait3A_70 : memref<1x1x80x125xi32, #tpu.memory_space<hbm>> -> memref<80x125xi32, #tpu.memory_space<hbm>>
        %dma_wait3A_72 = arith.constant 0 : i32
        %dma_wait3A_73 = arith.constant 0 : i32
        %dma_wait3A_74 = tpu.memref_slice %arg2[%arg0, %while3A_55, %dma_wait3A_72, %dma_wait3A_73] : memref<2x32x80x125xi32, #tpu.memory_space<hbm>> -> memref<1x1x80x125xi32, #tpu.memory_space<hbm>>
        %dma_wait3A_75 = tpu.memref_squeeze %dma_wait3A_74 : memref<1x1x80x125xi32, #tpu.memory_space<hbm>> -> memref<80x125xi32, #tpu.memory_space<hbm>>
        tpu.wait_dma2 semaphore(%run_scoped3A : memref<!tpu.dma_semaphore, #tpu.memory_space<semaphore_mem>>) src(%dma_wait3A_75 : memref<80x125xi32, #tpu.memory_space<hbm>>) dst(%arg4 : memref<80x125xi32, #tpu.memory_space<vmem>>)
        tpu.yield
      }) : () -> ()
      %scan3A_56 = arith.constant 0 : i32
      %scan3A_57 = arith.constant 0 : i32
      %scan3A_58 = arith.constant 2 : i32
      %scan3A_59 = arith.addi %scan3A_57, %scan3A_58 : i32
      %scan3A_60 = arith.constant 1 : i32
      scf.for %scan3A_62 = %scan3A_57 to %scan3A_59 step %scan3A_60  : i32 {
        %scan3A_63 = arith.constant 0 : i32
        %scan3A_64 = arith.constant 0 : i32
        %scan3A_65 = arith.constant 40 : i32
        %scan3A_66 = arith.addi %scan3A_64, %scan3A_65 : i32
        %scan3A_67 = arith.constant 1 : i32
        scf.for %scan3A_75 = %scan3A_64 to %scan3A_66 step %scan3A_67  : i32 {
          %mul3A_76 = arith.constant 40 : i32
          %mul3A_77 = arith.muli %scan3A_62, %mul3A_76 : i32
          %add3A_78 = arith.addi %mul3A_77, %scan3A_75 : i32
          %dma_start3A = arith.constant 0 : i32
          %dma_start3A_79 = tpu.memref_slice %arg4[%add3A_78, %dma_start3A] : memref<80x125xi32, #tpu.memory_space<vmem>> -> memref<1x125xi32, #tpu.memory_space<vmem>>
          %dma_start3A_80 = tpu.memref_squeeze %dma_start3A_79 : memref<1x125xi32, #tpu.memory_space<vmem>> -> memref<125xi32, #tpu.memory_space<vmem>>
          %dma_start3A_81 = arith.constant 0 : i32
          %dma_start3A_82 = arith.constant 0 : i32
          %dma_start3A_83 = tpu.memref_slice %arg6[%dma_start3A_81, %dma_start3A_82] : memref<10240x16xf32, #tpu.memory_space<vmem_shared>> -> memref<10240x16xf32, #tpu.memory_space<vmem_shared>>
          tpu.enqueue_indirect_dma source(%arg5 : memref<125x16xf32, #tpu.memory_space<vmem>>) target(%dma_start3A_83 : memref<10240x16xf32, #tpu.memory_space<vmem_shared>>) offsets(%dma_start3A_80 : memref<125xi32, #tpu.memory_space<vmem>>) semaphore(%arg7 : memref<!tpu.dma_semaphore, #tpu.memory_space<semaphore_mem>>) {add = true}
        }
        %scan3A_68 = arith.constant 40 : i32
        %scan3A_69 = arith.constant 0 : i32
        %scan3A_70 = arith.constant 0 : i32
        %scan3A_71 = arith.constant 40 : i32
        %scan3A_72 = arith.addi %scan3A_70, %scan3A_71 : i32
        %scan3A_73 = arith.constant 1 : i32
        scf.for %scan3A_75 = %scan3A_70 to %scan3A_72 step %scan3A_73  : i32 {
          %mul3A_76 = arith.constant 40 : i32
          %mul3A_77 = arith.muli %scan3A_62, %mul3A_76 : i32
          %add3A_78 = arith.addi %mul3A_77, %scan3A_75 : i32
          %dma_wait3A = arith.constant 0 : i32
          %dma_wait3A_79 = tpu.memref_slice %arg4[%add3A_78, %dma_wait3A] : memref<80x125xi32, #tpu.memory_space<vmem>> -> memref<1x125xi32, #tpu.memory_space<vmem>>
          %dma_wait3A_80 = tpu.memref_squeeze %dma_wait3A_79 : memref<1x125xi32, #tpu.memory_space<vmem>> -> memref<125xi32, #tpu.memory_space<vmem>>
          %dma_wait3A_81 = arith.constant 0 : i32
          %dma_wait3A_82 = arith.constant 0 : i32
          %dma_wait3A_83 = tpu.memref_slice %arg6[%dma_wait3A_81, %dma_wait3A_82] : memref<10240x16xf32, #tpu.memory_space<vmem_shared>> -> memref<10240x16xf32, #tpu.memory_space<vmem_shared>>
          tpu.wait_indirect_dma semaphore(%arg7 : memref<!tpu.dma_semaphore, #tpu.memory_space<semaphore_mem>>) src(%arg5 : memref<125x16xf32, #tpu.memory_space<vmem>>) dst(%dma_wait3A_83 : memref<10240x16xf32, #tpu.memory_space<vmem_shared>>)
        }
        %scan3A_74 = arith.constant 40 : i32
      }
      %scan3A_61 = arith.constant 2 : i32
    }
    %while3A_49 = arith.constant 1 : i32
    scf.for %while3A_55 = %while3A_47 to %while3A_43 step %while3A_49  : i32 {
      "tpu.region"() ({
        %run_scoped3A = tpu.sem_alloc : memref<!tpu.dma_semaphore, #tpu.memory_space<semaphore_mem>>
        %dma_start3A = arith.constant 0 : i32
        %dma_start3A_62 = arith.constant 0 : i32
        %dma_start3A_63 = tpu.memref_slice %arg2[%arg0, %while3A_55, %dma_start3A, %dma_start3A_62] : memref<2x32x80x125xi32, #tpu.memory_space<hbm>> -> memref<1x1x80x125xi32, #tpu.memory_space<hbm>>
        %dma_start3A_64 = tpu.memref_squeeze %dma_start3A_63 : memref<1x1x80x125xi32, #tpu.memory_space<hbm>> -> memref<80x125xi32, #tpu.memory_space<hbm>>
        %dma_start3A_65 = arith.constant 0 : i32
        %dma_start3A_66 = arith.constant 0 : i32
        %dma_start3A_67 = tpu.memref_slice %arg2[%arg0, %while3A_55, %dma_start3A_65, %dma_start3A_66] : memref<2x32x80x125xi32, #tpu.memory_space<hbm>> -> memref<1x1x80x125xi32, #tpu.memory_space<hbm>>
        %dma_start3A_68 = tpu.memref_squeeze %dma_start3A_67 : memref<1x1x80x125xi32, #tpu.memory_space<hbm>> -> memref<80x125xi32, #tpu.memory_space<hbm>>
        tpu.enqueue_dma source(%dma_start3A_68 : memref<80x125xi32, #tpu.memory_space<hbm>>) target(%arg4 : memref<80x125xi32, #tpu.memory_space<vmem>>) target_semaphore(%run_scoped3A : memref<!tpu.dma_semaphore, #tpu.memory_space<semaphore_mem>>)
        %dma_wait3A = arith.constant 0 : i32
        %dma_wait3A_69 = arith.constant 0 : i32
        %dma_wait3A_70 = tpu.memref_slice %arg2[%arg0, %while3A_55, %dma_wait3A, %dma_wait3A_69] : memref<2x32x80x125xi32, #tpu.memory_space<hbm>> -> memref<1x1x80x125xi32, #tpu.memory_space<hbm>>
        %dma_wait3A_71 = tpu.memref_squeeze %dma_wait3A_70 : memref<1x1x80x125xi32, #tpu.memory_space<hbm>> -> memref<80x125xi32, #tpu.memory_space<hbm>>
        %dma_wait3A_72 = arith.constant 0 : i32
        %dma_wait3A_73 = arith.constant 0 : i32
        %dma_wait3A_74 = tpu.memref_slice %arg2[%arg0, %while3A_55, %dma_wait3A_72, %dma_wait3A_73] : memref<2x32x80x125xi32, #tpu.memory_space<hbm>> -> memref<1x1x80x125xi32, #tpu.memory_space<hbm>>
        %dma_wait3A_75 = tpu.memref_squeeze %dma_wait3A_74 : memref<1x1x80x125xi32, #tpu.memory_space<hbm>> -> memref<80x125xi32, #tpu.memory_space<hbm>>
        tpu.wait_dma2 semaphore(%run_scoped3A : memref<!tpu.dma_semaphore, #tpu.memory_space<semaphore_mem>>) src(%dma_wait3A_75 : memref<80x125xi32, #tpu.memory_space<hbm>>) dst(%arg4 : memref<80x125xi32, #tpu.memory_space<vmem>>)
        tpu.yield
      }) : () -> ()
      %scan3A_56 = arith.constant 0 : i32
      %scan3A_57 = arith.constant 0 : i32
      %scan3A_58 = arith.constant 2 : i32
      %scan3A_59 = arith.addi %scan3A_57, %scan3A_58 : i32
      %scan3A_60 = arith.constant 1 : i32
      scf.for %scan3A_62 = %scan3A_57 to %scan3A_59 step %scan3A_60  : i32 {
        %scan3A_63 = arith.constant 0 : i32
        %scan3A_64 = arith.constant 0 : i32
        %scan3A_65 = arith.constant 40 : i32
        %scan3A_66 = arith.addi %scan3A_64, %scan3A_65 : i32
        %scan3A_67 = arith.constant 1 : i32
        scf.for %scan3A_75 = %scan3A_64 to %scan3A_66 step %scan3A_67  : i32 {
          %mul3A_76 = arith.constant 40 : i32
          %mul3A_77 = arith.muli %scan3A_62, %mul3A_76 : i32
          %add3A_78 = arith.addi %mul3A_77, %scan3A_75 : i32
          %dma_start3A = arith.constant 0 : i32
          %dma_start3A_79 = tpu.memref_slice %arg4[%add3A_78, %dma_start3A] : memref<80x125xi32, #tpu.memory_space<vmem>> -> memref<1x125xi32, #tpu.memory_space<vmem>>
          %dma_start3A_80 = tpu.memref_squeeze %dma_start3A_79 : memref<1x125xi32, #tpu.memory_space<vmem>> -> memref<125xi32, #tpu.memory_space<vmem>>
          %dma_start3A_81 = arith.constant 0 : i32
          %dma_start3A_82 = arith.constant 0 : i32
          %dma_start3A_83 = tpu.memref_slice %arg6[%dma_start3A_81, %dma_start3A_82] : memref<10240x16xf32, #tpu.memory_space<vmem_shared>> -> memref<10240x16xf32, #tpu.memory_space<vmem_shared>>
          tpu.enqueue_indirect_dma source(%arg5 : memref<125x16xf32, #tpu.memory_space<vmem>>) target(%dma_start3A_83 : memref<10240x16xf32, #tpu.memory_space<vmem_shared>>) offsets(%dma_start3A_80 : memref<125xi32, #tpu.memory_space<vmem>>) semaphore(%arg7 : memref<!tpu.dma_semaphore, #tpu.memory_space<semaphore_mem>>) {add = true}
        }
        %scan3A_68 = arith.constant 40 : i32
        %scan3A_69 = arith.constant 0 : i32
        %scan3A_70 = arith.constant 0 : i32
        %scan3A_71 = arith.constant 40 : i32
        %scan3A_72 = arith.addi %scan3A_70, %scan3A_71 : i32
        %scan3A_73 = arith.constant 1 : i32
        scf.for %scan3A_75 = %scan3A_70 to %scan3A_72 step %scan3A_73  : i32 {
          %mul3A_76 = arith.constant 40 : i32
          %mul3A_77 = arith.muli %scan3A_62, %mul3A_76 : i32
          %add3A_78 = arith.addi %mul3A_77, %scan3A_75 : i32
          %dma_wait3A = arith.constant 0 : i32
          %dma_wait3A_79 = tpu.memref_slice %arg4[%add3A_78, %dma_wait3A] : memref<80x125xi32, #tpu.memory_space<vmem>> -> memref<1x125xi32, #tpu.memory_space<vmem>>
          %dma_wait3A_80 = tpu.memref_squeeze %dma_wait3A_79 : memref<1x125xi32, #tpu.memory_space<vmem>> -> memref<125xi32, #tpu.memory_space<vmem>>
          %dma_wait3A_81 = arith.constant 0 : i32
          %dma_wait3A_82 = arith.constant 0 : i32
          %dma_wait3A_83 = tpu.memref_slice %arg6[%dma_wait3A_81, %dma_wait3A_82] : memref<10240x16xf32, #tpu.memory_space<vmem_shared>> -> memref<10240x16xf32, #tpu.memory_space<vmem_shared>>
          tpu.wait_indirect_dma semaphore(%arg7 : memref<!tpu.dma_semaphore, #tpu.memory_space<semaphore_mem>>) src(%arg5 : memref<125x16xf32, #tpu.memory_space<vmem>>) dst(%dma_wait3A_83 : memref<10240x16xf32, #tpu.memory_space<vmem_shared>>)
        }
        %scan3A_74 = arith.constant 40 : i32
      }
      %scan3A_61 = arith.constant 2 : i32
    }
    %barrier3A_50 = arith.constant 0 : index
    tpu.barrier barrier_id(%barrier3A_50)
    %mul3A_51 = arith.constant 640 : i32
    %mul3A_52 = arith.muli %arg1, %mul3A_51 : i32
    %mul3A_53 = arith.constant 640 : i32
    %mul3A_54 = arith.muli %arg1, %mul3A_53 : i32
    "tpu.region"() ({
      %run_scoped3A = tpu.sem_alloc : memref<!tpu.dma_semaphore, #tpu.memory_space<semaphore_mem>>
      %dma_start3A = arith.constant 0 : i32
      %dma_start3A_55 = tpu.memref_slice %arg3[%arg0, %mul3A_54, %dma_start3A] : memref<2x10240x16xf32, #tpu.memory_space<hbm>> -> memref<1x640x16xf32, #tpu.memory_space<hbm>>
      %dma_start3A_56 = tpu.memref_squeeze %dma_start3A_55 : memref<1x640x16xf32, #tpu.memory_space<hbm>> -> memref<640x16xf32, #tpu.memory_space<hbm>>
      %dma_start3A_57 = arith.constant 0 : i32
      %dma_start3A_58 = tpu.memref_slice %arg6[%mul3A_52, %dma_start3A_57] : memref<10240x16xf32, #tpu.memory_space<vmem_shared>> -> memref<640x16xf32, #tpu.memory_space<vmem_shared>>
      tpu.enqueue_dma source(%dma_start3A_58 : memref<640x16xf32, #tpu.memory_space<vmem_shared>>) target(%dma_start3A_56 : memref<640x16xf32, #tpu.memory_space<hbm>>) target_semaphore(%run_scoped3A : memref<!tpu.dma_semaphore, #tpu.memory_space<semaphore_mem>>)
      %dma_wait3A = arith.constant 0 : i32
      %dma_wait3A_59 = tpu.memref_slice %arg3[%arg0, %mul3A_54, %dma_wait3A] : memref<2x10240x16xf32, #tpu.memory_space<hbm>> -> memref<1x640x16xf32, #tpu.memory_space<hbm>>
      %dma_wait3A_60 = tpu.memref_squeeze %dma_wait3A_59 : memref<1x640x16xf32, #tpu.memory_space<hbm>> -> memref<640x16xf32, #tpu.memory_space<hbm>>
      %dma_wait3A_61 = arith.constant 0 : i32
      %dma_wait3A_62 = tpu.memref_slice %arg6[%mul3A_52, %dma_wait3A_61] : memref<10240x16xf32, #tpu.memory_space<vmem_shared>> -> memref<640x16xf32, #tpu.memory_space<vmem_shared>>
      tpu.wait_dma2 semaphore(%run_scoped3A : memref<!tpu.dma_semaphore, #tpu.memory_space<semaphore_mem>>) src(%dma_wait3A_62 : memref<640x16xf32, #tpu.memory_space<vmem_shared>>) dst(%dma_wait3A_60 : memref<640x16xf32, #tpu.memory_space<hbm>>)
      tpu.yield
    }) : () -> ()
    return
  }
}

#map = affine_map<(d0, d1) -> (0, 0, 0)>
#map1 = affine_map<(d0, d1) -> (0, 0, 0, 0)>
module attributes {stable_mosaic.version = 14 : i64} {
  func.func @_edge_body(%arg0: i32, %arg1: i32, %arg2: memref<2x10000x64xf32, #tpu.memory_space<hbm>>, %arg3: memref<2x32x80x125xi32, #tpu.memory_space<hbm>>, %arg4: memref<2x2x10240x64xf32, #tpu.memory_space<hbm>>, %arg5: memref<80x125xi32, #tpu.memory_space<vmem>>, %arg6: memref<80x125xi32, #tpu.memory_space<vmem>>, %arg7: memref<125x64xf32, #tpu.memory_space<vmem>>, %arg8: memref<125x64xf32, #tpu.memory_space<vmem>>, %arg9: memref<125x64xf32, #tpu.memory_space<vmem>>, %arg10: memref<125x64xf32, #tpu.memory_space<vmem>>, %arg11: memref<125x64xf32, #tpu.memory_space<vmem>>, %arg12: memref<125x64xf32, #tpu.memory_space<vmem>>, %arg13: memref<125x64xf32, #tpu.memory_space<vmem>>, %arg14: memref<125x64xf32, #tpu.memory_space<vmem>>, %arg15: memref<!tpu.dma_semaphore, #tpu.memory_space<semaphore_mem>>, %arg16: memref<!tpu.dma_semaphore, #tpu.memory_space<semaphore_mem>>, %arg17: memref<!tpu.dma_semaphore, #tpu.memory_space<semaphore_mem>>, %arg18: memref<!tpu.dma_semaphore, #tpu.memory_space<semaphore_mem>>, %arg19: memref<!tpu.dma_semaphore, #tpu.memory_space<semaphore_mem>>, %arg20: memref<!tpu.dma_semaphore, #tpu.memory_space<semaphore_mem>>, %arg21: memref<!tpu.dma_semaphore, #tpu.memory_space<semaphore_mem>>, %arg22: memref<!tpu.dma_semaphore, #tpu.memory_space<semaphore_mem>>, %arg23: memref<!tpu.dma_semaphore, #tpu.memory_space<semaphore_mem>>, %arg24: memref<!tpu.dma_semaphore, #tpu.memory_space<semaphore_mem>>, %arg25: memref<!tpu.dma_semaphore, #tpu.memory_space<semaphore_mem>>, %arg26: memref<!tpu.dma_semaphore, #tpu.memory_space<semaphore_mem>>, %arg27: memref<!tpu.dma_semaphore, #tpu.memory_space<semaphore_mem>>, %arg28: memref<!tpu.dma_semaphore, #tpu.memory_space<semaphore_mem>>, %arg29: memref<!tpu.dma_semaphore, #tpu.memory_space<semaphore_mem>>, %arg30: memref<!tpu.dma_semaphore, #tpu.memory_space<semaphore_mem>>, %arg31: memref<10240x64xf32, #tpu.memory_space<vmem_shared>>) attributes {dimension_semantics = [#tpu.dimension_semantics<core_parallel>, #tpu.dimension_semantics<subcore_parallel>], iteration_bounds = array<i64: 2, 16>, scalar_prefetch = 0 : i64, scratch_operands = 27 : i64, tpu.core_type = #tpu.core_type<sc_vector_subcore>, window_params = [{transform_indices = #map}, {transform_indices = #map1}, {transform_indices = #map1}]} {
    %mul3A = arith.constant 16 : i32
    %mul3A_0 = arith.muli %arg0, %mul3A : i32
    %add3A = arith.addi %mul3A_0, %arg1 : i32
    %run_scoped3A = arith.constant 0 : i32
    "tpu.region"() ({
      %run_scoped3A_280 = tpu.sem_alloc : memref<!tpu.dma_semaphore, #tpu.memory_space<semaphore_mem>>
      %dma_start3A_281 = arith.constant 0 : i32
      %dma_start3A_282 = arith.constant 0 : i32
      %dma_start3A_283 = tpu.memref_slice %arg3[%run_scoped3A, %add3A, %dma_start3A_281, %dma_start3A_282] : memref<2x32x80x125xi32, #tpu.memory_space<hbm>> -> memref<1x1x80x125xi32, #tpu.memory_space<hbm>>
      %dma_start3A_284 = tpu.memref_squeeze %dma_start3A_283 : memref<1x1x80x125xi32, #tpu.memory_space<hbm>> -> memref<80x125xi32, #tpu.memory_space<hbm>>
      %dma_start3A_285 = arith.constant 0 : i32
      %dma_start3A_286 = arith.constant 0 : i32
      %dma_start3A_287 = tpu.memref_slice %arg3[%run_scoped3A, %add3A, %dma_start3A_285, %dma_start3A_286] : memref<2x32x80x125xi32, #tpu.memory_space<hbm>> -> memref<1x1x80x125xi32, #tpu.memory_space<hbm>>
      %dma_start3A_288 = tpu.memref_squeeze %dma_start3A_287 : memref<1x1x80x125xi32, #tpu.memory_space<hbm>> -> memref<80x125xi32, #tpu.memory_space<hbm>>
      tpu.enqueue_dma source(%dma_start3A_288 : memref<80x125xi32, #tpu.memory_space<hbm>>) target(%arg5 : memref<80x125xi32, #tpu.memory_space<vmem>>) target_semaphore(%run_scoped3A_280 : memref<!tpu.dma_semaphore, #tpu.memory_space<semaphore_mem>>)
      %dma_wait3A = arith.constant 0 : i32
      %dma_wait3A_289 = arith.constant 0 : i32
      %dma_wait3A_290 = tpu.memref_slice %arg3[%run_scoped3A, %add3A, %dma_wait3A, %dma_wait3A_289] : memref<2x32x80x125xi32, #tpu.memory_space<hbm>> -> memref<1x1x80x125xi32, #tpu.memory_space<hbm>>
      %dma_wait3A_291 = tpu.memref_squeeze %dma_wait3A_290 : memref<1x1x80x125xi32, #tpu.memory_space<hbm>> -> memref<80x125xi32, #tpu.memory_space<hbm>>
      %dma_wait3A_292 = arith.constant 0 : i32
      %dma_wait3A_293 = arith.constant 0 : i32
      %dma_wait3A_294 = tpu.memref_slice %arg3[%run_scoped3A, %add3A, %dma_wait3A_292, %dma_wait3A_293] : memref<2x32x80x125xi32, #tpu.memory_space<hbm>> -> memref<1x1x80x125xi32, #tpu.memory_space<hbm>>
      %dma_wait3A_295 = tpu.memref_squeeze %dma_wait3A_294 : memref<1x1x80x125xi32, #tpu.memory_space<hbm>> -> memref<80x125xi32, #tpu.memory_space<hbm>>
      tpu.wait_dma2 semaphore(%run_scoped3A_280 : memref<!tpu.dma_semaphore, #tpu.memory_space<semaphore_mem>>) src(%dma_wait3A_295 : memref<80x125xi32, #tpu.memory_space<hbm>>) dst(%arg5 : memref<80x125xi32, #tpu.memory_space<vmem>>)
      tpu.yield
    }) : () -> ()
    %run_scoped3A_1 = arith.constant 1 : i32
    "tpu.region"() ({
      %run_scoped3A_280 = tpu.sem_alloc : memref<!tpu.dma_semaphore, #tpu.memory_space<semaphore_mem>>
      %dma_start3A_281 = arith.constant 0 : i32
      %dma_start3A_282 = arith.constant 0 : i32
      %dma_start3A_283 = tpu.memref_slice %arg3[%run_scoped3A_1, %add3A, %dma_start3A_281, %dma_start3A_282] : memref<2x32x80x125xi32, #tpu.memory_space<hbm>> -> memref<1x1x80x125xi32, #tpu.memory_space<hbm>>
      %dma_start3A_284 = tpu.memref_squeeze %dma_start3A_283 : memref<1x1x80x125xi32, #tpu.memory_space<hbm>> -> memref<80x125xi32, #tpu.memory_space<hbm>>
      %dma_start3A_285 = arith.constant 0 : i32
      %dma_start3A_286 = arith.constant 0 : i32
      %dma_start3A_287 = tpu.memref_slice %arg3[%run_scoped3A_1, %add3A, %dma_start3A_285, %dma_start3A_286] : memref<2x32x80x125xi32, #tpu.memory_space<hbm>> -> memref<1x1x80x125xi32, #tpu.memory_space<hbm>>
      %dma_start3A_288 = tpu.memref_squeeze %dma_start3A_287 : memref<1x1x80x125xi32, #tpu.memory_space<hbm>> -> memref<80x125xi32, #tpu.memory_space<hbm>>
      tpu.enqueue_dma source(%dma_start3A_288 : memref<80x125xi32, #tpu.memory_space<hbm>>) target(%arg6 : memref<80x125xi32, #tpu.memory_space<vmem>>) target_semaphore(%run_scoped3A_280 : memref<!tpu.dma_semaphore, #tpu.memory_space<semaphore_mem>>)
      %dma_wait3A = arith.constant 0 : i32
      %dma_wait3A_289 = arith.constant 0 : i32
      %dma_wait3A_290 = tpu.memref_slice %arg3[%run_scoped3A_1, %add3A, %dma_wait3A, %dma_wait3A_289] : memref<2x32x80x125xi32, #tpu.memory_space<hbm>> -> memref<1x1x80x125xi32, #tpu.memory_space<hbm>>
      %dma_wait3A_291 = tpu.memref_squeeze %dma_wait3A_290 : memref<1x1x80x125xi32, #tpu.memory_space<hbm>> -> memref<80x125xi32, #tpu.memory_space<hbm>>
      %dma_wait3A_292 = arith.constant 0 : i32
      %dma_wait3A_293 = arith.constant 0 : i32
      %dma_wait3A_294 = tpu.memref_slice %arg3[%run_scoped3A_1, %add3A, %dma_wait3A_292, %dma_wait3A_293] : memref<2x32x80x125xi32, #tpu.memory_space<hbm>> -> memref<1x1x80x125xi32, #tpu.memory_space<hbm>>
      %dma_wait3A_295 = tpu.memref_squeeze %dma_wait3A_294 : memref<1x1x80x125xi32, #tpu.memory_space<hbm>> -> memref<80x125xi32, #tpu.memory_space<hbm>>
      tpu.wait_dma2 semaphore(%run_scoped3A_280 : memref<!tpu.dma_semaphore, #tpu.memory_space<semaphore_mem>>) src(%dma_wait3A_295 : memref<80x125xi32, #tpu.memory_space<hbm>>) dst(%arg6 : memref<80x125xi32, #tpu.memory_space<vmem>>)
      tpu.yield
    }) : () -> ()
    %broadcast_in_dim3A = arith.constant 0.000000e+00 : f32
    %broadcast_in_dim3A_2 = vector.broadcast %broadcast_in_dim3A : f32 to vector<16xf32>
    %scan3A = arith.constant 0 : i32
    %scan3A_3 = arith.constant 0 : i32
    %scan3A_4 = arith.constant 125 : i32
    %scan3A_5 = arith.addi %scan3A_3, %scan3A_4 : i32
    %scan3A_6 = arith.constant 1 : i32
    scf.for %scan3A_280 = %scan3A_3 to %scan3A_5 step %scan3A_6  : i32 {
      %swap3A = arith.index_cast %scan3A_280 : i32 to index
      %swap3A_281 = arith.constant 0 : index
      %swap3A_282 = tpu.vector_load %arg7[%swap3A, %swap3A_281] {strides = array<i32>} : memref<125x64xf32, #tpu.memory_space<vmem>>, vector<1x16xf32>,
      %swap3A_283 = vector.shape_cast %swap3A_282 : vector<1x16xf32> to vector<16xf32>
      %swap3A_284 = vector.shape_cast %broadcast_in_dim3A_2 : vector<16xf32> to vector<1x16xf32>
      tpu.vector_store %arg7[%swap3A, %swap3A_281], %swap3A_284 {strides = array<i32>} : memref<125x64xf32, #tpu.memory_space<vmem>>, vector<1x16xf32>,
      %swap3A_285 = arith.index_cast %scan3A_280 : i32 to index
      %swap3A_286 = arith.constant 16 : index
      %swap3A_287 = tpu.vector_load %arg7[%swap3A_285, %swap3A_286] {strides = array<i32>} : memref<125x64xf32, #tpu.memory_space<vmem>>, vector<1x16xf32>,
      %swap3A_288 = vector.shape_cast %swap3A_287 : vector<1x16xf32> to vector<16xf32>
      %swap3A_289 = vector.shape_cast %broadcast_in_dim3A_2 : vector<16xf32> to vector<1x16xf32>
      tpu.vector_store %arg7[%swap3A_285, %swap3A_286], %swap3A_289 {strides = array<i32>} : memref<125x64xf32, #tpu.memory_space<vmem>>, vector<1x16xf32>,
      %swap3A_290 = arith.index_cast %scan3A_280 : i32 to index
      %swap3A_291 = arith.constant 32 : index
      %swap3A_292 = tpu.vector_load %arg7[%swap3A_290, %swap3A_291] {strides = array<i32>} : memref<125x64xf32, #tpu.memory_space<vmem>>, vector<1x16xf32>,
      %swap3A_293 = vector.shape_cast %swap3A_292 : vector<1x16xf32> to vector<16xf32>
      %swap3A_294 = vector.shape_cast %broadcast_in_dim3A_2 : vector<16xf32> to vector<1x16xf32>
      tpu.vector_store %arg7[%swap3A_290, %swap3A_291], %swap3A_294 {strides = array<i32>} : memref<125x64xf32, #tpu.memory_space<vmem>>, vector<1x16xf32>,
      %swap3A_295 = arith.index_cast %scan3A_280 : i32 to index
      %swap3A_296 = arith.constant 48 : index
      %swap3A_297 = tpu.vector_load %arg7[%swap3A_295, %swap3A_296] {strides = array<i32>} : memref<125x64xf32, #tpu.memory_space<vmem>>, vector<1x16xf32>,
      %swap3A_298 = vector.shape_cast %swap3A_297 : vector<1x16xf32> to vector<16xf32>
      %swap3A_299 = vector.shape_cast %broadcast_in_dim3A_2 : vector<16xf32> to vector<1x16xf32>
      tpu.vector_store %arg7[%swap3A_295, %swap3A_296], %swap3A_299 {strides = array<i32>} : memref<125x64xf32, #tpu.memory_space<vmem>>, vector<1x16xf32>,
    }
    %scan3A_7 = arith.constant 125 : i32
    %mul3A_8 = arith.constant 640 : i32
    %mul3A_9 = arith.muli %arg1, %mul3A_8 : i32
    %add3A_10 = arith.constant 0 : i32
    %add3A_11 = arith.addi %mul3A_9, %add3A_10 : i32
    "tpu.region"() ({
      %run_scoped3A_280 = tpu.sem_alloc : memref<!tpu.dma_semaphore, #tpu.memory_space<semaphore_mem>>
      %dma_start3A_281 = arith.constant 0 : i32
      %dma_start3A_282 = arith.constant 0 : i32
      %dma_start3A_283 = tpu.memref_slice %arg7[%dma_start3A_281, %dma_start3A_282] : memref<125x64xf32, #tpu.memory_space<vmem>> -> memref<125x64xf32, #tpu.memory_space<vmem>>
      %dma_start3A_284 = arith.constant 0 : i32
      %dma_start3A_285 = tpu.memref_slice %arg31[%add3A_11, %dma_start3A_284] : memref<10240x64xf32, #tpu.memory_space<vmem_shared>> -> memref<125x64xf32, #tpu.memory_space<vmem_shared>>
      %dma_start3A_286 = arith.constant 0 : i32
      %dma_start3A_287 = tpu.memref_slice %arg31[%add3A_11, %dma_start3A_286] : memref<10240x64xf32, #tpu.memory_space<vmem_shared>> -> memref<125x64xf32, #tpu.memory_space<vmem_shared>>
      %dma_start3A_288 = arith.constant 0 : i32
      %dma_start3A_289 = arith.constant 0 : i32
      %dma_start3A_290 = tpu.memref_slice %arg7[%dma_start3A_288, %dma_start3A_289] : memref<125x64xf32, #tpu.memory_space<vmem>> -> memref<125x64xf32, #tpu.memory_space<vmem>>
      tpu.enqueue_dma source(%dma_start3A_290 : memref<125x64xf32, #tpu.memory_space<vmem>>) target(%dma_start3A_287 : memref<125x64xf32, #tpu.memory_space<vmem_shared>>) target_semaphore(%run_scoped3A_280 : memref<!tpu.dma_semaphore, #tpu.memory_space<semaphore_mem>>)
      %dma_wait3A = arith.constant 0 : i32
      %dma_wait3A_291 = arith.constant 0 : i32
      %dma_wait3A_292 = tpu.memref_slice %arg7[%dma_wait3A, %dma_wait3A_291] : memref<125x64xf32, #tpu.memory_space<vmem>> -> memref<125x64xf32, #tpu.memory_space<vmem>>
      %dma_wait3A_293 = arith.constant 0 : i32
      %dma_wait3A_294 = tpu.memref_slice %arg31[%add3A_11, %dma_wait3A_293] : memref<10240x64xf32, #tpu.memory_space<vmem_shared>> -> memref<125x64xf32, #tpu.memory_space<vmem_shared>>
      %dma_wait3A_295 = arith.constant 0 : i32
      %dma_wait3A_296 = tpu.memref_slice %arg31[%add3A_11, %dma_wait3A_295] : memref<10240x64xf32, #tpu.memory_space<vmem_shared>> -> memref<125x64xf32, #tpu.memory_space<vmem_shared>>
      %dma_wait3A_297 = arith.constant 0 : i32
      %dma_wait3A_298 = arith.constant 0 : i32
      %dma_wait3A_299 = tpu.memref_slice %arg7[%dma_wait3A_297, %dma_wait3A_298] : memref<125x64xf32, #tpu.memory_space<vmem>> -> memref<125x64xf32, #tpu.memory_space<vmem>>
      tpu.wait_dma2 semaphore(%run_scoped3A_280 : memref<!tpu.dma_semaphore, #tpu.memory_space<semaphore_mem>>) src(%dma_wait3A_299 : memref<125x64xf32, #tpu.memory_space<vmem>>) dst(%dma_wait3A_296 : memref<125x64xf32, #tpu.memory_space<vmem_shared>>)
      tpu.yield
    }) : () -> ()
    %mul3A_12 = arith.constant 640 : i32
    %mul3A_13 = arith.muli %arg1, %mul3A_12 : i32
    %add3A_14 = arith.constant 125 : i32
    %add3A_15 = arith.addi %mul3A_13, %add3A_14 : i32
    "tpu.region"() ({
      %run_scoped3A_280 = tpu.sem_alloc : memref<!tpu.dma_semaphore, #tpu.memory_space<semaphore_mem>>
      %dma_start3A_281 = arith.constant 0 : i32
      %dma_start3A_282 = arith.constant 0 : i32
      %dma_start3A_283 = tpu.memref_slice %arg7[%dma_start3A_281, %dma_start3A_282] : memref<125x64xf32, #tpu.memory_space<vmem>> -> memref<125x64xf32, #tpu.memory_space<vmem>>
      %dma_start3A_284 = arith.constant 0 : i32
      %dma_start3A_285 = tpu.memref_slice %arg31[%add3A_15, %dma_start3A_284] : memref<10240x64xf32, #tpu.memory_space<vmem_shared>> -> memref<125x64xf32, #tpu.memory_space<vmem_shared>>
      %dma_start3A_286 = arith.constant 0 : i32
      %dma_start3A_287 = tpu.memref_slice %arg31[%add3A_15, %dma_start3A_286] : memref<10240x64xf32, #tpu.memory_space<vmem_shared>> -> memref<125x64xf32, #tpu.memory_space<vmem_shared>>
      %dma_start3A_288 = arith.constant 0 : i32
      %dma_start3A_289 = arith.constant 0 : i32
      %dma_start3A_290 = tpu.memref_slice %arg7[%dma_start3A_288, %dma_start3A_289] : memref<125x64xf32, #tpu.memory_space<vmem>> -> memref<125x64xf32, #tpu.memory_space<vmem>>
      tpu.enqueue_dma source(%dma_start3A_290 : memref<125x64xf32, #tpu.memory_space<vmem>>) target(%dma_start3A_287 : memref<125x64xf32, #tpu.memory_space<vmem_shared>>) target_semaphore(%run_scoped3A_280 : memref<!tpu.dma_semaphore, #tpu.memory_space<semaphore_mem>>)
      %dma_wait3A = arith.constant 0 : i32
      %dma_wait3A_291 = arith.constant 0 : i32
      %dma_wait3A_292 = tpu.memref_slice %arg7[%dma_wait3A, %dma_wait3A_291] : memref<125x64xf32, #tpu.memory_space<vmem>> -> memref<125x64xf32, #tpu.memory_space<vmem>>
      %dma_wait3A_293 = arith.constant 0 : i32
      %dma_wait3A_294 = tpu.memref_slice %arg31[%add3A_15, %dma_wait3A_293] : memref<10240x64xf32, #tpu.memory_space<vmem_shared>> -> memref<125x64xf32, #tpu.memory_space<vmem_shared>>
      %dma_wait3A_295 = arith.constant 0 : i32
      %dma_wait3A_296 = tpu.memref_slice %arg31[%add3A_15, %dma_wait3A_295] : memref<10240x64xf32, #tpu.memory_space<vmem_shared>> -> memref<125x64xf32, #tpu.memory_space<vmem_shared>>
      %dma_wait3A_297 = arith.constant 0 : i32
      %dma_wait3A_298 = arith.constant 0 : i32
      %dma_wait3A_299 = tpu.memref_slice %arg7[%dma_wait3A_297, %dma_wait3A_298] : memref<125x64xf32, #tpu.memory_space<vmem>> -> memref<125x64xf32, #tpu.memory_space<vmem>>
      tpu.wait_dma2 semaphore(%run_scoped3A_280 : memref<!tpu.dma_semaphore, #tpu.memory_space<semaphore_mem>>) src(%dma_wait3A_299 : memref<125x64xf32, #tpu.memory_space<vmem>>) dst(%dma_wait3A_296 : memref<125x64xf32, #tpu.memory_space<vmem_shared>>)
      tpu.yield
    }) : () -> ()
    %mul3A_16 = arith.constant 640 : i32
    %mul3A_17 = arith.muli %arg1, %mul3A_16 : i32
    %add3A_18 = arith.constant 250 : i32
    %add3A_19 = arith.addi %mul3A_17, %add3A_18 : i32
    "tpu.region"() ({
      %run_scoped3A_280 = tpu.sem_alloc : memref<!tpu.dma_semaphore, #tpu.memory_space<semaphore_mem>>
      %dma_start3A_281 = arith.constant 0 : i32
      %dma_start3A_282 = arith.constant 0 : i32
      %dma_start3A_283 = tpu.memref_slice %arg7[%dma_start3A_281, %dma_start3A_282] : memref<125x64xf32, #tpu.memory_space<vmem>> -> memref<125x64xf32, #tpu.memory_space<vmem>>
      %dma_start3A_284 = arith.constant 0 : i32
      %dma_start3A_285 = tpu.memref_slice %arg31[%add3A_19, %dma_start3A_284] : memref<10240x64xf32, #tpu.memory_space<vmem_shared>> -> memref<125x64xf32, #tpu.memory_space<vmem_shared>>
      %dma_start3A_286 = arith.constant 0 : i32
      %dma_start3A_287 = tpu.memref_slice %arg31[%add3A_19, %dma_start3A_286] : memref<10240x64xf32, #tpu.memory_space<vmem_shared>> -> memref<125x64xf32, #tpu.memory_space<vmem_shared>>
      %dma_start3A_288 = arith.constant 0 : i32
      %dma_start3A_289 = arith.constant 0 : i32
      %dma_start3A_290 = tpu.memref_slice %arg7[%dma_start3A_288, %dma_start3A_289] : memref<125x64xf32, #tpu.memory_space<vmem>> -> memref<125x64xf32, #tpu.memory_space<vmem>>
      tpu.enqueue_dma source(%dma_start3A_290 : memref<125x64xf32, #tpu.memory_space<vmem>>) target(%dma_start3A_287 : memref<125x64xf32, #tpu.memory_space<vmem_shared>>) target_semaphore(%run_scoped3A_280 : memref<!tpu.dma_semaphore, #tpu.memory_space<semaphore_mem>>)
      %dma_wait3A = arith.constant 0 : i32
      %dma_wait3A_291 = arith.constant 0 : i32
      %dma_wait3A_292 = tpu.memref_slice %arg7[%dma_wait3A, %dma_wait3A_291] : memref<125x64xf32, #tpu.memory_space<vmem>> -> memref<125x64xf32, #tpu.memory_space<vmem>>
      %dma_wait3A_293 = arith.constant 0 : i32
      %dma_wait3A_294 = tpu.memref_slice %arg31[%add3A_19, %dma_wait3A_293] : memref<10240x64xf32, #tpu.memory_space<vmem_shared>> -> memref<125x64xf32, #tpu.memory_space<vmem_shared>>
      %dma_wait3A_295 = arith.constant 0 : i32
      %dma_wait3A_296 = tpu.memref_slice %arg31[%add3A_19, %dma_wait3A_295] : memref<10240x64xf32, #tpu.memory_space<vmem_shared>> -> memref<125x64xf32, #tpu.memory_space<vmem_shared>>
      %dma_wait3A_297 = arith.constant 0 : i32
      %dma_wait3A_298 = arith.constant 0 : i32
      %dma_wait3A_299 = tpu.memref_slice %arg7[%dma_wait3A_297, %dma_wait3A_298] : memref<125x64xf32, #tpu.memory_space<vmem>> -> memref<125x64xf32, #tpu.memory_space<vmem>>
      tpu.wait_dma2 semaphore(%run_scoped3A_280 : memref<!tpu.dma_semaphore, #tpu.memory_space<semaphore_mem>>) src(%dma_wait3A_299 : memref<125x64xf32, #tpu.memory_space<vmem>>) dst(%dma_wait3A_296 : memref<125x64xf32, #tpu.memory_space<vmem_shared>>)
      tpu.yield
    }) : () -> ()
    %mul3A_20 = arith.constant 640 : i32
    %mul3A_21 = arith.muli %arg1, %mul3A_20 : i32
    %add3A_22 = arith.constant 375 : i32
    %add3A_23 = arith.addi %mul3A_21, %add3A_22 : i32
    "tpu.region"() ({
      %run_scoped3A_280 = tpu.sem_alloc : memref<!tpu.dma_semaphore, #tpu.memory_space<semaphore_mem>>
      %dma_start3A_281 = arith.constant 0 : i32
      %dma_start3A_282 = arith.constant 0 : i32
      %dma_start3A_283 = tpu.memref_slice %arg7[%dma_start3A_281, %dma_start3A_282] : memref<125x64xf32, #tpu.memory_space<vmem>> -> memref<125x64xf32, #tpu.memory_space<vmem>>
      %dma_start3A_284 = arith.constant 0 : i32
      %dma_start3A_285 = tpu.memref_slice %arg31[%add3A_23, %dma_start3A_284] : memref<10240x64xf32, #tpu.memory_space<vmem_shared>> -> memref<125x64xf32, #tpu.memory_space<vmem_shared>>
      %dma_start3A_286 = arith.constant 0 : i32
      %dma_start3A_287 = tpu.memref_slice %arg31[%add3A_23, %dma_start3A_286] : memref<10240x64xf32, #tpu.memory_space<vmem_shared>> -> memref<125x64xf32, #tpu.memory_space<vmem_shared>>
      %dma_start3A_288 = arith.constant 0 : i32
      %dma_start3A_289 = arith.constant 0 : i32
      %dma_start3A_290 = tpu.memref_slice %arg7[%dma_start3A_288, %dma_start3A_289] : memref<125x64xf32, #tpu.memory_space<vmem>> -> memref<125x64xf32, #tpu.memory_space<vmem>>
      tpu.enqueue_dma source(%dma_start3A_290 : memref<125x64xf32, #tpu.memory_space<vmem>>) target(%dma_start3A_287 : memref<125x64xf32, #tpu.memory_space<vmem_shared>>) target_semaphore(%run_scoped3A_280 : memref<!tpu.dma_semaphore, #tpu.memory_space<semaphore_mem>>)
      %dma_wait3A = arith.constant 0 : i32
      %dma_wait3A_291 = arith.constant 0 : i32
      %dma_wait3A_292 = tpu.memref_slice %arg7[%dma_wait3A, %dma_wait3A_291] : memref<125x64xf32, #tpu.memory_space<vmem>> -> memref<125x64xf32, #tpu.memory_space<vmem>>
      %dma_wait3A_293 = arith.constant 0 : i32
      %dma_wait3A_294 = tpu.memref_slice %arg31[%add3A_23, %dma_wait3A_293] : memref<10240x64xf32, #tpu.memory_space<vmem_shared>> -> memref<125x64xf32, #tpu.memory_space<vmem_shared>>
      %dma_wait3A_295 = arith.constant 0 : i32
      %dma_wait3A_296 = tpu.memref_slice %arg31[%add3A_23, %dma_wait3A_295] : memref<10240x64xf32, #tpu.memory_space<vmem_shared>> -> memref<125x64xf32, #tpu.memory_space<vmem_shared>>
      %dma_wait3A_297 = arith.constant 0 : i32
      %dma_wait3A_298 = arith.constant 0 : i32
      %dma_wait3A_299 = tpu.memref_slice %arg7[%dma_wait3A_297, %dma_wait3A_298] : memref<125x64xf32, #tpu.memory_space<vmem>> -> memref<125x64xf32, #tpu.memory_space<vmem>>
      tpu.wait_dma2 semaphore(%run_scoped3A_280 : memref<!tpu.dma_semaphore, #tpu.memory_space<semaphore_mem>>) src(%dma_wait3A_299 : memref<125x64xf32, #tpu.memory_space<vmem>>) dst(%dma_wait3A_296 : memref<125x64xf32, #tpu.memory_space<vmem_shared>>)
      tpu.yield
    }) : () -> ()
    %mul3A_24 = arith.constant 640 : i32
    %mul3A_25 = arith.muli %arg1, %mul3A_24 : i32
    %add3A_26 = arith.constant 500 : i32
    %add3A_27 = arith.addi %mul3A_25, %add3A_26 : i32
    "tpu.region"() ({
      %run_scoped3A_280 = tpu.sem_alloc : memref<!tpu.dma_semaphore, #tpu.memory_space<semaphore_mem>>
      %dma_start3A_281 = arith.constant 0 : i32
      %dma_start3A_282 = arith.constant 0 : i32
      %dma_start3A_283 = tpu.memref_slice %arg7[%dma_start3A_281, %dma_start3A_282] : memref<125x64xf32, #tpu.memory_space<vmem>> -> memref<125x64xf32, #tpu.memory_space<vmem>>
      %dma_start3A_284 = arith.constant 0 : i32
      %dma_start3A_285 = tpu.memref_slice %arg31[%add3A_27, %dma_start3A_284] : memref<10240x64xf32, #tpu.memory_space<vmem_shared>> -> memref<125x64xf32, #tpu.memory_space<vmem_shared>>
      %dma_start3A_286 = arith.constant 0 : i32
      %dma_start3A_287 = tpu.memref_slice %arg31[%add3A_27, %dma_start3A_286] : memref<10240x64xf32, #tpu.memory_space<vmem_shared>> -> memref<125x64xf32, #tpu.memory_space<vmem_shared>>
      %dma_start3A_288 = arith.constant 0 : i32
      %dma_start3A_289 = arith.constant 0 : i32
      %dma_start3A_290 = tpu.memref_slice %arg7[%dma_start3A_288, %dma_start3A_289] : memref<125x64xf32, #tpu.memory_space<vmem>> -> memref<125x64xf32, #tpu.memory_space<vmem>>
      tpu.enqueue_dma source(%dma_start3A_290 : memref<125x64xf32, #tpu.memory_space<vmem>>) target(%dma_start3A_287 : memref<125x64xf32, #tpu.memory_space<vmem_shared>>) target_semaphore(%run_scoped3A_280 : memref<!tpu.dma_semaphore, #tpu.memory_space<semaphore_mem>>)
      %dma_wait3A = arith.constant 0 : i32
      %dma_wait3A_291 = arith.constant 0 : i32
      %dma_wait3A_292 = tpu.memref_slice %arg7[%dma_wait3A, %dma_wait3A_291] : memref<125x64xf32, #tpu.memory_space<vmem>> -> memref<125x64xf32, #tpu.memory_space<vmem>>
      %dma_wait3A_293 = arith.constant 0 : i32
      %dma_wait3A_294 = tpu.memref_slice %arg31[%add3A_27, %dma_wait3A_293] : memref<10240x64xf32, #tpu.memory_space<vmem_shared>> -> memref<125x64xf32, #tpu.memory_space<vmem_shared>>
      %dma_wait3A_295 = arith.constant 0 : i32
      %dma_wait3A_296 = tpu.memref_slice %arg31[%add3A_27, %dma_wait3A_295] : memref<10240x64xf32, #tpu.memory_space<vmem_shared>> -> memref<125x64xf32, #tpu.memory_space<vmem_shared>>
      %dma_wait3A_297 = arith.constant 0 : i32
      %dma_wait3A_298 = arith.constant 0 : i32
      %dma_wait3A_299 = tpu.memref_slice %arg7[%dma_wait3A_297, %dma_wait3A_298] : memref<125x64xf32, #tpu.memory_space<vmem>> -> memref<125x64xf32, #tpu.memory_space<vmem>>
      tpu.wait_dma2 semaphore(%run_scoped3A_280 : memref<!tpu.dma_semaphore, #tpu.memory_space<semaphore_mem>>) src(%dma_wait3A_299 : memref<125x64xf32, #tpu.memory_space<vmem>>) dst(%dma_wait3A_296 : memref<125x64xf32, #tpu.memory_space<vmem_shared>>)
      tpu.yield
    }) : () -> ()
    %mul3A_28 = arith.constant 640 : i32
    %mul3A_29 = arith.muli %arg1, %mul3A_28 : i32
    %add3A_30 = arith.constant 625 : i32
    %add3A_31 = arith.addi %mul3A_29, %add3A_30 : i32
    "tpu.region"() ({
      %run_scoped3A_280 = tpu.sem_alloc : memref<!tpu.dma_semaphore, #tpu.memory_space<semaphore_mem>>
      %dma_start3A_281 = arith.constant 0 : i32
      %dma_start3A_282 = arith.constant 0 : i32
      %dma_start3A_283 = tpu.memref_slice %arg7[%dma_start3A_281, %dma_start3A_282] : memref<125x64xf32, #tpu.memory_space<vmem>> -> memref<15x64xf32, #tpu.memory_space<vmem>>
      %dma_start3A_284 = arith.constant 0 : i32
      %dma_start3A_285 = tpu.memref_slice %arg31[%add3A_31, %dma_start3A_284] : memref<10240x64xf32, #tpu.memory_space<vmem_shared>> -> memref<15x64xf32, #tpu.memory_space<vmem_shared>>
      %dma_start3A_286 = arith.constant 0 : i32
      %dma_start3A_287 = tpu.memref_slice %arg31[%add3A_31, %dma_start3A_286] : memref<10240x64xf32, #tpu.memory_space<vmem_shared>> -> memref<15x64xf32, #tpu.memory_space<vmem_shared>>
      %dma_start3A_288 = arith.constant 0 : i32
      %dma_start3A_289 = arith.constant 0 : i32
      %dma_start3A_290 = tpu.memref_slice %arg7[%dma_start3A_288, %dma_start3A_289] : memref<125x64xf32, #tpu.memory_space<vmem>> -> memref<15x64xf32, #tpu.memory_space<vmem>>
      tpu.enqueue_dma source(%dma_start3A_290 : memref<15x64xf32, #tpu.memory_space<vmem>>) target(%dma_start3A_287 : memref<15x64xf32, #tpu.memory_space<vmem_shared>>) target_semaphore(%run_scoped3A_280 : memref<!tpu.dma_semaphore, #tpu.memory_space<semaphore_mem>>)
      %dma_wait3A = arith.constant 0 : i32
      %dma_wait3A_291 = arith.constant 0 : i32
      %dma_wait3A_292 = tpu.memref_slice %arg7[%dma_wait3A, %dma_wait3A_291] : memref<125x64xf32, #tpu.memory_space<vmem>> -> memref<15x64xf32, #tpu.memory_space<vmem>>
      %dma_wait3A_293 = arith.constant 0 : i32
      %dma_wait3A_294 = tpu.memref_slice %arg31[%add3A_31, %dma_wait3A_293] : memref<10240x64xf32, #tpu.memory_space<vmem_shared>> -> memref<15x64xf32, #tpu.memory_space<vmem_shared>>
      %dma_wait3A_295 = arith.constant 0 : i32
      %dma_wait3A_296 = tpu.memref_slice %arg31[%add3A_31, %dma_wait3A_295] : memref<10240x64xf32, #tpu.memory_space<vmem_shared>> -> memref<15x64xf32, #tpu.memory_space<vmem_shared>>
      %dma_wait3A_297 = arith.constant 0 : i32
      %dma_wait3A_298 = arith.constant 0 : i32
      %dma_wait3A_299 = tpu.memref_slice %arg7[%dma_wait3A_297, %dma_wait3A_298] : memref<125x64xf32, #tpu.memory_space<vmem>> -> memref<15x64xf32, #tpu.memory_space<vmem>>
      tpu.wait_dma2 semaphore(%run_scoped3A_280 : memref<!tpu.dma_semaphore, #tpu.memory_space<semaphore_mem>>) src(%dma_wait3A_299 : memref<15x64xf32, #tpu.memory_space<vmem>>) dst(%dma_wait3A_296 : memref<15x64xf32, #tpu.memory_space<vmem_shared>>)
      tpu.yield
    }) : () -> ()
    %barrier3A = arith.constant 0 : index
    tpu.barrier barrier_id(%barrier3A)
    %dma_start3A = arith.constant 0 : i32
    %dma_start3A_32 = arith.constant 0 : i32
    %dma_start3A_33 = arith.constant 0 : i32
    %dma_start3A_34 = tpu.memref_slice %arg5[%dma_start3A_32, %dma_start3A_33] : memref<80x125xi32, #tpu.memory_space<vmem>> -> memref<1x125xi32, #tpu.memory_space<vmem>>
    %dma_start3A_35 = tpu.memref_squeeze %dma_start3A_34 : memref<1x125xi32, #tpu.memory_space<vmem>> -> memref<125xi32, #tpu.memory_space<vmem>>
    %dma_start3A_36 = arith.constant 0 : i32
    %dma_start3A_37 = arith.constant 0 : i32
    %dma_start3A_38 = tpu.memref_slice %arg2[%dma_start3A, %dma_start3A_36, %dma_start3A_37] : memref<2x10000x64xf32, #tpu.memory_space<hbm>> -> memref<1x10000x64xf32, #tpu.memory_space<hbm>>
    %dma_start3A_39 = tpu.memref_squeeze %dma_start3A_38 : memref<1x10000x64xf32, #tpu.memory_space<hbm>> -> memref<10000x64xf32, #tpu.memory_space<hbm>>
    %dma_start3A_40 = arith.constant 0 : i32
    %dma_start3A_41 = arith.constant 0 : i32
    %dma_start3A_42 = tpu.memref_slice %dma_start3A_39[%dma_start3A_40, %dma_start3A_41] : memref<10000x64xf32, #tpu.memory_space<hbm>> -> memref<10000x64xf32, #tpu.memory_space<hbm>>
    tpu.enqueue_indirect_dma source(%dma_start3A_42 : memref<10000x64xf32, #tpu.memory_space<hbm>>) target(%arg7 : memref<125x64xf32, #tpu.memory_space<vmem>>) offsets(%dma_start3A_35 : memref<125xi32, #tpu.memory_space<vmem>>) semaphore(%arg15 : memref<!tpu.dma_semaphore, #tpu.memory_space<semaphore_mem>>)
    %dma_start3A_43 = arith.constant 0 : i32
    %dma_start3A_44 = arith.constant 1 : i32
    %dma_start3A_45 = arith.constant 0 : i32
    %dma_start3A_46 = tpu.memref_slice %arg5[%dma_start3A_44, %dma_start3A_45] : memref<80x125xi32, #tpu.memory_space<vmem>> -> memref<1x125xi32, #tpu.memory_space<vmem>>
    %dma_start3A_47 = tpu.memref_squeeze %dma_start3A_46 : memref<1x125xi32, #tpu.memory_space<vmem>> -> memref<125xi32, #tpu.memory_space<vmem>>
    %dma_start3A_48 = arith.constant 0 : i32
    %dma_start3A_49 = arith.constant 0 : i32
    %dma_start3A_50 = tpu.memref_slice %arg2[%dma_start3A_43, %dma_start3A_48, %dma_start3A_49] : memref<2x10000x64xf32, #tpu.memory_space<hbm>> -> memref<1x10000x64xf32, #tpu.memory_space<hbm>>
    %dma_start3A_51 = tpu.memref_squeeze %dma_start3A_50 : memref<1x10000x64xf32, #tpu.memory_space<hbm>> -> memref<10000x64xf32, #tpu.memory_space<hbm>>
    %dma_start3A_52 = arith.constant 0 : i32
    %dma_start3A_53 = arith.constant 0 : i32
    %dma_start3A_54 = tpu.memref_slice %dma_start3A_51[%dma_start3A_52, %dma_start3A_53] : memref<10000x64xf32, #tpu.memory_space<hbm>> -> memref<10000x64xf32, #tpu.memory_space<hbm>>
    tpu.enqueue_indirect_dma source(%dma_start3A_54 : memref<10000x64xf32, #tpu.memory_space<hbm>>) target(%arg8 : memref<125x64xf32, #tpu.memory_space<vmem>>) offsets(%dma_start3A_47 : memref<125xi32, #tpu.memory_space<vmem>>) semaphore(%arg16 : memref<!tpu.dma_semaphore, #tpu.memory_space<semaphore_mem>>)
    %dma_start3A_55 = arith.constant 0 : i32
    %dma_start3A_56 = arith.constant 2 : i32
    %dma_start3A_57 = arith.constant 0 : i32
    %dma_start3A_58 = tpu.memref_slice %arg5[%dma_start3A_56, %dma_start3A_57] : memref<80x125xi32, #tpu.memory_space<vmem>> -> memref<1x125xi32, #tpu.memory_space<vmem>>
    %dma_start3A_59 = tpu.memref_squeeze %dma_start3A_58 : memref<1x125xi32, #tpu.memory_space<vmem>> -> memref<125xi32, #tpu.memory_space<vmem>>
    %dma_start3A_60 = arith.constant 0 : i32
    %dma_start3A_61 = arith.constant 0 : i32
    %dma_start3A_62 = tpu.memref_slice %arg2[%dma_start3A_55, %dma_start3A_60, %dma_start3A_61] : memref<2x10000x64xf32, #tpu.memory_space<hbm>> -> memref<1x10000x64xf32, #tpu.memory_space<hbm>>
    %dma_start3A_63 = tpu.memref_squeeze %dma_start3A_62 : memref<1x10000x64xf32, #tpu.memory_space<hbm>> -> memref<10000x64xf32, #tpu.memory_space<hbm>>
    %dma_start3A_64 = arith.constant 0 : i32
    %dma_start3A_65 = arith.constant 0 : i32
    %dma_start3A_66 = tpu.memref_slice %dma_start3A_63[%dma_start3A_64, %dma_start3A_65] : memref<10000x64xf32, #tpu.memory_space<hbm>> -> memref<10000x64xf32, #tpu.memory_space<hbm>>
    tpu.enqueue_indirect_dma source(%dma_start3A_66 : memref<10000x64xf32, #tpu.memory_space<hbm>>) target(%arg9 : memref<125x64xf32, #tpu.memory_space<vmem>>) offsets(%dma_start3A_59 : memref<125xi32, #tpu.memory_space<vmem>>) semaphore(%arg17 : memref<!tpu.dma_semaphore, #tpu.memory_space<semaphore_mem>>)
    %dma_start3A_67 = arith.constant 0 : i32
    %dma_start3A_68 = arith.constant 3 : i32
    %dma_start3A_69 = arith.constant 0 : i32
    %dma_start3A_70 = tpu.memref_slice %arg5[%dma_start3A_68, %dma_start3A_69] : memref<80x125xi32, #tpu.memory_space<vmem>> -> memref<1x125xi32, #tpu.memory_space<vmem>>
    %dma_start3A_71 = tpu.memref_squeeze %dma_start3A_70 : memref<1x125xi32, #tpu.memory_space<vmem>> -> memref<125xi32, #tpu.memory_space<vmem>>
    %dma_start3A_72 = arith.constant 0 : i32
    %dma_start3A_73 = arith.constant 0 : i32
    %dma_start3A_74 = tpu.memref_slice %arg2[%dma_start3A_67, %dma_start3A_72, %dma_start3A_73] : memref<2x10000x64xf32, #tpu.memory_space<hbm>> -> memref<1x10000x64xf32, #tpu.memory_space<hbm>>
    %dma_start3A_75 = tpu.memref_squeeze %dma_start3A_74 : memref<1x10000x64xf32, #tpu.memory_space<hbm>> -> memref<10000x64xf32, #tpu.memory_space<hbm>>
    %dma_start3A_76 = arith.constant 0 : i32
    %dma_start3A_77 = arith.constant 0 : i32
    %dma_start3A_78 = tpu.memref_slice %dma_start3A_75[%dma_start3A_76, %dma_start3A_77] : memref<10000x64xf32, #tpu.memory_space<hbm>> -> memref<10000x64xf32, #tpu.memory_space<hbm>>
    tpu.enqueue_indirect_dma source(%dma_start3A_78 : memref<10000x64xf32, #tpu.memory_space<hbm>>) target(%arg10 : memref<125x64xf32, #tpu.memory_space<vmem>>) offsets(%dma_start3A_71 : memref<125xi32, #tpu.memory_space<vmem>>) semaphore(%arg18 : memref<!tpu.dma_semaphore, #tpu.memory_space<semaphore_mem>>)
    %dma_start3A_79 = arith.constant 0 : i32
    %dma_start3A_80 = arith.constant 4 : i32
    %dma_start3A_81 = arith.constant 0 : i32
    %dma_start3A_82 = tpu.memref_slice %arg5[%dma_start3A_80, %dma_start3A_81] : memref<80x125xi32, #tpu.memory_space<vmem>> -> memref<1x125xi32, #tpu.memory_space<vmem>>
    %dma_start3A_83 = tpu.memref_squeeze %dma_start3A_82 : memref<1x125xi32, #tpu.memory_space<vmem>> -> memref<125xi32, #tpu.memory_space<vmem>>
    %dma_start3A_84 = arith.constant 0 : i32
    %dma_start3A_85 = arith.constant 0 : i32
    %dma_start3A_86 = tpu.memref_slice %arg2[%dma_start3A_79, %dma_start3A_84, %dma_start3A_85] : memref<2x10000x64xf32, #tpu.memory_space<hbm>> -> memref<1x10000x64xf32, #tpu.memory_space<hbm>>
    %dma_start3A_87 = tpu.memref_squeeze %dma_start3A_86 : memref<1x10000x64xf32, #tpu.memory_space<hbm>> -> memref<10000x64xf32, #tpu.memory_space<hbm>>
    %dma_start3A_88 = arith.constant 0 : i32
    %dma_start3A_89 = arith.constant 0 : i32
    %dma_start3A_90 = tpu.memref_slice %dma_start3A_87[%dma_start3A_88, %dma_start3A_89] : memref<10000x64xf32, #tpu.memory_space<hbm>> -> memref<10000x64xf32, #tpu.memory_space<hbm>>
    tpu.enqueue_indirect_dma source(%dma_start3A_90 : memref<10000x64xf32, #tpu.memory_space<hbm>>) target(%arg11 : memref<125x64xf32, #tpu.memory_space<vmem>>) offsets(%dma_start3A_83 : memref<125xi32, #tpu.memory_space<vmem>>) semaphore(%arg19 : memref<!tpu.dma_semaphore, #tpu.memory_space<semaphore_mem>>)
    %dma_start3A_91 = arith.constant 0 : i32
    %dma_start3A_92 = arith.constant 5 : i32
    %dma_start3A_93 = arith.constant 0 : i32
    %dma_start3A_94 = tpu.memref_slice %arg5[%dma_start3A_92, %dma_start3A_93] : memref<80x125xi32, #tpu.memory_space<vmem>> -> memref<1x125xi32, #tpu.memory_space<vmem>>
    %dma_start3A_95 = tpu.memref_squeeze %dma_start3A_94 : memref<1x125xi32, #tpu.memory_space<vmem>> -> memref<125xi32, #tpu.memory_space<vmem>>
    %dma_start3A_96 = arith.constant 0 : i32
    %dma_start3A_97 = arith.constant 0 : i32
    %dma_start3A_98 = tpu.memref_slice %arg2[%dma_start3A_91, %dma_start3A_96, %dma_start3A_97] : memref<2x10000x64xf32, #tpu.memory_space<hbm>> -> memref<1x10000x64xf32, #tpu.memory_space<hbm>>
    %dma_start3A_99 = tpu.memref_squeeze %dma_start3A_98 : memref<1x10000x64xf32, #tpu.memory_space<hbm>> -> memref<10000x64xf32, #tpu.memory_space<hbm>>
    %dma_start3A_100 = arith.constant 0 : i32
    %dma_start3A_101 = arith.constant 0 : i32
    %dma_start3A_102 = tpu.memref_slice %dma_start3A_99[%dma_start3A_100, %dma_start3A_101] : memref<10000x64xf32, #tpu.memory_space<hbm>> -> memref<10000x64xf32, #tpu.memory_space<hbm>>
    tpu.enqueue_indirect_dma source(%dma_start3A_102 : memref<10000x64xf32, #tpu.memory_space<hbm>>) target(%arg12 : memref<125x64xf32, #tpu.memory_space<vmem>>) offsets(%dma_start3A_95 : memref<125xi32, #tpu.memory_space<vmem>>) semaphore(%arg20 : memref<!tpu.dma_semaphore, #tpu.memory_space<semaphore_mem>>)
    %dma_start3A_103 = arith.constant 0 : i32
    %dma_start3A_104 = arith.constant 6 : i32
    %dma_start3A_105 = arith.constant 0 : i32
    %dma_start3A_106 = tpu.memref_slice %arg5[%dma_start3A_104, %dma_start3A_105] : memref<80x125xi32, #tpu.memory_space<vmem>> -> memref<1x125xi32, #tpu.memory_space<vmem>>
    %dma_start3A_107 = tpu.memref_squeeze %dma_start3A_106 : memref<1x125xi32, #tpu.memory_space<vmem>> -> memref<125xi32, #tpu.memory_space<vmem>>
    %dma_start3A_108 = arith.constant 0 : i32
    %dma_start3A_109 = arith.constant 0 : i32
    %dma_start3A_110 = tpu.memref_slice %arg2[%dma_start3A_103, %dma_start3A_108, %dma_start3A_109] : memref<2x10000x64xf32, #tpu.memory_space<hbm>> -> memref<1x10000x64xf32, #tpu.memory_space<hbm>>
    %dma_start3A_111 = tpu.memref_squeeze %dma_start3A_110 : memref<1x10000x64xf32, #tpu.memory_space<hbm>> -> memref<10000x64xf32, #tpu.memory_space<hbm>>
    %dma_start3A_112 = arith.constant 0 : i32
    %dma_start3A_113 = arith.constant 0 : i32
    %dma_start3A_114 = tpu.memref_slice %dma_start3A_111[%dma_start3A_112, %dma_start3A_113] : memref<10000x64xf32, #tpu.memory_space<hbm>> -> memref<10000x64xf32, #tpu.memory_space<hbm>>
    tpu.enqueue_indirect_dma source(%dma_start3A_114 : memref<10000x64xf32, #tpu.memory_space<hbm>>) target(%arg13 : memref<125x64xf32, #tpu.memory_space<vmem>>) offsets(%dma_start3A_107 : memref<125xi32, #tpu.memory_space<vmem>>) semaphore(%arg21 : memref<!tpu.dma_semaphore, #tpu.memory_space<semaphore_mem>>)
    %dma_start3A_115 = arith.constant 0 : i32
    %dma_start3A_116 = arith.constant 7 : i32
    %dma_start3A_117 = arith.constant 0 : i32
    %dma_start3A_118 = tpu.memref_slice %arg5[%dma_start3A_116, %dma_start3A_117] : memref<80x125xi32, #tpu.memory_space<vmem>> -> memref<1x125xi32, #tpu.memory_space<vmem>>
    %dma_start3A_119 = tpu.memref_squeeze %dma_start3A_118 : memref<1x125xi32, #tpu.memory_space<vmem>> -> memref<125xi32, #tpu.memory_space<vmem>>
    %dma_start3A_120 = arith.constant 0 : i32
    %dma_start3A_121 = arith.constant 0 : i32
    %dma_start3A_122 = tpu.memref_slice %arg2[%dma_start3A_115, %dma_start3A_120, %dma_start3A_121] : memref<2x10000x64xf32, #tpu.memory_space<hbm>> -> memref<1x10000x64xf32, #tpu.memory_space<hbm>>
    %dma_start3A_123 = tpu.memref_squeeze %dma_start3A_122 : memref<1x10000x64xf32, #tpu.memory_space<hbm>> -> memref<10000x64xf32, #tpu.memory_space<hbm>>
    %dma_start3A_124 = arith.constant 0 : i32
    %dma_start3A_125 = arith.constant 0 : i32
    %dma_start3A_126 = tpu.memref_slice %dma_start3A_123[%dma_start3A_124, %dma_start3A_125] : memref<10000x64xf32, #tpu.memory_space<hbm>> -> memref<10000x64xf32, #tpu.memory_space<hbm>>
    tpu.enqueue_indirect_dma source(%dma_start3A_126 : memref<10000x64xf32, #tpu.memory_space<hbm>>) target(%arg14 : memref<125x64xf32, #tpu.memory_space<vmem>>) offsets(%dma_start3A_119 : memref<125xi32, #tpu.memory_space<vmem>>) semaphore(%arg22 : memref<!tpu.dma_semaphore, #tpu.memory_space<semaphore_mem>>)
    %scan3A_127 = arith.constant 0 : i32
    %scan3A_128 = arith.constant 0 : i32
    %scan3A_129 = arith.constant 10 : i32
    %scan3A_130 = arith.addi %scan3A_128, %scan3A_129 : i32
    %scan3A_131 = arith.constant 1 : i32
    scf.for %scan3A_280 = %scan3A_128 to %scan3A_130 step %scan3A_131  : i32 {
      %mul3A_281 = arith.constant 8 : i32
      %mul3A_282 = arith.muli %mul3A_281, %scan3A_280 : i32
      %add3A_283 = arith.constant 0 : i32
      %add3A_284 = arith.addi %mul3A_282, %add3A_283 : i32
      %dma_wait3A = arith.constant 0 : i32
      %dma_wait3A_285 = arith.constant 0 : i32
      %dma_wait3A_286 = tpu.memref_slice %arg5[%add3A_284, %dma_wait3A_285] : memref<80x125xi32, #tpu.memory_space<vmem>> -> memref<1x125xi32, #tpu.memory_space<vmem>>
      %dma_wait3A_287 = tpu.memref_squeeze %dma_wait3A_286 : memref<1x125xi32, #tpu.memory_space<vmem>> -> memref<125xi32, #tpu.memory_space<vmem>>
      %dma_wait3A_288 = arith.constant 0 : i32
      %dma_wait3A_289 = arith.constant 0 : i32
      %dma_wait3A_290 = tpu.memref_slice %arg2[%dma_wait3A, %dma_wait3A_288, %dma_wait3A_289] : memref<2x10000x64xf32, #tpu.memory_space<hbm>> -> memref<1x10000x64xf32, #tpu.memory_space<hbm>>
      %dma_wait3A_291 = tpu.memref_squeeze %dma_wait3A_290 : memref<1x10000x64xf32, #tpu.memory_space<hbm>> -> memref<10000x64xf32, #tpu.memory_space<hbm>>
      %dma_wait3A_292 = arith.constant 0 : i32
      %dma_wait3A_293 = arith.constant 0 : i32
      %dma_wait3A_294 = tpu.memref_slice %dma_wait3A_291[%dma_wait3A_292, %dma_wait3A_293] : memref<10000x64xf32, #tpu.memory_space<hbm>> -> memref<10000x64xf32, #tpu.memory_space<hbm>>
      tpu.wait_indirect_dma semaphore(%arg15 : memref<!tpu.dma_semaphore, #tpu.memory_space<semaphore_mem>>) src(%dma_wait3A_294 : memref<10000x64xf32, #tpu.memory_space<hbm>>) dst(%arg7 : memref<125x64xf32, #tpu.memory_space<vmem>>)
      %add3A_295 = arith.constant 0 : i32
      %add3A_296 = arith.addi %mul3A_282, %add3A_295 : i32
      %dma_start3A_297 = arith.constant 0 : i32
      %dma_start3A_298 = tpu.memref_slice %arg6[%add3A_296, %dma_start3A_297] : memref<80x125xi32, #tpu.memory_space<vmem>> -> memref<1x125xi32, #tpu.memory_space<vmem>>
      %dma_start3A_299 = tpu.memref_squeeze %dma_start3A_298 : memref<1x125xi32, #tpu.memory_space<vmem>> -> memref<125xi32, #tpu.memory_space<vmem>>
      %dma_start3A_300 = arith.constant 0 : i32
      %dma_start3A_301 = arith.constant 0 : i32
      %dma_start3A_302 = tpu.memref_slice %arg31[%dma_start3A_300, %dma_start3A_301] : memref<10240x64xf32, #tpu.memory_space<vmem_shared>> -> memref<10240x64xf32, #tpu.memory_space<vmem_shared>>
      tpu.enqueue_indirect_dma source(%arg7 : memref<125x64xf32, #tpu.memory_space<vmem>>) target(%dma_start3A_302 : memref<10240x64xf32, #tpu.memory_space<vmem_shared>>) offsets(%dma_start3A_299 : memref<125xi32, #tpu.memory_space<vmem>>) semaphore(%arg23 : memref<!tpu.dma_semaphore, #tpu.memory_space<semaphore_mem>>) {add = true}
      %add3A_303 = arith.constant 1 : i32
      %add3A_304 = arith.addi %mul3A_282, %add3A_303 : i32
      %dma_wait3A_305 = arith.constant 0 : i32
      %dma_wait3A_306 = arith.constant 0 : i32
      %dma_wait3A_307 = tpu.memref_slice %arg5[%add3A_304, %dma_wait3A_306] : memref<80x125xi32, #tpu.memory_space<vmem>> -> memref<1x125xi32, #tpu.memory_space<vmem>>
      %dma_wait3A_308 = tpu.memref_squeeze %dma_wait3A_307 : memref<1x125xi32, #tpu.memory_space<vmem>> -> memref<125xi32, #tpu.memory_space<vmem>>
      %dma_wait3A_309 = arith.constant 0 : i32
      %dma_wait3A_310 = arith.constant 0 : i32
      %dma_wait3A_311 = tpu.memref_slice %arg2[%dma_wait3A_305, %dma_wait3A_309, %dma_wait3A_310] : memref<2x10000x64xf32, #tpu.memory_space<hbm>> -> memref<1x10000x64xf32, #tpu.memory_space<hbm>>
      %dma_wait3A_312 = tpu.memref_squeeze %dma_wait3A_311 : memref<1x10000x64xf32, #tpu.memory_space<hbm>> -> memref<10000x64xf32, #tpu.memory_space<hbm>>
      %dma_wait3A_313 = arith.constant 0 : i32
      %dma_wait3A_314 = arith.constant 0 : i32
      %dma_wait3A_315 = tpu.memref_slice %dma_wait3A_312[%dma_wait3A_313, %dma_wait3A_314] : memref<10000x64xf32, #tpu.memory_space<hbm>> -> memref<10000x64xf32, #tpu.memory_space<hbm>>
      tpu.wait_indirect_dma semaphore(%arg16 : memref<!tpu.dma_semaphore, #tpu.memory_space<semaphore_mem>>) src(%dma_wait3A_315 : memref<10000x64xf32, #tpu.memory_space<hbm>>) dst(%arg8 : memref<125x64xf32, #tpu.memory_space<vmem>>)
      %add3A_316 = arith.constant 1 : i32
      %add3A_317 = arith.addi %mul3A_282, %add3A_316 : i32
      %dma_start3A_318 = arith.constant 0 : i32
      %dma_start3A_319 = tpu.memref_slice %arg6[%add3A_317, %dma_start3A_318] : memref<80x125xi32, #tpu.memory_space<vmem>> -> memref<1x125xi32, #tpu.memory_space<vmem>>
      %dma_start3A_320 = tpu.memref_squeeze %dma_start3A_319 : memref<1x125xi32, #tpu.memory_space<vmem>> -> memref<125xi32, #tpu.memory_space<vmem>>
      %dma_start3A_321 = arith.constant 0 : i32
      %dma_start3A_322 = arith.constant 0 : i32
      %dma_start3A_323 = tpu.memref_slice %arg31[%dma_start3A_321, %dma_start3A_322] : memref<10240x64xf32, #tpu.memory_space<vmem_shared>> -> memref<10240x64xf32, #tpu.memory_space<vmem_shared>>
      tpu.enqueue_indirect_dma source(%arg8 : memref<125x64xf32, #tpu.memory_space<vmem>>) target(%dma_start3A_323 : memref<10240x64xf32, #tpu.memory_space<vmem_shared>>) offsets(%dma_start3A_320 : memref<125xi32, #tpu.memory_space<vmem>>) semaphore(%arg24 : memref<!tpu.dma_semaphore, #tpu.memory_space<semaphore_mem>>) {add = true}
      %add3A_324 = arith.constant 2 : i32
      %add3A_325 = arith.addi %mul3A_282, %add3A_324 : i32
      %dma_wait3A_326 = arith.constant 0 : i32
      %dma_wait3A_327 = arith.constant 0 : i32
      %dma_wait3A_328 = tpu.memref_slice %arg5[%add3A_325, %dma_wait3A_327] : memref<80x125xi32, #tpu.memory_space<vmem>> -> memref<1x125xi32, #tpu.memory_space<vmem>>
      %dma_wait3A_329 = tpu.memref_squeeze %dma_wait3A_328 : memref<1x125xi32, #tpu.memory_space<vmem>> -> memref<125xi32, #tpu.memory_space<vmem>>
      %dma_wait3A_330 = arith.constant 0 : i32
      %dma_wait3A_331 = arith.constant 0 : i32
      %dma_wait3A_332 = tpu.memref_slice %arg2[%dma_wait3A_326, %dma_wait3A_330, %dma_wait3A_331] : memref<2x10000x64xf32, #tpu.memory_space<hbm>> -> memref<1x10000x64xf32, #tpu.memory_space<hbm>>
      %dma_wait3A_333 = tpu.memref_squeeze %dma_wait3A_332 : memref<1x10000x64xf32, #tpu.memory_space<hbm>> -> memref<10000x64xf32, #tpu.memory_space<hbm>>
      %dma_wait3A_334 = arith.constant 0 : i32
      %dma_wait3A_335 = arith.constant 0 : i32
      %dma_wait3A_336 = tpu.memref_slice %dma_wait3A_333[%dma_wait3A_334, %dma_wait3A_335] : memref<10000x64xf32, #tpu.memory_space<hbm>> -> memref<10000x64xf32, #tpu.memory_space<hbm>>
      tpu.wait_indirect_dma semaphore(%arg17 : memref<!tpu.dma_semaphore, #tpu.memory_space<semaphore_mem>>) src(%dma_wait3A_336 : memref<10000x64xf32, #tpu.memory_space<hbm>>) dst(%arg9 : memref<125x64xf32, #tpu.memory_space<vmem>>)
      %add3A_337 = arith.constant 2 : i32
      %add3A_338 = arith.addi %mul3A_282, %add3A_337 : i32
      %dma_start3A_339 = arith.constant 0 : i32
      %dma_start3A_340 = tpu.memref_slice %arg6[%add3A_338, %dma_start3A_339] : memref<80x125xi32, #tpu.memory_space<vmem>> -> memref<1x125xi32, #tpu.memory_space<vmem>>
      %dma_start3A_341 = tpu.memref_squeeze %dma_start3A_340 : memref<1x125xi32, #tpu.memory_space<vmem>> -> memref<125xi32, #tpu.memory_space<vmem>>
      %dma_start3A_342 = arith.constant 0 : i32
      %dma_start3A_343 = arith.constant 0 : i32
      %dma_start3A_344 = tpu.memref_slice %arg31[%dma_start3A_342, %dma_start3A_343] : memref<10240x64xf32, #tpu.memory_space<vmem_shared>> -> memref<10240x64xf32, #tpu.memory_space<vmem_shared>>
      tpu.enqueue_indirect_dma source(%arg9 : memref<125x64xf32, #tpu.memory_space<vmem>>) target(%dma_start3A_344 : memref<10240x64xf32, #tpu.memory_space<vmem_shared>>) offsets(%dma_start3A_341 : memref<125xi32, #tpu.memory_space<vmem>>) semaphore(%arg25 : memref<!tpu.dma_semaphore, #tpu.memory_space<semaphore_mem>>) {add = true}
      %add3A_345 = arith.constant 3 : i32
      %add3A_346 = arith.addi %mul3A_282, %add3A_345 : i32
      %dma_wait3A_347 = arith.constant 0 : i32
      %dma_wait3A_348 = arith.constant 0 : i32
      %dma_wait3A_349 = tpu.memref_slice %arg5[%add3A_346, %dma_wait3A_348] : memref<80x125xi32, #tpu.memory_space<vmem>> -> memref<1x125xi32, #tpu.memory_space<vmem>>
      %dma_wait3A_350 = tpu.memref_squeeze %dma_wait3A_349 : memref<1x125xi32, #tpu.memory_space<vmem>> -> memref<125xi32, #tpu.memory_space<vmem>>
      %dma_wait3A_351 = arith.constant 0 : i32
      %dma_wait3A_352 = arith.constant 0 : i32
      %dma_wait3A_353 = tpu.memref_slice %arg2[%dma_wait3A_347, %dma_wait3A_351, %dma_wait3A_352] : memref<2x10000x64xf32, #tpu.memory_space<hbm>> -> memref<1x10000x64xf32, #tpu.memory_space<hbm>>
      %dma_wait3A_354 = tpu.memref_squeeze %dma_wait3A_353 : memref<1x10000x64xf32, #tpu.memory_space<hbm>> -> memref<10000x64xf32, #tpu.memory_space<hbm>>
      %dma_wait3A_355 = arith.constant 0 : i32
      %dma_wait3A_356 = arith.constant 0 : i32
      %dma_wait3A_357 = tpu.memref_slice %dma_wait3A_354[%dma_wait3A_355, %dma_wait3A_356] : memref<10000x64xf32, #tpu.memory_space<hbm>> -> memref<10000x64xf32, #tpu.memory_space<hbm>>
      tpu.wait_indirect_dma semaphore(%arg18 : memref<!tpu.dma_semaphore, #tpu.memory_space<semaphore_mem>>) src(%dma_wait3A_357 : memref<10000x64xf32, #tpu.memory_space<hbm>>) dst(%arg10 : memref<125x64xf32, #tpu.memory_space<vmem>>)
      %add3A_358 = arith.constant 3 : i32
      %add3A_359 = arith.addi %mul3A_282, %add3A_358 : i32
      %dma_start3A_360 = arith.constant 0 : i32
      %dma_start3A_361 = tpu.memref_slice %arg6[%add3A_359, %dma_start3A_360] : memref<80x125xi32, #tpu.memory_space<vmem>> -> memref<1x125xi32, #tpu.memory_space<vmem>>
      %dma_start3A_362 = tpu.memref_squeeze %dma_start3A_361 : memref<1x125xi32, #tpu.memory_space<vmem>> -> memref<125xi32, #tpu.memory_space<vmem>>
      %dma_start3A_363 = arith.constant 0 : i32
      %dma_start3A_364 = arith.constant 0 : i32
      %dma_start3A_365 = tpu.memref_slice %arg31[%dma_start3A_363, %dma_start3A_364] : memref<10240x64xf32, #tpu.memory_space<vmem_shared>> -> memref<10240x64xf32, #tpu.memory_space<vmem_shared>>
      tpu.enqueue_indirect_dma source(%arg10 : memref<125x64xf32, #tpu.memory_space<vmem>>) target(%dma_start3A_365 : memref<10240x64xf32, #tpu.memory_space<vmem_shared>>) offsets(%dma_start3A_362 : memref<125xi32, #tpu.memory_space<vmem>>) semaphore(%arg26 : memref<!tpu.dma_semaphore, #tpu.memory_space<semaphore_mem>>) {add = true}
      %add3A_366 = arith.constant 4 : i32
      %add3A_367 = arith.addi %mul3A_282, %add3A_366 : i32
      %dma_wait3A_368 = arith.constant 0 : i32
      %dma_wait3A_369 = arith.constant 0 : i32
      %dma_wait3A_370 = tpu.memref_slice %arg5[%add3A_367, %dma_wait3A_369] : memref<80x125xi32, #tpu.memory_space<vmem>> -> memref<1x125xi32, #tpu.memory_space<vmem>>
      %dma_wait3A_371 = tpu.memref_squeeze %dma_wait3A_370 : memref<1x125xi32, #tpu.memory_space<vmem>> -> memref<125xi32, #tpu.memory_space<vmem>>
      %dma_wait3A_372 = arith.constant 0 : i32
      %dma_wait3A_373 = arith.constant 0 : i32
      %dma_wait3A_374 = tpu.memref_slice %arg2[%dma_wait3A_368, %dma_wait3A_372, %dma_wait3A_373] : memref<2x10000x64xf32, #tpu.memory_space<hbm>> -> memref<1x10000x64xf32, #tpu.memory_space<hbm>>
      %dma_wait3A_375 = tpu.memref_squeeze %dma_wait3A_374 : memref<1x10000x64xf32, #tpu.memory_space<hbm>> -> memref<10000x64xf32, #tpu.memory_space<hbm>>
      %dma_wait3A_376 = arith.constant 0 : i32
      %dma_wait3A_377 = arith.constant 0 : i32
      %dma_wait3A_378 = tpu.memref_slice %dma_wait3A_375[%dma_wait3A_376, %dma_wait3A_377] : memref<10000x64xf32, #tpu.memory_space<hbm>> -> memref<10000x64xf32, #tpu.memory_space<hbm>>
      tpu.wait_indirect_dma semaphore(%arg19 : memref<!tpu.dma_semaphore, #tpu.memory_space<semaphore_mem>>) src(%dma_wait3A_378 : memref<10000x64xf32, #tpu.memory_space<hbm>>) dst(%arg11 : memref<125x64xf32, #tpu.memory_space<vmem>>)
      %add3A_379 = arith.constant 4 : i32
      %add3A_380 = arith.addi %mul3A_282, %add3A_379 : i32
      %dma_start3A_381 = arith.constant 0 : i32
      %dma_start3A_382 = tpu.memref_slice %arg6[%add3A_380, %dma_start3A_381] : memref<80x125xi32, #tpu.memory_space<vmem>> -> memref<1x125xi32, #tpu.memory_space<vmem>>
      %dma_start3A_383 = tpu.memref_squeeze %dma_start3A_382 : memref<1x125xi32, #tpu.memory_space<vmem>> -> memref<125xi32, #tpu.memory_space<vmem>>
      %dma_start3A_384 = arith.constant 0 : i32
      %dma_start3A_385 = arith.constant 0 : i32
      %dma_start3A_386 = tpu.memref_slice %arg31[%dma_start3A_384, %dma_start3A_385] : memref<10240x64xf32, #tpu.memory_space<vmem_shared>> -> memref<10240x64xf32, #tpu.memory_space<vmem_shared>>
      tpu.enqueue_indirect_dma source(%arg11 : memref<125x64xf32, #tpu.memory_space<vmem>>) target(%dma_start3A_386 : memref<10240x64xf32, #tpu.memory_space<vmem_shared>>) offsets(%dma_start3A_383 : memref<125xi32, #tpu.memory_space<vmem>>) semaphore(%arg27 : memref<!tpu.dma_semaphore, #tpu.memory_space<semaphore_mem>>) {add = true}
      %add3A_387 = arith.constant 5 : i32
      %add3A_388 = arith.addi %mul3A_282, %add3A_387 : i32
      %dma_wait3A_389 = arith.constant 0 : i32
      %dma_wait3A_390 = arith.constant 0 : i32
      %dma_wait3A_391 = tpu.memref_slice %arg5[%add3A_388, %dma_wait3A_390] : memref<80x125xi32, #tpu.memory_space<vmem>> -> memref<1x125xi32, #tpu.memory_space<vmem>>
      %dma_wait3A_392 = tpu.memref_squeeze %dma_wait3A_391 : memref<1x125xi32, #tpu.memory_space<vmem>> -> memref<125xi32, #tpu.memory_space<vmem>>
      %dma_wait3A_393 = arith.constant 0 : i32
      %dma_wait3A_394 = arith.constant 0 : i32
      %dma_wait3A_395 = tpu.memref_slice %arg2[%dma_wait3A_389, %dma_wait3A_393, %dma_wait3A_394] : memref<2x10000x64xf32, #tpu.memory_space<hbm>> -> memref<1x10000x64xf32, #tpu.memory_space<hbm>>
      %dma_wait3A_396 = tpu.memref_squeeze %dma_wait3A_395 : memref<1x10000x64xf32, #tpu.memory_space<hbm>> -> memref<10000x64xf32, #tpu.memory_space<hbm>>
      %dma_wait3A_397 = arith.constant 0 : i32
      %dma_wait3A_398 = arith.constant 0 : i32
      %dma_wait3A_399 = tpu.memref_slice %dma_wait3A_396[%dma_wait3A_397, %dma_wait3A_398] : memref<10000x64xf32, #tpu.memory_space<hbm>> -> memref<10000x64xf32, #tpu.memory_space<hbm>>
      tpu.wait_indirect_dma semaphore(%arg20 : memref<!tpu.dma_semaphore, #tpu.memory_space<semaphore_mem>>) src(%dma_wait3A_399 : memref<10000x64xf32, #tpu.memory_space<hbm>>) dst(%arg12 : memref<125x64xf32, #tpu.memory_space<vmem>>)
      %add3A_400 = arith.constant 5 : i32
      %add3A_401 = arith.addi %mul3A_282, %add3A_400 : i32
      %dma_start3A_402 = arith.constant 0 : i32
      %dma_start3A_403 = tpu.memref_slice %arg6[%add3A_401, %dma_start3A_402] : memref<80x125xi32, #tpu.memory_space<vmem>> -> memref<1x125xi32, #tpu.memory_space<vmem>>
      %dma_start3A_404 = tpu.memref_squeeze %dma_start3A_403 : memref<1x125xi32, #tpu.memory_space<vmem>> -> memref<125xi32, #tpu.memory_space<vmem>>
      %dma_start3A_405 = arith.constant 0 : i32
      %dma_start3A_406 = arith.constant 0 : i32
      %dma_start3A_407 = tpu.memref_slice %arg31[%dma_start3A_405, %dma_start3A_406] : memref<10240x64xf32, #tpu.memory_space<vmem_shared>> -> memref<10240x64xf32, #tpu.memory_space<vmem_shared>>
      tpu.enqueue_indirect_dma source(%arg12 : memref<125x64xf32, #tpu.memory_space<vmem>>) target(%dma_start3A_407 : memref<10240x64xf32, #tpu.memory_space<vmem_shared>>) offsets(%dma_start3A_404 : memref<125xi32, #tpu.memory_space<vmem>>) semaphore(%arg28 : memref<!tpu.dma_semaphore, #tpu.memory_space<semaphore_mem>>) {add = true}
      %add3A_408 = arith.constant 6 : i32
      %add3A_409 = arith.addi %mul3A_282, %add3A_408 : i32
      %dma_wait3A_410 = arith.constant 0 : i32
      %dma_wait3A_411 = arith.constant 0 : i32
      %dma_wait3A_412 = tpu.memref_slice %arg5[%add3A_409, %dma_wait3A_411] : memref<80x125xi32, #tpu.memory_space<vmem>> -> memref<1x125xi32, #tpu.memory_space<vmem>>
      %dma_wait3A_413 = tpu.memref_squeeze %dma_wait3A_412 : memref<1x125xi32, #tpu.memory_space<vmem>> -> memref<125xi32, #tpu.memory_space<vmem>>
      %dma_wait3A_414 = arith.constant 0 : i32
      %dma_wait3A_415 = arith.constant 0 : i32
      %dma_wait3A_416 = tpu.memref_slice %arg2[%dma_wait3A_410, %dma_wait3A_414, %dma_wait3A_415] : memref<2x10000x64xf32, #tpu.memory_space<hbm>> -> memref<1x10000x64xf32, #tpu.memory_space<hbm>>
      %dma_wait3A_417 = tpu.memref_squeeze %dma_wait3A_416 : memref<1x10000x64xf32, #tpu.memory_space<hbm>> -> memref<10000x64xf32, #tpu.memory_space<hbm>>
      %dma_wait3A_418 = arith.constant 0 : i32
      %dma_wait3A_419 = arith.constant 0 : i32
      %dma_wait3A_420 = tpu.memref_slice %dma_wait3A_417[%dma_wait3A_418, %dma_wait3A_419] : memref<10000x64xf32, #tpu.memory_space<hbm>> -> memref<10000x64xf32, #tpu.memory_space<hbm>>
      tpu.wait_indirect_dma semaphore(%arg21 : memref<!tpu.dma_semaphore, #tpu.memory_space<semaphore_mem>>) src(%dma_wait3A_420 : memref<10000x64xf32, #tpu.memory_space<hbm>>) dst(%arg13 : memref<125x64xf32, #tpu.memory_space<vmem>>)
      %add3A_421 = arith.constant 6 : i32
      %add3A_422 = arith.addi %mul3A_282, %add3A_421 : i32
      %dma_start3A_423 = arith.constant 0 : i32
      %dma_start3A_424 = tpu.memref_slice %arg6[%add3A_422, %dma_start3A_423] : memref<80x125xi32, #tpu.memory_space<vmem>> -> memref<1x125xi32, #tpu.memory_space<vmem>>
      %dma_start3A_425 = tpu.memref_squeeze %dma_start3A_424 : memref<1x125xi32, #tpu.memory_space<vmem>> -> memref<125xi32, #tpu.memory_space<vmem>>
      %dma_start3A_426 = arith.constant 0 : i32
      %dma_start3A_427 = arith.constant 0 : i32
      %dma_start3A_428 = tpu.memref_slice %arg31[%dma_start3A_426, %dma_start3A_427] : memref<10240x64xf32, #tpu.memory_space<vmem_shared>> -> memref<10240x64xf32, #tpu.memory_space<vmem_shared>>
      tpu.enqueue_indirect_dma source(%arg13 : memref<125x64xf32, #tpu.memory_space<vmem>>) target(%dma_start3A_428 : memref<10240x64xf32, #tpu.memory_space<vmem_shared>>) offsets(%dma_start3A_425 : memref<125xi32, #tpu.memory_space<vmem>>) semaphore(%arg29 : memref<!tpu.dma_semaphore, #tpu.memory_space<semaphore_mem>>) {add = true}
      %add3A_429 = arith.constant 7 : i32
      %add3A_430 = arith.addi %mul3A_282, %add3A_429 : i32
      %dma_wait3A_431 = arith.constant 0 : i32
      %dma_wait3A_432 = arith.constant 0 : i32
      %dma_wait3A_433 = tpu.memref_slice %arg5[%add3A_430, %dma_wait3A_432] : memref<80x125xi32, #tpu.memory_space<vmem>> -> memref<1x125xi32, #tpu.memory_space<vmem>>
      %dma_wait3A_434 = tpu.memref_squeeze %dma_wait3A_433 : memref<1x125xi32, #tpu.memory_space<vmem>> -> memref<125xi32, #tpu.memory_space<vmem>>
      %dma_wait3A_435 = arith.constant 0 : i32
      %dma_wait3A_436 = arith.constant 0 : i32
      %dma_wait3A_437 = tpu.memref_slice %arg2[%dma_wait3A_431, %dma_wait3A_435, %dma_wait3A_436] : memref<2x10000x64xf32, #tpu.memory_space<hbm>> -> memref<1x10000x64xf32, #tpu.memory_space<hbm>>
      %dma_wait3A_438 = tpu.memref_squeeze %dma_wait3A_437 : memref<1x10000x64xf32, #tpu.memory_space<hbm>> -> memref<10000x64xf32, #tpu.memory_space<hbm>>
      %dma_wait3A_439 = arith.constant 0 : i32
      %dma_wait3A_440 = arith.constant 0 : i32
      %dma_wait3A_441 = tpu.memref_slice %dma_wait3A_438[%dma_wait3A_439, %dma_wait3A_440] : memref<10000x64xf32, #tpu.memory_space<hbm>> -> memref<10000x64xf32, #tpu.memory_space<hbm>>
      tpu.wait_indirect_dma semaphore(%arg22 : memref<!tpu.dma_semaphore, #tpu.memory_space<semaphore_mem>>) src(%dma_wait3A_441 : memref<10000x64xf32, #tpu.memory_space<hbm>>) dst(%arg14 : memref<125x64xf32, #tpu.memory_space<vmem>>)
      %add3A_442 = arith.constant 7 : i32
      %add3A_443 = arith.addi %mul3A_282, %add3A_442 : i32
      %dma_start3A_444 = arith.constant 0 : i32
      %dma_start3A_445 = tpu.memref_slice %arg6[%add3A_443, %dma_start3A_444] : memref<80x125xi32, #tpu.memory_space<vmem>> -> memref<1x125xi32, #tpu.memory_space<vmem>>
      %dma_start3A_446 = tpu.memref_squeeze %dma_start3A_445 : memref<1x125xi32, #tpu.memory_space<vmem>> -> memref<125xi32, #tpu.memory_space<vmem>>
      %dma_start3A_447 = arith.constant 0 : i32
      %dma_start3A_448 = arith.constant 0 : i32
      %dma_start3A_449 = tpu.memref_slice %arg31[%dma_start3A_447, %dma_start3A_448] : memref<10240x64xf32, #tpu.memory_space<vmem_shared>> -> memref<10240x64xf32, #tpu.memory_space<vmem_shared>>
      tpu.enqueue_indirect_dma source(%arg14 : memref<125x64xf32, #tpu.memory_space<vmem>>) target(%dma_start3A_449 : memref<10240x64xf32, #tpu.memory_space<vmem_shared>>) offsets(%dma_start3A_446 : memref<125xi32, #tpu.memory_space<vmem>>) semaphore(%arg30 : memref<!tpu.dma_semaphore, #tpu.memory_space<semaphore_mem>>) {add = true}
      %add3A_450 = arith.constant 0 : i32
      %add3A_451 = arith.addi %mul3A_282, %add3A_450 : i32
      %dma_wait3A_452 = arith.constant 0 : i32
      %dma_wait3A_453 = tpu.memref_slice %arg6[%add3A_451, %dma_wait3A_452] : memref<80x125xi32, #tpu.memory_space<vmem>> -> memref<1x125xi32, #tpu.memory_space<vmem>>
      %dma_wait3A_454 = tpu.memref_squeeze %dma_wait3A_453 : memref<1x125xi32, #tpu.memory_space<vmem>> -> memref<125xi32, #tpu.memory_space<vmem>>
      %dma_wait3A_455 = arith.constant 0 : i32
      %dma_wait3A_456 = arith.constant 0 : i32
      %dma_wait3A_457 = tpu.memref_slice %arg31[%dma_wait3A_455, %dma_wait3A_456] : memref<10240x64xf32, #tpu.memory_space<vmem_shared>> -> memref<10240x64xf32, #tpu.memory_space<vmem_shared>>
      tpu.wait_indirect_dma semaphore(%arg23 : memref<!tpu.dma_semaphore, #tpu.memory_space<semaphore_mem>>) src(%arg7 : memref<125x64xf32, #tpu.memory_space<vmem>>) dst(%dma_wait3A_457 : memref<10240x64xf32, #tpu.memory_space<vmem_shared>>)
      %add3A_458 = arith.constant 0 : i32
      %add3A_459 = arith.addi %mul3A_282, %add3A_458 : i32
      %add3A_460 = arith.constant 8 : i32
      %add3A_461 = arith.addi %add3A_459, %add3A_460 : i32
      %lt3A = arith.constant 80 : i32
      %lt3A_462 = arith.cmpi slt, %add3A_461, %lt3A : i32
      %convert_element_type3A = arith.extui %lt3A_462 : i1 to i32
      %cond3A = arith.constant 0 : i32
      %cond3A_463 = arith.cmpi ne, %convert_element_type3A, %cond3A : i32
      scf.if %cond3A_463 {
        %add3A_583 = arith.constant 0 : i32
        %add3A_584 = arith.addi %mul3A_282, %add3A_583 : i32
        %add3A_585 = arith.constant 8 : i32
        %add3A_586 = arith.addi %add3A_584, %add3A_585 : i32
        %dma_start3A_587 = arith.constant 0 : i32
        %dma_start3A_588 = arith.constant 0 : i32
        %dma_start3A_589 = tpu.memref_slice %arg5[%add3A_586, %dma_start3A_588] : memref<80x125xi32, #tpu.memory_space<vmem>> -> memref<1x125xi32, #tpu.memory_space<vmem>>
        %dma_start3A_590 = tpu.memref_squeeze %dma_start3A_589 : memref<1x125xi32, #tpu.memory_space<vmem>> -> memref<125xi32, #tpu.memory_space<vmem>>
        %dma_start3A_591 = arith.constant 0 : i32
        %dma_start3A_592 = arith.constant 0 : i32
        %dma_start3A_593 = tpu.memref_slice %arg2[%dma_start3A_587, %dma_start3A_591, %dma_start3A_592] : memref<2x10000x64xf32, #tpu.memory_space<hbm>> -> memref<1x10000x64xf32, #tpu.memory_space<hbm>>
        %dma_start3A_594 = tpu.memref_squeeze %dma_start3A_593 : memref<1x10000x64xf32, #tpu.memory_space<hbm>> -> memref<10000x64xf32, #tpu.memory_space<hbm>>
        %dma_start3A_595 = arith.constant 0 : i32
        %dma_start3A_596 = arith.constant 0 : i32
        %dma_start3A_597 = tpu.memref_slice %dma_start3A_594[%dma_start3A_595, %dma_start3A_596] : memref<10000x64xf32, #tpu.memory_space<hbm>> -> memref<10000x64xf32, #tpu.memory_space<hbm>>
        tpu.enqueue_indirect_dma source(%dma_start3A_597 : memref<10000x64xf32, #tpu.memory_space<hbm>>) target(%arg7 : memref<125x64xf32, #tpu.memory_space<vmem>>) offsets(%dma_start3A_590 : memref<125xi32, #tpu.memory_space<vmem>>) semaphore(%arg15 : memref<!tpu.dma_semaphore, #tpu.memory_space<semaphore_mem>>)
      } else {
      }
      %add3A_464 = arith.constant 1 : i32
      %add3A_465 = arith.addi %mul3A_282, %add3A_464 : i32
      %dma_wait3A_466 = arith.constant 0 : i32
      %dma_wait3A_467 = tpu.memref_slice %arg6[%add3A_465, %dma_wait3A_466] : memref<80x125xi32, #tpu.memory_space<vmem>> -> memref<1x125xi32, #tpu.memory_space<vmem>>
      %dma_wait3A_468 = tpu.memref_squeeze %dma_wait3A_467 : memref<1x125xi32, #tpu.memory_space<vmem>> -> memref<125xi32, #tpu.memory_space<vmem>>
      %dma_wait3A_469 = arith.constant 0 : i32
      %dma_wait3A_470 = arith.constant 0 : i32
      %dma_wait3A_471 = tpu.memref_slice %arg31[%dma_wait3A_469, %dma_wait3A_470] : memref<10240x64xf32, #tpu.memory_space<vmem_shared>> -> memref<10240x64xf32, #tpu.memory_space<vmem_shared>>
      tpu.wait_indirect_dma semaphore(%arg24 : memref<!tpu.dma_semaphore, #tpu.memory_space<semaphore_mem>>) src(%arg8 : memref<125x64xf32, #tpu.memory_space<vmem>>) dst(%dma_wait3A_471 : memref<10240x64xf32, #tpu.memory_space<vmem_shared>>)
      %add3A_472 = arith.constant 1 : i32
      %add3A_473 = arith.addi %mul3A_282, %add3A_472 : i32
      %add3A_474 = arith.constant 8 : i32
      %add3A_475 = arith.addi %add3A_473, %add3A_474 : i32
      %lt3A_476 = arith.constant 80 : i32
      %lt3A_477 = arith.cmpi slt, %add3A_475, %lt3A_476 : i32
      %convert_element_type3A_478 = arith.extui %lt3A_477 : i1 to i32
      %cond3A_479 = arith.constant 0 : i32
      %cond3A_480 = arith.cmpi ne, %convert_element_type3A_478, %cond3A_479 : i32
      scf.if %cond3A_480 {
        %add3A_583 = arith.constant 1 : i32
        %add3A_584 = arith.addi %mul3A_282, %add3A_583 : i32
        %add3A_585 = arith.constant 8 : i32
        %add3A_586 = arith.addi %add3A_584, %add3A_585 : i32
        %dma_start3A_587 = arith.constant 0 : i32
        %dma_start3A_588 = arith.constant 0 : i32
        %dma_start3A_589 = tpu.memref_slice %arg5[%add3A_586, %dma_start3A_588] : memref<80x125xi32, #tpu.memory_space<vmem>> -> memref<1x125xi32, #tpu.memory_space<vmem>>
        %dma_start3A_590 = tpu.memref_squeeze %dma_start3A_589 : memref<1x125xi32, #tpu.memory_space<vmem>> -> memref<125xi32, #tpu.memory_space<vmem>>
        %dma_start3A_591 = arith.constant 0 : i32
        %dma_start3A_592 = arith.constant 0 : i32
        %dma_start3A_593 = tpu.memref_slice %arg2[%dma_start3A_587, %dma_start3A_591, %dma_start3A_592] : memref<2x10000x64xf32, #tpu.memory_space<hbm>> -> memref<1x10000x64xf32, #tpu.memory_space<hbm>>
        %dma_start3A_594 = tpu.memref_squeeze %dma_start3A_593 : memref<1x10000x64xf32, #tpu.memory_space<hbm>> -> memref<10000x64xf32, #tpu.memory_space<hbm>>
        %dma_start3A_595 = arith.constant 0 : i32
        %dma_start3A_596 = arith.constant 0 : i32
        %dma_start3A_597 = tpu.memref_slice %dma_start3A_594[%dma_start3A_595, %dma_start3A_596] : memref<10000x64xf32, #tpu.memory_space<hbm>> -> memref<10000x64xf32, #tpu.memory_space<hbm>>
        tpu.enqueue_indirect_dma source(%dma_start3A_597 : memref<10000x64xf32, #tpu.memory_space<hbm>>) target(%arg8 : memref<125x64xf32, #tpu.memory_space<vmem>>) offsets(%dma_start3A_590 : memref<125xi32, #tpu.memory_space<vmem>>) semaphore(%arg16 : memref<!tpu.dma_semaphore, #tpu.memory_space<semaphore_mem>>)
      } else {
      }
      %add3A_481 = arith.constant 2 : i32
      %add3A_482 = arith.addi %mul3A_282, %add3A_481 : i32
      %dma_wait3A_483 = arith.constant 0 : i32
      %dma_wait3A_484 = tpu.memref_slice %arg6[%add3A_482, %dma_wait3A_483] : memref<80x125xi32, #tpu.memory_space<vmem>> -> memref<1x125xi32, #tpu.memory_space<vmem>>
      %dma_wait3A_485 = tpu.memref_squeeze %dma_wait3A_484 : memref<1x125xi32, #tpu.memory_space<vmem>> -> memref<125xi32, #tpu.memory_space<vmem>>
      %dma_wait3A_486 = arith.constant 0 : i32
      %dma_wait3A_487 = arith.constant 0 : i32
      %dma_wait3A_488 = tpu.memref_slice %arg31[%dma_wait3A_486, %dma_wait3A_487] : memref<10240x64xf32, #tpu.memory_space<vmem_shared>> -> memref<10240x64xf32, #tpu.memory_space<vmem_shared>>
      tpu.wait_indirect_dma semaphore(%arg25 : memref<!tpu.dma_semaphore, #tpu.memory_space<semaphore_mem>>) src(%arg9 : memref<125x64xf32, #tpu.memory_space<vmem>>) dst(%dma_wait3A_488 : memref<10240x64xf32, #tpu.memory_space<vmem_shared>>)
      %add3A_489 = arith.constant 2 : i32
      %add3A_490 = arith.addi %mul3A_282, %add3A_489 : i32
      %add3A_491 = arith.constant 8 : i32
      %add3A_492 = arith.addi %add3A_490, %add3A_491 : i32
      %lt3A_493 = arith.constant 80 : i32
      %lt3A_494 = arith.cmpi slt, %add3A_492, %lt3A_493 : i32
      %convert_element_type3A_495 = arith.extui %lt3A_494 : i1 to i32
      %cond3A_496 = arith.constant 0 : i32
      %cond3A_497 = arith.cmpi ne, %convert_element_type3A_495, %cond3A_496 : i32
      scf.if %cond3A_497 {
        %add3A_583 = arith.constant 2 : i32
        %add3A_584 = arith.addi %mul3A_282, %add3A_583 : i32
        %add3A_585 = arith.constant 8 : i32
        %add3A_586 = arith.addi %add3A_584, %add3A_585 : i32
        %dma_start3A_587 = arith.constant 0 : i32
        %dma_start3A_588 = arith.constant 0 : i32
        %dma_start3A_589 = tpu.memref_slice %arg5[%add3A_586, %dma_start3A_588] : memref<80x125xi32, #tpu.memory_space<vmem>> -> memref<1x125xi32, #tpu.memory_space<vmem>>
        %dma_start3A_590 = tpu.memref_squeeze %dma_start3A_589 : memref<1x125xi32, #tpu.memory_space<vmem>> -> memref<125xi32, #tpu.memory_space<vmem>>
        %dma_start3A_591 = arith.constant 0 : i32
        %dma_start3A_592 = arith.constant 0 : i32
        %dma_start3A_593 = tpu.memref_slice %arg2[%dma_start3A_587, %dma_start3A_591, %dma_start3A_592] : memref<2x10000x64xf32, #tpu.memory_space<hbm>> -> memref<1x10000x64xf32, #tpu.memory_space<hbm>>
        %dma_start3A_594 = tpu.memref_squeeze %dma_start3A_593 : memref<1x10000x64xf32, #tpu.memory_space<hbm>> -> memref<10000x64xf32, #tpu.memory_space<hbm>>
        %dma_start3A_595 = arith.constant 0 : i32
        %dma_start3A_596 = arith.constant 0 : i32
        %dma_start3A_597 = tpu.memref_slice %dma_start3A_594[%dma_start3A_595, %dma_start3A_596] : memref<10000x64xf32, #tpu.memory_space<hbm>> -> memref<10000x64xf32, #tpu.memory_space<hbm>>
        tpu.enqueue_indirect_dma source(%dma_start3A_597 : memref<10000x64xf32, #tpu.memory_space<hbm>>) target(%arg9 : memref<125x64xf32, #tpu.memory_space<vmem>>) offsets(%dma_start3A_590 : memref<125xi32, #tpu.memory_space<vmem>>) semaphore(%arg17 : memref<!tpu.dma_semaphore, #tpu.memory_space<semaphore_mem>>)
      } else {
      }
      %add3A_498 = arith.constant 3 : i32
      %add3A_499 = arith.addi %mul3A_282, %add3A_498 : i32
      %dma_wait3A_500 = arith.constant 0 : i32
      %dma_wait3A_501 = tpu.memref_slice %arg6[%add3A_499, %dma_wait3A_500] : memref<80x125xi32, #tpu.memory_space<vmem>> -> memref<1x125xi32, #tpu.memory_space<vmem>>
      %dma_wait3A_502 = tpu.memref_squeeze %dma_wait3A_501 : memref<1x125xi32, #tpu.memory_space<vmem>> -> memref<125xi32, #tpu.memory_space<vmem>>
      %dma_wait3A_503 = arith.constant 0 : i32
      %dma_wait3A_504 = arith.constant 0 : i32
      %dma_wait3A_505 = tpu.memref_slice %arg31[%dma_wait3A_503, %dma_wait3A_504] : memref<10240x64xf32, #tpu.memory_space<vmem_shared>> -> memref<10240x64xf32, #tpu.memory_space<vmem_shared>>
      tpu.wait_indirect_dma semaphore(%arg26 : memref<!tpu.dma_semaphore, #tpu.memory_space<semaphore_mem>>) src(%arg10 : memref<125x64xf32, #tpu.memory_space<vmem>>) dst(%dma_wait3A_505 : memref<10240x64xf32, #tpu.memory_space<vmem_shared>>)
      %add3A_506 = arith.constant 3 : i32
      %add3A_507 = arith.addi %mul3A_282, %add3A_506 : i32
      %add3A_508 = arith.constant 8 : i32
      %add3A_509 = arith.addi %add3A_507, %add3A_508 : i32
      %lt3A_510 = arith.constant 80 : i32
      %lt3A_511 = arith.cmpi slt, %add3A_509, %lt3A_510 : i32
      %convert_element_type3A_512 = arith.extui %lt3A_511 : i1 to i32
      %cond3A_513 = arith.constant 0 : i32
      %cond3A_514 = arith.cmpi ne, %convert_element_type3A_512, %cond3A_513 : i32
      scf.if %cond3A_514 {
        %add3A_583 = arith.constant 3 : i32
        %add3A_584 = arith.addi %mul3A_282, %add3A_583 : i32
        %add3A_585 = arith.constant 8 : i32
        %add3A_586 = arith.addi %add3A_584, %add3A_585 : i32
        %dma_start3A_587 = arith.constant 0 : i32
        %dma_start3A_588 = arith.constant 0 : i32
        %dma_start3A_589 = tpu.memref_slice %arg5[%add3A_586, %dma_start3A_588] : memref<80x125xi32, #tpu.memory_space<vmem>> -> memref<1x125xi32, #tpu.memory_space<vmem>>
        %dma_start3A_590 = tpu.memref_squeeze %dma_start3A_589 : memref<1x125xi32, #tpu.memory_space<vmem>> -> memref<125xi32, #tpu.memory_space<vmem>>
        %dma_start3A_591 = arith.constant 0 : i32
        %dma_start3A_592 = arith.constant 0 : i32
        %dma_start3A_593 = tpu.memref_slice %arg2[%dma_start3A_587, %dma_start3A_591, %dma_start3A_592] : memref<2x10000x64xf32, #tpu.memory_space<hbm>> -> memref<1x10000x64xf32, #tpu.memory_space<hbm>>
        %dma_start3A_594 = tpu.memref_squeeze %dma_start3A_593 : memref<1x10000x64xf32, #tpu.memory_space<hbm>> -> memref<10000x64xf32, #tpu.memory_space<hbm>>
        %dma_start3A_595 = arith.constant 0 : i32
        %dma_start3A_596 = arith.constant 0 : i32
        %dma_start3A_597 = tpu.memref_slice %dma_start3A_594[%dma_start3A_595, %dma_start3A_596] : memref<10000x64xf32, #tpu.memory_space<hbm>> -> memref<10000x64xf32, #tpu.memory_space<hbm>>
        tpu.enqueue_indirect_dma source(%dma_start3A_597 : memref<10000x64xf32, #tpu.memory_space<hbm>>) target(%arg10 : memref<125x64xf32, #tpu.memory_space<vmem>>) offsets(%dma_start3A_590 : memref<125xi32, #tpu.memory_space<vmem>>) semaphore(%arg18 : memref<!tpu.dma_semaphore, #tpu.memory_space<semaphore_mem>>)
      } else {
      }
      %add3A_515 = arith.constant 4 : i32
      %add3A_516 = arith.addi %mul3A_282, %add3A_515 : i32
      %dma_wait3A_517 = arith.constant 0 : i32
      %dma_wait3A_518 = tpu.memref_slice %arg6[%add3A_516, %dma_wait3A_517] : memref<80x125xi32, #tpu.memory_space<vmem>> -> memref<1x125xi32, #tpu.memory_space<vmem>>
      %dma_wait3A_519 = tpu.memref_squeeze %dma_wait3A_518 : memref<1x125xi32, #tpu.memory_space<vmem>> -> memref<125xi32, #tpu.memory_space<vmem>>
      %dma_wait3A_520 = arith.constant 0 : i32
      %dma_wait3A_521 = arith.constant 0 : i32
      %dma_wait3A_522 = tpu.memref_slice %arg31[%dma_wait3A_520, %dma_wait3A_521] : memref<10240x64xf32, #tpu.memory_space<vmem_shared>> -> memref<10240x64xf32, #tpu.memory_space<vmem_shared>>
      tpu.wait_indirect_dma semaphore(%arg27 : memref<!tpu.dma_semaphore, #tpu.memory_space<semaphore_mem>>) src(%arg11 : memref<125x64xf32, #tpu.memory_space<vmem>>) dst(%dma_wait3A_522 : memref<10240x64xf32, #tpu.memory_space<vmem_shared>>)
      %add3A_523 = arith.constant 4 : i32
      %add3A_524 = arith.addi %mul3A_282, %add3A_523 : i32
      %add3A_525 = arith.constant 8 : i32
      %add3A_526 = arith.addi %add3A_524, %add3A_525 : i32
      %lt3A_527 = arith.constant 80 : i32
      %lt3A_528 = arith.cmpi slt, %add3A_526, %lt3A_527 : i32
      %convert_element_type3A_529 = arith.extui %lt3A_528 : i1 to i32
      %cond3A_530 = arith.constant 0 : i32
      %cond3A_531 = arith.cmpi ne, %convert_element_type3A_529, %cond3A_530 : i32
      scf.if %cond3A_531 {
        %add3A_583 = arith.constant 4 : i32
        %add3A_584 = arith.addi %mul3A_282, %add3A_583 : i32
        %add3A_585 = arith.constant 8 : i32
        %add3A_586 = arith.addi %add3A_584, %add3A_585 : i32
        %dma_start3A_587 = arith.constant 0 : i32
        %dma_start3A_588 = arith.constant 0 : i32
        %dma_start3A_589 = tpu.memref_slice %arg5[%add3A_586, %dma_start3A_588] : memref<80x125xi32, #tpu.memory_space<vmem>> -> memref<1x125xi32, #tpu.memory_space<vmem>>
        %dma_start3A_590 = tpu.memref_squeeze %dma_start3A_589 : memref<1x125xi32, #tpu.memory_space<vmem>> -> memref<125xi32, #tpu.memory_space<vmem>>
        %dma_start3A_591 = arith.constant 0 : i32
        %dma_start3A_592 = arith.constant 0 : i32
        %dma_start3A_593 = tpu.memref_slice %arg2[%dma_start3A_587, %dma_start3A_591, %dma_start3A_592] : memref<2x10000x64xf32, #tpu.memory_space<hbm>> -> memref<1x10000x64xf32, #tpu.memory_space<hbm>>
        %dma_start3A_594 = tpu.memref_squeeze %dma_start3A_593 : memref<1x10000x64xf32, #tpu.memory_space<hbm>> -> memref<10000x64xf32, #tpu.memory_space<hbm>>
        %dma_start3A_595 = arith.constant 0 : i32
        %dma_start3A_596 = arith.constant 0 : i32
        %dma_start3A_597 = tpu.memref_slice %dma_start3A_594[%dma_start3A_595, %dma_start3A_596] : memref<10000x64xf32, #tpu.memory_space<hbm>> -> memref<10000x64xf32, #tpu.memory_space<hbm>>
        tpu.enqueue_indirect_dma source(%dma_start3A_597 : memref<10000x64xf32, #tpu.memory_space<hbm>>) target(%arg11 : memref<125x64xf32, #tpu.memory_space<vmem>>) offsets(%dma_start3A_590 : memref<125xi32, #tpu.memory_space<vmem>>) semaphore(%arg19 : memref<!tpu.dma_semaphore, #tpu.memory_space<semaphore_mem>>)
      } else {
      }
      %add3A_532 = arith.constant 5 : i32
      %add3A_533 = arith.addi %mul3A_282, %add3A_532 : i32
      %dma_wait3A_534 = arith.constant 0 : i32
      %dma_wait3A_535 = tpu.memref_slice %arg6[%add3A_533, %dma_wait3A_534] : memref<80x125xi32, #tpu.memory_space<vmem>> -> memref<1x125xi32, #tpu.memory_space<vmem>>
      %dma_wait3A_536 = tpu.memref_squeeze %dma_wait3A_535 : memref<1x125xi32, #tpu.memory_space<vmem>> -> memref<125xi32, #tpu.memory_space<vmem>>
      %dma_wait3A_537 = arith.constant 0 : i32
      %dma_wait3A_538 = arith.constant 0 : i32
      %dma_wait3A_539 = tpu.memref_slice %arg31[%dma_wait3A_537, %dma_wait3A_538] : memref<10240x64xf32, #tpu.memory_space<vmem_shared>> -> memref<10240x64xf32, #tpu.memory_space<vmem_shared>>
      tpu.wait_indirect_dma semaphore(%arg28 : memref<!tpu.dma_semaphore, #tpu.memory_space<semaphore_mem>>) src(%arg12 : memref<125x64xf32, #tpu.memory_space<vmem>>) dst(%dma_wait3A_539 : memref<10240x64xf32, #tpu.memory_space<vmem_shared>>)
      %add3A_540 = arith.constant 5 : i32
      %add3A_541 = arith.addi %mul3A_282, %add3A_540 : i32
      %add3A_542 = arith.constant 8 : i32
      %add3A_543 = arith.addi %add3A_541, %add3A_542 : i32
      %lt3A_544 = arith.constant 80 : i32
      %lt3A_545 = arith.cmpi slt, %add3A_543, %lt3A_544 : i32
      %convert_element_type3A_546 = arith.extui %lt3A_545 : i1 to i32
      %cond3A_547 = arith.constant 0 : i32
      %cond3A_548 = arith.cmpi ne, %convert_element_type3A_546, %cond3A_547 : i32
      scf.if %cond3A_548 {
        %add3A_583 = arith.constant 5 : i32
        %add3A_584 = arith.addi %mul3A_282, %add3A_583 : i32
        %add3A_585 = arith.constant 8 : i32
        %add3A_586 = arith.addi %add3A_584, %add3A_585 : i32
        %dma_start3A_587 = arith.constant 0 : i32
        %dma_start3A_588 = arith.constant 0 : i32
        %dma_start3A_589 = tpu.memref_slice %arg5[%add3A_586, %dma_start3A_588] : memref<80x125xi32, #tpu.memory_space<vmem>> -> memref<1x125xi32, #tpu.memory_space<vmem>>
        %dma_start3A_590 = tpu.memref_squeeze %dma_start3A_589 : memref<1x125xi32, #tpu.memory_space<vmem>> -> memref<125xi32, #tpu.memory_space<vmem>>
        %dma_start3A_591 = arith.constant 0 : i32
        %dma_start3A_592 = arith.constant 0 : i32
        %dma_start3A_593 = tpu.memref_slice %arg2[%dma_start3A_587, %dma_start3A_591, %dma_start3A_592] : memref<2x10000x64xf32, #tpu.memory_space<hbm>> -> memref<1x10000x64xf32, #tpu.memory_space<hbm>>
        %dma_start3A_594 = tpu.memref_squeeze %dma_start3A_593 : memref<1x10000x64xf32, #tpu.memory_space<hbm>> -> memref<10000x64xf32, #tpu.memory_space<hbm>>
        %dma_start3A_595 = arith.constant 0 : i32
        %dma_start3A_596 = arith.constant 0 : i32
        %dma_start3A_597 = tpu.memref_slice %dma_start3A_594[%dma_start3A_595, %dma_start3A_596] : memref<10000x64xf32, #tpu.memory_space<hbm>> -> memref<10000x64xf32, #tpu.memory_space<hbm>>
        tpu.enqueue_indirect_dma source(%dma_start3A_597 : memref<10000x64xf32, #tpu.memory_space<hbm>>) target(%arg12 : memref<125x64xf32, #tpu.memory_space<vmem>>) offsets(%dma_start3A_590 : memref<125xi32, #tpu.memory_space<vmem>>) semaphore(%arg20 : memref<!tpu.dma_semaphore, #tpu.memory_space<semaphore_mem>>)
      } else {
      }
      %add3A_549 = arith.constant 6 : i32
      %add3A_550 = arith.addi %mul3A_282, %add3A_549 : i32
      %dma_wait3A_551 = arith.constant 0 : i32
      %dma_wait3A_552 = tpu.memref_slice %arg6[%add3A_550, %dma_wait3A_551] : memref<80x125xi32, #tpu.memory_space<vmem>> -> memref<1x125xi32, #tpu.memory_space<vmem>>
      %dma_wait3A_553 = tpu.memref_squeeze %dma_wait3A_552 : memref<1x125xi32, #tpu.memory_space<vmem>> -> memref<125xi32, #tpu.memory_space<vmem>>
      %dma_wait3A_554 = arith.constant 0 : i32
      %dma_wait3A_555 = arith.constant 0 : i32
      %dma_wait3A_556 = tpu.memref_slice %arg31[%dma_wait3A_554, %dma_wait3A_555] : memref<10240x64xf32, #tpu.memory_space<vmem_shared>> -> memref<10240x64xf32, #tpu.memory_space<vmem_shared>>
      tpu.wait_indirect_dma semaphore(%arg29 : memref<!tpu.dma_semaphore, #tpu.memory_space<semaphore_mem>>) src(%arg13 : memref<125x64xf32, #tpu.memory_space<vmem>>) dst(%dma_wait3A_556 : memref<10240x64xf32, #tpu.memory_space<vmem_shared>>)
      %add3A_557 = arith.constant 6 : i32
      %add3A_558 = arith.addi %mul3A_282, %add3A_557 : i32
      %add3A_559 = arith.constant 8 : i32
      %add3A_560 = arith.addi %add3A_558, %add3A_559 : i32
      %lt3A_561 = arith.constant 80 : i32
      %lt3A_562 = arith.cmpi slt, %add3A_560, %lt3A_561 : i32
      %convert_element_type3A_563 = arith.extui %lt3A_562 : i1 to i32
      %cond3A_564 = arith.constant 0 : i32
      %cond3A_565 = arith.cmpi ne, %convert_element_type3A_563, %cond3A_564 : i32
      scf.if %cond3A_565 {
        %add3A_583 = arith.constant 6 : i32
        %add3A_584 = arith.addi %mul3A_282, %add3A_583 : i32
        %add3A_585 = arith.constant 8 : i32
        %add3A_586 = arith.addi %add3A_584, %add3A_585 : i32
        %dma_start3A_587 = arith.constant 0 : i32
        %dma_start3A_588 = arith.constant 0 : i32
        %dma_start3A_589 = tpu.memref_slice %arg5[%add3A_586, %dma_start3A_588] : memref<80x125xi32, #tpu.memory_space<vmem>> -> memref<1x125xi32, #tpu.memory_space<vmem>>
        %dma_start3A_590 = tpu.memref_squeeze %dma_start3A_589 : memref<1x125xi32, #tpu.memory_space<vmem>> -> memref<125xi32, #tpu.memory_space<vmem>>
        %dma_start3A_591 = arith.constant 0 : i32
        %dma_start3A_592 = arith.constant 0 : i32
        %dma_start3A_593 = tpu.memref_slice %arg2[%dma_start3A_587, %dma_start3A_591, %dma_start3A_592] : memref<2x10000x64xf32, #tpu.memory_space<hbm>> -> memref<1x10000x64xf32, #tpu.memory_space<hbm>>
        %dma_start3A_594 = tpu.memref_squeeze %dma_start3A_593 : memref<1x10000x64xf32, #tpu.memory_space<hbm>> -> memref<10000x64xf32, #tpu.memory_space<hbm>>
        %dma_start3A_595 = arith.constant 0 : i32
        %dma_start3A_596 = arith.constant 0 : i32
        %dma_start3A_597 = tpu.memref_slice %dma_start3A_594[%dma_start3A_595, %dma_start3A_596] : memref<10000x64xf32, #tpu.memory_space<hbm>> -> memref<10000x64xf32, #tpu.memory_space<hbm>>
        tpu.enqueue_indirect_dma source(%dma_start3A_597 : memref<10000x64xf32, #tpu.memory_space<hbm>>) target(%arg13 : memref<125x64xf32, #tpu.memory_space<vmem>>) offsets(%dma_start3A_590 : memref<125xi32, #tpu.memory_space<vmem>>) semaphore(%arg21 : memref<!tpu.dma_semaphore, #tpu.memory_space<semaphore_mem>>)
      } else {
      }
      %add3A_566 = arith.constant 7 : i32
      %add3A_567 = arith.addi %mul3A_282, %add3A_566 : i32
      %dma_wait3A_568 = arith.constant 0 : i32
      %dma_wait3A_569 = tpu.memref_slice %arg6[%add3A_567, %dma_wait3A_568] : memref<80x125xi32, #tpu.memory_space<vmem>> -> memref<1x125xi32, #tpu.memory_space<vmem>>
      %dma_wait3A_570 = tpu.memref_squeeze %dma_wait3A_569 : memref<1x125xi32, #tpu.memory_space<vmem>> -> memref<125xi32, #tpu.memory_space<vmem>>
      %dma_wait3A_571 = arith.constant 0 : i32
      %dma_wait3A_572 = arith.constant 0 : i32
      %dma_wait3A_573 = tpu.memref_slice %arg31[%dma_wait3A_571, %dma_wait3A_572] : memref<10240x64xf32, #tpu.memory_space<vmem_shared>> -> memref<10240x64xf32, #tpu.memory_space<vmem_shared>>
      tpu.wait_indirect_dma semaphore(%arg30 : memref<!tpu.dma_semaphore, #tpu.memory_space<semaphore_mem>>) src(%arg14 : memref<125x64xf32, #tpu.memory_space<vmem>>) dst(%dma_wait3A_573 : memref<10240x64xf32, #tpu.memory_space<vmem_shared>>)
      %add3A_574 = arith.constant 7 : i32
      %add3A_575 = arith.addi %mul3A_282, %add3A_574 : i32
      %add3A_576 = arith.constant 8 : i32
      %add3A_577 = arith.addi %add3A_575, %add3A_576 : i32
      %lt3A_578 = arith.constant 80 : i32
      %lt3A_579 = arith.cmpi slt, %add3A_577, %lt3A_578 : i32
      %convert_element_type3A_580 = arith.extui %lt3A_579 : i1 to i32
      %cond3A_581 = arith.constant 0 : i32
      %cond3A_582 = arith.cmpi ne, %convert_element_type3A_580, %cond3A_581 : i32
      scf.if %cond3A_582 {
        %add3A_583 = arith.constant 7 : i32
        %add3A_584 = arith.addi %mul3A_282, %add3A_583 : i32
        %add3A_585 = arith.constant 8 : i32
        %add3A_586 = arith.addi %add3A_584, %add3A_585 : i32
        %dma_start3A_587 = arith.constant 0 : i32
        %dma_start3A_588 = arith.constant 0 : i32
        %dma_start3A_589 = tpu.memref_slice %arg5[%add3A_586, %dma_start3A_588] : memref<80x125xi32, #tpu.memory_space<vmem>> -> memref<1x125xi32, #tpu.memory_space<vmem>>
        %dma_start3A_590 = tpu.memref_squeeze %dma_start3A_589 : memref<1x125xi32, #tpu.memory_space<vmem>> -> memref<125xi32, #tpu.memory_space<vmem>>
        %dma_start3A_591 = arith.constant 0 : i32
        %dma_start3A_592 = arith.constant 0 : i32
        %dma_start3A_593 = tpu.memref_slice %arg2[%dma_start3A_587, %dma_start3A_591, %dma_start3A_592] : memref<2x10000x64xf32, #tpu.memory_space<hbm>> -> memref<1x10000x64xf32, #tpu.memory_space<hbm>>
        %dma_start3A_594 = tpu.memref_squeeze %dma_start3A_593 : memref<1x10000x64xf32, #tpu.memory_space<hbm>> -> memref<10000x64xf32, #tpu.memory_space<hbm>>
        %dma_start3A_595 = arith.constant 0 : i32
        %dma_start3A_596 = arith.constant 0 : i32
        %dma_start3A_597 = tpu.memref_slice %dma_start3A_594[%dma_start3A_595, %dma_start3A_596] : memref<10000x64xf32, #tpu.memory_space<hbm>> -> memref<10000x64xf32, #tpu.memory_space<hbm>>
        tpu.enqueue_indirect_dma source(%dma_start3A_597 : memref<10000x64xf32, #tpu.memory_space<hbm>>) target(%arg14 : memref<125x64xf32, #tpu.memory_space<vmem>>) offsets(%dma_start3A_590 : memref<125xi32, #tpu.memory_space<vmem>>) semaphore(%arg22 : memref<!tpu.dma_semaphore, #tpu.memory_space<semaphore_mem>>)
      } else {
      }
    }
    %scan3A_132 = arith.constant 10 : i32
    %barrier3A_133 = arith.constant 0 : index
    tpu.barrier barrier_id(%barrier3A_133)
    %mul3A_134 = arith.constant 640 : i32
    %mul3A_135 = arith.muli %arg1, %mul3A_134 : i32
    %mul3A_136 = arith.constant 640 : i32
    %mul3A_137 = arith.muli %arg1, %mul3A_136 : i32
    %run_scoped3A_138 = arith.constant 0 : i32
    "tpu.region"() ({
      %run_scoped3A_280 = tpu.sem_alloc : memref<!tpu.dma_semaphore, #tpu.memory_space<semaphore_mem>>
      %dma_start3A_281 = arith.constant 0 : i32
      %dma_start3A_282 = tpu.memref_slice %arg4[%arg0, %run_scoped3A_138, %mul3A_137, %dma_start3A_281] : memref<2x2x10240x64xf32, #tpu.memory_space<hbm>> -> memref<1x1x640x64xf32, #tpu.memory_space<hbm>>
      %dma_start3A_283 = tpu.memref_squeeze %dma_start3A_282 : memref<1x1x640x64xf32, #tpu.memory_space<hbm>> -> memref<640x64xf32, #tpu.memory_space<hbm>>
      %dma_start3A_284 = arith.constant 0 : i32
      %dma_start3A_285 = tpu.memref_slice %arg31[%mul3A_135, %dma_start3A_284] : memref<10240x64xf32, #tpu.memory_space<vmem_shared>> -> memref<640x64xf32, #tpu.memory_space<vmem_shared>>
      tpu.enqueue_dma source(%dma_start3A_285 : memref<640x64xf32, #tpu.memory_space<vmem_shared>>) target(%dma_start3A_283 : memref<640x64xf32, #tpu.memory_space<hbm>>) target_semaphore(%run_scoped3A_280 : memref<!tpu.dma_semaphore, #tpu.memory_space<semaphore_mem>>)
      %dma_wait3A = arith.constant 0 : i32
      %dma_wait3A_286 = tpu.memref_slice %arg4[%arg0, %run_scoped3A_138, %mul3A_137, %dma_wait3A] : memref<2x2x10240x64xf32, #tpu.memory_space<hbm>> -> memref<1x1x640x64xf32, #tpu.memory_space<hbm>>
      %dma_wait3A_287 = tpu.memref_squeeze %dma_wait3A_286 : memref<1x1x640x64xf32, #tpu.memory_space<hbm>> -> memref<640x64xf32, #tpu.memory_space<hbm>>
      %dma_wait3A_288 = arith.constant 0 : i32
      %dma_wait3A_289 = tpu.memref_slice %arg31[%mul3A_135, %dma_wait3A_288] : memref<10240x64xf32, #tpu.memory_space<vmem_shared>> -> memref<640x64xf32, #tpu.memory_space<vmem_shared>>
      tpu.wait_dma2 semaphore(%run_scoped3A_280 : memref<!tpu.dma_semaphore, #tpu.memory_space<semaphore_mem>>) src(%dma_wait3A_289 : memref<640x64xf32, #tpu.memory_space<vmem_shared>>) dst(%dma_wait3A_287 : memref<640x64xf32, #tpu.memory_space<hbm>>)
      tpu.yield
    }) : () -> ()
    %broadcast_in_dim3A_139 = arith.constant 0.000000e+00 : f32
    %broadcast_in_dim3A_140 = vector.broadcast %broadcast_in_dim3A_139 : f32 to vector<16xf32>
    %scan3A_141 = arith.constant 0 : i32
    %scan3A_142 = arith.constant 0 : i32
    %scan3A_143 = arith.constant 125 : i32
    %scan3A_144 = arith.addi %scan3A_142, %scan3A_143 : i32
    %scan3A_145 = arith.constant 1 : i32
    scf.for %scan3A_280 = %scan3A_142 to %scan3A_144 step %scan3A_145  : i32 {
      %swap3A = arith.index_cast %scan3A_280 : i32 to index
      %swap3A_281 = arith.constant 0 : index
      %swap3A_282 = tpu.vector_load %arg7[%swap3A, %swap3A_281] {strides = array<i32>} : memref<125x64xf32, #tpu.memory_space<vmem>>, vector<1x16xf32>,
      %swap3A_283 = vector.shape_cast %swap3A_282 : vector<1x16xf32> to vector<16xf32>
      %swap3A_284 = vector.shape_cast %broadcast_in_dim3A_140 : vector<16xf32> to vector<1x16xf32>
      tpu.vector_store %arg7[%swap3A, %swap3A_281], %swap3A_284 {strides = array<i32>} : memref<125x64xf32, #tpu.memory_space<vmem>>, vector<1x16xf32>,
      %swap3A_285 = arith.index_cast %scan3A_280 : i32 to index
      %swap3A_286 = arith.constant 16 : index
      %swap3A_287 = tpu.vector_load %arg7[%swap3A_285, %swap3A_286] {strides = array<i32>} : memref<125x64xf32, #tpu.memory_space<vmem>>, vector<1x16xf32>,
      %swap3A_288 = vector.shape_cast %swap3A_287 : vector<1x16xf32> to vector<16xf32>
      %swap3A_289 = vector.shape_cast %broadcast_in_dim3A_140 : vector<16xf32> to vector<1x16xf32>
      tpu.vector_store %arg7[%swap3A_285, %swap3A_286], %swap3A_289 {strides = array<i32>} : memref<125x64xf32, #tpu.memory_space<vmem>>, vector<1x16xf32>,
      %swap3A_290 = arith.index_cast %scan3A_280 : i32 to index
      %swap3A_291 = arith.constant 32 : index
      %swap3A_292 = tpu.vector_load %arg7[%swap3A_290, %swap3A_291] {strides = array<i32>} : memref<125x64xf32, #tpu.memory_space<vmem>>, vector<1x16xf32>,
      %swap3A_293 = vector.shape_cast %swap3A_292 : vector<1x16xf32> to vector<16xf32>
      %swap3A_294 = vector.shape_cast %broadcast_in_dim3A_140 : vector<16xf32> to vector<1x16xf32>
      tpu.vector_store %arg7[%swap3A_290, %swap3A_291], %swap3A_294 {strides = array<i32>} : memref<125x64xf32, #tpu.memory_space<vmem>>, vector<1x16xf32>,
      %swap3A_295 = arith.index_cast %scan3A_280 : i32 to index
      %swap3A_296 = arith.constant 48 : index
      %swap3A_297 = tpu.vector_load %arg7[%swap3A_295, %swap3A_296] {strides = array<i32>} : memref<125x64xf32, #tpu.memory_space<vmem>>, vector<1x16xf32>,
      %swap3A_298 = vector.shape_cast %swap3A_297 : vector<1x16xf32> to vector<16xf32>
      %swap3A_299 = vector.shape_cast %broadcast_in_dim3A_140 : vector<16xf32> to vector<1x16xf32>
      tpu.vector_store %arg7[%swap3A_295, %swap3A_296], %swap3A_299 {strides = array<i32>} : memref<125x64xf32, #tpu.memory_space<vmem>>, vector<1x16xf32>,
    }
    %scan3A_146 = arith.constant 125 : i32
    %mul3A_147 = arith.constant 640 : i32
    %mul3A_148 = arith.muli %arg1, %mul3A_147 : i32
    %add3A_149 = arith.constant 0 : i32
    %add3A_150 = arith.addi %mul3A_148, %add3A_149 : i32
    "tpu.region"() ({
      %run_scoped3A_280 = tpu.sem_alloc : memref<!tpu.dma_semaphore, #tpu.memory_space<semaphore_mem>>
      %dma_start3A_281 = arith.constant 0 : i32
      %dma_start3A_282 = arith.constant 0 : i32
      %dma_start3A_283 = tpu.memref_slice %arg7[%dma_start3A_281, %dma_start3A_282] : memref<125x64xf32, #tpu.memory_space<vmem>> -> memref<125x64xf32, #tpu.memory_space<vmem>>
      %dma_start3A_284 = arith.constant 0 : i32
      %dma_start3A_285 = tpu.memref_slice %arg31[%add3A_150, %dma_start3A_284] : memref<10240x64xf32, #tpu.memory_space<vmem_shared>> -> memref<125x64xf32, #tpu.memory_space<vmem_shared>>
      %dma_start3A_286 = arith.constant 0 : i32
      %dma_start3A_287 = tpu.memref_slice %arg31[%add3A_150, %dma_start3A_286] : memref<10240x64xf32, #tpu.memory_space<vmem_shared>> -> memref<125x64xf32, #tpu.memory_space<vmem_shared>>
      %dma_start3A_288 = arith.constant 0 : i32
      %dma_start3A_289 = arith.constant 0 : i32
      %dma_start3A_290 = tpu.memref_slice %arg7[%dma_start3A_288, %dma_start3A_289] : memref<125x64xf32, #tpu.memory_space<vmem>> -> memref<125x64xf32, #tpu.memory_space<vmem>>
      tpu.enqueue_dma source(%dma_start3A_290 : memref<125x64xf32, #tpu.memory_space<vmem>>) target(%dma_start3A_287 : memref<125x64xf32, #tpu.memory_space<vmem_shared>>) target_semaphore(%run_scoped3A_280 : memref<!tpu.dma_semaphore, #tpu.memory_space<semaphore_mem>>)
      %dma_wait3A = arith.constant 0 : i32
      %dma_wait3A_291 = arith.constant 0 : i32
      %dma_wait3A_292 = tpu.memref_slice %arg7[%dma_wait3A, %dma_wait3A_291] : memref<125x64xf32, #tpu.memory_space<vmem>> -> memref<125x64xf32, #tpu.memory_space<vmem>>
      %dma_wait3A_293 = arith.constant 0 : i32
      %dma_wait3A_294 = tpu.memref_slice %arg31[%add3A_150, %dma_wait3A_293] : memref<10240x64xf32, #tpu.memory_space<vmem_shared>> -> memref<125x64xf32, #tpu.memory_space<vmem_shared>>
      %dma_wait3A_295 = arith.constant 0 : i32
      %dma_wait3A_296 = tpu.memref_slice %arg31[%add3A_150, %dma_wait3A_295] : memref<10240x64xf32, #tpu.memory_space<vmem_shared>> -> memref<125x64xf32, #tpu.memory_space<vmem_shared>>
      %dma_wait3A_297 = arith.constant 0 : i32
      %dma_wait3A_298 = arith.constant 0 : i32
      %dma_wait3A_299 = tpu.memref_slice %arg7[%dma_wait3A_297, %dma_wait3A_298] : memref<125x64xf32, #tpu.memory_space<vmem>> -> memref<125x64xf32, #tpu.memory_space<vmem>>
      tpu.wait_dma2 semaphore(%run_scoped3A_280 : memref<!tpu.dma_semaphore, #tpu.memory_space<semaphore_mem>>) src(%dma_wait3A_299 : memref<125x64xf32, #tpu.memory_space<vmem>>) dst(%dma_wait3A_296 : memref<125x64xf32, #tpu.memory_space<vmem_shared>>)
      tpu.yield
    }) : () -> ()
    %mul3A_151 = arith.constant 640 : i32
    %mul3A_152 = arith.muli %arg1, %mul3A_151 : i32
    %add3A_153 = arith.constant 125 : i32
    %add3A_154 = arith.addi %mul3A_152, %add3A_153 : i32
    "tpu.region"() ({
      %run_scoped3A_280 = tpu.sem_alloc : memref<!tpu.dma_semaphore, #tpu.memory_space<semaphore_mem>>
      %dma_start3A_281 = arith.constant 0 : i32
      %dma_start3A_282 = arith.constant 0 : i32
      %dma_start3A_283 = tpu.memref_slice %arg7[%dma_start3A_281, %dma_start3A_282] : memref<125x64xf32, #tpu.memory_space<vmem>> -> memref<125x64xf32, #tpu.memory_space<vmem>>
      %dma_start3A_284 = arith.constant 0 : i32
      %dma_start3A_285 = tpu.memref_slice %arg31[%add3A_154, %dma_start3A_284] : memref<10240x64xf32, #tpu.memory_space<vmem_shared>> -> memref<125x64xf32, #tpu.memory_space<vmem_shared>>
      %dma_start3A_286 = arith.constant 0 : i32
      %dma_start3A_287 = tpu.memref_slice %arg31[%add3A_154, %dma_start3A_286] : memref<10240x64xf32, #tpu.memory_space<vmem_shared>> -> memref<125x64xf32, #tpu.memory_space<vmem_shared>>
      %dma_start3A_288 = arith.constant 0 : i32
      %dma_start3A_289 = arith.constant 0 : i32
      %dma_start3A_290 = tpu.memref_slice %arg7[%dma_start3A_288, %dma_start3A_289] : memref<125x64xf32, #tpu.memory_space<vmem>> -> memref<125x64xf32, #tpu.memory_space<vmem>>
      tpu.enqueue_dma source(%dma_start3A_290 : memref<125x64xf32, #tpu.memory_space<vmem>>) target(%dma_start3A_287 : memref<125x64xf32, #tpu.memory_space<vmem_shared>>) target_semaphore(%run_scoped3A_280 : memref<!tpu.dma_semaphore, #tpu.memory_space<semaphore_mem>>)
      %dma_wait3A = arith.constant 0 : i32
      %dma_wait3A_291 = arith.constant 0 : i32
      %dma_wait3A_292 = tpu.memref_slice %arg7[%dma_wait3A, %dma_wait3A_291] : memref<125x64xf32, #tpu.memory_space<vmem>> -> memref<125x64xf32, #tpu.memory_space<vmem>>
      %dma_wait3A_293 = arith.constant 0 : i32
      %dma_wait3A_294 = tpu.memref_slice %arg31[%add3A_154, %dma_wait3A_293] : memref<10240x64xf32, #tpu.memory_space<vmem_shared>> -> memref<125x64xf32, #tpu.memory_space<vmem_shared>>
      %dma_wait3A_295 = arith.constant 0 : i32
      %dma_wait3A_296 = tpu.memref_slice %arg31[%add3A_154, %dma_wait3A_295] : memref<10240x64xf32, #tpu.memory_space<vmem_shared>> -> memref<125x64xf32, #tpu.memory_space<vmem_shared>>
      %dma_wait3A_297 = arith.constant 0 : i32
      %dma_wait3A_298 = arith.constant 0 : i32
      %dma_wait3A_299 = tpu.memref_slice %arg7[%dma_wait3A_297, %dma_wait3A_298] : memref<125x64xf32, #tpu.memory_space<vmem>> -> memref<125x64xf32, #tpu.memory_space<vmem>>
      tpu.wait_dma2 semaphore(%run_scoped3A_280 : memref<!tpu.dma_semaphore, #tpu.memory_space<semaphore_mem>>) src(%dma_wait3A_299 : memref<125x64xf32, #tpu.memory_space<vmem>>) dst(%dma_wait3A_296 : memref<125x64xf32, #tpu.memory_space<vmem_shared>>)
      tpu.yield
    }) : () -> ()
    %mul3A_155 = arith.constant 640 : i32
    %mul3A_156 = arith.muli %arg1, %mul3A_155 : i32
    %add3A_157 = arith.constant 250 : i32
    %add3A_158 = arith.addi %mul3A_156, %add3A_157 : i32
    "tpu.region"() ({
      %run_scoped3A_280 = tpu.sem_alloc : memref<!tpu.dma_semaphore, #tpu.memory_space<semaphore_mem>>
      %dma_start3A_281 = arith.constant 0 : i32
      %dma_start3A_282 = arith.constant 0 : i32
      %dma_start3A_283 = tpu.memref_slice %arg7[%dma_start3A_281, %dma_start3A_282] : memref<125x64xf32, #tpu.memory_space<vmem>> -> memref<125x64xf32, #tpu.memory_space<vmem>>
      %dma_start3A_284 = arith.constant 0 : i32
      %dma_start3A_285 = tpu.memref_slice %arg31[%add3A_158, %dma_start3A_284] : memref<10240x64xf32, #tpu.memory_space<vmem_shared>> -> memref<125x64xf32, #tpu.memory_space<vmem_shared>>
      %dma_start3A_286 = arith.constant 0 : i32
      %dma_start3A_287 = tpu.memref_slice %arg31[%add3A_158, %dma_start3A_286] : memref<10240x64xf32, #tpu.memory_space<vmem_shared>> -> memref<125x64xf32, #tpu.memory_space<vmem_shared>>
      %dma_start3A_288 = arith.constant 0 : i32
      %dma_start3A_289 = arith.constant 0 : i32
      %dma_start3A_290 = tpu.memref_slice %arg7[%dma_start3A_288, %dma_start3A_289] : memref<125x64xf32, #tpu.memory_space<vmem>> -> memref<125x64xf32, #tpu.memory_space<vmem>>
      tpu.enqueue_dma source(%dma_start3A_290 : memref<125x64xf32, #tpu.memory_space<vmem>>) target(%dma_start3A_287 : memref<125x64xf32, #tpu.memory_space<vmem_shared>>) target_semaphore(%run_scoped3A_280 : memref<!tpu.dma_semaphore, #tpu.memory_space<semaphore_mem>>)
      %dma_wait3A = arith.constant 0 : i32
      %dma_wait3A_291 = arith.constant 0 : i32
      %dma_wait3A_292 = tpu.memref_slice %arg7[%dma_wait3A, %dma_wait3A_291] : memref<125x64xf32, #tpu.memory_space<vmem>> -> memref<125x64xf32, #tpu.memory_space<vmem>>
      %dma_wait3A_293 = arith.constant 0 : i32
      %dma_wait3A_294 = tpu.memref_slice %arg31[%add3A_158, %dma_wait3A_293] : memref<10240x64xf32, #tpu.memory_space<vmem_shared>> -> memref<125x64xf32, #tpu.memory_space<vmem_shared>>
      %dma_wait3A_295 = arith.constant 0 : i32
      %dma_wait3A_296 = tpu.memref_slice %arg31[%add3A_158, %dma_wait3A_295] : memref<10240x64xf32, #tpu.memory_space<vmem_shared>> -> memref<125x64xf32, #tpu.memory_space<vmem_shared>>
      %dma_wait3A_297 = arith.constant 0 : i32
      %dma_wait3A_298 = arith.constant 0 : i32
      %dma_wait3A_299 = tpu.memref_slice %arg7[%dma_wait3A_297, %dma_wait3A_298] : memref<125x64xf32, #tpu.memory_space<vmem>> -> memref<125x64xf32, #tpu.memory_space<vmem>>
      tpu.wait_dma2 semaphore(%run_scoped3A_280 : memref<!tpu.dma_semaphore, #tpu.memory_space<semaphore_mem>>) src(%dma_wait3A_299 : memref<125x64xf32, #tpu.memory_space<vmem>>) dst(%dma_wait3A_296 : memref<125x64xf32, #tpu.memory_space<vmem_shared>>)
      tpu.yield
    }) : () -> ()
    %mul3A_159 = arith.constant 640 : i32
    %mul3A_160 = arith.muli %arg1, %mul3A_159 : i32
    %add3A_161 = arith.constant 375 : i32
    %add3A_162 = arith.addi %mul3A_160, %add3A_161 : i32
    "tpu.region"() ({
      %run_scoped3A_280 = tpu.sem_alloc : memref<!tpu.dma_semaphore, #tpu.memory_space<semaphore_mem>>
      %dma_start3A_281 = arith.constant 0 : i32
      %dma_start3A_282 = arith.constant 0 : i32
      %dma_start3A_283 = tpu.memref_slice %arg7[%dma_start3A_281, %dma_start3A_282] : memref<125x64xf32, #tpu.memory_space<vmem>> -> memref<125x64xf32, #tpu.memory_space<vmem>>
      %dma_start3A_284 = arith.constant 0 : i32
      %dma_start3A_285 = tpu.memref_slice %arg31[%add3A_162, %dma_start3A_284] : memref<10240x64xf32, #tpu.memory_space<vmem_shared>> -> memref<125x64xf32, #tpu.memory_space<vmem_shared>>
      %dma_start3A_286 = arith.constant 0 : i32
      %dma_start3A_287 = tpu.memref_slice %arg31[%add3A_162, %dma_start3A_286] : memref<10240x64xf32, #tpu.memory_space<vmem_shared>> -> memref<125x64xf32, #tpu.memory_space<vmem_shared>>
      %dma_start3A_288 = arith.constant 0 : i32
      %dma_start3A_289 = arith.constant 0 : i32
      %dma_start3A_290 = tpu.memref_slice %arg7[%dma_start3A_288, %dma_start3A_289] : memref<125x64xf32, #tpu.memory_space<vmem>> -> memref<125x64xf32, #tpu.memory_space<vmem>>
      tpu.enqueue_dma source(%dma_start3A_290 : memref<125x64xf32, #tpu.memory_space<vmem>>) target(%dma_start3A_287 : memref<125x64xf32, #tpu.memory_space<vmem_shared>>) target_semaphore(%run_scoped3A_280 : memref<!tpu.dma_semaphore, #tpu.memory_space<semaphore_mem>>)
      %dma_wait3A = arith.constant 0 : i32
      %dma_wait3A_291 = arith.constant 0 : i32
      %dma_wait3A_292 = tpu.memref_slice %arg7[%dma_wait3A, %dma_wait3A_291] : memref<125x64xf32, #tpu.memory_space<vmem>> -> memref<125x64xf32, #tpu.memory_space<vmem>>
      %dma_wait3A_293 = arith.constant 0 : i32
      %dma_wait3A_294 = tpu.memref_slice %arg31[%add3A_162, %dma_wait3A_293] : memref<10240x64xf32, #tpu.memory_space<vmem_shared>> -> memref<125x64xf32, #tpu.memory_space<vmem_shared>>
      %dma_wait3A_295 = arith.constant 0 : i32
      %dma_wait3A_296 = tpu.memref_slice %arg31[%add3A_162, %dma_wait3A_295] : memref<10240x64xf32, #tpu.memory_space<vmem_shared>> -> memref<125x64xf32, #tpu.memory_space<vmem_shared>>
      %dma_wait3A_297 = arith.constant 0 : i32
      %dma_wait3A_298 = arith.constant 0 : i32
      %dma_wait3A_299 = tpu.memref_slice %arg7[%dma_wait3A_297, %dma_wait3A_298] : memref<125x64xf32, #tpu.memory_space<vmem>> -> memref<125x64xf32, #tpu.memory_space<vmem>>
      tpu.wait_dma2 semaphore(%run_scoped3A_280 : memref<!tpu.dma_semaphore, #tpu.memory_space<semaphore_mem>>) src(%dma_wait3A_299 : memref<125x64xf32, #tpu.memory_space<vmem>>) dst(%dma_wait3A_296 : memref<125x64xf32, #tpu.memory_space<vmem_shared>>)
      tpu.yield
    }) : () -> ()
    %mul3A_163 = arith.constant 640 : i32
    %mul3A_164 = arith.muli %arg1, %mul3A_163 : i32
    %add3A_165 = arith.constant 500 : i32
    %add3A_166 = arith.addi %mul3A_164, %add3A_165 : i32
    "tpu.region"() ({
      %run_scoped3A_280 = tpu.sem_alloc : memref<!tpu.dma_semaphore, #tpu.memory_space<semaphore_mem>>
      %dma_start3A_281 = arith.constant 0 : i32
      %dma_start3A_282 = arith.constant 0 : i32
      %dma_start3A_283 = tpu.memref_slice %arg7[%dma_start3A_281, %dma_start3A_282] : memref<125x64xf32, #tpu.memory_space<vmem>> -> memref<125x64xf32, #tpu.memory_space<vmem>>
      %dma_start3A_284 = arith.constant 0 : i32
      %dma_start3A_285 = tpu.memref_slice %arg31[%add3A_166, %dma_start3A_284] : memref<10240x64xf32, #tpu.memory_space<vmem_shared>> -> memref<125x64xf32, #tpu.memory_space<vmem_shared>>
      %dma_start3A_286 = arith.constant 0 : i32
      %dma_start3A_287 = tpu.memref_slice %arg31[%add3A_166, %dma_start3A_286] : memref<10240x64xf32, #tpu.memory_space<vmem_shared>> -> memref<125x64xf32, #tpu.memory_space<vmem_shared>>
      %dma_start3A_288 = arith.constant 0 : i32
      %dma_start3A_289 = arith.constant 0 : i32
      %dma_start3A_290 = tpu.memref_slice %arg7[%dma_start3A_288, %dma_start3A_289] : memref<125x64xf32, #tpu.memory_space<vmem>> -> memref<125x64xf32, #tpu.memory_space<vmem>>
      tpu.enqueue_dma source(%dma_start3A_290 : memref<125x64xf32, #tpu.memory_space<vmem>>) target(%dma_start3A_287 : memref<125x64xf32, #tpu.memory_space<vmem_shared>>) target_semaphore(%run_scoped3A_280 : memref<!tpu.dma_semaphore, #tpu.memory_space<semaphore_mem>>)
      %dma_wait3A = arith.constant 0 : i32
      %dma_wait3A_291 = arith.constant 0 : i32
      %dma_wait3A_292 = tpu.memref_slice %arg7[%dma_wait3A, %dma_wait3A_291] : memref<125x64xf32, #tpu.memory_space<vmem>> -> memref<125x64xf32, #tpu.memory_space<vmem>>
      %dma_wait3A_293 = arith.constant 0 : i32
      %dma_wait3A_294 = tpu.memref_slice %arg31[%add3A_166, %dma_wait3A_293] : memref<10240x64xf32, #tpu.memory_space<vmem_shared>> -> memref<125x64xf32, #tpu.memory_space<vmem_shared>>
      %dma_wait3A_295 = arith.constant 0 : i32
      %dma_wait3A_296 = tpu.memref_slice %arg31[%add3A_166, %dma_wait3A_295] : memref<10240x64xf32, #tpu.memory_space<vmem_shared>> -> memref<125x64xf32, #tpu.memory_space<vmem_shared>>
      %dma_wait3A_297 = arith.constant 0 : i32
      %dma_wait3A_298 = arith.constant 0 : i32
      %dma_wait3A_299 = tpu.memref_slice %arg7[%dma_wait3A_297, %dma_wait3A_298] : memref<125x64xf32, #tpu.memory_space<vmem>> -> memref<125x64xf32, #tpu.memory_space<vmem>>
      tpu.wait_dma2 semaphore(%run_scoped3A_280 : memref<!tpu.dma_semaphore, #tpu.memory_space<semaphore_mem>>) src(%dma_wait3A_299 : memref<125x64xf32, #tpu.memory_space<vmem>>) dst(%dma_wait3A_296 : memref<125x64xf32, #tpu.memory_space<vmem_shared>>)
      tpu.yield
    }) : () -> ()
    %mul3A_167 = arith.constant 640 : i32
    %mul3A_168 = arith.muli %arg1, %mul3A_167 : i32
    %add3A_169 = arith.constant 625 : i32
    %add3A_170 = arith.addi %mul3A_168, %add3A_169 : i32
    "tpu.region"() ({
      %run_scoped3A_280 = tpu.sem_alloc : memref<!tpu.dma_semaphore, #tpu.memory_space<semaphore_mem>>
      %dma_start3A_281 = arith.constant 0 : i32
      %dma_start3A_282 = arith.constant 0 : i32
      %dma_start3A_283 = tpu.memref_slice %arg7[%dma_start3A_281, %dma_start3A_282] : memref<125x64xf32, #tpu.memory_space<vmem>> -> memref<15x64xf32, #tpu.memory_space<vmem>>
      %dma_start3A_284 = arith.constant 0 : i32
      %dma_start3A_285 = tpu.memref_slice %arg31[%add3A_170, %dma_start3A_284] : memref<10240x64xf32, #tpu.memory_space<vmem_shared>> -> memref<15x64xf32, #tpu.memory_space<vmem_shared>>
      %dma_start3A_286 = arith.constant 0 : i32
      %dma_start3A_287 = tpu.memref_slice %arg31[%add3A_170, %dma_start3A_286] : memref<10240x64xf32, #tpu.memory_space<vmem_shared>> -> memref<15x64xf32, #tpu.memory_space<vmem_shared>>
      %dma_start3A_288 = arith.constant 0 : i32
      %dma_start3A_289 = arith.constant 0 : i32
      %dma_start3A_290 = tpu.memref_slice %arg7[%dma_start3A_288, %dma_start3A_289] : memref<125x64xf32, #tpu.memory_space<vmem>> -> memref<15x64xf32, #tpu.memory_space<vmem>>
      tpu.enqueue_dma source(%dma_start3A_290 : memref<15x64xf32, #tpu.memory_space<vmem>>) target(%dma_start3A_287 : memref<15x64xf32, #tpu.memory_space<vmem_shared>>) target_semaphore(%run_scoped3A_280 : memref<!tpu.dma_semaphore, #tpu.memory_space<semaphore_mem>>)
      %dma_wait3A = arith.constant 0 : i32
      %dma_wait3A_291 = arith.constant 0 : i32
      %dma_wait3A_292 = tpu.memref_slice %arg7[%dma_wait3A, %dma_wait3A_291] : memref<125x64xf32, #tpu.memory_space<vmem>> -> memref<15x64xf32, #tpu.memory_space<vmem>>
      %dma_wait3A_293 = arith.constant 0 : i32
      %dma_wait3A_294 = tpu.memref_slice %arg31[%add3A_170, %dma_wait3A_293] : memref<10240x64xf32, #tpu.memory_space<vmem_shared>> -> memref<15x64xf32, #tpu.memory_space<vmem_shared>>
      %dma_wait3A_295 = arith.constant 0 : i32
      %dma_wait3A_296 = tpu.memref_slice %arg31[%add3A_170, %dma_wait3A_295] : memref<10240x64xf32, #tpu.memory_space<vmem_shared>> -> memref<15x64xf32, #tpu.memory_space<vmem_shared>>
      %dma_wait3A_297 = arith.constant 0 : i32
      %dma_wait3A_298 = arith.constant 0 : i32
      %dma_wait3A_299 = tpu.memref_slice %arg7[%dma_wait3A_297, %dma_wait3A_298] : memref<125x64xf32, #tpu.memory_space<vmem>> -> memref<15x64xf32, #tpu.memory_space<vmem>>
      tpu.wait_dma2 semaphore(%run_scoped3A_280 : memref<!tpu.dma_semaphore, #tpu.memory_space<semaphore_mem>>) src(%dma_wait3A_299 : memref<15x64xf32, #tpu.memory_space<vmem>>) dst(%dma_wait3A_296 : memref<15x64xf32, #tpu.memory_space<vmem_shared>>)
      tpu.yield
    }) : () -> ()
    %barrier3A_171 = arith.constant 0 : index
    tpu.barrier barrier_id(%barrier3A_171)
    %dma_start3A_172 = arith.constant 1 : i32
    %dma_start3A_173 = arith.constant 0 : i32
    %dma_start3A_174 = arith.constant 0 : i32
    %dma_start3A_175 = tpu.memref_slice %arg5[%dma_start3A_173, %dma_start3A_174] : memref<80x125xi32, #tpu.memory_space<vmem>> -> memref<1x125xi32, #tpu.memory_space<vmem>>
    %dma_start3A_176 = tpu.memref_squeeze %dma_start3A_175 : memref<1x125xi32, #tpu.memory_space<vmem>> -> memref<125xi32, #tpu.memory_space<vmem>>
    %dma_start3A_177 = arith.constant 0 : i32
    %dma_start3A_178 = arith.constant 0 : i32
    %dma_start3A_179 = tpu.memref_slice %arg2[%dma_start3A_172, %dma_start3A_177, %dma_start3A_178] : memref<2x10000x64xf32, #tpu.memory_space<hbm>> -> memref<1x10000x64xf32, #tpu.memory_space<hbm>>
    %dma_start3A_180 = tpu.memref_squeeze %dma_start3A_179 : memref<1x10000x64xf32, #tpu.memory_space<hbm>> -> memref<10000x64xf32, #tpu.memory_space<hbm>>
    %dma_start3A_181 = arith.constant 0 : i32
    %dma_start3A_182 = arith.constant 0 : i32
    %dma_start3A_183 = tpu.memref_slice %dma_start3A_180[%dma_start3A_181, %dma_start3A_182] : memref<10000x64xf32, #tpu.memory_space<hbm>> -> memref<10000x64xf32, #tpu.memory_space<hbm>>
    tpu.enqueue_indirect_dma source(%dma_start3A_183 : memref<10000x64xf32, #tpu.memory_space<hbm>>) target(%arg7 : memref<125x64xf32, #tpu.memory_space<vmem>>) offsets(%dma_start3A_176 : memref<125xi32, #tpu.memory_space<vmem>>) semaphore(%arg15 : memref<!tpu.dma_semaphore, #tpu.memory_space<semaphore_mem>>)
    %dma_start3A_184 = arith.constant 1 : i32
    %dma_start3A_185 = arith.constant 1 : i32
    %dma_start3A_186 = arith.constant 0 : i32
    %dma_start3A_187 = tpu.memref_slice %arg5[%dma_start3A_185, %dma_start3A_186] : memref<80x125xi32, #tpu.memory_space<vmem>> -> memref<1x125xi32, #tpu.memory_space<vmem>>
    %dma_start3A_188 = tpu.memref_squeeze %dma_start3A_187 : memref<1x125xi32, #tpu.memory_space<vmem>> -> memref<125xi32, #tpu.memory_space<vmem>>
    %dma_start3A_189 = arith.constant 0 : i32
    %dma_start3A_190 = arith.constant 0 : i32
    %dma_start3A_191 = tpu.memref_slice %arg2[%dma_start3A_184, %dma_start3A_189, %dma_start3A_190] : memref<2x10000x64xf32, #tpu.memory_space<hbm>> -> memref<1x10000x64xf32, #tpu.memory_space<hbm>>
    %dma_start3A_192 = tpu.memref_squeeze %dma_start3A_191 : memref<1x10000x64xf32, #tpu.memory_space<hbm>> -> memref<10000x64xf32, #tpu.memory_space<hbm>>
    %dma_start3A_193 = arith.constant 0 : i32
    %dma_start3A_194 = arith.constant 0 : i32
    %dma_start3A_195 = tpu.memref_slice %dma_start3A_192[%dma_start3A_193, %dma_start3A_194] : memref<10000x64xf32, #tpu.memory_space<hbm>> -> memref<10000x64xf32, #tpu.memory_space<hbm>>
    tpu.enqueue_indirect_dma source(%dma_start3A_195 : memref<10000x64xf32, #tpu.memory_space<hbm>>) target(%arg8 : memref<125x64xf32, #tpu.memory_space<vmem>>) offsets(%dma_start3A_188 : memref<125xi32, #tpu.memory_space<vmem>>) semaphore(%arg16 : memref<!tpu.dma_semaphore, #tpu.memory_space<semaphore_mem>>)
    %dma_start3A_196 = arith.constant 1 : i32
    %dma_start3A_197 = arith.constant 2 : i32
    %dma_start3A_198 = arith.constant 0 : i32
    %dma_start3A_199 = tpu.memref_slice %arg5[%dma_start3A_197, %dma_start3A_198] : memref<80x125xi32, #tpu.memory_space<vmem>> -> memref<1x125xi32, #tpu.memory_space<vmem>>
    %dma_start3A_200 = tpu.memref_squeeze %dma_start3A_199 : memref<1x125xi32, #tpu.memory_space<vmem>> -> memref<125xi32, #tpu.memory_space<vmem>>
    %dma_start3A_201 = arith.constant 0 : i32
    %dma_start3A_202 = arith.constant 0 : i32
    %dma_start3A_203 = tpu.memref_slice %arg2[%dma_start3A_196, %dma_start3A_201, %dma_start3A_202] : memref<2x10000x64xf32, #tpu.memory_space<hbm>> -> memref<1x10000x64xf32, #tpu.memory_space<hbm>>
    %dma_start3A_204 = tpu.memref_squeeze %dma_start3A_203 : memref<1x10000x64xf32, #tpu.memory_space<hbm>> -> memref<10000x64xf32, #tpu.memory_space<hbm>>
    %dma_start3A_205 = arith.constant 0 : i32
    %dma_start3A_206 = arith.constant 0 : i32
    %dma_start3A_207 = tpu.memref_slice %dma_start3A_204[%dma_start3A_205, %dma_start3A_206] : memref<10000x64xf32, #tpu.memory_space<hbm>> -> memref<10000x64xf32, #tpu.memory_space<hbm>>
    tpu.enqueue_indirect_dma source(%dma_start3A_207 : memref<10000x64xf32, #tpu.memory_space<hbm>>) target(%arg9 : memref<125x64xf32, #tpu.memory_space<vmem>>) offsets(%dma_start3A_200 : memref<125xi32, #tpu.memory_space<vmem>>) semaphore(%arg17 : memref<!tpu.dma_semaphore, #tpu.memory_space<semaphore_mem>>)
    %dma_start3A_208 = arith.constant 1 : i32
    %dma_start3A_209 = arith.constant 3 : i32
    %dma_start3A_210 = arith.constant 0 : i32
    %dma_start3A_211 = tpu.memref_slice %arg5[%dma_start3A_209, %dma_start3A_210] : memref<80x125xi32, #tpu.memory_space<vmem>> -> memref<1x125xi32, #tpu.memory_space<vmem>>
    %dma_start3A_212 = tpu.memref_squeeze %dma_start3A_211 : memref<1x125xi32, #tpu.memory_space<vmem>> -> memref<125xi32, #tpu.memory_space<vmem>>
    %dma_start3A_213 = arith.constant 0 : i32
    %dma_start3A_214 = arith.constant 0 : i32
    %dma_start3A_215 = tpu.memref_slice %arg2[%dma_start3A_208, %dma_start3A_213, %dma_start3A_214] : memref<2x10000x64xf32, #tpu.memory_space<hbm>> -> memref<1x10000x64xf32, #tpu.memory_space<hbm>>
    %dma_start3A_216 = tpu.memref_squeeze %dma_start3A_215 : memref<1x10000x64xf32, #tpu.memory_space<hbm>> -> memref<10000x64xf32, #tpu.memory_space<hbm>>
    %dma_start3A_217 = arith.constant 0 : i32
    %dma_start3A_218 = arith.constant 0 : i32
    %dma_start3A_219 = tpu.memref_slice %dma_start3A_216[%dma_start3A_217, %dma_start3A_218] : memref<10000x64xf32, #tpu.memory_space<hbm>> -> memref<10000x64xf32, #tpu.memory_space<hbm>>
    tpu.enqueue_indirect_dma source(%dma_start3A_219 : memref<10000x64xf32, #tpu.memory_space<hbm>>) target(%arg10 : memref<125x64xf32, #tpu.memory_space<vmem>>) offsets(%dma_start3A_212 : memref<125xi32, #tpu.memory_space<vmem>>) semaphore(%arg18 : memref<!tpu.dma_semaphore, #tpu.memory_space<semaphore_mem>>)
    %dma_start3A_220 = arith.constant 1 : i32
    %dma_start3A_221 = arith.constant 4 : i32
    %dma_start3A_222 = arith.constant 0 : i32
    %dma_start3A_223 = tpu.memref_slice %arg5[%dma_start3A_221, %dma_start3A_222] : memref<80x125xi32, #tpu.memory_space<vmem>> -> memref<1x125xi32, #tpu.memory_space<vmem>>
    %dma_start3A_224 = tpu.memref_squeeze %dma_start3A_223 : memref<1x125xi32, #tpu.memory_space<vmem>> -> memref<125xi32, #tpu.memory_space<vmem>>
    %dma_start3A_225 = arith.constant 0 : i32
    %dma_start3A_226 = arith.constant 0 : i32
    %dma_start3A_227 = tpu.memref_slice %arg2[%dma_start3A_220, %dma_start3A_225, %dma_start3A_226] : memref<2x10000x64xf32, #tpu.memory_space<hbm>> -> memref<1x10000x64xf32, #tpu.memory_space<hbm>>
    %dma_start3A_228 = tpu.memref_squeeze %dma_start3A_227 : memref<1x10000x64xf32, #tpu.memory_space<hbm>> -> memref<10000x64xf32, #tpu.memory_space<hbm>>
    %dma_start3A_229 = arith.constant 0 : i32
    %dma_start3A_230 = arith.constant 0 : i32
    %dma_start3A_231 = tpu.memref_slice %dma_start3A_228[%dma_start3A_229, %dma_start3A_230] : memref<10000x64xf32, #tpu.memory_space<hbm>> -> memref<10000x64xf32, #tpu.memory_space<hbm>>
    tpu.enqueue_indirect_dma source(%dma_start3A_231 : memref<10000x64xf32, #tpu.memory_space<hbm>>) target(%arg11 : memref<125x64xf32, #tpu.memory_space<vmem>>) offsets(%dma_start3A_224 : memref<125xi32, #tpu.memory_space<vmem>>) semaphore(%arg19 : memref<!tpu.dma_semaphore, #tpu.memory_space<semaphore_mem>>)
    %dma_start3A_232 = arith.constant 1 : i32
    %dma_start3A_233 = arith.constant 5 : i32
    %dma_start3A_234 = arith.constant 0 : i32
    %dma_start3A_235 = tpu.memref_slice %arg5[%dma_start3A_233, %dma_start3A_234] : memref<80x125xi32, #tpu.memory_space<vmem>> -> memref<1x125xi32, #tpu.memory_space<vmem>>
    %dma_start3A_236 = tpu.memref_squeeze %dma_start3A_235 : memref<1x125xi32, #tpu.memory_space<vmem>> -> memref<125xi32, #tpu.memory_space<vmem>>
    %dma_start3A_237 = arith.constant 0 : i32
    %dma_start3A_238 = arith.constant 0 : i32
    %dma_start3A_239 = tpu.memref_slice %arg2[%dma_start3A_232, %dma_start3A_237, %dma_start3A_238] : memref<2x10000x64xf32, #tpu.memory_space<hbm>> -> memref<1x10000x64xf32, #tpu.memory_space<hbm>>
    %dma_start3A_240 = tpu.memref_squeeze %dma_start3A_239 : memref<1x10000x64xf32, #tpu.memory_space<hbm>> -> memref<10000x64xf32, #tpu.memory_space<hbm>>
    %dma_start3A_241 = arith.constant 0 : i32
    %dma_start3A_242 = arith.constant 0 : i32
    %dma_start3A_243 = tpu.memref_slice %dma_start3A_240[%dma_start3A_241, %dma_start3A_242] : memref<10000x64xf32, #tpu.memory_space<hbm>> -> memref<10000x64xf32, #tpu.memory_space<hbm>>
    tpu.enqueue_indirect_dma source(%dma_start3A_243 : memref<10000x64xf32, #tpu.memory_space<hbm>>) target(%arg12 : memref<125x64xf32, #tpu.memory_space<vmem>>) offsets(%dma_start3A_236 : memref<125xi32, #tpu.memory_space<vmem>>) semaphore(%arg20 : memref<!tpu.dma_semaphore, #tpu.memory_space<semaphore_mem>>)
    %dma_start3A_244 = arith.constant 1 : i32
    %dma_start3A_245 = arith.constant 6 : i32
    %dma_start3A_246 = arith.constant 0 : i32
    %dma_start3A_247 = tpu.memref_slice %arg5[%dma_start3A_245, %dma_start3A_246] : memref<80x125xi32, #tpu.memory_space<vmem>> -> memref<1x125xi32, #tpu.memory_space<vmem>>
    %dma_start3A_248 = tpu.memref_squeeze %dma_start3A_247 : memref<1x125xi32, #tpu.memory_space<vmem>> -> memref<125xi32, #tpu.memory_space<vmem>>
    %dma_start3A_249 = arith.constant 0 : i32
    %dma_start3A_250 = arith.constant 0 : i32
    %dma_start3A_251 = tpu.memref_slice %arg2[%dma_start3A_244, %dma_start3A_249, %dma_start3A_250] : memref<2x10000x64xf32, #tpu.memory_space<hbm>> -> memref<1x10000x64xf32, #tpu.memory_space<hbm>>
    %dma_start3A_252 = tpu.memref_squeeze %dma_start3A_251 : memref<1x10000x64xf32, #tpu.memory_space<hbm>> -> memref<10000x64xf32, #tpu.memory_space<hbm>>
    %dma_start3A_253 = arith.constant 0 : i32
    %dma_start3A_254 = arith.constant 0 : i32
    %dma_start3A_255 = tpu.memref_slice %dma_start3A_252[%dma_start3A_253, %dma_start3A_254] : memref<10000x64xf32, #tpu.memory_space<hbm>> -> memref<10000x64xf32, #tpu.memory_space<hbm>>
    tpu.enqueue_indirect_dma source(%dma_start3A_255 : memref<10000x64xf32, #tpu.memory_space<hbm>>) target(%arg13 : memref<125x64xf32, #tpu.memory_space<vmem>>) offsets(%dma_start3A_248 : memref<125xi32, #tpu.memory_space<vmem>>) semaphore(%arg21 : memref<!tpu.dma_semaphore, #tpu.memory_space<semaphore_mem>>)
    %dma_start3A_256 = arith.constant 1 : i32
    %dma_start3A_257 = arith.constant 7 : i32
    %dma_start3A_258 = arith.constant 0 : i32
    %dma_start3A_259 = tpu.memref_slice %arg5[%dma_start3A_257, %dma_start3A_258] : memref<80x125xi32, #tpu.memory_space<vmem>> -> memref<1x125xi32, #tpu.memory_space<vmem>>
    %dma_start3A_260 = tpu.memref_squeeze %dma_start3A_259 : memref<1x125xi32, #tpu.memory_space<vmem>> -> memref<125xi32, #tpu.memory_space<vmem>>
    %dma_start3A_261 = arith.constant 0 : i32
    %dma_start3A_262 = arith.constant 0 : i32
    %dma_start3A_263 = tpu.memref_slice %arg2[%dma_start3A_256, %dma_start3A_261, %dma_start3A_262] : memref<2x10000x64xf32, #tpu.memory_space<hbm>> -> memref<1x10000x64xf32, #tpu.memory_space<hbm>>
    %dma_start3A_264 = tpu.memref_squeeze %dma_start3A_263 : memref<1x10000x64xf32, #tpu.memory_space<hbm>> -> memref<10000x64xf32, #tpu.memory_space<hbm>>
    %dma_start3A_265 = arith.constant 0 : i32
    %dma_start3A_266 = arith.constant 0 : i32
    %dma_start3A_267 = tpu.memref_slice %dma_start3A_264[%dma_start3A_265, %dma_start3A_266] : memref<10000x64xf32, #tpu.memory_space<hbm>> -> memref<10000x64xf32, #tpu.memory_space<hbm>>
    tpu.enqueue_indirect_dma source(%dma_start3A_267 : memref<10000x64xf32, #tpu.memory_space<hbm>>) target(%arg14 : memref<125x64xf32, #tpu.memory_space<vmem>>) offsets(%dma_start3A_260 : memref<125xi32, #tpu.memory_space<vmem>>) semaphore(%arg22 : memref<!tpu.dma_semaphore, #tpu.memory_space<semaphore_mem>>)
    %scan3A_268 = arith.constant 0 : i32
    %scan3A_269 = arith.constant 0 : i32
    %scan3A_270 = arith.constant 10 : i32
    %scan3A_271 = arith.addi %scan3A_269, %scan3A_270 : i32
    %scan3A_272 = arith.constant 1 : i32
    scf.for %scan3A_280 = %scan3A_269 to %scan3A_271 step %scan3A_272  : i32 {
      %mul3A_281 = arith.constant 8 : i32
      %mul3A_282 = arith.muli %mul3A_281, %scan3A_280 : i32
      %add3A_283 = arith.constant 0 : i32
      %add3A_284 = arith.addi %mul3A_282, %add3A_283 : i32
      %dma_wait3A = arith.constant 1 : i32
      %dma_wait3A_285 = arith.constant 0 : i32
      %dma_wait3A_286 = tpu.memref_slice %arg5[%add3A_284, %dma_wait3A_285] : memref<80x125xi32, #tpu.memory_space<vmem>> -> memref<1x125xi32, #tpu.memory_space<vmem>>
      %dma_wait3A_287 = tpu.memref_squeeze %dma_wait3A_286 : memref<1x125xi32, #tpu.memory_space<vmem>> -> memref<125xi32, #tpu.memory_space<vmem>>
      %dma_wait3A_288 = arith.constant 0 : i32
      %dma_wait3A_289 = arith.constant 0 : i32
      %dma_wait3A_290 = tpu.memref_slice %arg2[%dma_wait3A, %dma_wait3A_288, %dma_wait3A_289] : memref<2x10000x64xf32, #tpu.memory_space<hbm>> -> memref<1x10000x64xf32, #tpu.memory_space<hbm>>
      %dma_wait3A_291 = tpu.memref_squeeze %dma_wait3A_290 : memref<1x10000x64xf32, #tpu.memory_space<hbm>> -> memref<10000x64xf32, #tpu.memory_space<hbm>>
      %dma_wait3A_292 = arith.constant 0 : i32
      %dma_wait3A_293 = arith.constant 0 : i32
      %dma_wait3A_294 = tpu.memref_slice %dma_wait3A_291[%dma_wait3A_292, %dma_wait3A_293] : memref<10000x64xf32, #tpu.memory_space<hbm>> -> memref<10000x64xf32, #tpu.memory_space<hbm>>
      tpu.wait_indirect_dma semaphore(%arg15 : memref<!tpu.dma_semaphore, #tpu.memory_space<semaphore_mem>>) src(%dma_wait3A_294 : memref<10000x64xf32, #tpu.memory_space<hbm>>) dst(%arg7 : memref<125x64xf32, #tpu.memory_space<vmem>>)
      %add3A_295 = arith.constant 0 : i32
      %add3A_296 = arith.addi %mul3A_282, %add3A_295 : i32
      %dma_start3A_297 = arith.constant 0 : i32
      %dma_start3A_298 = tpu.memref_slice %arg6[%add3A_296, %dma_start3A_297] : memref<80x125xi32, #tpu.memory_space<vmem>> -> memref<1x125xi32, #tpu.memory_space<vmem>>
      %dma_start3A_299 = tpu.memref_squeeze %dma_start3A_298 : memref<1x125xi32, #tpu.memory_space<vmem>> -> memref<125xi32, #tpu.memory_space<vmem>>
      %dma_start3A_300 = arith.constant 0 : i32
      %dma_start3A_301 = arith.constant 0 : i32
      %dma_start3A_302 = tpu.memref_slice %arg31[%dma_start3A_300, %dma_start3A_301] : memref<10240x64xf32, #tpu.memory_space<vmem_shared>> -> memref<10240x64xf32, #tpu.memory_space<vmem_shared>>
      tpu.enqueue_indirect_dma source(%arg7 : memref<125x64xf32, #tpu.memory_space<vmem>>) target(%dma_start3A_302 : memref<10240x64xf32, #tpu.memory_space<vmem_shared>>) offsets(%dma_start3A_299 : memref<125xi32, #tpu.memory_space<vmem>>) semaphore(%arg23 : memref<!tpu.dma_semaphore, #tpu.memory_space<semaphore_mem>>) {add = true}
      %add3A_303 = arith.constant 1 : i32
      %add3A_304 = arith.addi %mul3A_282, %add3A_303 : i32
      %dma_wait3A_305 = arith.constant 1 : i32
      %dma_wait3A_306 = arith.constant 0 : i32
      %dma_wait3A_307 = tpu.memref_slice %arg5[%add3A_304, %dma_wait3A_306] : memref<80x125xi32, #tpu.memory_space<vmem>> -> memref<1x125xi32, #tpu.memory_space<vmem>>
      %dma_wait3A_308 = tpu.memref_squeeze %dma_wait3A_307 : memref<1x125xi32, #tpu.memory_space<vmem>> -> memref<125xi32, #tpu.memory_space<vmem>>
      %dma_wait3A_309 = arith.constant 0 : i32
      %dma_wait3A_310 = arith.constant 0 : i32
      %dma_wait3A_311 = tpu.memref_slice %arg2[%dma_wait3A_305, %dma_wait3A_309, %dma_wait3A_310] : memref<2x10000x64xf32, #tpu.memory_space<hbm>> -> memref<1x10000x64xf32, #tpu.memory_space<hbm>>
      %dma_wait3A_312 = tpu.memref_squeeze %dma_wait3A_311 : memref<1x10000x64xf32, #tpu.memory_space<hbm>> -> memref<10000x64xf32, #tpu.memory_space<hbm>>
      %dma_wait3A_313 = arith.constant 0 : i32
      %dma_wait3A_314 = arith.constant 0 : i32
      %dma_wait3A_315 = tpu.memref_slice %dma_wait3A_312[%dma_wait3A_313, %dma_wait3A_314] : memref<10000x64xf32, #tpu.memory_space<hbm>> -> memref<10000x64xf32, #tpu.memory_space<hbm>>
      tpu.wait_indirect_dma semaphore(%arg16 : memref<!tpu.dma_semaphore, #tpu.memory_space<semaphore_mem>>) src(%dma_wait3A_315 : memref<10000x64xf32, #tpu.memory_space<hbm>>) dst(%arg8 : memref<125x64xf32, #tpu.memory_space<vmem>>)
      %add3A_316 = arith.constant 1 : i32
      %add3A_317 = arith.addi %mul3A_282, %add3A_316 : i32
      %dma_start3A_318 = arith.constant 0 : i32
      %dma_start3A_319 = tpu.memref_slice %arg6[%add3A_317, %dma_start3A_318] : memref<80x125xi32, #tpu.memory_space<vmem>> -> memref<1x125xi32, #tpu.memory_space<vmem>>
      %dma_start3A_320 = tpu.memref_squeeze %dma_start3A_319 : memref<1x125xi32, #tpu.memory_space<vmem>> -> memref<125xi32, #tpu.memory_space<vmem>>
      %dma_start3A_321 = arith.constant 0 : i32
      %dma_start3A_322 = arith.constant 0 : i32
      %dma_start3A_323 = tpu.memref_slice %arg31[%dma_start3A_321, %dma_start3A_322] : memref<10240x64xf32, #tpu.memory_space<vmem_shared>> -> memref<10240x64xf32, #tpu.memory_space<vmem_shared>>
      tpu.enqueue_indirect_dma source(%arg8 : memref<125x64xf32, #tpu.memory_space<vmem>>) target(%dma_start3A_323 : memref<10240x64xf32, #tpu.memory_space<vmem_shared>>) offsets(%dma_start3A_320 : memref<125xi32, #tpu.memory_space<vmem>>) semaphore(%arg24 : memref<!tpu.dma_semaphore, #tpu.memory_space<semaphore_mem>>) {add = true}
      %add3A_324 = arith.constant 2 : i32
      %add3A_325 = arith.addi %mul3A_282, %add3A_324 : i32
      %dma_wait3A_326 = arith.constant 1 : i32
      %dma_wait3A_327 = arith.constant 0 : i32
      %dma_wait3A_328 = tpu.memref_slice %arg5[%add3A_325, %dma_wait3A_327] : memref<80x125xi32, #tpu.memory_space<vmem>> -> memref<1x125xi32, #tpu.memory_space<vmem>>
      %dma_wait3A_329 = tpu.memref_squeeze %dma_wait3A_328 : memref<1x125xi32, #tpu.memory_space<vmem>> -> memref<125xi32, #tpu.memory_space<vmem>>
      %dma_wait3A_330 = arith.constant 0 : i32
      %dma_wait3A_331 = arith.constant 0 : i32
      %dma_wait3A_332 = tpu.memref_slice %arg2[%dma_wait3A_326, %dma_wait3A_330, %dma_wait3A_331] : memref<2x10000x64xf32, #tpu.memory_space<hbm>> -> memref<1x10000x64xf32, #tpu.memory_space<hbm>>
      %dma_wait3A_333 = tpu.memref_squeeze %dma_wait3A_332 : memref<1x10000x64xf32, #tpu.memory_space<hbm>> -> memref<10000x64xf32, #tpu.memory_space<hbm>>
      %dma_wait3A_334 = arith.constant 0 : i32
      %dma_wait3A_335 = arith.constant 0 : i32
      %dma_wait3A_336 = tpu.memref_slice %dma_wait3A_333[%dma_wait3A_334, %dma_wait3A_335] : memref<10000x64xf32, #tpu.memory_space<hbm>> -> memref<10000x64xf32, #tpu.memory_space<hbm>>
      tpu.wait_indirect_dma semaphore(%arg17 : memref<!tpu.dma_semaphore, #tpu.memory_space<semaphore_mem>>) src(%dma_wait3A_336 : memref<10000x64xf32, #tpu.memory_space<hbm>>) dst(%arg9 : memref<125x64xf32, #tpu.memory_space<vmem>>)
      %add3A_337 = arith.constant 2 : i32
      %add3A_338 = arith.addi %mul3A_282, %add3A_337 : i32
      %dma_start3A_339 = arith.constant 0 : i32
      %dma_start3A_340 = tpu.memref_slice %arg6[%add3A_338, %dma_start3A_339] : memref<80x125xi32, #tpu.memory_space<vmem>> -> memref<1x125xi32, #tpu.memory_space<vmem>>
      %dma_start3A_341 = tpu.memref_squeeze %dma_start3A_340 : memref<1x125xi32, #tpu.memory_space<vmem>> -> memref<125xi32, #tpu.memory_space<vmem>>
      %dma_start3A_342 = arith.constant 0 : i32
      %dma_start3A_343 = arith.constant 0 : i32
      %dma_start3A_344 = tpu.memref_slice %arg31[%dma_start3A_342, %dma_start3A_343] : memref<10240x64xf32, #tpu.memory_space<vmem_shared>> -> memref<10240x64xf32, #tpu.memory_space<vmem_shared>>
      tpu.enqueue_indirect_dma source(%arg9 : memref<125x64xf32, #tpu.memory_space<vmem>>) target(%dma_start3A_344 : memref<10240x64xf32, #tpu.memory_space<vmem_shared>>) offsets(%dma_start3A_341 : memref<125xi32, #tpu.memory_space<vmem>>) semaphore(%arg25 : memref<!tpu.dma_semaphore, #tpu.memory_space<semaphore_mem>>) {add = true}
      %add3A_345 = arith.constant 3 : i32
      %add3A_346 = arith.addi %mul3A_282, %add3A_345 : i32
      %dma_wait3A_347 = arith.constant 1 : i32
      %dma_wait3A_348 = arith.constant 0 : i32
      %dma_wait3A_349 = tpu.memref_slice %arg5[%add3A_346, %dma_wait3A_348] : memref<80x125xi32, #tpu.memory_space<vmem>> -> memref<1x125xi32, #tpu.memory_space<vmem>>
      %dma_wait3A_350 = tpu.memref_squeeze %dma_wait3A_349 : memref<1x125xi32, #tpu.memory_space<vmem>> -> memref<125xi32, #tpu.memory_space<vmem>>
      %dma_wait3A_351 = arith.constant 0 : i32
      %dma_wait3A_352 = arith.constant 0 : i32
      %dma_wait3A_353 = tpu.memref_slice %arg2[%dma_wait3A_347, %dma_wait3A_351, %dma_wait3A_352] : memref<2x10000x64xf32, #tpu.memory_space<hbm>> -> memref<1x10000x64xf32, #tpu.memory_space<hbm>>
      %dma_wait3A_354 = tpu.memref_squeeze %dma_wait3A_353 : memref<1x10000x64xf32, #tpu.memory_space<hbm>> -> memref<10000x64xf32, #tpu.memory_space<hbm>>
      %dma_wait3A_355 = arith.constant 0 : i32
      %dma_wait3A_356 = arith.constant 0 : i32
      %dma_wait3A_357 = tpu.memref_slice %dma_wait3A_354[%dma_wait3A_355, %dma_wait3A_356] : memref<10000x64xf32, #tpu.memory_space<hbm>> -> memref<10000x64xf32, #tpu.memory_space<hbm>>
      tpu.wait_indirect_dma semaphore(%arg18 : memref<!tpu.dma_semaphore, #tpu.memory_space<semaphore_mem>>) src(%dma_wait3A_357 : memref<10000x64xf32, #tpu.memory_space<hbm>>) dst(%arg10 : memref<125x64xf32, #tpu.memory_space<vmem>>)
      %add3A_358 = arith.constant 3 : i32
      %add3A_359 = arith.addi %mul3A_282, %add3A_358 : i32
      %dma_start3A_360 = arith.constant 0 : i32
      %dma_start3A_361 = tpu.memref_slice %arg6[%add3A_359, %dma_start3A_360] : memref<80x125xi32, #tpu.memory_space<vmem>> -> memref<1x125xi32, #tpu.memory_space<vmem>>
      %dma_start3A_362 = tpu.memref_squeeze %dma_start3A_361 : memref<1x125xi32, #tpu.memory_space<vmem>> -> memref<125xi32, #tpu.memory_space<vmem>>
      %dma_start3A_363 = arith.constant 0 : i32
      %dma_start3A_364 = arith.constant 0 : i32
      %dma_start3A_365 = tpu.memref_slice %arg31[%dma_start3A_363, %dma_start3A_364] : memref<10240x64xf32, #tpu.memory_space<vmem_shared>> -> memref<10240x64xf32, #tpu.memory_space<vmem_shared>>
      tpu.enqueue_indirect_dma source(%arg10 : memref<125x64xf32, #tpu.memory_space<vmem>>) target(%dma_start3A_365 : memref<10240x64xf32, #tpu.memory_space<vmem_shared>>) offsets(%dma_start3A_362 : memref<125xi32, #tpu.memory_space<vmem>>) semaphore(%arg26 : memref<!tpu.dma_semaphore, #tpu.memory_space<semaphore_mem>>) {add = true}
      %add3A_366 = arith.constant 4 : i32
      %add3A_367 = arith.addi %mul3A_282, %add3A_366 : i32
      %dma_wait3A_368 = arith.constant 1 : i32
      %dma_wait3A_369 = arith.constant 0 : i32
      %dma_wait3A_370 = tpu.memref_slice %arg5[%add3A_367, %dma_wait3A_369] : memref<80x125xi32, #tpu.memory_space<vmem>> -> memref<1x125xi32, #tpu.memory_space<vmem>>
      %dma_wait3A_371 = tpu.memref_squeeze %dma_wait3A_370 : memref<1x125xi32, #tpu.memory_space<vmem>> -> memref<125xi32, #tpu.memory_space<vmem>>
      %dma_wait3A_372 = arith.constant 0 : i32
      %dma_wait3A_373 = arith.constant 0 : i32
      %dma_wait3A_374 = tpu.memref_slice %arg2[%dma_wait3A_368, %dma_wait3A_372, %dma_wait3A_373] : memref<2x10000x64xf32, #tpu.memory_space<hbm>> -> memref<1x10000x64xf32, #tpu.memory_space<hbm>>
      %dma_wait3A_375 = tpu.memref_squeeze %dma_wait3A_374 : memref<1x10000x64xf32, #tpu.memory_space<hbm>> -> memref<10000x64xf32, #tpu.memory_space<hbm>>
      %dma_wait3A_376 = arith.constant 0 : i32
      %dma_wait3A_377 = arith.constant 0 : i32
      %dma_wait3A_378 = tpu.memref_slice %dma_wait3A_375[%dma_wait3A_376, %dma_wait3A_377] : memref<10000x64xf32, #tpu.memory_space<hbm>> -> memref<10000x64xf32, #tpu.memory_space<hbm>>
      tpu.wait_indirect_dma semaphore(%arg19 : memref<!tpu.dma_semaphore, #tpu.memory_space<semaphore_mem>>) src(%dma_wait3A_378 : memref<10000x64xf32, #tpu.memory_space<hbm>>) dst(%arg11 : memref<125x64xf32, #tpu.memory_space<vmem>>)
      %add3A_379 = arith.constant 4 : i32
      %add3A_380 = arith.addi %mul3A_282, %add3A_379 : i32
      %dma_start3A_381 = arith.constant 0 : i32
      %dma_start3A_382 = tpu.memref_slice %arg6[%add3A_380, %dma_start3A_381] : memref<80x125xi32, #tpu.memory_space<vmem>> -> memref<1x125xi32, #tpu.memory_space<vmem>>
      %dma_start3A_383 = tpu.memref_squeeze %dma_start3A_382 : memref<1x125xi32, #tpu.memory_space<vmem>> -> memref<125xi32, #tpu.memory_space<vmem>>
      %dma_start3A_384 = arith.constant 0 : i32
      %dma_start3A_385 = arith.constant 0 : i32
      %dma_start3A_386 = tpu.memref_slice %arg31[%dma_start3A_384, %dma_start3A_385] : memref<10240x64xf32, #tpu.memory_space<vmem_shared>> -> memref<10240x64xf32, #tpu.memory_space<vmem_shared>>
      tpu.enqueue_indirect_dma source(%arg11 : memref<125x64xf32, #tpu.memory_space<vmem>>) target(%dma_start3A_386 : memref<10240x64xf32, #tpu.memory_space<vmem_shared>>) offsets(%dma_start3A_383 : memref<125xi32, #tpu.memory_space<vmem>>) semaphore(%arg27 : memref<!tpu.dma_semaphore, #tpu.memory_space<semaphore_mem>>) {add = true}
      %add3A_387 = arith.constant 5 : i32
      %add3A_388 = arith.addi %mul3A_282, %add3A_387 : i32
      %dma_wait3A_389 = arith.constant 1 : i32
      %dma_wait3A_390 = arith.constant 0 : i32
      %dma_wait3A_391 = tpu.memref_slice %arg5[%add3A_388, %dma_wait3A_390] : memref<80x125xi32, #tpu.memory_space<vmem>> -> memref<1x125xi32, #tpu.memory_space<vmem>>
      %dma_wait3A_392 = tpu.memref_squeeze %dma_wait3A_391 : memref<1x125xi32, #tpu.memory_space<vmem>> -> memref<125xi32, #tpu.memory_space<vmem>>
      %dma_wait3A_393 = arith.constant 0 : i32
      %dma_wait3A_394 = arith.constant 0 : i32
      %dma_wait3A_395 = tpu.memref_slice %arg2[%dma_wait3A_389, %dma_wait3A_393, %dma_wait3A_394] : memref<2x10000x64xf32, #tpu.memory_space<hbm>> -> memref<1x10000x64xf32, #tpu.memory_space<hbm>>
      %dma_wait3A_396 = tpu.memref_squeeze %dma_wait3A_395 : memref<1x10000x64xf32, #tpu.memory_space<hbm>> -> memref<10000x64xf32, #tpu.memory_space<hbm>>
      %dma_wait3A_397 = arith.constant 0 : i32
      %dma_wait3A_398 = arith.constant 0 : i32
      %dma_wait3A_399 = tpu.memref_slice %dma_wait3A_396[%dma_wait3A_397, %dma_wait3A_398] : memref<10000x64xf32, #tpu.memory_space<hbm>> -> memref<10000x64xf32, #tpu.memory_space<hbm>>
      tpu.wait_indirect_dma semaphore(%arg20 : memref<!tpu.dma_semaphore, #tpu.memory_space<semaphore_mem>>) src(%dma_wait3A_399 : memref<10000x64xf32, #tpu.memory_space<hbm>>) dst(%arg12 : memref<125x64xf32, #tpu.memory_space<vmem>>)
      %add3A_400 = arith.constant 5 : i32
      %add3A_401 = arith.addi %mul3A_282, %add3A_400 : i32
      %dma_start3A_402 = arith.constant 0 : i32
      %dma_start3A_403 = tpu.memref_slice %arg6[%add3A_401, %dma_start3A_402] : memref<80x125xi32, #tpu.memory_space<vmem>> -> memref<1x125xi32, #tpu.memory_space<vmem>>
      %dma_start3A_404 = tpu.memref_squeeze %dma_start3A_403 : memref<1x125xi32, #tpu.memory_space<vmem>> -> memref<125xi32, #tpu.memory_space<vmem>>
      %dma_start3A_405 = arith.constant 0 : i32
      %dma_start3A_406 = arith.constant 0 : i32
      %dma_start3A_407 = tpu.memref_slice %arg31[%dma_start3A_405, %dma_start3A_406] : memref<10240x64xf32, #tpu.memory_space<vmem_shared>> -> memref<10240x64xf32, #tpu.memory_space<vmem_shared>>
      tpu.enqueue_indirect_dma source(%arg12 : memref<125x64xf32, #tpu.memory_space<vmem>>) target(%dma_start3A_407 : memref<10240x64xf32, #tpu.memory_space<vmem_shared>>) offsets(%dma_start3A_404 : memref<125xi32, #tpu.memory_space<vmem>>) semaphore(%arg28 : memref<!tpu.dma_semaphore, #tpu.memory_space<semaphore_mem>>) {add = true}
      %add3A_408 = arith.constant 6 : i32
      %add3A_409 = arith.addi %mul3A_282, %add3A_408 : i32
      %dma_wait3A_410 = arith.constant 1 : i32
      %dma_wait3A_411 = arith.constant 0 : i32
      %dma_wait3A_412 = tpu.memref_slice %arg5[%add3A_409, %dma_wait3A_411] : memref<80x125xi32, #tpu.memory_space<vmem>> -> memref<1x125xi32, #tpu.memory_space<vmem>>
      %dma_wait3A_413 = tpu.memref_squeeze %dma_wait3A_412 : memref<1x125xi32, #tpu.memory_space<vmem>> -> memref<125xi32, #tpu.memory_space<vmem>>
      %dma_wait3A_414 = arith.constant 0 : i32
      %dma_wait3A_415 = arith.constant 0 : i32
      %dma_wait3A_416 = tpu.memref_slice %arg2[%dma_wait3A_410, %dma_wait3A_414, %dma_wait3A_415] : memref<2x10000x64xf32, #tpu.memory_space<hbm>> -> memref<1x10000x64xf32, #tpu.memory_space<hbm>>
      %dma_wait3A_417 = tpu.memref_squeeze %dma_wait3A_416 : memref<1x10000x64xf32, #tpu.memory_space<hbm>> -> memref<10000x64xf32, #tpu.memory_space<hbm>>
      %dma_wait3A_418 = arith.constant 0 : i32
      %dma_wait3A_419 = arith.constant 0 : i32
      %dma_wait3A_420 = tpu.memref_slice %dma_wait3A_417[%dma_wait3A_418, %dma_wait3A_419] : memref<10000x64xf32, #tpu.memory_space<hbm>> -> memref<10000x64xf32, #tpu.memory_space<hbm>>
      tpu.wait_indirect_dma semaphore(%arg21 : memref<!tpu.dma_semaphore, #tpu.memory_space<semaphore_mem>>) src(%dma_wait3A_420 : memref<10000x64xf32, #tpu.memory_space<hbm>>) dst(%arg13 : memref<125x64xf32, #tpu.memory_space<vmem>>)
      %add3A_421 = arith.constant 6 : i32
      %add3A_422 = arith.addi %mul3A_282, %add3A_421 : i32
      %dma_start3A_423 = arith.constant 0 : i32
      %dma_start3A_424 = tpu.memref_slice %arg6[%add3A_422, %dma_start3A_423] : memref<80x125xi32, #tpu.memory_space<vmem>> -> memref<1x125xi32, #tpu.memory_space<vmem>>
      %dma_start3A_425 = tpu.memref_squeeze %dma_start3A_424 : memref<1x125xi32, #tpu.memory_space<vmem>> -> memref<125xi32, #tpu.memory_space<vmem>>
      %dma_start3A_426 = arith.constant 0 : i32
      %dma_start3A_427 = arith.constant 0 : i32
      %dma_start3A_428 = tpu.memref_slice %arg31[%dma_start3A_426, %dma_start3A_427] : memref<10240x64xf32, #tpu.memory_space<vmem_shared>> -> memref<10240x64xf32, #tpu.memory_space<vmem_shared>>
      tpu.enqueue_indirect_dma source(%arg13 : memref<125x64xf32, #tpu.memory_space<vmem>>) target(%dma_start3A_428 : memref<10240x64xf32, #tpu.memory_space<vmem_shared>>) offsets(%dma_start3A_425 : memref<125xi32, #tpu.memory_space<vmem>>) semaphore(%arg29 : memref<!tpu.dma_semaphore, #tpu.memory_space<semaphore_mem>>) {add = true}
      %add3A_429 = arith.constant 7 : i32
      %add3A_430 = arith.addi %mul3A_282, %add3A_429 : i32
      %dma_wait3A_431 = arith.constant 1 : i32
      %dma_wait3A_432 = arith.constant 0 : i32
      %dma_wait3A_433 = tpu.memref_slice %arg5[%add3A_430, %dma_wait3A_432] : memref<80x125xi32, #tpu.memory_space<vmem>> -> memref<1x125xi32, #tpu.memory_space<vmem>>
      %dma_wait3A_434 = tpu.memref_squeeze %dma_wait3A_433 : memref<1x125xi32, #tpu.memory_space<vmem>> -> memref<125xi32, #tpu.memory_space<vmem>>
      %dma_wait3A_435 = arith.constant 0 : i32
      %dma_wait3A_436 = arith.constant 0 : i32
      %dma_wait3A_437 = tpu.memref_slice %arg2[%dma_wait3A_431, %dma_wait3A_435, %dma_wait3A_436] : memref<2x10000x64xf32, #tpu.memory_space<hbm>> -> memref<1x10000x64xf32, #tpu.memory_space<hbm>>
      %dma_wait3A_438 = tpu.memref_squeeze %dma_wait3A_437 : memref<1x10000x64xf32, #tpu.memory_space<hbm>> -> memref<10000x64xf32, #tpu.memory_space<hbm>>
      %dma_wait3A_439 = arith.constant 0 : i32
      %dma_wait3A_440 = arith.constant 0 : i32
      %dma_wait3A_441 = tpu.memref_slice %dma_wait3A_438[%dma_wait3A_439, %dma_wait3A_440] : memref<10000x64xf32, #tpu.memory_space<hbm>> -> memref<10000x64xf32, #tpu.memory_space<hbm>>
      tpu.wait_indirect_dma semaphore(%arg22 : memref<!tpu.dma_semaphore, #tpu.memory_space<semaphore_mem>>) src(%dma_wait3A_441 : memref<10000x64xf32, #tpu.memory_space<hbm>>) dst(%arg14 : memref<125x64xf32, #tpu.memory_space<vmem>>)
      %add3A_442 = arith.constant 7 : i32
      %add3A_443 = arith.addi %mul3A_282, %add3A_442 : i32
      %dma_start3A_444 = arith.constant 0 : i32
      %dma_start3A_445 = tpu.memref_slice %arg6[%add3A_443, %dma_start3A_444] : memref<80x125xi32, #tpu.memory_space<vmem>> -> memref<1x125xi32, #tpu.memory_space<vmem>>
      %dma_start3A_446 = tpu.memref_squeeze %dma_start3A_445 : memref<1x125xi32, #tpu.memory_space<vmem>> -> memref<125xi32, #tpu.memory_space<vmem>>
      %dma_start3A_447 = arith.constant 0 : i32
      %dma_start3A_448 = arith.constant 0 : i32
      %dma_start3A_449 = tpu.memref_slice %arg31[%dma_start3A_447, %dma_start3A_448] : memref<10240x64xf32, #tpu.memory_space<vmem_shared>> -> memref<10240x64xf32, #tpu.memory_space<vmem_shared>>
      tpu.enqueue_indirect_dma source(%arg14 : memref<125x64xf32, #tpu.memory_space<vmem>>) target(%dma_start3A_449 : memref<10240x64xf32, #tpu.memory_space<vmem_shared>>) offsets(%dma_start3A_446 : memref<125xi32, #tpu.memory_space<vmem>>) semaphore(%arg30 : memref<!tpu.dma_semaphore, #tpu.memory_space<semaphore_mem>>) {add = true}
      %add3A_450 = arith.constant 0 : i32
      %add3A_451 = arith.addi %mul3A_282, %add3A_450 : i32
      %dma_wait3A_452 = arith.constant 0 : i32
      %dma_wait3A_453 = tpu.memref_slice %arg6[%add3A_451, %dma_wait3A_452] : memref<80x125xi32, #tpu.memory_space<vmem>> -> memref<1x125xi32, #tpu.memory_space<vmem>>
      %dma_wait3A_454 = tpu.memref_squeeze %dma_wait3A_453 : memref<1x125xi32, #tpu.memory_space<vmem>> -> memref<125xi32, #tpu.memory_space<vmem>>
      %dma_wait3A_455 = arith.constant 0 : i32
      %dma_wait3A_456 = arith.constant 0 : i32
      %dma_wait3A_457 = tpu.memref_slice %arg31[%dma_wait3A_455, %dma_wait3A_456] : memref<10240x64xf32, #tpu.memory_space<vmem_shared>> -> memref<10240x64xf32, #tpu.memory_space<vmem_shared>>
      tpu.wait_indirect_dma semaphore(%arg23 : memref<!tpu.dma_semaphore, #tpu.memory_space<semaphore_mem>>) src(%arg7 : memref<125x64xf32, #tpu.memory_space<vmem>>) dst(%dma_wait3A_457 : memref<10240x64xf32, #tpu.memory_space<vmem_shared>>)
      %add3A_458 = arith.constant 0 : i32
      %add3A_459 = arith.addi %mul3A_282, %add3A_458 : i32
      %add3A_460 = arith.constant 8 : i32
      %add3A_461 = arith.addi %add3A_459, %add3A_460 : i32
      %lt3A = arith.constant 80 : i32
      %lt3A_462 = arith.cmpi slt, %add3A_461, %lt3A : i32
      %convert_element_type3A = arith.extui %lt3A_462 : i1 to i32
      %cond3A = arith.constant 0 : i32
      %cond3A_463 = arith.cmpi ne, %convert_element_type3A, %cond3A : i32
      scf.if %cond3A_463 {
        %add3A_583 = arith.constant 0 : i32
        %add3A_584 = arith.addi %mul3A_282, %add3A_583 : i32
        %add3A_585 = arith.constant 8 : i32
        %add3A_586 = arith.addi %add3A_584, %add3A_585 : i32
        %dma_start3A_587 = arith.constant 1 : i32
        %dma_start3A_588 = arith.constant 0 : i32
        %dma_start3A_589 = tpu.memref_slice %arg5[%add3A_586, %dma_start3A_588] : memref<80x125xi32, #tpu.memory_space<vmem>> -> memref<1x125xi32, #tpu.memory_space<vmem>>
        %dma_start3A_590 = tpu.memref_squeeze %dma_start3A_589 : memref<1x125xi32, #tpu.memory_space<vmem>> -> memref<125xi32, #tpu.memory_space<vmem>>
        %dma_start3A_591 = arith.constant 0 : i32
        %dma_start3A_592 = arith.constant 0 : i32
        %dma_start3A_593 = tpu.memref_slice %arg2[%dma_start3A_587, %dma_start3A_591, %dma_start3A_592] : memref<2x10000x64xf32, #tpu.memory_space<hbm>> -> memref<1x10000x64xf32, #tpu.memory_space<hbm>>
        %dma_start3A_594 = tpu.memref_squeeze %dma_start3A_593 : memref<1x10000x64xf32, #tpu.memory_space<hbm>> -> memref<10000x64xf32, #tpu.memory_space<hbm>>
        %dma_start3A_595 = arith.constant 0 : i32
        %dma_start3A_596 = arith.constant 0 : i32
        %dma_start3A_597 = tpu.memref_slice %dma_start3A_594[%dma_start3A_595, %dma_start3A_596] : memref<10000x64xf32, #tpu.memory_space<hbm>> -> memref<10000x64xf32, #tpu.memory_space<hbm>>
        tpu.enqueue_indirect_dma source(%dma_start3A_597 : memref<10000x64xf32, #tpu.memory_space<hbm>>) target(%arg7 : memref<125x64xf32, #tpu.memory_space<vmem>>) offsets(%dma_start3A_590 : memref<125xi32, #tpu.memory_space<vmem>>) semaphore(%arg15 : memref<!tpu.dma_semaphore, #tpu.memory_space<semaphore_mem>>)
      } else {
      }
      %add3A_464 = arith.constant 1 : i32
      %add3A_465 = arith.addi %mul3A_282, %add3A_464 : i32
      %dma_wait3A_466 = arith.constant 0 : i32
      %dma_wait3A_467 = tpu.memref_slice %arg6[%add3A_465, %dma_wait3A_466] : memref<80x125xi32, #tpu.memory_space<vmem>> -> memref<1x125xi32, #tpu.memory_space<vmem>>
      %dma_wait3A_468 = tpu.memref_squeeze %dma_wait3A_467 : memref<1x125xi32, #tpu.memory_space<vmem>> -> memref<125xi32, #tpu.memory_space<vmem>>
      %dma_wait3A_469 = arith.constant 0 : i32
      %dma_wait3A_470 = arith.constant 0 : i32
      %dma_wait3A_471 = tpu.memref_slice %arg31[%dma_wait3A_469, %dma_wait3A_470] : memref<10240x64xf32, #tpu.memory_space<vmem_shared>> -> memref<10240x64xf32, #tpu.memory_space<vmem_shared>>
      tpu.wait_indirect_dma semaphore(%arg24 : memref<!tpu.dma_semaphore, #tpu.memory_space<semaphore_mem>>) src(%arg8 : memref<125x64xf32, #tpu.memory_space<vmem>>) dst(%dma_wait3A_471 : memref<10240x64xf32, #tpu.memory_space<vmem_shared>>)
      %add3A_472 = arith.constant 1 : i32
      %add3A_473 = arith.addi %mul3A_282, %add3A_472 : i32
      %add3A_474 = arith.constant 8 : i32
      %add3A_475 = arith.addi %add3A_473, %add3A_474 : i32
      %lt3A_476 = arith.constant 80 : i32
      %lt3A_477 = arith.cmpi slt, %add3A_475, %lt3A_476 : i32
      %convert_element_type3A_478 = arith.extui %lt3A_477 : i1 to i32
      %cond3A_479 = arith.constant 0 : i32
      %cond3A_480 = arith.cmpi ne, %convert_element_type3A_478, %cond3A_479 : i32
      scf.if %cond3A_480 {
        %add3A_583 = arith.constant 1 : i32
        %add3A_584 = arith.addi %mul3A_282, %add3A_583 : i32
        %add3A_585 = arith.constant 8 : i32
        %add3A_586 = arith.addi %add3A_584, %add3A_585 : i32
        %dma_start3A_587 = arith.constant 1 : i32
        %dma_start3A_588 = arith.constant 0 : i32
        %dma_start3A_589 = tpu.memref_slice %arg5[%add3A_586, %dma_start3A_588] : memref<80x125xi32, #tpu.memory_space<vmem>> -> memref<1x125xi32, #tpu.memory_space<vmem>>
        %dma_start3A_590 = tpu.memref_squeeze %dma_start3A_589 : memref<1x125xi32, #tpu.memory_space<vmem>> -> memref<125xi32, #tpu.memory_space<vmem>>
        %dma_start3A_591 = arith.constant 0 : i32
        %dma_start3A_592 = arith.constant 0 : i32
        %dma_start3A_593 = tpu.memref_slice %arg2[%dma_start3A_587, %dma_start3A_591, %dma_start3A_592] : memref<2x10000x64xf32, #tpu.memory_space<hbm>> -> memref<1x10000x64xf32, #tpu.memory_space<hbm>>
        %dma_start3A_594 = tpu.memref_squeeze %dma_start3A_593 : memref<1x10000x64xf32, #tpu.memory_space<hbm>> -> memref<10000x64xf32, #tpu.memory_space<hbm>>
        %dma_start3A_595 = arith.constant 0 : i32
        %dma_start3A_596 = arith.constant 0 : i32
        %dma_start3A_597 = tpu.memref_slice %dma_start3A_594[%dma_start3A_595, %dma_start3A_596] : memref<10000x64xf32, #tpu.memory_space<hbm>> -> memref<10000x64xf32, #tpu.memory_space<hbm>>
        tpu.enqueue_indirect_dma source(%dma_start3A_597 : memref<10000x64xf32, #tpu.memory_space<hbm>>) target(%arg8 : memref<125x64xf32, #tpu.memory_space<vmem>>) offsets(%dma_start3A_590 : memref<125xi32, #tpu.memory_space<vmem>>) semaphore(%arg16 : memref<!tpu.dma_semaphore, #tpu.memory_space<semaphore_mem>>)
      } else {
      }
      %add3A_481 = arith.constant 2 : i32
      %add3A_482 = arith.addi %mul3A_282, %add3A_481 : i32
      %dma_wait3A_483 = arith.constant 0 : i32
      %dma_wait3A_484 = tpu.memref_slice %arg6[%add3A_482, %dma_wait3A_483] : memref<80x125xi32, #tpu.memory_space<vmem>> -> memref<1x125xi32, #tpu.memory_space<vmem>>
      %dma_wait3A_485 = tpu.memref_squeeze %dma_wait3A_484 : memref<1x125xi32, #tpu.memory_space<vmem>> -> memref<125xi32, #tpu.memory_space<vmem>>
      %dma_wait3A_486 = arith.constant 0 : i32
      %dma_wait3A_487 = arith.constant 0 : i32
      %dma_wait3A_488 = tpu.memref_slice %arg31[%dma_wait3A_486, %dma_wait3A_487] : memref<10240x64xf32, #tpu.memory_space<vmem_shared>> -> memref<10240x64xf32, #tpu.memory_space<vmem_shared>>
      tpu.wait_indirect_dma semaphore(%arg25 : memref<!tpu.dma_semaphore, #tpu.memory_space<semaphore_mem>>) src(%arg9 : memref<125x64xf32, #tpu.memory_space<vmem>>) dst(%dma_wait3A_488 : memref<10240x64xf32, #tpu.memory_space<vmem_shared>>)
      %add3A_489 = arith.constant 2 : i32
      %add3A_490 = arith.addi %mul3A_282, %add3A_489 : i32
      %add3A_491 = arith.constant 8 : i32
      %add3A_492 = arith.addi %add3A_490, %add3A_491 : i32
      %lt3A_493 = arith.constant 80 : i32
      %lt3A_494 = arith.cmpi slt, %add3A_492, %lt3A_493 : i32
      %convert_element_type3A_495 = arith.extui %lt3A_494 : i1 to i32
      %cond3A_496 = arith.constant 0 : i32
      %cond3A_497 = arith.cmpi ne, %convert_element_type3A_495, %cond3A_496 : i32
      scf.if %cond3A_497 {
        %add3A_583 = arith.constant 2 : i32
        %add3A_584 = arith.addi %mul3A_282, %add3A_583 : i32
        %add3A_585 = arith.constant 8 : i32
        %add3A_586 = arith.addi %add3A_584, %add3A_585 : i32
        %dma_start3A_587 = arith.constant 1 : i32
        %dma_start3A_588 = arith.constant 0 : i32
        %dma_start3A_589 = tpu.memref_slice %arg5[%add3A_586, %dma_start3A_588] : memref<80x125xi32, #tpu.memory_space<vmem>> -> memref<1x125xi32, #tpu.memory_space<vmem>>
        %dma_start3A_590 = tpu.memref_squeeze %dma_start3A_589 : memref<1x125xi32, #tpu.memory_space<vmem>> -> memref<125xi32, #tpu.memory_space<vmem>>
        %dma_start3A_591 = arith.constant 0 : i32
        %dma_start3A_592 = arith.constant 0 : i32
        %dma_start3A_593 = tpu.memref_slice %arg2[%dma_start3A_587, %dma_start3A_591, %dma_start3A_592] : memref<2x10000x64xf32, #tpu.memory_space<hbm>> -> memref<1x10000x64xf32, #tpu.memory_space<hbm>>
        %dma_start3A_594 = tpu.memref_squeeze %dma_start3A_593 : memref<1x10000x64xf32, #tpu.memory_space<hbm>> -> memref<10000x64xf32, #tpu.memory_space<hbm>>
        %dma_start3A_595 = arith.constant 0 : i32
        %dma_start3A_596 = arith.constant 0 : i32
        %dma_start3A_597 = tpu.memref_slice %dma_start3A_594[%dma_start3A_595, %dma_start3A_596] : memref<10000x64xf32, #tpu.memory_space<hbm>> -> memref<10000x64xf32, #tpu.memory_space<hbm>>
        tpu.enqueue_indirect_dma source(%dma_start3A_597 : memref<10000x64xf32, #tpu.memory_space<hbm>>) target(%arg9 : memref<125x64xf32, #tpu.memory_space<vmem>>) offsets(%dma_start3A_590 : memref<125xi32, #tpu.memory_space<vmem>>) semaphore(%arg17 : memref<!tpu.dma_semaphore, #tpu.memory_space<semaphore_mem>>)
      } else {
      }
      %add3A_498 = arith.constant 3 : i32
      %add3A_499 = arith.addi %mul3A_282, %add3A_498 : i32
      %dma_wait3A_500 = arith.constant 0 : i32
      %dma_wait3A_501 = tpu.memref_slice %arg6[%add3A_499, %dma_wait3A_500] : memref<80x125xi32, #tpu.memory_space<vmem>> -> memref<1x125xi32, #tpu.memory_space<vmem>>
      %dma_wait3A_502 = tpu.memref_squeeze %dma_wait3A_501 : memref<1x125xi32, #tpu.memory_space<vmem>> -> memref<125xi32, #tpu.memory_space<vmem>>
      %dma_wait3A_503 = arith.constant 0 : i32
      %dma_wait3A_504 = arith.constant 0 : i32
      %dma_wait3A_505 = tpu.memref_slice %arg31[%dma_wait3A_503, %dma_wait3A_504] : memref<10240x64xf32, #tpu.memory_space<vmem_shared>> -> memref<10240x64xf32, #tpu.memory_space<vmem_shared>>
      tpu.wait_indirect_dma semaphore(%arg26 : memref<!tpu.dma_semaphore, #tpu.memory_space<semaphore_mem>>) src(%arg10 : memref<125x64xf32, #tpu.memory_space<vmem>>) dst(%dma_wait3A_505 : memref<10240x64xf32, #tpu.memory_space<vmem_shared>>)
      %add3A_506 = arith.constant 3 : i32
      %add3A_507 = arith.addi %mul3A_282, %add3A_506 : i32
      %add3A_508 = arith.constant 8 : i32
      %add3A_509 = arith.addi %add3A_507, %add3A_508 : i32
      %lt3A_510 = arith.constant 80 : i32
      %lt3A_511 = arith.cmpi slt, %add3A_509, %lt3A_510 : i32
      %convert_element_type3A_512 = arith.extui %lt3A_511 : i1 to i32
      %cond3A_513 = arith.constant 0 : i32
      %cond3A_514 = arith.cmpi ne, %convert_element_type3A_512, %cond3A_513 : i32
      scf.if %cond3A_514 {
        %add3A_583 = arith.constant 3 : i32
        %add3A_584 = arith.addi %mul3A_282, %add3A_583 : i32
        %add3A_585 = arith.constant 8 : i32
        %add3A_586 = arith.addi %add3A_584, %add3A_585 : i32
        %dma_start3A_587 = arith.constant 1 : i32
        %dma_start3A_588 = arith.constant 0 : i32
        %dma_start3A_589 = tpu.memref_slice %arg5[%add3A_586, %dma_start3A_588] : memref<80x125xi32, #tpu.memory_space<vmem>> -> memref<1x125xi32, #tpu.memory_space<vmem>>
        %dma_start3A_590 = tpu.memref_squeeze %dma_start3A_589 : memref<1x125xi32, #tpu.memory_space<vmem>> -> memref<125xi32, #tpu.memory_space<vmem>>
        %dma_start3A_591 = arith.constant 0 : i32
        %dma_start3A_592 = arith.constant 0 : i32
        %dma_start3A_593 = tpu.memref_slice %arg2[%dma_start3A_587, %dma_start3A_591, %dma_start3A_592] : memref<2x10000x64xf32, #tpu.memory_space<hbm>> -> memref<1x10000x64xf32, #tpu.memory_space<hbm>>
        %dma_start3A_594 = tpu.memref_squeeze %dma_start3A_593 : memref<1x10000x64xf32, #tpu.memory_space<hbm>> -> memref<10000x64xf32, #tpu.memory_space<hbm>>
        %dma_start3A_595 = arith.constant 0 : i32
        %dma_start3A_596 = arith.constant 0 : i32
        %dma_start3A_597 = tpu.memref_slice %dma_start3A_594[%dma_start3A_595, %dma_start3A_596] : memref<10000x64xf32, #tpu.memory_space<hbm>> -> memref<10000x64xf32, #tpu.memory_space<hbm>>
        tpu.enqueue_indirect_dma source(%dma_start3A_597 : memref<10000x64xf32, #tpu.memory_space<hbm>>) target(%arg10 : memref<125x64xf32, #tpu.memory_space<vmem>>) offsets(%dma_start3A_590 : memref<125xi32, #tpu.memory_space<vmem>>) semaphore(%arg18 : memref<!tpu.dma_semaphore, #tpu.memory_space<semaphore_mem>>)
      } else {
      }
      %add3A_515 = arith.constant 4 : i32
      %add3A_516 = arith.addi %mul3A_282, %add3A_515 : i32
      %dma_wait3A_517 = arith.constant 0 : i32
      %dma_wait3A_518 = tpu.memref_slice %arg6[%add3A_516, %dma_wait3A_517] : memref<80x125xi32, #tpu.memory_space<vmem>> -> memref<1x125xi32, #tpu.memory_space<vmem>>
      %dma_wait3A_519 = tpu.memref_squeeze %dma_wait3A_518 : memref<1x125xi32, #tpu.memory_space<vmem>> -> memref<125xi32, #tpu.memory_space<vmem>>
      %dma_wait3A_520 = arith.constant 0 : i32
      %dma_wait3A_521 = arith.constant 0 : i32
      %dma_wait3A_522 = tpu.memref_slice %arg31[%dma_wait3A_520, %dma_wait3A_521] : memref<10240x64xf32, #tpu.memory_space<vmem_shared>> -> memref<10240x64xf32, #tpu.memory_space<vmem_shared>>
      tpu.wait_indirect_dma semaphore(%arg27 : memref<!tpu.dma_semaphore, #tpu.memory_space<semaphore_mem>>) src(%arg11 : memref<125x64xf32, #tpu.memory_space<vmem>>) dst(%dma_wait3A_522 : memref<10240x64xf32, #tpu.memory_space<vmem_shared>>)
      %add3A_523 = arith.constant 4 : i32
      %add3A_524 = arith.addi %mul3A_282, %add3A_523 : i32
      %add3A_525 = arith.constant 8 : i32
      %add3A_526 = arith.addi %add3A_524, %add3A_525 : i32
      %lt3A_527 = arith.constant 80 : i32
      %lt3A_528 = arith.cmpi slt, %add3A_526, %lt3A_527 : i32
      %convert_element_type3A_529 = arith.extui %lt3A_528 : i1 to i32
      %cond3A_530 = arith.constant 0 : i32
      %cond3A_531 = arith.cmpi ne, %convert_element_type3A_529, %cond3A_530 : i32
      scf.if %cond3A_531 {
        %add3A_583 = arith.constant 4 : i32
        %add3A_584 = arith.addi %mul3A_282, %add3A_583 : i32
        %add3A_585 = arith.constant 8 : i32
        %add3A_586 = arith.addi %add3A_584, %add3A_585 : i32
        %dma_start3A_587 = arith.constant 1 : i32
        %dma_start3A_588 = arith.constant 0 : i32
        %dma_start3A_589 = tpu.memref_slice %arg5[%add3A_586, %dma_start3A_588] : memref<80x125xi32, #tpu.memory_space<vmem>> -> memref<1x125xi32, #tpu.memory_space<vmem>>
        %dma_start3A_590 = tpu.memref_squeeze %dma_start3A_589 : memref<1x125xi32, #tpu.memory_space<vmem>> -> memref<125xi32, #tpu.memory_space<vmem>>
        %dma_start3A_591 = arith.constant 0 : i32
        %dma_start3A_592 = arith.constant 0 : i32
        %dma_start3A_593 = tpu.memref_slice %arg2[%dma_start3A_587, %dma_start3A_591, %dma_start3A_592] : memref<2x10000x64xf32, #tpu.memory_space<hbm>> -> memref<1x10000x64xf32, #tpu.memory_space<hbm>>
        %dma_start3A_594 = tpu.memref_squeeze %dma_start3A_593 : memref<1x10000x64xf32, #tpu.memory_space<hbm>> -> memref<10000x64xf32, #tpu.memory_space<hbm>>
        %dma_start3A_595 = arith.constant 0 : i32
        %dma_start3A_596 = arith.constant 0 : i32
        %dma_start3A_597 = tpu.memref_slice %dma_start3A_594[%dma_start3A_595, %dma_start3A_596] : memref<10000x64xf32, #tpu.memory_space<hbm>> -> memref<10000x64xf32, #tpu.memory_space<hbm>>
        tpu.enqueue_indirect_dma source(%dma_start3A_597 : memref<10000x64xf32, #tpu.memory_space<hbm>>) target(%arg11 : memref<125x64xf32, #tpu.memory_space<vmem>>) offsets(%dma_start3A_590 : memref<125xi32, #tpu.memory_space<vmem>>) semaphore(%arg19 : memref<!tpu.dma_semaphore, #tpu.memory_space<semaphore_mem>>)
      } else {
      }
      %add3A_532 = arith.constant 5 : i32
      %add3A_533 = arith.addi %mul3A_282, %add3A_532 : i32
      %dma_wait3A_534 = arith.constant 0 : i32
      %dma_wait3A_535 = tpu.memref_slice %arg6[%add3A_533, %dma_wait3A_534] : memref<80x125xi32, #tpu.memory_space<vmem>> -> memref<1x125xi32, #tpu.memory_space<vmem>>
      %dma_wait3A_536 = tpu.memref_squeeze %dma_wait3A_535 : memref<1x125xi32, #tpu.memory_space<vmem>> -> memref<125xi32, #tpu.memory_space<vmem>>
      %dma_wait3A_537 = arith.constant 0 : i32
      %dma_wait3A_538 = arith.constant 0 : i32
      %dma_wait3A_539 = tpu.memref_slice %arg31[%dma_wait3A_537, %dma_wait3A_538] : memref<10240x64xf32, #tpu.memory_space<vmem_shared>> -> memref<10240x64xf32, #tpu.memory_space<vmem_shared>>
      tpu.wait_indirect_dma semaphore(%arg28 : memref<!tpu.dma_semaphore, #tpu.memory_space<semaphore_mem>>) src(%arg12 : memref<125x64xf32, #tpu.memory_space<vmem>>) dst(%dma_wait3A_539 : memref<10240x64xf32, #tpu.memory_space<vmem_shared>>)
      %add3A_540 = arith.constant 5 : i32
      %add3A_541 = arith.addi %mul3A_282, %add3A_540 : i32
      %add3A_542 = arith.constant 8 : i32
      %add3A_543 = arith.addi %add3A_541, %add3A_542 : i32
      %lt3A_544 = arith.constant 80 : i32
      %lt3A_545 = arith.cmpi slt, %add3A_543, %lt3A_544 : i32
      %convert_element_type3A_546 = arith.extui %lt3A_545 : i1 to i32
      %cond3A_547 = arith.constant 0 : i32
      %cond3A_548 = arith.cmpi ne, %convert_element_type3A_546, %cond3A_547 : i32
      scf.if %cond3A_548 {
        %add3A_583 = arith.constant 5 : i32
        %add3A_584 = arith.addi %mul3A_282, %add3A_583 : i32
        %add3A_585 = arith.constant 8 : i32
        %add3A_586 = arith.addi %add3A_584, %add3A_585 : i32
        %dma_start3A_587 = arith.constant 1 : i32
        %dma_start3A_588 = arith.constant 0 : i32
        %dma_start3A_589 = tpu.memref_slice %arg5[%add3A_586, %dma_start3A_588] : memref<80x125xi32, #tpu.memory_space<vmem>> -> memref<1x125xi32, #tpu.memory_space<vmem>>
        %dma_start3A_590 = tpu.memref_squeeze %dma_start3A_589 : memref<1x125xi32, #tpu.memory_space<vmem>> -> memref<125xi32, #tpu.memory_space<vmem>>
        %dma_start3A_591 = arith.constant 0 : i32
        %dma_start3A_592 = arith.constant 0 : i32
        %dma_start3A_593 = tpu.memref_slice %arg2[%dma_start3A_587, %dma_start3A_591, %dma_start3A_592] : memref<2x10000x64xf32, #tpu.memory_space<hbm>> -> memref<1x10000x64xf32, #tpu.memory_space<hbm>>
        %dma_start3A_594 = tpu.memref_squeeze %dma_start3A_593 : memref<1x10000x64xf32, #tpu.memory_space<hbm>> -> memref<10000x64xf32, #tpu.memory_space<hbm>>
        %dma_start3A_595 = arith.constant 0 : i32
        %dma_start3A_596 = arith.constant 0 : i32
        %dma_start3A_597 = tpu.memref_slice %dma_start3A_594[%dma_start3A_595, %dma_start3A_596] : memref<10000x64xf32, #tpu.memory_space<hbm>> -> memref<10000x64xf32, #tpu.memory_space<hbm>>
        tpu.enqueue_indirect_dma source(%dma_start3A_597 : memref<10000x64xf32, #tpu.memory_space<hbm>>) target(%arg12 : memref<125x64xf32, #tpu.memory_space<vmem>>) offsets(%dma_start3A_590 : memref<125xi32, #tpu.memory_space<vmem>>) semaphore(%arg20 : memref<!tpu.dma_semaphore, #tpu.memory_space<semaphore_mem>>)
      } else {
      }
      %add3A_549 = arith.constant 6 : i32
      %add3A_550 = arith.addi %mul3A_282, %add3A_549 : i32
      %dma_wait3A_551 = arith.constant 0 : i32
      %dma_wait3A_552 = tpu.memref_slice %arg6[%add3A_550, %dma_wait3A_551] : memref<80x125xi32, #tpu.memory_space<vmem>> -> memref<1x125xi32, #tpu.memory_space<vmem>>
      %dma_wait3A_553 = tpu.memref_squeeze %dma_wait3A_552 : memref<1x125xi32, #tpu.memory_space<vmem>> -> memref<125xi32, #tpu.memory_space<vmem>>
      %dma_wait3A_554 = arith.constant 0 : i32
      %dma_wait3A_555 = arith.constant 0 : i32
      %dma_wait3A_556 = tpu.memref_slice %arg31[%dma_wait3A_554, %dma_wait3A_555] : memref<10240x64xf32, #tpu.memory_space<vmem_shared>> -> memref<10240x64xf32, #tpu.memory_space<vmem_shared>>
      tpu.wait_indirect_dma semaphore(%arg29 : memref<!tpu.dma_semaphore, #tpu.memory_space<semaphore_mem>>) src(%arg13 : memref<125x64xf32, #tpu.memory_space<vmem>>) dst(%dma_wait3A_556 : memref<10240x64xf32, #tpu.memory_space<vmem_shared>>)
      %add3A_557 = arith.constant 6 : i32
      %add3A_558 = arith.addi %mul3A_282, %add3A_557 : i32
      %add3A_559 = arith.constant 8 : i32
      %add3A_560 = arith.addi %add3A_558, %add3A_559 : i32
      %lt3A_561 = arith.constant 80 : i32
      %lt3A_562 = arith.cmpi slt, %add3A_560, %lt3A_561 : i32
      %convert_element_type3A_563 = arith.extui %lt3A_562 : i1 to i32
      %cond3A_564 = arith.constant 0 : i32
      %cond3A_565 = arith.cmpi ne, %convert_element_type3A_563, %cond3A_564 : i32
      scf.if %cond3A_565 {
        %add3A_583 = arith.constant 6 : i32
        %add3A_584 = arith.addi %mul3A_282, %add3A_583 : i32
        %add3A_585 = arith.constant 8 : i32
        %add3A_586 = arith.addi %add3A_584, %add3A_585 : i32
        %dma_start3A_587 = arith.constant 1 : i32
        %dma_start3A_588 = arith.constant 0 : i32
        %dma_start3A_589 = tpu.memref_slice %arg5[%add3A_586, %dma_start3A_588] : memref<80x125xi32, #tpu.memory_space<vmem>> -> memref<1x125xi32, #tpu.memory_space<vmem>>
        %dma_start3A_590 = tpu.memref_squeeze %dma_start3A_589 : memref<1x125xi32, #tpu.memory_space<vmem>> -> memref<125xi32, #tpu.memory_space<vmem>>
        %dma_start3A_591 = arith.constant 0 : i32
        %dma_start3A_592 = arith.constant 0 : i32
        %dma_start3A_593 = tpu.memref_slice %arg2[%dma_start3A_587, %dma_start3A_591, %dma_start3A_592] : memref<2x10000x64xf32, #tpu.memory_space<hbm>> -> memref<1x10000x64xf32, #tpu.memory_space<hbm>>
        %dma_start3A_594 = tpu.memref_squeeze %dma_start3A_593 : memref<1x10000x64xf32, #tpu.memory_space<hbm>> -> memref<10000x64xf32, #tpu.memory_space<hbm>>
        %dma_start3A_595 = arith.constant 0 : i32
        %dma_start3A_596 = arith.constant 0 : i32
        %dma_start3A_597 = tpu.memref_slice %dma_start3A_594[%dma_start3A_595, %dma_start3A_596] : memref<10000x64xf32, #tpu.memory_space<hbm>> -> memref<10000x64xf32, #tpu.memory_space<hbm>>
        tpu.enqueue_indirect_dma source(%dma_start3A_597 : memref<10000x64xf32, #tpu.memory_space<hbm>>) target(%arg13 : memref<125x64xf32, #tpu.memory_space<vmem>>) offsets(%dma_start3A_590 : memref<125xi32, #tpu.memory_space<vmem>>) semaphore(%arg21 : memref<!tpu.dma_semaphore, #tpu.memory_space<semaphore_mem>>)
      } else {
      }
      %add3A_566 = arith.constant 7 : i32
      %add3A_567 = arith.addi %mul3A_282, %add3A_566 : i32
      %dma_wait3A_568 = arith.constant 0 : i32
      %dma_wait3A_569 = tpu.memref_slice %arg6[%add3A_567, %dma_wait3A_568] : memref<80x125xi32, #tpu.memory_space<vmem>> -> memref<1x125xi32, #tpu.memory_space<vmem>>
      %dma_wait3A_570 = tpu.memref_squeeze %dma_wait3A_569 : memref<1x125xi32, #tpu.memory_space<vmem>> -> memref<125xi32, #tpu.memory_space<vmem>>
      %dma_wait3A_571 = arith.constant 0 : i32
      %dma_wait3A_572 = arith.constant 0 : i32
      %dma_wait3A_573 = tpu.memref_slice %arg31[%dma_wait3A_571, %dma_wait3A_572] : memref<10240x64xf32, #tpu.memory_space<vmem_shared>> -> memref<10240x64xf32, #tpu.memory_space<vmem_shared>>
      tpu.wait_indirect_dma semaphore(%arg30 : memref<!tpu.dma_semaphore, #tpu.memory_space<semaphore_mem>>) src(%arg14 : memref<125x64xf32, #tpu.memory_space<vmem>>) dst(%dma_wait3A_573 : memref<10240x64xf32, #tpu.memory_space<vmem_shared>>)
      %add3A_574 = arith.constant 7 : i32
      %add3A_575 = arith.addi %mul3A_282, %add3A_574 : i32
      %add3A_576 = arith.constant 8 : i32
      %add3A_577 = arith.addi %add3A_575, %add3A_576 : i32
      %lt3A_578 = arith.constant 80 : i32
      %lt3A_579 = arith.cmpi slt, %add3A_577, %lt3A_578 : i32
      %convert_element_type3A_580 = arith.extui %lt3A_579 : i1 to i32
      %cond3A_581 = arith.constant 0 : i32
      %cond3A_582 = arith.cmpi ne, %convert_element_type3A_580, %cond3A_581 : i32
      scf.if %cond3A_582 {
        %add3A_583 = arith.constant 7 : i32
        %add3A_584 = arith.addi %mul3A_282, %add3A_583 : i32
        %add3A_585 = arith.constant 8 : i32
        %add3A_586 = arith.addi %add3A_584, %add3A_585 : i32
        %dma_start3A_587 = arith.constant 1 : i32
        %dma_start3A_588 = arith.constant 0 : i32
        %dma_start3A_589 = tpu.memref_slice %arg5[%add3A_586, %dma_start3A_588] : memref<80x125xi32, #tpu.memory_space<vmem>> -> memref<1x125xi32, #tpu.memory_space<vmem>>
        %dma_start3A_590 = tpu.memref_squeeze %dma_start3A_589 : memref<1x125xi32, #tpu.memory_space<vmem>> -> memref<125xi32, #tpu.memory_space<vmem>>
        %dma_start3A_591 = arith.constant 0 : i32
        %dma_start3A_592 = arith.constant 0 : i32
        %dma_start3A_593 = tpu.memref_slice %arg2[%dma_start3A_587, %dma_start3A_591, %dma_start3A_592] : memref<2x10000x64xf32, #tpu.memory_space<hbm>> -> memref<1x10000x64xf32, #tpu.memory_space<hbm>>
        %dma_start3A_594 = tpu.memref_squeeze %dma_start3A_593 : memref<1x10000x64xf32, #tpu.memory_space<hbm>> -> memref<10000x64xf32, #tpu.memory_space<hbm>>
        %dma_start3A_595 = arith.constant 0 : i32
        %dma_start3A_596 = arith.constant 0 : i32
        %dma_start3A_597 = tpu.memref_slice %dma_start3A_594[%dma_start3A_595, %dma_start3A_596] : memref<10000x64xf32, #tpu.memory_space<hbm>> -> memref<10000x64xf32, #tpu.memory_space<hbm>>
        tpu.enqueue_indirect_dma source(%dma_start3A_597 : memref<10000x64xf32, #tpu.memory_space<hbm>>) target(%arg14 : memref<125x64xf32, #tpu.memory_space<vmem>>) offsets(%dma_start3A_590 : memref<125xi32, #tpu.memory_space<vmem>>) semaphore(%arg22 : memref<!tpu.dma_semaphore, #tpu.memory_space<semaphore_mem>>)
      } else {
      }
    }
    %scan3A_273 = arith.constant 10 : i32
    %barrier3A_274 = arith.constant 0 : index
    tpu.barrier barrier_id(%barrier3A_274)
    %mul3A_275 = arith.constant 640 : i32
    %mul3A_276 = arith.muli %arg1, %mul3A_275 : i32
    %mul3A_277 = arith.constant 640 : i32
    %mul3A_278 = arith.muli %arg1, %mul3A_277 : i32
    %run_scoped3A_279 = arith.constant 1 : i32
    "tpu.region"() ({
      %run_scoped3A_280 = tpu.sem_alloc : memref<!tpu.dma_semaphore, #tpu.memory_space<semaphore_mem>>
      %dma_start3A_281 = arith.constant 0 : i32
      %dma_start3A_282 = tpu.memref_slice %arg4[%arg0, %run_scoped3A_279, %mul3A_278, %dma_start3A_281] : memref<2x2x10240x64xf32, #tpu.memory_space<hbm>> -> memref<1x1x640x64xf32, #tpu.memory_space<hbm>>
      %dma_start3A_283 = tpu.memref_squeeze %dma_start3A_282 : memref<1x1x640x64xf32, #tpu.memory_space<hbm>> -> memref<640x64xf32, #tpu.memory_space<hbm>>
      %dma_start3A_284 = arith.constant 0 : i32
      %dma_start3A_285 = tpu.memref_slice %arg31[%mul3A_276, %dma_start3A_284] : memref<10240x64xf32, #tpu.memory_space<vmem_shared>> -> memref<640x64xf32, #tpu.memory_space<vmem_shared>>
      tpu.enqueue_dma source(%dma_start3A_285 : memref<640x64xf32, #tpu.memory_space<vmem_shared>>) target(%dma_start3A_283 : memref<640x64xf32, #tpu.memory_space<hbm>>) target_semaphore(%run_scoped3A_280 : memref<!tpu.dma_semaphore, #tpu.memory_space<semaphore_mem>>)
      %dma_wait3A = arith.constant 0 : i32
      %dma_wait3A_286 = tpu.memref_slice %arg4[%arg0, %run_scoped3A_279, %mul3A_278, %dma_wait3A] : memref<2x2x10240x64xf32, #tpu.memory_space<hbm>> -> memref<1x1x640x64xf32, #tpu.memory_space<hbm>>
      %dma_wait3A_287 = tpu.memref_squeeze %dma_wait3A_286 : memref<1x1x640x64xf32, #tpu.memory_space<hbm>> -> memref<640x64xf32, #tpu.memory_space<hbm>>
      %dma_wait3A_288 = arith.constant 0 : i32
      %dma_wait3A_289 = tpu.memref_slice %arg31[%mul3A_276, %dma_wait3A_288] : memref<10240x64xf32, #tpu.memory_space<vmem_shared>> -> memref<640x64xf32, #tpu.memory_space<vmem_shared>>
      tpu.wait_dma2 semaphore(%run_scoped3A_280 : memref<!tpu.dma_semaphore, #tpu.memory_space<semaphore_mem>>) src(%dma_wait3A_289 : memref<640x64xf32, #tpu.memory_space<vmem_shared>>) dst(%dma_wait3A_287 : memref<640x64xf32, #tpu.memory_space<hbm>>)
      tpu.yield
    }) : () -> ()
    return
  }
}

#map = affine_map<(d0, d1) -> (0, 0, 0)>
#map1 = affine_map<(d0, d1) -> (0, 0, 0, 0)>
module attributes {stable_mosaic.version = 14 : i64} {
  func.func @_edge_body(%arg0: i32, %arg1: i32, %arg2: memref<1x10000x64xf32, #tpu.memory_space<hbm>>, %arg3: memref<2x32x80x125xi32, #tpu.memory_space<hbm>>, %arg4: memref<2x1x10240x64xf32, #tpu.memory_space<hbm>>, %arg5: memref<80x125xi32, #tpu.memory_space<vmem>>, %arg6: memref<80x125xi32, #tpu.memory_space<vmem>>, %arg7: memref<125x64xf32, #tpu.memory_space<vmem>>, %arg8: memref<125x64xf32, #tpu.memory_space<vmem>>, %arg9: memref<125x64xf32, #tpu.memory_space<vmem>>, %arg10: memref<125x64xf32, #tpu.memory_space<vmem>>, %arg11: memref<125x64xf32, #tpu.memory_space<vmem>>, %arg12: memref<125x64xf32, #tpu.memory_space<vmem>>, %arg13: memref<125x64xf32, #tpu.memory_space<vmem>>, %arg14: memref<125x64xf32, #tpu.memory_space<vmem>>, %arg15: memref<!tpu.dma_semaphore, #tpu.memory_space<semaphore_mem>>, %arg16: memref<!tpu.dma_semaphore, #tpu.memory_space<semaphore_mem>>, %arg17: memref<!tpu.dma_semaphore, #tpu.memory_space<semaphore_mem>>, %arg18: memref<!tpu.dma_semaphore, #tpu.memory_space<semaphore_mem>>, %arg19: memref<!tpu.dma_semaphore, #tpu.memory_space<semaphore_mem>>, %arg20: memref<!tpu.dma_semaphore, #tpu.memory_space<semaphore_mem>>, %arg21: memref<!tpu.dma_semaphore, #tpu.memory_space<semaphore_mem>>, %arg22: memref<!tpu.dma_semaphore, #tpu.memory_space<semaphore_mem>>, %arg23: memref<!tpu.dma_semaphore, #tpu.memory_space<semaphore_mem>>, %arg24: memref<!tpu.dma_semaphore, #tpu.memory_space<semaphore_mem>>, %arg25: memref<!tpu.dma_semaphore, #tpu.memory_space<semaphore_mem>>, %arg26: memref<!tpu.dma_semaphore, #tpu.memory_space<semaphore_mem>>, %arg27: memref<!tpu.dma_semaphore, #tpu.memory_space<semaphore_mem>>, %arg28: memref<!tpu.dma_semaphore, #tpu.memory_space<semaphore_mem>>, %arg29: memref<!tpu.dma_semaphore, #tpu.memory_space<semaphore_mem>>, %arg30: memref<!tpu.dma_semaphore, #tpu.memory_space<semaphore_mem>>, %arg31: memref<10240x64xf32, #tpu.memory_space<vmem_shared>>) attributes {dimension_semantics = [#tpu.dimension_semantics<core_parallel>, #tpu.dimension_semantics<subcore_parallel>], iteration_bounds = array<i64: 2, 16>, scalar_prefetch = 0 : i64, scratch_operands = 27 : i64, tpu.core_type = #tpu.core_type<sc_vector_subcore>, window_params = [{transform_indices = #map}, {transform_indices = #map1}, {transform_indices = #map1}]} {
    %mul3A = arith.constant 16 : i32
    %mul3A_0 = arith.muli %arg0, %mul3A : i32
    %add3A = arith.addi %mul3A_0, %arg1 : i32
    %run_scoped3A = arith.constant 0 : i32
    "tpu.region"() ({
      %run_scoped3A_139 = tpu.sem_alloc : memref<!tpu.dma_semaphore, #tpu.memory_space<semaphore_mem>>
      %dma_start3A_140 = arith.constant 0 : i32
      %dma_start3A_141 = arith.constant 0 : i32
      %dma_start3A_142 = tpu.memref_slice %arg3[%run_scoped3A, %add3A, %dma_start3A_140, %dma_start3A_141] : memref<2x32x80x125xi32, #tpu.memory_space<hbm>> -> memref<1x1x80x125xi32, #tpu.memory_space<hbm>>
      %dma_start3A_143 = tpu.memref_squeeze %dma_start3A_142 : memref<1x1x80x125xi32, #tpu.memory_space<hbm>> -> memref<80x125xi32, #tpu.memory_space<hbm>>
      %dma_start3A_144 = arith.constant 0 : i32
      %dma_start3A_145 = arith.constant 0 : i32
      %dma_start3A_146 = tpu.memref_slice %arg3[%run_scoped3A, %add3A, %dma_start3A_144, %dma_start3A_145] : memref<2x32x80x125xi32, #tpu.memory_space<hbm>> -> memref<1x1x80x125xi32, #tpu.memory_space<hbm>>
      %dma_start3A_147 = tpu.memref_squeeze %dma_start3A_146 : memref<1x1x80x125xi32, #tpu.memory_space<hbm>> -> memref<80x125xi32, #tpu.memory_space<hbm>>
      tpu.enqueue_dma source(%dma_start3A_147 : memref<80x125xi32, #tpu.memory_space<hbm>>) target(%arg5 : memref<80x125xi32, #tpu.memory_space<vmem>>) target_semaphore(%run_scoped3A_139 : memref<!tpu.dma_semaphore, #tpu.memory_space<semaphore_mem>>)
      %dma_wait3A = arith.constant 0 : i32
      %dma_wait3A_148 = arith.constant 0 : i32
      %dma_wait3A_149 = tpu.memref_slice %arg3[%run_scoped3A, %add3A, %dma_wait3A, %dma_wait3A_148] : memref<2x32x80x125xi32, #tpu.memory_space<hbm>> -> memref<1x1x80x125xi32, #tpu.memory_space<hbm>>
      %dma_wait3A_150 = tpu.memref_squeeze %dma_wait3A_149 : memref<1x1x80x125xi32, #tpu.memory_space<hbm>> -> memref<80x125xi32, #tpu.memory_space<hbm>>
      %dma_wait3A_151 = arith.constant 0 : i32
      %dma_wait3A_152 = arith.constant 0 : i32
      %dma_wait3A_153 = tpu.memref_slice %arg3[%run_scoped3A, %add3A, %dma_wait3A_151, %dma_wait3A_152] : memref<2x32x80x125xi32, #tpu.memory_space<hbm>> -> memref<1x1x80x125xi32, #tpu.memory_space<hbm>>
      %dma_wait3A_154 = tpu.memref_squeeze %dma_wait3A_153 : memref<1x1x80x125xi32, #tpu.memory_space<hbm>> -> memref<80x125xi32, #tpu.memory_space<hbm>>
      tpu.wait_dma2 semaphore(%run_scoped3A_139 : memref<!tpu.dma_semaphore, #tpu.memory_space<semaphore_mem>>) src(%dma_wait3A_154 : memref<80x125xi32, #tpu.memory_space<hbm>>) dst(%arg5 : memref<80x125xi32, #tpu.memory_space<vmem>>)
      tpu.yield
    }) : () -> ()
    %run_scoped3A_1 = arith.constant 1 : i32
    "tpu.region"() ({
      %run_scoped3A_139 = tpu.sem_alloc : memref<!tpu.dma_semaphore, #tpu.memory_space<semaphore_mem>>
      %dma_start3A_140 = arith.constant 0 : i32
      %dma_start3A_141 = arith.constant 0 : i32
      %dma_start3A_142 = tpu.memref_slice %arg3[%run_scoped3A_1, %add3A, %dma_start3A_140, %dma_start3A_141] : memref<2x32x80x125xi32, #tpu.memory_space<hbm>> -> memref<1x1x80x125xi32, #tpu.memory_space<hbm>>
      %dma_start3A_143 = tpu.memref_squeeze %dma_start3A_142 : memref<1x1x80x125xi32, #tpu.memory_space<hbm>> -> memref<80x125xi32, #tpu.memory_space<hbm>>
      %dma_start3A_144 = arith.constant 0 : i32
      %dma_start3A_145 = arith.constant 0 : i32
      %dma_start3A_146 = tpu.memref_slice %arg3[%run_scoped3A_1, %add3A, %dma_start3A_144, %dma_start3A_145] : memref<2x32x80x125xi32, #tpu.memory_space<hbm>> -> memref<1x1x80x125xi32, #tpu.memory_space<hbm>>
      %dma_start3A_147 = tpu.memref_squeeze %dma_start3A_146 : memref<1x1x80x125xi32, #tpu.memory_space<hbm>> -> memref<80x125xi32, #tpu.memory_space<hbm>>
      tpu.enqueue_dma source(%dma_start3A_147 : memref<80x125xi32, #tpu.memory_space<hbm>>) target(%arg6 : memref<80x125xi32, #tpu.memory_space<vmem>>) target_semaphore(%run_scoped3A_139 : memref<!tpu.dma_semaphore, #tpu.memory_space<semaphore_mem>>)
      %dma_wait3A = arith.constant 0 : i32
      %dma_wait3A_148 = arith.constant 0 : i32
      %dma_wait3A_149 = tpu.memref_slice %arg3[%run_scoped3A_1, %add3A, %dma_wait3A, %dma_wait3A_148] : memref<2x32x80x125xi32, #tpu.memory_space<hbm>> -> memref<1x1x80x125xi32, #tpu.memory_space<hbm>>
      %dma_wait3A_150 = tpu.memref_squeeze %dma_wait3A_149 : memref<1x1x80x125xi32, #tpu.memory_space<hbm>> -> memref<80x125xi32, #tpu.memory_space<hbm>>
      %dma_wait3A_151 = arith.constant 0 : i32
      %dma_wait3A_152 = arith.constant 0 : i32
      %dma_wait3A_153 = tpu.memref_slice %arg3[%run_scoped3A_1, %add3A, %dma_wait3A_151, %dma_wait3A_152] : memref<2x32x80x125xi32, #tpu.memory_space<hbm>> -> memref<1x1x80x125xi32, #tpu.memory_space<hbm>>
      %dma_wait3A_154 = tpu.memref_squeeze %dma_wait3A_153 : memref<1x1x80x125xi32, #tpu.memory_space<hbm>> -> memref<80x125xi32, #tpu.memory_space<hbm>>
      tpu.wait_dma2 semaphore(%run_scoped3A_139 : memref<!tpu.dma_semaphore, #tpu.memory_space<semaphore_mem>>) src(%dma_wait3A_154 : memref<80x125xi32, #tpu.memory_space<hbm>>) dst(%arg6 : memref<80x125xi32, #tpu.memory_space<vmem>>)
      tpu.yield
    }) : () -> ()
    %broadcast_in_dim3A = arith.constant 0.000000e+00 : f32
    %broadcast_in_dim3A_2 = vector.broadcast %broadcast_in_dim3A : f32 to vector<16xf32>
    %scan3A = arith.constant 0 : i32
    %scan3A_3 = arith.constant 0 : i32
    %scan3A_4 = arith.constant 125 : i32
    %scan3A_5 = arith.addi %scan3A_3, %scan3A_4 : i32
    %scan3A_6 = arith.constant 1 : i32
    scf.for %scan3A_139 = %scan3A_3 to %scan3A_5 step %scan3A_6  : i32 {
      %swap3A = arith.index_cast %scan3A_139 : i32 to index
      %swap3A_140 = arith.constant 0 : index
      %swap3A_141 = tpu.vector_load %arg7[%swap3A, %swap3A_140] {strides = array<i32>} : memref<125x64xf32, #tpu.memory_space<vmem>>, vector<1x16xf32>,
      %swap3A_142 = vector.shape_cast %swap3A_141 : vector<1x16xf32> to vector<16xf32>
      %swap3A_143 = vector.shape_cast %broadcast_in_dim3A_2 : vector<16xf32> to vector<1x16xf32>
      tpu.vector_store %arg7[%swap3A, %swap3A_140], %swap3A_143 {strides = array<i32>} : memref<125x64xf32, #tpu.memory_space<vmem>>, vector<1x16xf32>,
      %swap3A_144 = arith.index_cast %scan3A_139 : i32 to index
      %swap3A_145 = arith.constant 16 : index
      %swap3A_146 = tpu.vector_load %arg7[%swap3A_144, %swap3A_145] {strides = array<i32>} : memref<125x64xf32, #tpu.memory_space<vmem>>, vector<1x16xf32>,
      %swap3A_147 = vector.shape_cast %swap3A_146 : vector<1x16xf32> to vector<16xf32>
      %swap3A_148 = vector.shape_cast %broadcast_in_dim3A_2 : vector<16xf32> to vector<1x16xf32>
      tpu.vector_store %arg7[%swap3A_144, %swap3A_145], %swap3A_148 {strides = array<i32>} : memref<125x64xf32, #tpu.memory_space<vmem>>, vector<1x16xf32>,
      %swap3A_149 = arith.index_cast %scan3A_139 : i32 to index
      %swap3A_150 = arith.constant 32 : index
      %swap3A_151 = tpu.vector_load %arg7[%swap3A_149, %swap3A_150] {strides = array<i32>} : memref<125x64xf32, #tpu.memory_space<vmem>>, vector<1x16xf32>,
      %swap3A_152 = vector.shape_cast %swap3A_151 : vector<1x16xf32> to vector<16xf32>
      %swap3A_153 = vector.shape_cast %broadcast_in_dim3A_2 : vector<16xf32> to vector<1x16xf32>
      tpu.vector_store %arg7[%swap3A_149, %swap3A_150], %swap3A_153 {strides = array<i32>} : memref<125x64xf32, #tpu.memory_space<vmem>>, vector<1x16xf32>,
      %swap3A_154 = arith.index_cast %scan3A_139 : i32 to index
      %swap3A_155 = arith.constant 48 : index
      %swap3A_156 = tpu.vector_load %arg7[%swap3A_154, %swap3A_155] {strides = array<i32>} : memref<125x64xf32, #tpu.memory_space<vmem>>, vector<1x16xf32>,
      %swap3A_157 = vector.shape_cast %swap3A_156 : vector<1x16xf32> to vector<16xf32>
      %swap3A_158 = vector.shape_cast %broadcast_in_dim3A_2 : vector<16xf32> to vector<1x16xf32>
      tpu.vector_store %arg7[%swap3A_154, %swap3A_155], %swap3A_158 {strides = array<i32>} : memref<125x64xf32, #tpu.memory_space<vmem>>, vector<1x16xf32>,
    }
    %scan3A_7 = arith.constant 125 : i32
    %mul3A_8 = arith.constant 640 : i32
    %mul3A_9 = arith.muli %arg1, %mul3A_8 : i32
    %add3A_10 = arith.constant 0 : i32
    %add3A_11 = arith.addi %mul3A_9, %add3A_10 : i32
    "tpu.region"() ({
      %run_scoped3A_139 = tpu.sem_alloc : memref<!tpu.dma_semaphore, #tpu.memory_space<semaphore_mem>>
      %dma_start3A_140 = arith.constant 0 : i32
      %dma_start3A_141 = arith.constant 0 : i32
      %dma_start3A_142 = tpu.memref_slice %arg7[%dma_start3A_140, %dma_start3A_141] : memref<125x64xf32, #tpu.memory_space<vmem>> -> memref<125x64xf32, #tpu.memory_space<vmem>>
      %dma_start3A_143 = arith.constant 0 : i32
      %dma_start3A_144 = tpu.memref_slice %arg31[%add3A_11, %dma_start3A_143] : memref<10240x64xf32, #tpu.memory_space<vmem_shared>> -> memref<125x64xf32, #tpu.memory_space<vmem_shared>>
      %dma_start3A_145 = arith.constant 0 : i32
      %dma_start3A_146 = tpu.memref_slice %arg31[%add3A_11, %dma_start3A_145] : memref<10240x64xf32, #tpu.memory_space<vmem_shared>> -> memref<125x64xf32, #tpu.memory_space<vmem_shared>>
      %dma_start3A_147 = arith.constant 0 : i32
      %dma_start3A_148 = arith.constant 0 : i32
      %dma_start3A_149 = tpu.memref_slice %arg7[%dma_start3A_147, %dma_start3A_148] : memref<125x64xf32, #tpu.memory_space<vmem>> -> memref<125x64xf32, #tpu.memory_space<vmem>>
      tpu.enqueue_dma source(%dma_start3A_149 : memref<125x64xf32, #tpu.memory_space<vmem>>) target(%dma_start3A_146 : memref<125x64xf32, #tpu.memory_space<vmem_shared>>) target_semaphore(%run_scoped3A_139 : memref<!tpu.dma_semaphore, #tpu.memory_space<semaphore_mem>>)
      %dma_wait3A = arith.constant 0 : i32
      %dma_wait3A_150 = arith.constant 0 : i32
      %dma_wait3A_151 = tpu.memref_slice %arg7[%dma_wait3A, %dma_wait3A_150] : memref<125x64xf32, #tpu.memory_space<vmem>> -> memref<125x64xf32, #tpu.memory_space<vmem>>
      %dma_wait3A_152 = arith.constant 0 : i32
      %dma_wait3A_153 = tpu.memref_slice %arg31[%add3A_11, %dma_wait3A_152] : memref<10240x64xf32, #tpu.memory_space<vmem_shared>> -> memref<125x64xf32, #tpu.memory_space<vmem_shared>>
      %dma_wait3A_154 = arith.constant 0 : i32
      %dma_wait3A_155 = tpu.memref_slice %arg31[%add3A_11, %dma_wait3A_154] : memref<10240x64xf32, #tpu.memory_space<vmem_shared>> -> memref<125x64xf32, #tpu.memory_space<vmem_shared>>
      %dma_wait3A_156 = arith.constant 0 : i32
      %dma_wait3A_157 = arith.constant 0 : i32
      %dma_wait3A_158 = tpu.memref_slice %arg7[%dma_wait3A_156, %dma_wait3A_157] : memref<125x64xf32, #tpu.memory_space<vmem>> -> memref<125x64xf32, #tpu.memory_space<vmem>>
      tpu.wait_dma2 semaphore(%run_scoped3A_139 : memref<!tpu.dma_semaphore, #tpu.memory_space<semaphore_mem>>) src(%dma_wait3A_158 : memref<125x64xf32, #tpu.memory_space<vmem>>) dst(%dma_wait3A_155 : memref<125x64xf32, #tpu.memory_space<vmem_shared>>)
      tpu.yield
    }) : () -> ()
    %mul3A_12 = arith.constant 640 : i32
    %mul3A_13 = arith.muli %arg1, %mul3A_12 : i32
    %add3A_14 = arith.constant 125 : i32
    %add3A_15 = arith.addi %mul3A_13, %add3A_14 : i32
    "tpu.region"() ({
      %run_scoped3A_139 = tpu.sem_alloc : memref<!tpu.dma_semaphore, #tpu.memory_space<semaphore_mem>>
      %dma_start3A_140 = arith.constant 0 : i32
      %dma_start3A_141 = arith.constant 0 : i32
      %dma_start3A_142 = tpu.memref_slice %arg7[%dma_start3A_140, %dma_start3A_141] : memref<125x64xf32, #tpu.memory_space<vmem>> -> memref<125x64xf32, #tpu.memory_space<vmem>>
      %dma_start3A_143 = arith.constant 0 : i32
      %dma_start3A_144 = tpu.memref_slice %arg31[%add3A_15, %dma_start3A_143] : memref<10240x64xf32, #tpu.memory_space<vmem_shared>> -> memref<125x64xf32, #tpu.memory_space<vmem_shared>>
      %dma_start3A_145 = arith.constant 0 : i32
      %dma_start3A_146 = tpu.memref_slice %arg31[%add3A_15, %dma_start3A_145] : memref<10240x64xf32, #tpu.memory_space<vmem_shared>> -> memref<125x64xf32, #tpu.memory_space<vmem_shared>>
      %dma_start3A_147 = arith.constant 0 : i32
      %dma_start3A_148 = arith.constant 0 : i32
      %dma_start3A_149 = tpu.memref_slice %arg7[%dma_start3A_147, %dma_start3A_148] : memref<125x64xf32, #tpu.memory_space<vmem>> -> memref<125x64xf32, #tpu.memory_space<vmem>>
      tpu.enqueue_dma source(%dma_start3A_149 : memref<125x64xf32, #tpu.memory_space<vmem>>) target(%dma_start3A_146 : memref<125x64xf32, #tpu.memory_space<vmem_shared>>) target_semaphore(%run_scoped3A_139 : memref<!tpu.dma_semaphore, #tpu.memory_space<semaphore_mem>>)
      %dma_wait3A = arith.constant 0 : i32
      %dma_wait3A_150 = arith.constant 0 : i32
      %dma_wait3A_151 = tpu.memref_slice %arg7[%dma_wait3A, %dma_wait3A_150] : memref<125x64xf32, #tpu.memory_space<vmem>> -> memref<125x64xf32, #tpu.memory_space<vmem>>
      %dma_wait3A_152 = arith.constant 0 : i32
      %dma_wait3A_153 = tpu.memref_slice %arg31[%add3A_15, %dma_wait3A_152] : memref<10240x64xf32, #tpu.memory_space<vmem_shared>> -> memref<125x64xf32, #tpu.memory_space<vmem_shared>>
      %dma_wait3A_154 = arith.constant 0 : i32
      %dma_wait3A_155 = tpu.memref_slice %arg31[%add3A_15, %dma_wait3A_154] : memref<10240x64xf32, #tpu.memory_space<vmem_shared>> -> memref<125x64xf32, #tpu.memory_space<vmem_shared>>
      %dma_wait3A_156 = arith.constant 0 : i32
      %dma_wait3A_157 = arith.constant 0 : i32
      %dma_wait3A_158 = tpu.memref_slice %arg7[%dma_wait3A_156, %dma_wait3A_157] : memref<125x64xf32, #tpu.memory_space<vmem>> -> memref<125x64xf32, #tpu.memory_space<vmem>>
      tpu.wait_dma2 semaphore(%run_scoped3A_139 : memref<!tpu.dma_semaphore, #tpu.memory_space<semaphore_mem>>) src(%dma_wait3A_158 : memref<125x64xf32, #tpu.memory_space<vmem>>) dst(%dma_wait3A_155 : memref<125x64xf32, #tpu.memory_space<vmem_shared>>)
      tpu.yield
    }) : () -> ()
    %mul3A_16 = arith.constant 640 : i32
    %mul3A_17 = arith.muli %arg1, %mul3A_16 : i32
    %add3A_18 = arith.constant 250 : i32
    %add3A_19 = arith.addi %mul3A_17, %add3A_18 : i32
    "tpu.region"() ({
      %run_scoped3A_139 = tpu.sem_alloc : memref<!tpu.dma_semaphore, #tpu.memory_space<semaphore_mem>>
      %dma_start3A_140 = arith.constant 0 : i32
      %dma_start3A_141 = arith.constant 0 : i32
      %dma_start3A_142 = tpu.memref_slice %arg7[%dma_start3A_140, %dma_start3A_141] : memref<125x64xf32, #tpu.memory_space<vmem>> -> memref<125x64xf32, #tpu.memory_space<vmem>>
      %dma_start3A_143 = arith.constant 0 : i32
      %dma_start3A_144 = tpu.memref_slice %arg31[%add3A_19, %dma_start3A_143] : memref<10240x64xf32, #tpu.memory_space<vmem_shared>> -> memref<125x64xf32, #tpu.memory_space<vmem_shared>>
      %dma_start3A_145 = arith.constant 0 : i32
      %dma_start3A_146 = tpu.memref_slice %arg31[%add3A_19, %dma_start3A_145] : memref<10240x64xf32, #tpu.memory_space<vmem_shared>> -> memref<125x64xf32, #tpu.memory_space<vmem_shared>>
      %dma_start3A_147 = arith.constant 0 : i32
      %dma_start3A_148 = arith.constant 0 : i32
      %dma_start3A_149 = tpu.memref_slice %arg7[%dma_start3A_147, %dma_start3A_148] : memref<125x64xf32, #tpu.memory_space<vmem>> -> memref<125x64xf32, #tpu.memory_space<vmem>>
      tpu.enqueue_dma source(%dma_start3A_149 : memref<125x64xf32, #tpu.memory_space<vmem>>) target(%dma_start3A_146 : memref<125x64xf32, #tpu.memory_space<vmem_shared>>) target_semaphore(%run_scoped3A_139 : memref<!tpu.dma_semaphore, #tpu.memory_space<semaphore_mem>>)
      %dma_wait3A = arith.constant 0 : i32
      %dma_wait3A_150 = arith.constant 0 : i32
      %dma_wait3A_151 = tpu.memref_slice %arg7[%dma_wait3A, %dma_wait3A_150] : memref<125x64xf32, #tpu.memory_space<vmem>> -> memref<125x64xf32, #tpu.memory_space<vmem>>
      %dma_wait3A_152 = arith.constant 0 : i32
      %dma_wait3A_153 = tpu.memref_slice %arg31[%add3A_19, %dma_wait3A_152] : memref<10240x64xf32, #tpu.memory_space<vmem_shared>> -> memref<125x64xf32, #tpu.memory_space<vmem_shared>>
      %dma_wait3A_154 = arith.constant 0 : i32
      %dma_wait3A_155 = tpu.memref_slice %arg31[%add3A_19, %dma_wait3A_154] : memref<10240x64xf32, #tpu.memory_space<vmem_shared>> -> memref<125x64xf32, #tpu.memory_space<vmem_shared>>
      %dma_wait3A_156 = arith.constant 0 : i32
      %dma_wait3A_157 = arith.constant 0 : i32
      %dma_wait3A_158 = tpu.memref_slice %arg7[%dma_wait3A_156, %dma_wait3A_157] : memref<125x64xf32, #tpu.memory_space<vmem>> -> memref<125x64xf32, #tpu.memory_space<vmem>>
      tpu.wait_dma2 semaphore(%run_scoped3A_139 : memref<!tpu.dma_semaphore, #tpu.memory_space<semaphore_mem>>) src(%dma_wait3A_158 : memref<125x64xf32, #tpu.memory_space<vmem>>) dst(%dma_wait3A_155 : memref<125x64xf32, #tpu.memory_space<vmem_shared>>)
      tpu.yield
    }) : () -> ()
    %mul3A_20 = arith.constant 640 : i32
    %mul3A_21 = arith.muli %arg1, %mul3A_20 : i32
    %add3A_22 = arith.constant 375 : i32
    %add3A_23 = arith.addi %mul3A_21, %add3A_22 : i32
    "tpu.region"() ({
      %run_scoped3A_139 = tpu.sem_alloc : memref<!tpu.dma_semaphore, #tpu.memory_space<semaphore_mem>>
      %dma_start3A_140 = arith.constant 0 : i32
      %dma_start3A_141 = arith.constant 0 : i32
      %dma_start3A_142 = tpu.memref_slice %arg7[%dma_start3A_140, %dma_start3A_141] : memref<125x64xf32, #tpu.memory_space<vmem>> -> memref<125x64xf32, #tpu.memory_space<vmem>>
      %dma_start3A_143 = arith.constant 0 : i32
      %dma_start3A_144 = tpu.memref_slice %arg31[%add3A_23, %dma_start3A_143] : memref<10240x64xf32, #tpu.memory_space<vmem_shared>> -> memref<125x64xf32, #tpu.memory_space<vmem_shared>>
      %dma_start3A_145 = arith.constant 0 : i32
      %dma_start3A_146 = tpu.memref_slice %arg31[%add3A_23, %dma_start3A_145] : memref<10240x64xf32, #tpu.memory_space<vmem_shared>> -> memref<125x64xf32, #tpu.memory_space<vmem_shared>>
      %dma_start3A_147 = arith.constant 0 : i32
      %dma_start3A_148 = arith.constant 0 : i32
      %dma_start3A_149 = tpu.memref_slice %arg7[%dma_start3A_147, %dma_start3A_148] : memref<125x64xf32, #tpu.memory_space<vmem>> -> memref<125x64xf32, #tpu.memory_space<vmem>>
      tpu.enqueue_dma source(%dma_start3A_149 : memref<125x64xf32, #tpu.memory_space<vmem>>) target(%dma_start3A_146 : memref<125x64xf32, #tpu.memory_space<vmem_shared>>) target_semaphore(%run_scoped3A_139 : memref<!tpu.dma_semaphore, #tpu.memory_space<semaphore_mem>>)
      %dma_wait3A = arith.constant 0 : i32
      %dma_wait3A_150 = arith.constant 0 : i32
      %dma_wait3A_151 = tpu.memref_slice %arg7[%dma_wait3A, %dma_wait3A_150] : memref<125x64xf32, #tpu.memory_space<vmem>> -> memref<125x64xf32, #tpu.memory_space<vmem>>
      %dma_wait3A_152 = arith.constant 0 : i32
      %dma_wait3A_153 = tpu.memref_slice %arg31[%add3A_23, %dma_wait3A_152] : memref<10240x64xf32, #tpu.memory_space<vmem_shared>> -> memref<125x64xf32, #tpu.memory_space<vmem_shared>>
      %dma_wait3A_154 = arith.constant 0 : i32
      %dma_wait3A_155 = tpu.memref_slice %arg31[%add3A_23, %dma_wait3A_154] : memref<10240x64xf32, #tpu.memory_space<vmem_shared>> -> memref<125x64xf32, #tpu.memory_space<vmem_shared>>
      %dma_wait3A_156 = arith.constant 0 : i32
      %dma_wait3A_157 = arith.constant 0 : i32
      %dma_wait3A_158 = tpu.memref_slice %arg7[%dma_wait3A_156, %dma_wait3A_157] : memref<125x64xf32, #tpu.memory_space<vmem>> -> memref<125x64xf32, #tpu.memory_space<vmem>>
      tpu.wait_dma2 semaphore(%run_scoped3A_139 : memref<!tpu.dma_semaphore, #tpu.memory_space<semaphore_mem>>) src(%dma_wait3A_158 : memref<125x64xf32, #tpu.memory_space<vmem>>) dst(%dma_wait3A_155 : memref<125x64xf32, #tpu.memory_space<vmem_shared>>)
      tpu.yield
    }) : () -> ()
    %mul3A_24 = arith.constant 640 : i32
    %mul3A_25 = arith.muli %arg1, %mul3A_24 : i32
    %add3A_26 = arith.constant 500 : i32
    %add3A_27 = arith.addi %mul3A_25, %add3A_26 : i32
    "tpu.region"() ({
      %run_scoped3A_139 = tpu.sem_alloc : memref<!tpu.dma_semaphore, #tpu.memory_space<semaphore_mem>>
      %dma_start3A_140 = arith.constant 0 : i32
      %dma_start3A_141 = arith.constant 0 : i32
      %dma_start3A_142 = tpu.memref_slice %arg7[%dma_start3A_140, %dma_start3A_141] : memref<125x64xf32, #tpu.memory_space<vmem>> -> memref<125x64xf32, #tpu.memory_space<vmem>>
      %dma_start3A_143 = arith.constant 0 : i32
      %dma_start3A_144 = tpu.memref_slice %arg31[%add3A_27, %dma_start3A_143] : memref<10240x64xf32, #tpu.memory_space<vmem_shared>> -> memref<125x64xf32, #tpu.memory_space<vmem_shared>>
      %dma_start3A_145 = arith.constant 0 : i32
      %dma_start3A_146 = tpu.memref_slice %arg31[%add3A_27, %dma_start3A_145] : memref<10240x64xf32, #tpu.memory_space<vmem_shared>> -> memref<125x64xf32, #tpu.memory_space<vmem_shared>>
      %dma_start3A_147 = arith.constant 0 : i32
      %dma_start3A_148 = arith.constant 0 : i32
      %dma_start3A_149 = tpu.memref_slice %arg7[%dma_start3A_147, %dma_start3A_148] : memref<125x64xf32, #tpu.memory_space<vmem>> -> memref<125x64xf32, #tpu.memory_space<vmem>>
      tpu.enqueue_dma source(%dma_start3A_149 : memref<125x64xf32, #tpu.memory_space<vmem>>) target(%dma_start3A_146 : memref<125x64xf32, #tpu.memory_space<vmem_shared>>) target_semaphore(%run_scoped3A_139 : memref<!tpu.dma_semaphore, #tpu.memory_space<semaphore_mem>>)
      %dma_wait3A = arith.constant 0 : i32
      %dma_wait3A_150 = arith.constant 0 : i32
      %dma_wait3A_151 = tpu.memref_slice %arg7[%dma_wait3A, %dma_wait3A_150] : memref<125x64xf32, #tpu.memory_space<vmem>> -> memref<125x64xf32, #tpu.memory_space<vmem>>
      %dma_wait3A_152 = arith.constant 0 : i32
      %dma_wait3A_153 = tpu.memref_slice %arg31[%add3A_27, %dma_wait3A_152] : memref<10240x64xf32, #tpu.memory_space<vmem_shared>> -> memref<125x64xf32, #tpu.memory_space<vmem_shared>>
      %dma_wait3A_154 = arith.constant 0 : i32
      %dma_wait3A_155 = tpu.memref_slice %arg31[%add3A_27, %dma_wait3A_154] : memref<10240x64xf32, #tpu.memory_space<vmem_shared>> -> memref<125x64xf32, #tpu.memory_space<vmem_shared>>
      %dma_wait3A_156 = arith.constant 0 : i32
      %dma_wait3A_157 = arith.constant 0 : i32
      %dma_wait3A_158 = tpu.memref_slice %arg7[%dma_wait3A_156, %dma_wait3A_157] : memref<125x64xf32, #tpu.memory_space<vmem>> -> memref<125x64xf32, #tpu.memory_space<vmem>>
      tpu.wait_dma2 semaphore(%run_scoped3A_139 : memref<!tpu.dma_semaphore, #tpu.memory_space<semaphore_mem>>) src(%dma_wait3A_158 : memref<125x64xf32, #tpu.memory_space<vmem>>) dst(%dma_wait3A_155 : memref<125x64xf32, #tpu.memory_space<vmem_shared>>)
      tpu.yield
    }) : () -> ()
    %mul3A_28 = arith.constant 640 : i32
    %mul3A_29 = arith.muli %arg1, %mul3A_28 : i32
    %add3A_30 = arith.constant 625 : i32
    %add3A_31 = arith.addi %mul3A_29, %add3A_30 : i32
    "tpu.region"() ({
      %run_scoped3A_139 = tpu.sem_alloc : memref<!tpu.dma_semaphore, #tpu.memory_space<semaphore_mem>>
      %dma_start3A_140 = arith.constant 0 : i32
      %dma_start3A_141 = arith.constant 0 : i32
      %dma_start3A_142 = tpu.memref_slice %arg7[%dma_start3A_140, %dma_start3A_141] : memref<125x64xf32, #tpu.memory_space<vmem>> -> memref<15x64xf32, #tpu.memory_space<vmem>>
      %dma_start3A_143 = arith.constant 0 : i32
      %dma_start3A_144 = tpu.memref_slice %arg31[%add3A_31, %dma_start3A_143] : memref<10240x64xf32, #tpu.memory_space<vmem_shared>> -> memref<15x64xf32, #tpu.memory_space<vmem_shared>>
      %dma_start3A_145 = arith.constant 0 : i32
      %dma_start3A_146 = tpu.memref_slice %arg31[%add3A_31, %dma_start3A_145] : memref<10240x64xf32, #tpu.memory_space<vmem_shared>> -> memref<15x64xf32, #tpu.memory_space<vmem_shared>>
      %dma_start3A_147 = arith.constant 0 : i32
      %dma_start3A_148 = arith.constant 0 : i32
      %dma_start3A_149 = tpu.memref_slice %arg7[%dma_start3A_147, %dma_start3A_148] : memref<125x64xf32, #tpu.memory_space<vmem>> -> memref<15x64xf32, #tpu.memory_space<vmem>>
      tpu.enqueue_dma source(%dma_start3A_149 : memref<15x64xf32, #tpu.memory_space<vmem>>) target(%dma_start3A_146 : memref<15x64xf32, #tpu.memory_space<vmem_shared>>) target_semaphore(%run_scoped3A_139 : memref<!tpu.dma_semaphore, #tpu.memory_space<semaphore_mem>>)
      %dma_wait3A = arith.constant 0 : i32
      %dma_wait3A_150 = arith.constant 0 : i32
      %dma_wait3A_151 = tpu.memref_slice %arg7[%dma_wait3A, %dma_wait3A_150] : memref<125x64xf32, #tpu.memory_space<vmem>> -> memref<15x64xf32, #tpu.memory_space<vmem>>
      %dma_wait3A_152 = arith.constant 0 : i32
      %dma_wait3A_153 = tpu.memref_slice %arg31[%add3A_31, %dma_wait3A_152] : memref<10240x64xf32, #tpu.memory_space<vmem_shared>> -> memref<15x64xf32, #tpu.memory_space<vmem_shared>>
      %dma_wait3A_154 = arith.constant 0 : i32
      %dma_wait3A_155 = tpu.memref_slice %arg31[%add3A_31, %dma_wait3A_154] : memref<10240x64xf32, #tpu.memory_space<vmem_shared>> -> memref<15x64xf32, #tpu.memory_space<vmem_shared>>
      %dma_wait3A_156 = arith.constant 0 : i32
      %dma_wait3A_157 = arith.constant 0 : i32
      %dma_wait3A_158 = tpu.memref_slice %arg7[%dma_wait3A_156, %dma_wait3A_157] : memref<125x64xf32, #tpu.memory_space<vmem>> -> memref<15x64xf32, #tpu.memory_space<vmem>>
      tpu.wait_dma2 semaphore(%run_scoped3A_139 : memref<!tpu.dma_semaphore, #tpu.memory_space<semaphore_mem>>) src(%dma_wait3A_158 : memref<15x64xf32, #tpu.memory_space<vmem>>) dst(%dma_wait3A_155 : memref<15x64xf32, #tpu.memory_space<vmem_shared>>)
      tpu.yield
    }) : () -> ()
    %barrier3A = arith.constant 0 : index
    tpu.barrier barrier_id(%barrier3A)
    %dma_start3A = arith.constant 0 : i32
    %dma_start3A_32 = arith.constant 0 : i32
    %dma_start3A_33 = arith.constant 0 : i32
    %dma_start3A_34 = tpu.memref_slice %arg5[%dma_start3A_32, %dma_start3A_33] : memref<80x125xi32, #tpu.memory_space<vmem>> -> memref<1x125xi32, #tpu.memory_space<vmem>>
    %dma_start3A_35 = tpu.memref_squeeze %dma_start3A_34 : memref<1x125xi32, #tpu.memory_space<vmem>> -> memref<125xi32, #tpu.memory_space<vmem>>
    %dma_start3A_36 = arith.constant 0 : i32
    %dma_start3A_37 = arith.constant 0 : i32
    %dma_start3A_38 = tpu.memref_slice %arg2[%dma_start3A, %dma_start3A_36, %dma_start3A_37] : memref<1x10000x64xf32, #tpu.memory_space<hbm>> -> memref<1x10000x64xf32, #tpu.memory_space<hbm>>
    %dma_start3A_39 = tpu.memref_squeeze %dma_start3A_38 : memref<1x10000x64xf32, #tpu.memory_space<hbm>> -> memref<10000x64xf32, #tpu.memory_space<hbm>>
    %dma_start3A_40 = arith.constant 0 : i32
    %dma_start3A_41 = arith.constant 0 : i32
    %dma_start3A_42 = tpu.memref_slice %dma_start3A_39[%dma_start3A_40, %dma_start3A_41] : memref<10000x64xf32, #tpu.memory_space<hbm>> -> memref<10000x64xf32, #tpu.memory_space<hbm>>
    tpu.enqueue_indirect_dma source(%dma_start3A_42 : memref<10000x64xf32, #tpu.memory_space<hbm>>) target(%arg7 : memref<125x64xf32, #tpu.memory_space<vmem>>) offsets(%dma_start3A_35 : memref<125xi32, #tpu.memory_space<vmem>>) semaphore(%arg15 : memref<!tpu.dma_semaphore, #tpu.memory_space<semaphore_mem>>)
    %dma_start3A_43 = arith.constant 0 : i32
    %dma_start3A_44 = arith.constant 1 : i32
    %dma_start3A_45 = arith.constant 0 : i32
    %dma_start3A_46 = tpu.memref_slice %arg5[%dma_start3A_44, %dma_start3A_45] : memref<80x125xi32, #tpu.memory_space<vmem>> -> memref<1x125xi32, #tpu.memory_space<vmem>>
    %dma_start3A_47 = tpu.memref_squeeze %dma_start3A_46 : memref<1x125xi32, #tpu.memory_space<vmem>> -> memref<125xi32, #tpu.memory_space<vmem>>
    %dma_start3A_48 = arith.constant 0 : i32
    %dma_start3A_49 = arith.constant 0 : i32
    %dma_start3A_50 = tpu.memref_slice %arg2[%dma_start3A_43, %dma_start3A_48, %dma_start3A_49] : memref<1x10000x64xf32, #tpu.memory_space<hbm>> -> memref<1x10000x64xf32, #tpu.memory_space<hbm>>
    %dma_start3A_51 = tpu.memref_squeeze %dma_start3A_50 : memref<1x10000x64xf32, #tpu.memory_space<hbm>> -> memref<10000x64xf32, #tpu.memory_space<hbm>>
    %dma_start3A_52 = arith.constant 0 : i32
    %dma_start3A_53 = arith.constant 0 : i32
    %dma_start3A_54 = tpu.memref_slice %dma_start3A_51[%dma_start3A_52, %dma_start3A_53] : memref<10000x64xf32, #tpu.memory_space<hbm>> -> memref<10000x64xf32, #tpu.memory_space<hbm>>
    tpu.enqueue_indirect_dma source(%dma_start3A_54 : memref<10000x64xf32, #tpu.memory_space<hbm>>) target(%arg8 : memref<125x64xf32, #tpu.memory_space<vmem>>) offsets(%dma_start3A_47 : memref<125xi32, #tpu.memory_space<vmem>>) semaphore(%arg16 : memref<!tpu.dma_semaphore, #tpu.memory_space<semaphore_mem>>)
    %dma_start3A_55 = arith.constant 0 : i32
    %dma_start3A_56 = arith.constant 2 : i32
    %dma_start3A_57 = arith.constant 0 : i32
    %dma_start3A_58 = tpu.memref_slice %arg5[%dma_start3A_56, %dma_start3A_57] : memref<80x125xi32, #tpu.memory_space<vmem>> -> memref<1x125xi32, #tpu.memory_space<vmem>>
    %dma_start3A_59 = tpu.memref_squeeze %dma_start3A_58 : memref<1x125xi32, #tpu.memory_space<vmem>> -> memref<125xi32, #tpu.memory_space<vmem>>
    %dma_start3A_60 = arith.constant 0 : i32
    %dma_start3A_61 = arith.constant 0 : i32
    %dma_start3A_62 = tpu.memref_slice %arg2[%dma_start3A_55, %dma_start3A_60, %dma_start3A_61] : memref<1x10000x64xf32, #tpu.memory_space<hbm>> -> memref<1x10000x64xf32, #tpu.memory_space<hbm>>
    %dma_start3A_63 = tpu.memref_squeeze %dma_start3A_62 : memref<1x10000x64xf32, #tpu.memory_space<hbm>> -> memref<10000x64xf32, #tpu.memory_space<hbm>>
    %dma_start3A_64 = arith.constant 0 : i32
    %dma_start3A_65 = arith.constant 0 : i32
    %dma_start3A_66 = tpu.memref_slice %dma_start3A_63[%dma_start3A_64, %dma_start3A_65] : memref<10000x64xf32, #tpu.memory_space<hbm>> -> memref<10000x64xf32, #tpu.memory_space<hbm>>
    tpu.enqueue_indirect_dma source(%dma_start3A_66 : memref<10000x64xf32, #tpu.memory_space<hbm>>) target(%arg9 : memref<125x64xf32, #tpu.memory_space<vmem>>) offsets(%dma_start3A_59 : memref<125xi32, #tpu.memory_space<vmem>>) semaphore(%arg17 : memref<!tpu.dma_semaphore, #tpu.memory_space<semaphore_mem>>)
    %dma_start3A_67 = arith.constant 0 : i32
    %dma_start3A_68 = arith.constant 3 : i32
    %dma_start3A_69 = arith.constant 0 : i32
    %dma_start3A_70 = tpu.memref_slice %arg5[%dma_start3A_68, %dma_start3A_69] : memref<80x125xi32, #tpu.memory_space<vmem>> -> memref<1x125xi32, #tpu.memory_space<vmem>>
    %dma_start3A_71 = tpu.memref_squeeze %dma_start3A_70 : memref<1x125xi32, #tpu.memory_space<vmem>> -> memref<125xi32, #tpu.memory_space<vmem>>
    %dma_start3A_72 = arith.constant 0 : i32
    %dma_start3A_73 = arith.constant 0 : i32
    %dma_start3A_74 = tpu.memref_slice %arg2[%dma_start3A_67, %dma_start3A_72, %dma_start3A_73] : memref<1x10000x64xf32, #tpu.memory_space<hbm>> -> memref<1x10000x64xf32, #tpu.memory_space<hbm>>
    %dma_start3A_75 = tpu.memref_squeeze %dma_start3A_74 : memref<1x10000x64xf32, #tpu.memory_space<hbm>> -> memref<10000x64xf32, #tpu.memory_space<hbm>>
    %dma_start3A_76 = arith.constant 0 : i32
    %dma_start3A_77 = arith.constant 0 : i32
    %dma_start3A_78 = tpu.memref_slice %dma_start3A_75[%dma_start3A_76, %dma_start3A_77] : memref<10000x64xf32, #tpu.memory_space<hbm>> -> memref<10000x64xf32, #tpu.memory_space<hbm>>
    tpu.enqueue_indirect_dma source(%dma_start3A_78 : memref<10000x64xf32, #tpu.memory_space<hbm>>) target(%arg10 : memref<125x64xf32, #tpu.memory_space<vmem>>) offsets(%dma_start3A_71 : memref<125xi32, #tpu.memory_space<vmem>>) semaphore(%arg18 : memref<!tpu.dma_semaphore, #tpu.memory_space<semaphore_mem>>)
    %dma_start3A_79 = arith.constant 0 : i32
    %dma_start3A_80 = arith.constant 4 : i32
    %dma_start3A_81 = arith.constant 0 : i32
    %dma_start3A_82 = tpu.memref_slice %arg5[%dma_start3A_80, %dma_start3A_81] : memref<80x125xi32, #tpu.memory_space<vmem>> -> memref<1x125xi32, #tpu.memory_space<vmem>>
    %dma_start3A_83 = tpu.memref_squeeze %dma_start3A_82 : memref<1x125xi32, #tpu.memory_space<vmem>> -> memref<125xi32, #tpu.memory_space<vmem>>
    %dma_start3A_84 = arith.constant 0 : i32
    %dma_start3A_85 = arith.constant 0 : i32
    %dma_start3A_86 = tpu.memref_slice %arg2[%dma_start3A_79, %dma_start3A_84, %dma_start3A_85] : memref<1x10000x64xf32, #tpu.memory_space<hbm>> -> memref<1x10000x64xf32, #tpu.memory_space<hbm>>
    %dma_start3A_87 = tpu.memref_squeeze %dma_start3A_86 : memref<1x10000x64xf32, #tpu.memory_space<hbm>> -> memref<10000x64xf32, #tpu.memory_space<hbm>>
    %dma_start3A_88 = arith.constant 0 : i32
    %dma_start3A_89 = arith.constant 0 : i32
    %dma_start3A_90 = tpu.memref_slice %dma_start3A_87[%dma_start3A_88, %dma_start3A_89] : memref<10000x64xf32, #tpu.memory_space<hbm>> -> memref<10000x64xf32, #tpu.memory_space<hbm>>
    tpu.enqueue_indirect_dma source(%dma_start3A_90 : memref<10000x64xf32, #tpu.memory_space<hbm>>) target(%arg11 : memref<125x64xf32, #tpu.memory_space<vmem>>) offsets(%dma_start3A_83 : memref<125xi32, #tpu.memory_space<vmem>>) semaphore(%arg19 : memref<!tpu.dma_semaphore, #tpu.memory_space<semaphore_mem>>)
    %dma_start3A_91 = arith.constant 0 : i32
    %dma_start3A_92 = arith.constant 5 : i32
    %dma_start3A_93 = arith.constant 0 : i32
    %dma_start3A_94 = tpu.memref_slice %arg5[%dma_start3A_92, %dma_start3A_93] : memref<80x125xi32, #tpu.memory_space<vmem>> -> memref<1x125xi32, #tpu.memory_space<vmem>>
    %dma_start3A_95 = tpu.memref_squeeze %dma_start3A_94 : memref<1x125xi32, #tpu.memory_space<vmem>> -> memref<125xi32, #tpu.memory_space<vmem>>
    %dma_start3A_96 = arith.constant 0 : i32
    %dma_start3A_97 = arith.constant 0 : i32
    %dma_start3A_98 = tpu.memref_slice %arg2[%dma_start3A_91, %dma_start3A_96, %dma_start3A_97] : memref<1x10000x64xf32, #tpu.memory_space<hbm>> -> memref<1x10000x64xf32, #tpu.memory_space<hbm>>
    %dma_start3A_99 = tpu.memref_squeeze %dma_start3A_98 : memref<1x10000x64xf32, #tpu.memory_space<hbm>> -> memref<10000x64xf32, #tpu.memory_space<hbm>>
    %dma_start3A_100 = arith.constant 0 : i32
    %dma_start3A_101 = arith.constant 0 : i32
    %dma_start3A_102 = tpu.memref_slice %dma_start3A_99[%dma_start3A_100, %dma_start3A_101] : memref<10000x64xf32, #tpu.memory_space<hbm>> -> memref<10000x64xf32, #tpu.memory_space<hbm>>
    tpu.enqueue_indirect_dma source(%dma_start3A_102 : memref<10000x64xf32, #tpu.memory_space<hbm>>) target(%arg12 : memref<125x64xf32, #tpu.memory_space<vmem>>) offsets(%dma_start3A_95 : memref<125xi32, #tpu.memory_space<vmem>>) semaphore(%arg20 : memref<!tpu.dma_semaphore, #tpu.memory_space<semaphore_mem>>)
    %dma_start3A_103 = arith.constant 0 : i32
    %dma_start3A_104 = arith.constant 6 : i32
    %dma_start3A_105 = arith.constant 0 : i32
    %dma_start3A_106 = tpu.memref_slice %arg5[%dma_start3A_104, %dma_start3A_105] : memref<80x125xi32, #tpu.memory_space<vmem>> -> memref<1x125xi32, #tpu.memory_space<vmem>>
    %dma_start3A_107 = tpu.memref_squeeze %dma_start3A_106 : memref<1x125xi32, #tpu.memory_space<vmem>> -> memref<125xi32, #tpu.memory_space<vmem>>
    %dma_start3A_108 = arith.constant 0 : i32
    %dma_start3A_109 = arith.constant 0 : i32
    %dma_start3A_110 = tpu.memref_slice %arg2[%dma_start3A_103, %dma_start3A_108, %dma_start3A_109] : memref<1x10000x64xf32, #tpu.memory_space<hbm>> -> memref<1x10000x64xf32, #tpu.memory_space<hbm>>
    %dma_start3A_111 = tpu.memref_squeeze %dma_start3A_110 : memref<1x10000x64xf32, #tpu.memory_space<hbm>> -> memref<10000x64xf32, #tpu.memory_space<hbm>>
    %dma_start3A_112 = arith.constant 0 : i32
    %dma_start3A_113 = arith.constant 0 : i32
    %dma_start3A_114 = tpu.memref_slice %dma_start3A_111[%dma_start3A_112, %dma_start3A_113] : memref<10000x64xf32, #tpu.memory_space<hbm>> -> memref<10000x64xf32, #tpu.memory_space<hbm>>
    tpu.enqueue_indirect_dma source(%dma_start3A_114 : memref<10000x64xf32, #tpu.memory_space<hbm>>) target(%arg13 : memref<125x64xf32, #tpu.memory_space<vmem>>) offsets(%dma_start3A_107 : memref<125xi32, #tpu.memory_space<vmem>>) semaphore(%arg21 : memref<!tpu.dma_semaphore, #tpu.memory_space<semaphore_mem>>)
    %dma_start3A_115 = arith.constant 0 : i32
    %dma_start3A_116 = arith.constant 7 : i32
    %dma_start3A_117 = arith.constant 0 : i32
    %dma_start3A_118 = tpu.memref_slice %arg5[%dma_start3A_116, %dma_start3A_117] : memref<80x125xi32, #tpu.memory_space<vmem>> -> memref<1x125xi32, #tpu.memory_space<vmem>>
    %dma_start3A_119 = tpu.memref_squeeze %dma_start3A_118 : memref<1x125xi32, #tpu.memory_space<vmem>> -> memref<125xi32, #tpu.memory_space<vmem>>
    %dma_start3A_120 = arith.constant 0 : i32
    %dma_start3A_121 = arith.constant 0 : i32
    %dma_start3A_122 = tpu.memref_slice %arg2[%dma_start3A_115, %dma_start3A_120, %dma_start3A_121] : memref<1x10000x64xf32, #tpu.memory_space<hbm>> -> memref<1x10000x64xf32, #tpu.memory_space<hbm>>
    %dma_start3A_123 = tpu.memref_squeeze %dma_start3A_122 : memref<1x10000x64xf32, #tpu.memory_space<hbm>> -> memref<10000x64xf32, #tpu.memory_space<hbm>>
    %dma_start3A_124 = arith.constant 0 : i32
    %dma_start3A_125 = arith.constant 0 : i32
    %dma_start3A_126 = tpu.memref_slice %dma_start3A_123[%dma_start3A_124, %dma_start3A_125] : memref<10000x64xf32, #tpu.memory_space<hbm>> -> memref<10000x64xf32, #tpu.memory_space<hbm>>
    tpu.enqueue_indirect_dma source(%dma_start3A_126 : memref<10000x64xf32, #tpu.memory_space<hbm>>) target(%arg14 : memref<125x64xf32, #tpu.memory_space<vmem>>) offsets(%dma_start3A_119 : memref<125xi32, #tpu.memory_space<vmem>>) semaphore(%arg22 : memref<!tpu.dma_semaphore, #tpu.memory_space<semaphore_mem>>)
    %scan3A_127 = arith.constant 0 : i32
    %scan3A_128 = arith.constant 0 : i32
    %scan3A_129 = arith.constant 10 : i32
    %scan3A_130 = arith.addi %scan3A_128, %scan3A_129 : i32
    %scan3A_131 = arith.constant 1 : i32
    scf.for %scan3A_139 = %scan3A_128 to %scan3A_130 step %scan3A_131  : i32 {
      %mul3A_140 = arith.constant 8 : i32
      %mul3A_141 = arith.muli %mul3A_140, %scan3A_139 : i32
      %add3A_142 = arith.constant 0 : i32
      %add3A_143 = arith.addi %mul3A_141, %add3A_142 : i32
      %dma_wait3A = arith.constant 0 : i32
      %dma_wait3A_144 = arith.constant 0 : i32
      %dma_wait3A_145 = tpu.memref_slice %arg5[%add3A_143, %dma_wait3A_144] : memref<80x125xi32, #tpu.memory_space<vmem>> -> memref<1x125xi32, #tpu.memory_space<vmem>>
      %dma_wait3A_146 = tpu.memref_squeeze %dma_wait3A_145 : memref<1x125xi32, #tpu.memory_space<vmem>> -> memref<125xi32, #tpu.memory_space<vmem>>
      %dma_wait3A_147 = arith.constant 0 : i32
      %dma_wait3A_148 = arith.constant 0 : i32
      %dma_wait3A_149 = tpu.memref_slice %arg2[%dma_wait3A, %dma_wait3A_147, %dma_wait3A_148] : memref<1x10000x64xf32, #tpu.memory_space<hbm>> -> memref<1x10000x64xf32, #tpu.memory_space<hbm>>
      %dma_wait3A_150 = tpu.memref_squeeze %dma_wait3A_149 : memref<1x10000x64xf32, #tpu.memory_space<hbm>> -> memref<10000x64xf32, #tpu.memory_space<hbm>>
      %dma_wait3A_151 = arith.constant 0 : i32
      %dma_wait3A_152 = arith.constant 0 : i32
      %dma_wait3A_153 = tpu.memref_slice %dma_wait3A_150[%dma_wait3A_151, %dma_wait3A_152] : memref<10000x64xf32, #tpu.memory_space<hbm>> -> memref<10000x64xf32, #tpu.memory_space<hbm>>
      tpu.wait_indirect_dma semaphore(%arg15 : memref<!tpu.dma_semaphore, #tpu.memory_space<semaphore_mem>>) src(%dma_wait3A_153 : memref<10000x64xf32, #tpu.memory_space<hbm>>) dst(%arg7 : memref<125x64xf32, #tpu.memory_space<vmem>>)
      %add3A_154 = arith.constant 0 : i32
      %add3A_155 = arith.addi %mul3A_141, %add3A_154 : i32
      %dma_start3A_156 = arith.constant 0 : i32
      %dma_start3A_157 = tpu.memref_slice %arg6[%add3A_155, %dma_start3A_156] : memref<80x125xi32, #tpu.memory_space<vmem>> -> memref<1x125xi32, #tpu.memory_space<vmem>>
      %dma_start3A_158 = tpu.memref_squeeze %dma_start3A_157 : memref<1x125xi32, #tpu.memory_space<vmem>> -> memref<125xi32, #tpu.memory_space<vmem>>
      %dma_start3A_159 = arith.constant 0 : i32
      %dma_start3A_160 = arith.constant 0 : i32
      %dma_start3A_161 = tpu.memref_slice %arg31[%dma_start3A_159, %dma_start3A_160] : memref<10240x64xf32, #tpu.memory_space<vmem_shared>> -> memref<10240x64xf32, #tpu.memory_space<vmem_shared>>
      tpu.enqueue_indirect_dma source(%arg7 : memref<125x64xf32, #tpu.memory_space<vmem>>) target(%dma_start3A_161 : memref<10240x64xf32, #tpu.memory_space<vmem_shared>>) offsets(%dma_start3A_158 : memref<125xi32, #tpu.memory_space<vmem>>) semaphore(%arg23 : memref<!tpu.dma_semaphore, #tpu.memory_space<semaphore_mem>>) {add = true}
      %add3A_162 = arith.constant 1 : i32
      %add3A_163 = arith.addi %mul3A_141, %add3A_162 : i32
      %dma_wait3A_164 = arith.constant 0 : i32
      %dma_wait3A_165 = arith.constant 0 : i32
      %dma_wait3A_166 = tpu.memref_slice %arg5[%add3A_163, %dma_wait3A_165] : memref<80x125xi32, #tpu.memory_space<vmem>> -> memref<1x125xi32, #tpu.memory_space<vmem>>
      %dma_wait3A_167 = tpu.memref_squeeze %dma_wait3A_166 : memref<1x125xi32, #tpu.memory_space<vmem>> -> memref<125xi32, #tpu.memory_space<vmem>>
      %dma_wait3A_168 = arith.constant 0 : i32
      %dma_wait3A_169 = arith.constant 0 : i32
      %dma_wait3A_170 = tpu.memref_slice %arg2[%dma_wait3A_164, %dma_wait3A_168, %dma_wait3A_169] : memref<1x10000x64xf32, #tpu.memory_space<hbm>> -> memref<1x10000x64xf32, #tpu.memory_space<hbm>>
      %dma_wait3A_171 = tpu.memref_squeeze %dma_wait3A_170 : memref<1x10000x64xf32, #tpu.memory_space<hbm>> -> memref<10000x64xf32, #tpu.memory_space<hbm>>
      %dma_wait3A_172 = arith.constant 0 : i32
      %dma_wait3A_173 = arith.constant 0 : i32
      %dma_wait3A_174 = tpu.memref_slice %dma_wait3A_171[%dma_wait3A_172, %dma_wait3A_173] : memref<10000x64xf32, #tpu.memory_space<hbm>> -> memref<10000x64xf32, #tpu.memory_space<hbm>>
      tpu.wait_indirect_dma semaphore(%arg16 : memref<!tpu.dma_semaphore, #tpu.memory_space<semaphore_mem>>) src(%dma_wait3A_174 : memref<10000x64xf32, #tpu.memory_space<hbm>>) dst(%arg8 : memref<125x64xf32, #tpu.memory_space<vmem>>)
      %add3A_175 = arith.constant 1 : i32
      %add3A_176 = arith.addi %mul3A_141, %add3A_175 : i32
      %dma_start3A_177 = arith.constant 0 : i32
      %dma_start3A_178 = tpu.memref_slice %arg6[%add3A_176, %dma_start3A_177] : memref<80x125xi32, #tpu.memory_space<vmem>> -> memref<1x125xi32, #tpu.memory_space<vmem>>
      %dma_start3A_179 = tpu.memref_squeeze %dma_start3A_178 : memref<1x125xi32, #tpu.memory_space<vmem>> -> memref<125xi32, #tpu.memory_space<vmem>>
      %dma_start3A_180 = arith.constant 0 : i32
      %dma_start3A_181 = arith.constant 0 : i32
      %dma_start3A_182 = tpu.memref_slice %arg31[%dma_start3A_180, %dma_start3A_181] : memref<10240x64xf32, #tpu.memory_space<vmem_shared>> -> memref<10240x64xf32, #tpu.memory_space<vmem_shared>>
      tpu.enqueue_indirect_dma source(%arg8 : memref<125x64xf32, #tpu.memory_space<vmem>>) target(%dma_start3A_182 : memref<10240x64xf32, #tpu.memory_space<vmem_shared>>) offsets(%dma_start3A_179 : memref<125xi32, #tpu.memory_space<vmem>>) semaphore(%arg24 : memref<!tpu.dma_semaphore, #tpu.memory_space<semaphore_mem>>) {add = true}
      %add3A_183 = arith.constant 2 : i32
      %add3A_184 = arith.addi %mul3A_141, %add3A_183 : i32
      %dma_wait3A_185 = arith.constant 0 : i32
      %dma_wait3A_186 = arith.constant 0 : i32
      %dma_wait3A_187 = tpu.memref_slice %arg5[%add3A_184, %dma_wait3A_186] : memref<80x125xi32, #tpu.memory_space<vmem>> -> memref<1x125xi32, #tpu.memory_space<vmem>>
      %dma_wait3A_188 = tpu.memref_squeeze %dma_wait3A_187 : memref<1x125xi32, #tpu.memory_space<vmem>> -> memref<125xi32, #tpu.memory_space<vmem>>
      %dma_wait3A_189 = arith.constant 0 : i32
      %dma_wait3A_190 = arith.constant 0 : i32
      %dma_wait3A_191 = tpu.memref_slice %arg2[%dma_wait3A_185, %dma_wait3A_189, %dma_wait3A_190] : memref<1x10000x64xf32, #tpu.memory_space<hbm>> -> memref<1x10000x64xf32, #tpu.memory_space<hbm>>
      %dma_wait3A_192 = tpu.memref_squeeze %dma_wait3A_191 : memref<1x10000x64xf32, #tpu.memory_space<hbm>> -> memref<10000x64xf32, #tpu.memory_space<hbm>>
      %dma_wait3A_193 = arith.constant 0 : i32
      %dma_wait3A_194 = arith.constant 0 : i32
      %dma_wait3A_195 = tpu.memref_slice %dma_wait3A_192[%dma_wait3A_193, %dma_wait3A_194] : memref<10000x64xf32, #tpu.memory_space<hbm>> -> memref<10000x64xf32, #tpu.memory_space<hbm>>
      tpu.wait_indirect_dma semaphore(%arg17 : memref<!tpu.dma_semaphore, #tpu.memory_space<semaphore_mem>>) src(%dma_wait3A_195 : memref<10000x64xf32, #tpu.memory_space<hbm>>) dst(%arg9 : memref<125x64xf32, #tpu.memory_space<vmem>>)
      %add3A_196 = arith.constant 2 : i32
      %add3A_197 = arith.addi %mul3A_141, %add3A_196 : i32
      %dma_start3A_198 = arith.constant 0 : i32
      %dma_start3A_199 = tpu.memref_slice %arg6[%add3A_197, %dma_start3A_198] : memref<80x125xi32, #tpu.memory_space<vmem>> -> memref<1x125xi32, #tpu.memory_space<vmem>>
      %dma_start3A_200 = tpu.memref_squeeze %dma_start3A_199 : memref<1x125xi32, #tpu.memory_space<vmem>> -> memref<125xi32, #tpu.memory_space<vmem>>
      %dma_start3A_201 = arith.constant 0 : i32
      %dma_start3A_202 = arith.constant 0 : i32
      %dma_start3A_203 = tpu.memref_slice %arg31[%dma_start3A_201, %dma_start3A_202] : memref<10240x64xf32, #tpu.memory_space<vmem_shared>> -> memref<10240x64xf32, #tpu.memory_space<vmem_shared>>
      tpu.enqueue_indirect_dma source(%arg9 : memref<125x64xf32, #tpu.memory_space<vmem>>) target(%dma_start3A_203 : memref<10240x64xf32, #tpu.memory_space<vmem_shared>>) offsets(%dma_start3A_200 : memref<125xi32, #tpu.memory_space<vmem>>) semaphore(%arg25 : memref<!tpu.dma_semaphore, #tpu.memory_space<semaphore_mem>>) {add = true}
      %add3A_204 = arith.constant 3 : i32
      %add3A_205 = arith.addi %mul3A_141, %add3A_204 : i32
      %dma_wait3A_206 = arith.constant 0 : i32
      %dma_wait3A_207 = arith.constant 0 : i32
      %dma_wait3A_208 = tpu.memref_slice %arg5[%add3A_205, %dma_wait3A_207] : memref<80x125xi32, #tpu.memory_space<vmem>> -> memref<1x125xi32, #tpu.memory_space<vmem>>
      %dma_wait3A_209 = tpu.memref_squeeze %dma_wait3A_208 : memref<1x125xi32, #tpu.memory_space<vmem>> -> memref<125xi32, #tpu.memory_space<vmem>>
      %dma_wait3A_210 = arith.constant 0 : i32
      %dma_wait3A_211 = arith.constant 0 : i32
      %dma_wait3A_212 = tpu.memref_slice %arg2[%dma_wait3A_206, %dma_wait3A_210, %dma_wait3A_211] : memref<1x10000x64xf32, #tpu.memory_space<hbm>> -> memref<1x10000x64xf32, #tpu.memory_space<hbm>>
      %dma_wait3A_213 = tpu.memref_squeeze %dma_wait3A_212 : memref<1x10000x64xf32, #tpu.memory_space<hbm>> -> memref<10000x64xf32, #tpu.memory_space<hbm>>
      %dma_wait3A_214 = arith.constant 0 : i32
      %dma_wait3A_215 = arith.constant 0 : i32
      %dma_wait3A_216 = tpu.memref_slice %dma_wait3A_213[%dma_wait3A_214, %dma_wait3A_215] : memref<10000x64xf32, #tpu.memory_space<hbm>> -> memref<10000x64xf32, #tpu.memory_space<hbm>>
      tpu.wait_indirect_dma semaphore(%arg18 : memref<!tpu.dma_semaphore, #tpu.memory_space<semaphore_mem>>) src(%dma_wait3A_216 : memref<10000x64xf32, #tpu.memory_space<hbm>>) dst(%arg10 : memref<125x64xf32, #tpu.memory_space<vmem>>)
      %add3A_217 = arith.constant 3 : i32
      %add3A_218 = arith.addi %mul3A_141, %add3A_217 : i32
      %dma_start3A_219 = arith.constant 0 : i32
      %dma_start3A_220 = tpu.memref_slice %arg6[%add3A_218, %dma_start3A_219] : memref<80x125xi32, #tpu.memory_space<vmem>> -> memref<1x125xi32, #tpu.memory_space<vmem>>
      %dma_start3A_221 = tpu.memref_squeeze %dma_start3A_220 : memref<1x125xi32, #tpu.memory_space<vmem>> -> memref<125xi32, #tpu.memory_space<vmem>>
      %dma_start3A_222 = arith.constant 0 : i32
      %dma_start3A_223 = arith.constant 0 : i32
      %dma_start3A_224 = tpu.memref_slice %arg31[%dma_start3A_222, %dma_start3A_223] : memref<10240x64xf32, #tpu.memory_space<vmem_shared>> -> memref<10240x64xf32, #tpu.memory_space<vmem_shared>>
      tpu.enqueue_indirect_dma source(%arg10 : memref<125x64xf32, #tpu.memory_space<vmem>>) target(%dma_start3A_224 : memref<10240x64xf32, #tpu.memory_space<vmem_shared>>) offsets(%dma_start3A_221 : memref<125xi32, #tpu.memory_space<vmem>>) semaphore(%arg26 : memref<!tpu.dma_semaphore, #tpu.memory_space<semaphore_mem>>) {add = true}
      %add3A_225 = arith.constant 4 : i32
      %add3A_226 = arith.addi %mul3A_141, %add3A_225 : i32
      %dma_wait3A_227 = arith.constant 0 : i32
      %dma_wait3A_228 = arith.constant 0 : i32
      %dma_wait3A_229 = tpu.memref_slice %arg5[%add3A_226, %dma_wait3A_228] : memref<80x125xi32, #tpu.memory_space<vmem>> -> memref<1x125xi32, #tpu.memory_space<vmem>>
      %dma_wait3A_230 = tpu.memref_squeeze %dma_wait3A_229 : memref<1x125xi32, #tpu.memory_space<vmem>> -> memref<125xi32, #tpu.memory_space<vmem>>
      %dma_wait3A_231 = arith.constant 0 : i32
      %dma_wait3A_232 = arith.constant 0 : i32
      %dma_wait3A_233 = tpu.memref_slice %arg2[%dma_wait3A_227, %dma_wait3A_231, %dma_wait3A_232] : memref<1x10000x64xf32, #tpu.memory_space<hbm>> -> memref<1x10000x64xf32, #tpu.memory_space<hbm>>
      %dma_wait3A_234 = tpu.memref_squeeze %dma_wait3A_233 : memref<1x10000x64xf32, #tpu.memory_space<hbm>> -> memref<10000x64xf32, #tpu.memory_space<hbm>>
      %dma_wait3A_235 = arith.constant 0 : i32
      %dma_wait3A_236 = arith.constant 0 : i32
      %dma_wait3A_237 = tpu.memref_slice %dma_wait3A_234[%dma_wait3A_235, %dma_wait3A_236] : memref<10000x64xf32, #tpu.memory_space<hbm>> -> memref<10000x64xf32, #tpu.memory_space<hbm>>
      tpu.wait_indirect_dma semaphore(%arg19 : memref<!tpu.dma_semaphore, #tpu.memory_space<semaphore_mem>>) src(%dma_wait3A_237 : memref<10000x64xf32, #tpu.memory_space<hbm>>) dst(%arg11 : memref<125x64xf32, #tpu.memory_space<vmem>>)
      %add3A_238 = arith.constant 4 : i32
      %add3A_239 = arith.addi %mul3A_141, %add3A_238 : i32
      %dma_start3A_240 = arith.constant 0 : i32
      %dma_start3A_241 = tpu.memref_slice %arg6[%add3A_239, %dma_start3A_240] : memref<80x125xi32, #tpu.memory_space<vmem>> -> memref<1x125xi32, #tpu.memory_space<vmem>>
      %dma_start3A_242 = tpu.memref_squeeze %dma_start3A_241 : memref<1x125xi32, #tpu.memory_space<vmem>> -> memref<125xi32, #tpu.memory_space<vmem>>
      %dma_start3A_243 = arith.constant 0 : i32
      %dma_start3A_244 = arith.constant 0 : i32
      %dma_start3A_245 = tpu.memref_slice %arg31[%dma_start3A_243, %dma_start3A_244] : memref<10240x64xf32, #tpu.memory_space<vmem_shared>> -> memref<10240x64xf32, #tpu.memory_space<vmem_shared>>
      tpu.enqueue_indirect_dma source(%arg11 : memref<125x64xf32, #tpu.memory_space<vmem>>) target(%dma_start3A_245 : memref<10240x64xf32, #tpu.memory_space<vmem_shared>>) offsets(%dma_start3A_242 : memref<125xi32, #tpu.memory_space<vmem>>) semaphore(%arg27 : memref<!tpu.dma_semaphore, #tpu.memory_space<semaphore_mem>>) {add = true}
      %add3A_246 = arith.constant 5 : i32
      %add3A_247 = arith.addi %mul3A_141, %add3A_246 : i32
      %dma_wait3A_248 = arith.constant 0 : i32
      %dma_wait3A_249 = arith.constant 0 : i32
      %dma_wait3A_250 = tpu.memref_slice %arg5[%add3A_247, %dma_wait3A_249] : memref<80x125xi32, #tpu.memory_space<vmem>> -> memref<1x125xi32, #tpu.memory_space<vmem>>
      %dma_wait3A_251 = tpu.memref_squeeze %dma_wait3A_250 : memref<1x125xi32, #tpu.memory_space<vmem>> -> memref<125xi32, #tpu.memory_space<vmem>>
      %dma_wait3A_252 = arith.constant 0 : i32
      %dma_wait3A_253 = arith.constant 0 : i32
      %dma_wait3A_254 = tpu.memref_slice %arg2[%dma_wait3A_248, %dma_wait3A_252, %dma_wait3A_253] : memref<1x10000x64xf32, #tpu.memory_space<hbm>> -> memref<1x10000x64xf32, #tpu.memory_space<hbm>>
      %dma_wait3A_255 = tpu.memref_squeeze %dma_wait3A_254 : memref<1x10000x64xf32, #tpu.memory_space<hbm>> -> memref<10000x64xf32, #tpu.memory_space<hbm>>
      %dma_wait3A_256 = arith.constant 0 : i32
      %dma_wait3A_257 = arith.constant 0 : i32
      %dma_wait3A_258 = tpu.memref_slice %dma_wait3A_255[%dma_wait3A_256, %dma_wait3A_257] : memref<10000x64xf32, #tpu.memory_space<hbm>> -> memref<10000x64xf32, #tpu.memory_space<hbm>>
      tpu.wait_indirect_dma semaphore(%arg20 : memref<!tpu.dma_semaphore, #tpu.memory_space<semaphore_mem>>) src(%dma_wait3A_258 : memref<10000x64xf32, #tpu.memory_space<hbm>>) dst(%arg12 : memref<125x64xf32, #tpu.memory_space<vmem>>)
      %add3A_259 = arith.constant 5 : i32
      %add3A_260 = arith.addi %mul3A_141, %add3A_259 : i32
      %dma_start3A_261 = arith.constant 0 : i32
      %dma_start3A_262 = tpu.memref_slice %arg6[%add3A_260, %dma_start3A_261] : memref<80x125xi32, #tpu.memory_space<vmem>> -> memref<1x125xi32, #tpu.memory_space<vmem>>
      %dma_start3A_263 = tpu.memref_squeeze %dma_start3A_262 : memref<1x125xi32, #tpu.memory_space<vmem>> -> memref<125xi32, #tpu.memory_space<vmem>>
      %dma_start3A_264 = arith.constant 0 : i32
      %dma_start3A_265 = arith.constant 0 : i32
      %dma_start3A_266 = tpu.memref_slice %arg31[%dma_start3A_264, %dma_start3A_265] : memref<10240x64xf32, #tpu.memory_space<vmem_shared>> -> memref<10240x64xf32, #tpu.memory_space<vmem_shared>>
      tpu.enqueue_indirect_dma source(%arg12 : memref<125x64xf32, #tpu.memory_space<vmem>>) target(%dma_start3A_266 : memref<10240x64xf32, #tpu.memory_space<vmem_shared>>) offsets(%dma_start3A_263 : memref<125xi32, #tpu.memory_space<vmem>>) semaphore(%arg28 : memref<!tpu.dma_semaphore, #tpu.memory_space<semaphore_mem>>) {add = true}
      %add3A_267 = arith.constant 6 : i32
      %add3A_268 = arith.addi %mul3A_141, %add3A_267 : i32
      %dma_wait3A_269 = arith.constant 0 : i32
      %dma_wait3A_270 = arith.constant 0 : i32
      %dma_wait3A_271 = tpu.memref_slice %arg5[%add3A_268, %dma_wait3A_270] : memref<80x125xi32, #tpu.memory_space<vmem>> -> memref<1x125xi32, #tpu.memory_space<vmem>>
      %dma_wait3A_272 = tpu.memref_squeeze %dma_wait3A_271 : memref<1x125xi32, #tpu.memory_space<vmem>> -> memref<125xi32, #tpu.memory_space<vmem>>
      %dma_wait3A_273 = arith.constant 0 : i32
      %dma_wait3A_274 = arith.constant 0 : i32
      %dma_wait3A_275 = tpu.memref_slice %arg2[%dma_wait3A_269, %dma_wait3A_273, %dma_wait3A_274] : memref<1x10000x64xf32, #tpu.memory_space<hbm>> -> memref<1x10000x64xf32, #tpu.memory_space<hbm>>
      %dma_wait3A_276 = tpu.memref_squeeze %dma_wait3A_275 : memref<1x10000x64xf32, #tpu.memory_space<hbm>> -> memref<10000x64xf32, #tpu.memory_space<hbm>>
      %dma_wait3A_277 = arith.constant 0 : i32
      %dma_wait3A_278 = arith.constant 0 : i32
      %dma_wait3A_279 = tpu.memref_slice %dma_wait3A_276[%dma_wait3A_277, %dma_wait3A_278] : memref<10000x64xf32, #tpu.memory_space<hbm>> -> memref<10000x64xf32, #tpu.memory_space<hbm>>
      tpu.wait_indirect_dma semaphore(%arg21 : memref<!tpu.dma_semaphore, #tpu.memory_space<semaphore_mem>>) src(%dma_wait3A_279 : memref<10000x64xf32, #tpu.memory_space<hbm>>) dst(%arg13 : memref<125x64xf32, #tpu.memory_space<vmem>>)
      %add3A_280 = arith.constant 6 : i32
      %add3A_281 = arith.addi %mul3A_141, %add3A_280 : i32
      %dma_start3A_282 = arith.constant 0 : i32
      %dma_start3A_283 = tpu.memref_slice %arg6[%add3A_281, %dma_start3A_282] : memref<80x125xi32, #tpu.memory_space<vmem>> -> memref<1x125xi32, #tpu.memory_space<vmem>>
      %dma_start3A_284 = tpu.memref_squeeze %dma_start3A_283 : memref<1x125xi32, #tpu.memory_space<vmem>> -> memref<125xi32, #tpu.memory_space<vmem>>
      %dma_start3A_285 = arith.constant 0 : i32
      %dma_start3A_286 = arith.constant 0 : i32
      %dma_start3A_287 = tpu.memref_slice %arg31[%dma_start3A_285, %dma_start3A_286] : memref<10240x64xf32, #tpu.memory_space<vmem_shared>> -> memref<10240x64xf32, #tpu.memory_space<vmem_shared>>
      tpu.enqueue_indirect_dma source(%arg13 : memref<125x64xf32, #tpu.memory_space<vmem>>) target(%dma_start3A_287 : memref<10240x64xf32, #tpu.memory_space<vmem_shared>>) offsets(%dma_start3A_284 : memref<125xi32, #tpu.memory_space<vmem>>) semaphore(%arg29 : memref<!tpu.dma_semaphore, #tpu.memory_space<semaphore_mem>>) {add = true}
      %add3A_288 = arith.constant 7 : i32
      %add3A_289 = arith.addi %mul3A_141, %add3A_288 : i32
      %dma_wait3A_290 = arith.constant 0 : i32
      %dma_wait3A_291 = arith.constant 0 : i32
      %dma_wait3A_292 = tpu.memref_slice %arg5[%add3A_289, %dma_wait3A_291] : memref<80x125xi32, #tpu.memory_space<vmem>> -> memref<1x125xi32, #tpu.memory_space<vmem>>
      %dma_wait3A_293 = tpu.memref_squeeze %dma_wait3A_292 : memref<1x125xi32, #tpu.memory_space<vmem>> -> memref<125xi32, #tpu.memory_space<vmem>>
      %dma_wait3A_294 = arith.constant 0 : i32
      %dma_wait3A_295 = arith.constant 0 : i32
      %dma_wait3A_296 = tpu.memref_slice %arg2[%dma_wait3A_290, %dma_wait3A_294, %dma_wait3A_295] : memref<1x10000x64xf32, #tpu.memory_space<hbm>> -> memref<1x10000x64xf32, #tpu.memory_space<hbm>>
      %dma_wait3A_297 = tpu.memref_squeeze %dma_wait3A_296 : memref<1x10000x64xf32, #tpu.memory_space<hbm>> -> memref<10000x64xf32, #tpu.memory_space<hbm>>
      %dma_wait3A_298 = arith.constant 0 : i32
      %dma_wait3A_299 = arith.constant 0 : i32
      %dma_wait3A_300 = tpu.memref_slice %dma_wait3A_297[%dma_wait3A_298, %dma_wait3A_299] : memref<10000x64xf32, #tpu.memory_space<hbm>> -> memref<10000x64xf32, #tpu.memory_space<hbm>>
      tpu.wait_indirect_dma semaphore(%arg22 : memref<!tpu.dma_semaphore, #tpu.memory_space<semaphore_mem>>) src(%dma_wait3A_300 : memref<10000x64xf32, #tpu.memory_space<hbm>>) dst(%arg14 : memref<125x64xf32, #tpu.memory_space<vmem>>)
      %add3A_301 = arith.constant 7 : i32
      %add3A_302 = arith.addi %mul3A_141, %add3A_301 : i32
      %dma_start3A_303 = arith.constant 0 : i32
      %dma_start3A_304 = tpu.memref_slice %arg6[%add3A_302, %dma_start3A_303] : memref<80x125xi32, #tpu.memory_space<vmem>> -> memref<1x125xi32, #tpu.memory_space<vmem>>
      %dma_start3A_305 = tpu.memref_squeeze %dma_start3A_304 : memref<1x125xi32, #tpu.memory_space<vmem>> -> memref<125xi32, #tpu.memory_space<vmem>>
      %dma_start3A_306 = arith.constant 0 : i32
      %dma_start3A_307 = arith.constant 0 : i32
      %dma_start3A_308 = tpu.memref_slice %arg31[%dma_start3A_306, %dma_start3A_307] : memref<10240x64xf32, #tpu.memory_space<vmem_shared>> -> memref<10240x64xf32, #tpu.memory_space<vmem_shared>>
      tpu.enqueue_indirect_dma source(%arg14 : memref<125x64xf32, #tpu.memory_space<vmem>>) target(%dma_start3A_308 : memref<10240x64xf32, #tpu.memory_space<vmem_shared>>) offsets(%dma_start3A_305 : memref<125xi32, #tpu.memory_space<vmem>>) semaphore(%arg30 : memref<!tpu.dma_semaphore, #tpu.memory_space<semaphore_mem>>) {add = true}
      %add3A_309 = arith.constant 0 : i32
      %add3A_310 = arith.addi %mul3A_141, %add3A_309 : i32
      %dma_wait3A_311 = arith.constant 0 : i32
      %dma_wait3A_312 = tpu.memref_slice %arg6[%add3A_310, %dma_wait3A_311] : memref<80x125xi32, #tpu.memory_space<vmem>> -> memref<1x125xi32, #tpu.memory_space<vmem>>
      %dma_wait3A_313 = tpu.memref_squeeze %dma_wait3A_312 : memref<1x125xi32, #tpu.memory_space<vmem>> -> memref<125xi32, #tpu.memory_space<vmem>>
      %dma_wait3A_314 = arith.constant 0 : i32
      %dma_wait3A_315 = arith.constant 0 : i32
      %dma_wait3A_316 = tpu.memref_slice %arg31[%dma_wait3A_314, %dma_wait3A_315] : memref<10240x64xf32, #tpu.memory_space<vmem_shared>> -> memref<10240x64xf32, #tpu.memory_space<vmem_shared>>
      tpu.wait_indirect_dma semaphore(%arg23 : memref<!tpu.dma_semaphore, #tpu.memory_space<semaphore_mem>>) src(%arg7 : memref<125x64xf32, #tpu.memory_space<vmem>>) dst(%dma_wait3A_316 : memref<10240x64xf32, #tpu.memory_space<vmem_shared>>)
      %add3A_317 = arith.constant 0 : i32
      %add3A_318 = arith.addi %mul3A_141, %add3A_317 : i32
      %add3A_319 = arith.constant 8 : i32
      %add3A_320 = arith.addi %add3A_318, %add3A_319 : i32
      %lt3A = arith.constant 80 : i32
      %lt3A_321 = arith.cmpi slt, %add3A_320, %lt3A : i32
      %convert_element_type3A = arith.extui %lt3A_321 : i1 to i32
      %cond3A = arith.constant 0 : i32
      %cond3A_322 = arith.cmpi ne, %convert_element_type3A, %cond3A : i32
      scf.if %cond3A_322 {
        %add3A_442 = arith.constant 0 : i32
        %add3A_443 = arith.addi %mul3A_141, %add3A_442 : i32
        %add3A_444 = arith.constant 8 : i32
        %add3A_445 = arith.addi %add3A_443, %add3A_444 : i32
        %dma_start3A_446 = arith.constant 0 : i32
        %dma_start3A_447 = arith.constant 0 : i32
        %dma_start3A_448 = tpu.memref_slice %arg5[%add3A_445, %dma_start3A_447] : memref<80x125xi32, #tpu.memory_space<vmem>> -> memref<1x125xi32, #tpu.memory_space<vmem>>
        %dma_start3A_449 = tpu.memref_squeeze %dma_start3A_448 : memref<1x125xi32, #tpu.memory_space<vmem>> -> memref<125xi32, #tpu.memory_space<vmem>>
        %dma_start3A_450 = arith.constant 0 : i32
        %dma_start3A_451 = arith.constant 0 : i32
        %dma_start3A_452 = tpu.memref_slice %arg2[%dma_start3A_446, %dma_start3A_450, %dma_start3A_451] : memref<1x10000x64xf32, #tpu.memory_space<hbm>> -> memref<1x10000x64xf32, #tpu.memory_space<hbm>>
        %dma_start3A_453 = tpu.memref_squeeze %dma_start3A_452 : memref<1x10000x64xf32, #tpu.memory_space<hbm>> -> memref<10000x64xf32, #tpu.memory_space<hbm>>
        %dma_start3A_454 = arith.constant 0 : i32
        %dma_start3A_455 = arith.constant 0 : i32
        %dma_start3A_456 = tpu.memref_slice %dma_start3A_453[%dma_start3A_454, %dma_start3A_455] : memref<10000x64xf32, #tpu.memory_space<hbm>> -> memref<10000x64xf32, #tpu.memory_space<hbm>>
        tpu.enqueue_indirect_dma source(%dma_start3A_456 : memref<10000x64xf32, #tpu.memory_space<hbm>>) target(%arg7 : memref<125x64xf32, #tpu.memory_space<vmem>>) offsets(%dma_start3A_449 : memref<125xi32, #tpu.memory_space<vmem>>) semaphore(%arg15 : memref<!tpu.dma_semaphore, #tpu.memory_space<semaphore_mem>>)
      } else {
      }
      %add3A_323 = arith.constant 1 : i32
      %add3A_324 = arith.addi %mul3A_141, %add3A_323 : i32
      %dma_wait3A_325 = arith.constant 0 : i32
      %dma_wait3A_326 = tpu.memref_slice %arg6[%add3A_324, %dma_wait3A_325] : memref<80x125xi32, #tpu.memory_space<vmem>> -> memref<1x125xi32, #tpu.memory_space<vmem>>
      %dma_wait3A_327 = tpu.memref_squeeze %dma_wait3A_326 : memref<1x125xi32, #tpu.memory_space<vmem>> -> memref<125xi32, #tpu.memory_space<vmem>>
      %dma_wait3A_328 = arith.constant 0 : i32
      %dma_wait3A_329 = arith.constant 0 : i32
      %dma_wait3A_330 = tpu.memref_slice %arg31[%dma_wait3A_328, %dma_wait3A_329] : memref<10240x64xf32, #tpu.memory_space<vmem_shared>> -> memref<10240x64xf32, #tpu.memory_space<vmem_shared>>
      tpu.wait_indirect_dma semaphore(%arg24 : memref<!tpu.dma_semaphore, #tpu.memory_space<semaphore_mem>>) src(%arg8 : memref<125x64xf32, #tpu.memory_space<vmem>>) dst(%dma_wait3A_330 : memref<10240x64xf32, #tpu.memory_space<vmem_shared>>)
      %add3A_331 = arith.constant 1 : i32
      %add3A_332 = arith.addi %mul3A_141, %add3A_331 : i32
      %add3A_333 = arith.constant 8 : i32
      %add3A_334 = arith.addi %add3A_332, %add3A_333 : i32
      %lt3A_335 = arith.constant 80 : i32
      %lt3A_336 = arith.cmpi slt, %add3A_334, %lt3A_335 : i32
      %convert_element_type3A_337 = arith.extui %lt3A_336 : i1 to i32
      %cond3A_338 = arith.constant 0 : i32
      %cond3A_339 = arith.cmpi ne, %convert_element_type3A_337, %cond3A_338 : i32
      scf.if %cond3A_339 {
        %add3A_442 = arith.constant 1 : i32
        %add3A_443 = arith.addi %mul3A_141, %add3A_442 : i32
        %add3A_444 = arith.constant 8 : i32
        %add3A_445 = arith.addi %add3A_443, %add3A_444 : i32
        %dma_start3A_446 = arith.constant 0 : i32
        %dma_start3A_447 = arith.constant 0 : i32
        %dma_start3A_448 = tpu.memref_slice %arg5[%add3A_445, %dma_start3A_447] : memref<80x125xi32, #tpu.memory_space<vmem>> -> memref<1x125xi32, #tpu.memory_space<vmem>>
        %dma_start3A_449 = tpu.memref_squeeze %dma_start3A_448 : memref<1x125xi32, #tpu.memory_space<vmem>> -> memref<125xi32, #tpu.memory_space<vmem>>
        %dma_start3A_450 = arith.constant 0 : i32
        %dma_start3A_451 = arith.constant 0 : i32
        %dma_start3A_452 = tpu.memref_slice %arg2[%dma_start3A_446, %dma_start3A_450, %dma_start3A_451] : memref<1x10000x64xf32, #tpu.memory_space<hbm>> -> memref<1x10000x64xf32, #tpu.memory_space<hbm>>
        %dma_start3A_453 = tpu.memref_squeeze %dma_start3A_452 : memref<1x10000x64xf32, #tpu.memory_space<hbm>> -> memref<10000x64xf32, #tpu.memory_space<hbm>>
        %dma_start3A_454 = arith.constant 0 : i32
        %dma_start3A_455 = arith.constant 0 : i32
        %dma_start3A_456 = tpu.memref_slice %dma_start3A_453[%dma_start3A_454, %dma_start3A_455] : memref<10000x64xf32, #tpu.memory_space<hbm>> -> memref<10000x64xf32, #tpu.memory_space<hbm>>
        tpu.enqueue_indirect_dma source(%dma_start3A_456 : memref<10000x64xf32, #tpu.memory_space<hbm>>) target(%arg8 : memref<125x64xf32, #tpu.memory_space<vmem>>) offsets(%dma_start3A_449 : memref<125xi32, #tpu.memory_space<vmem>>) semaphore(%arg16 : memref<!tpu.dma_semaphore, #tpu.memory_space<semaphore_mem>>)
      } else {
      }
      %add3A_340 = arith.constant 2 : i32
      %add3A_341 = arith.addi %mul3A_141, %add3A_340 : i32
      %dma_wait3A_342 = arith.constant 0 : i32
      %dma_wait3A_343 = tpu.memref_slice %arg6[%add3A_341, %dma_wait3A_342] : memref<80x125xi32, #tpu.memory_space<vmem>> -> memref<1x125xi32, #tpu.memory_space<vmem>>
      %dma_wait3A_344 = tpu.memref_squeeze %dma_wait3A_343 : memref<1x125xi32, #tpu.memory_space<vmem>> -> memref<125xi32, #tpu.memory_space<vmem>>
      %dma_wait3A_345 = arith.constant 0 : i32
      %dma_wait3A_346 = arith.constant 0 : i32
      %dma_wait3A_347 = tpu.memref_slice %arg31[%dma_wait3A_345, %dma_wait3A_346] : memref<10240x64xf32, #tpu.memory_space<vmem_shared>> -> memref<10240x64xf32, #tpu.memory_space<vmem_shared>>
      tpu.wait_indirect_dma semaphore(%arg25 : memref<!tpu.dma_semaphore, #tpu.memory_space<semaphore_mem>>) src(%arg9 : memref<125x64xf32, #tpu.memory_space<vmem>>) dst(%dma_wait3A_347 : memref<10240x64xf32, #tpu.memory_space<vmem_shared>>)
      %add3A_348 = arith.constant 2 : i32
      %add3A_349 = arith.addi %mul3A_141, %add3A_348 : i32
      %add3A_350 = arith.constant 8 : i32
      %add3A_351 = arith.addi %add3A_349, %add3A_350 : i32
      %lt3A_352 = arith.constant 80 : i32
      %lt3A_353 = arith.cmpi slt, %add3A_351, %lt3A_352 : i32
      %convert_element_type3A_354 = arith.extui %lt3A_353 : i1 to i32
      %cond3A_355 = arith.constant 0 : i32
      %cond3A_356 = arith.cmpi ne, %convert_element_type3A_354, %cond3A_355 : i32
      scf.if %cond3A_356 {
        %add3A_442 = arith.constant 2 : i32
        %add3A_443 = arith.addi %mul3A_141, %add3A_442 : i32
        %add3A_444 = arith.constant 8 : i32
        %add3A_445 = arith.addi %add3A_443, %add3A_444 : i32
        %dma_start3A_446 = arith.constant 0 : i32
        %dma_start3A_447 = arith.constant 0 : i32
        %dma_start3A_448 = tpu.memref_slice %arg5[%add3A_445, %dma_start3A_447] : memref<80x125xi32, #tpu.memory_space<vmem>> -> memref<1x125xi32, #tpu.memory_space<vmem>>
        %dma_start3A_449 = tpu.memref_squeeze %dma_start3A_448 : memref<1x125xi32, #tpu.memory_space<vmem>> -> memref<125xi32, #tpu.memory_space<vmem>>
        %dma_start3A_450 = arith.constant 0 : i32
        %dma_start3A_451 = arith.constant 0 : i32
        %dma_start3A_452 = tpu.memref_slice %arg2[%dma_start3A_446, %dma_start3A_450, %dma_start3A_451] : memref<1x10000x64xf32, #tpu.memory_space<hbm>> -> memref<1x10000x64xf32, #tpu.memory_space<hbm>>
        %dma_start3A_453 = tpu.memref_squeeze %dma_start3A_452 : memref<1x10000x64xf32, #tpu.memory_space<hbm>> -> memref<10000x64xf32, #tpu.memory_space<hbm>>
        %dma_start3A_454 = arith.constant 0 : i32
        %dma_start3A_455 = arith.constant 0 : i32
        %dma_start3A_456 = tpu.memref_slice %dma_start3A_453[%dma_start3A_454, %dma_start3A_455] : memref<10000x64xf32, #tpu.memory_space<hbm>> -> memref<10000x64xf32, #tpu.memory_space<hbm>>
        tpu.enqueue_indirect_dma source(%dma_start3A_456 : memref<10000x64xf32, #tpu.memory_space<hbm>>) target(%arg9 : memref<125x64xf32, #tpu.memory_space<vmem>>) offsets(%dma_start3A_449 : memref<125xi32, #tpu.memory_space<vmem>>) semaphore(%arg17 : memref<!tpu.dma_semaphore, #tpu.memory_space<semaphore_mem>>)
      } else {
      }
      %add3A_357 = arith.constant 3 : i32
      %add3A_358 = arith.addi %mul3A_141, %add3A_357 : i32
      %dma_wait3A_359 = arith.constant 0 : i32
      %dma_wait3A_360 = tpu.memref_slice %arg6[%add3A_358, %dma_wait3A_359] : memref<80x125xi32, #tpu.memory_space<vmem>> -> memref<1x125xi32, #tpu.memory_space<vmem>>
      %dma_wait3A_361 = tpu.memref_squeeze %dma_wait3A_360 : memref<1x125xi32, #tpu.memory_space<vmem>> -> memref<125xi32, #tpu.memory_space<vmem>>
      %dma_wait3A_362 = arith.constant 0 : i32
      %dma_wait3A_363 = arith.constant 0 : i32
      %dma_wait3A_364 = tpu.memref_slice %arg31[%dma_wait3A_362, %dma_wait3A_363] : memref<10240x64xf32, #tpu.memory_space<vmem_shared>> -> memref<10240x64xf32, #tpu.memory_space<vmem_shared>>
      tpu.wait_indirect_dma semaphore(%arg26 : memref<!tpu.dma_semaphore, #tpu.memory_space<semaphore_mem>>) src(%arg10 : memref<125x64xf32, #tpu.memory_space<vmem>>) dst(%dma_wait3A_364 : memref<10240x64xf32, #tpu.memory_space<vmem_shared>>)
      %add3A_365 = arith.constant 3 : i32
      %add3A_366 = arith.addi %mul3A_141, %add3A_365 : i32
      %add3A_367 = arith.constant 8 : i32
      %add3A_368 = arith.addi %add3A_366, %add3A_367 : i32
      %lt3A_369 = arith.constant 80 : i32
      %lt3A_370 = arith.cmpi slt, %add3A_368, %lt3A_369 : i32
      %convert_element_type3A_371 = arith.extui %lt3A_370 : i1 to i32
      %cond3A_372 = arith.constant 0 : i32
      %cond3A_373 = arith.cmpi ne, %convert_element_type3A_371, %cond3A_372 : i32
      scf.if %cond3A_373 {
        %add3A_442 = arith.constant 3 : i32
        %add3A_443 = arith.addi %mul3A_141, %add3A_442 : i32
        %add3A_444 = arith.constant 8 : i32
        %add3A_445 = arith.addi %add3A_443, %add3A_444 : i32
        %dma_start3A_446 = arith.constant 0 : i32
        %dma_start3A_447 = arith.constant 0 : i32
        %dma_start3A_448 = tpu.memref_slice %arg5[%add3A_445, %dma_start3A_447] : memref<80x125xi32, #tpu.memory_space<vmem>> -> memref<1x125xi32, #tpu.memory_space<vmem>>
        %dma_start3A_449 = tpu.memref_squeeze %dma_start3A_448 : memref<1x125xi32, #tpu.memory_space<vmem>> -> memref<125xi32, #tpu.memory_space<vmem>>
        %dma_start3A_450 = arith.constant 0 : i32
        %dma_start3A_451 = arith.constant 0 : i32
        %dma_start3A_452 = tpu.memref_slice %arg2[%dma_start3A_446, %dma_start3A_450, %dma_start3A_451] : memref<1x10000x64xf32, #tpu.memory_space<hbm>> -> memref<1x10000x64xf32, #tpu.memory_space<hbm>>
        %dma_start3A_453 = tpu.memref_squeeze %dma_start3A_452 : memref<1x10000x64xf32, #tpu.memory_space<hbm>> -> memref<10000x64xf32, #tpu.memory_space<hbm>>
        %dma_start3A_454 = arith.constant 0 : i32
        %dma_start3A_455 = arith.constant 0 : i32
        %dma_start3A_456 = tpu.memref_slice %dma_start3A_453[%dma_start3A_454, %dma_start3A_455] : memref<10000x64xf32, #tpu.memory_space<hbm>> -> memref<10000x64xf32, #tpu.memory_space<hbm>>
        tpu.enqueue_indirect_dma source(%dma_start3A_456 : memref<10000x64xf32, #tpu.memory_space<hbm>>) target(%arg10 : memref<125x64xf32, #tpu.memory_space<vmem>>) offsets(%dma_start3A_449 : memref<125xi32, #tpu.memory_space<vmem>>) semaphore(%arg18 : memref<!tpu.dma_semaphore, #tpu.memory_space<semaphore_mem>>)
      } else {
      }
      %add3A_374 = arith.constant 4 : i32
      %add3A_375 = arith.addi %mul3A_141, %add3A_374 : i32
      %dma_wait3A_376 = arith.constant 0 : i32
      %dma_wait3A_377 = tpu.memref_slice %arg6[%add3A_375, %dma_wait3A_376] : memref<80x125xi32, #tpu.memory_space<vmem>> -> memref<1x125xi32, #tpu.memory_space<vmem>>
      %dma_wait3A_378 = tpu.memref_squeeze %dma_wait3A_377 : memref<1x125xi32, #tpu.memory_space<vmem>> -> memref<125xi32, #tpu.memory_space<vmem>>
      %dma_wait3A_379 = arith.constant 0 : i32
      %dma_wait3A_380 = arith.constant 0 : i32
      %dma_wait3A_381 = tpu.memref_slice %arg31[%dma_wait3A_379, %dma_wait3A_380] : memref<10240x64xf32, #tpu.memory_space<vmem_shared>> -> memref<10240x64xf32, #tpu.memory_space<vmem_shared>>
      tpu.wait_indirect_dma semaphore(%arg27 : memref<!tpu.dma_semaphore, #tpu.memory_space<semaphore_mem>>) src(%arg11 : memref<125x64xf32, #tpu.memory_space<vmem>>) dst(%dma_wait3A_381 : memref<10240x64xf32, #tpu.memory_space<vmem_shared>>)
      %add3A_382 = arith.constant 4 : i32
      %add3A_383 = arith.addi %mul3A_141, %add3A_382 : i32
      %add3A_384 = arith.constant 8 : i32
      %add3A_385 = arith.addi %add3A_383, %add3A_384 : i32
      %lt3A_386 = arith.constant 80 : i32
      %lt3A_387 = arith.cmpi slt, %add3A_385, %lt3A_386 : i32
      %convert_element_type3A_388 = arith.extui %lt3A_387 : i1 to i32
      %cond3A_389 = arith.constant 0 : i32
      %cond3A_390 = arith.cmpi ne, %convert_element_type3A_388, %cond3A_389 : i32
      scf.if %cond3A_390 {
        %add3A_442 = arith.constant 4 : i32
        %add3A_443 = arith.addi %mul3A_141, %add3A_442 : i32
        %add3A_444 = arith.constant 8 : i32
        %add3A_445 = arith.addi %add3A_443, %add3A_444 : i32
        %dma_start3A_446 = arith.constant 0 : i32
        %dma_start3A_447 = arith.constant 0 : i32
        %dma_start3A_448 = tpu.memref_slice %arg5[%add3A_445, %dma_start3A_447] : memref<80x125xi32, #tpu.memory_space<vmem>> -> memref<1x125xi32, #tpu.memory_space<vmem>>
        %dma_start3A_449 = tpu.memref_squeeze %dma_start3A_448 : memref<1x125xi32, #tpu.memory_space<vmem>> -> memref<125xi32, #tpu.memory_space<vmem>>
        %dma_start3A_450 = arith.constant 0 : i32
        %dma_start3A_451 = arith.constant 0 : i32
        %dma_start3A_452 = tpu.memref_slice %arg2[%dma_start3A_446, %dma_start3A_450, %dma_start3A_451] : memref<1x10000x64xf32, #tpu.memory_space<hbm>> -> memref<1x10000x64xf32, #tpu.memory_space<hbm>>
        %dma_start3A_453 = tpu.memref_squeeze %dma_start3A_452 : memref<1x10000x64xf32, #tpu.memory_space<hbm>> -> memref<10000x64xf32, #tpu.memory_space<hbm>>
        %dma_start3A_454 = arith.constant 0 : i32
        %dma_start3A_455 = arith.constant 0 : i32
        %dma_start3A_456 = tpu.memref_slice %dma_start3A_453[%dma_start3A_454, %dma_start3A_455] : memref<10000x64xf32, #tpu.memory_space<hbm>> -> memref<10000x64xf32, #tpu.memory_space<hbm>>
        tpu.enqueue_indirect_dma source(%dma_start3A_456 : memref<10000x64xf32, #tpu.memory_space<hbm>>) target(%arg11 : memref<125x64xf32, #tpu.memory_space<vmem>>) offsets(%dma_start3A_449 : memref<125xi32, #tpu.memory_space<vmem>>) semaphore(%arg19 : memref<!tpu.dma_semaphore, #tpu.memory_space<semaphore_mem>>)
      } else {
      }
      %add3A_391 = arith.constant 5 : i32
      %add3A_392 = arith.addi %mul3A_141, %add3A_391 : i32
      %dma_wait3A_393 = arith.constant 0 : i32
      %dma_wait3A_394 = tpu.memref_slice %arg6[%add3A_392, %dma_wait3A_393] : memref<80x125xi32, #tpu.memory_space<vmem>> -> memref<1x125xi32, #tpu.memory_space<vmem>>
      %dma_wait3A_395 = tpu.memref_squeeze %dma_wait3A_394 : memref<1x125xi32, #tpu.memory_space<vmem>> -> memref<125xi32, #tpu.memory_space<vmem>>
      %dma_wait3A_396 = arith.constant 0 : i32
      %dma_wait3A_397 = arith.constant 0 : i32
      %dma_wait3A_398 = tpu.memref_slice %arg31[%dma_wait3A_396, %dma_wait3A_397] : memref<10240x64xf32, #tpu.memory_space<vmem_shared>> -> memref<10240x64xf32, #tpu.memory_space<vmem_shared>>
      tpu.wait_indirect_dma semaphore(%arg28 : memref<!tpu.dma_semaphore, #tpu.memory_space<semaphore_mem>>) src(%arg12 : memref<125x64xf32, #tpu.memory_space<vmem>>) dst(%dma_wait3A_398 : memref<10240x64xf32, #tpu.memory_space<vmem_shared>>)
      %add3A_399 = arith.constant 5 : i32
      %add3A_400 = arith.addi %mul3A_141, %add3A_399 : i32
      %add3A_401 = arith.constant 8 : i32
      %add3A_402 = arith.addi %add3A_400, %add3A_401 : i32
      %lt3A_403 = arith.constant 80 : i32
      %lt3A_404 = arith.cmpi slt, %add3A_402, %lt3A_403 : i32
      %convert_element_type3A_405 = arith.extui %lt3A_404 : i1 to i32
      %cond3A_406 = arith.constant 0 : i32
      %cond3A_407 = arith.cmpi ne, %convert_element_type3A_405, %cond3A_406 : i32
      scf.if %cond3A_407 {
        %add3A_442 = arith.constant 5 : i32
        %add3A_443 = arith.addi %mul3A_141, %add3A_442 : i32
        %add3A_444 = arith.constant 8 : i32
        %add3A_445 = arith.addi %add3A_443, %add3A_444 : i32
        %dma_start3A_446 = arith.constant 0 : i32
        %dma_start3A_447 = arith.constant 0 : i32
        %dma_start3A_448 = tpu.memref_slice %arg5[%add3A_445, %dma_start3A_447] : memref<80x125xi32, #tpu.memory_space<vmem>> -> memref<1x125xi32, #tpu.memory_space<vmem>>
        %dma_start3A_449 = tpu.memref_squeeze %dma_start3A_448 : memref<1x125xi32, #tpu.memory_space<vmem>> -> memref<125xi32, #tpu.memory_space<vmem>>
        %dma_start3A_450 = arith.constant 0 : i32
        %dma_start3A_451 = arith.constant 0 : i32
        %dma_start3A_452 = tpu.memref_slice %arg2[%dma_start3A_446, %dma_start3A_450, %dma_start3A_451] : memref<1x10000x64xf32, #tpu.memory_space<hbm>> -> memref<1x10000x64xf32, #tpu.memory_space<hbm>>
        %dma_start3A_453 = tpu.memref_squeeze %dma_start3A_452 : memref<1x10000x64xf32, #tpu.memory_space<hbm>> -> memref<10000x64xf32, #tpu.memory_space<hbm>>
        %dma_start3A_454 = arith.constant 0 : i32
        %dma_start3A_455 = arith.constant 0 : i32
        %dma_start3A_456 = tpu.memref_slice %dma_start3A_453[%dma_start3A_454, %dma_start3A_455] : memref<10000x64xf32, #tpu.memory_space<hbm>> -> memref<10000x64xf32, #tpu.memory_space<hbm>>
        tpu.enqueue_indirect_dma source(%dma_start3A_456 : memref<10000x64xf32, #tpu.memory_space<hbm>>) target(%arg12 : memref<125x64xf32, #tpu.memory_space<vmem>>) offsets(%dma_start3A_449 : memref<125xi32, #tpu.memory_space<vmem>>) semaphore(%arg20 : memref<!tpu.dma_semaphore, #tpu.memory_space<semaphore_mem>>)
      } else {
      }
      %add3A_408 = arith.constant 6 : i32
      %add3A_409 = arith.addi %mul3A_141, %add3A_408 : i32
      %dma_wait3A_410 = arith.constant 0 : i32
      %dma_wait3A_411 = tpu.memref_slice %arg6[%add3A_409, %dma_wait3A_410] : memref<80x125xi32, #tpu.memory_space<vmem>> -> memref<1x125xi32, #tpu.memory_space<vmem>>
      %dma_wait3A_412 = tpu.memref_squeeze %dma_wait3A_411 : memref<1x125xi32, #tpu.memory_space<vmem>> -> memref<125xi32, #tpu.memory_space<vmem>>
      %dma_wait3A_413 = arith.constant 0 : i32
      %dma_wait3A_414 = arith.constant 0 : i32
      %dma_wait3A_415 = tpu.memref_slice %arg31[%dma_wait3A_413, %dma_wait3A_414] : memref<10240x64xf32, #tpu.memory_space<vmem_shared>> -> memref<10240x64xf32, #tpu.memory_space<vmem_shared>>
      tpu.wait_indirect_dma semaphore(%arg29 : memref<!tpu.dma_semaphore, #tpu.memory_space<semaphore_mem>>) src(%arg13 : memref<125x64xf32, #tpu.memory_space<vmem>>) dst(%dma_wait3A_415 : memref<10240x64xf32, #tpu.memory_space<vmem_shared>>)
      %add3A_416 = arith.constant 6 : i32
      %add3A_417 = arith.addi %mul3A_141, %add3A_416 : i32
      %add3A_418 = arith.constant 8 : i32
      %add3A_419 = arith.addi %add3A_417, %add3A_418 : i32
      %lt3A_420 = arith.constant 80 : i32
      %lt3A_421 = arith.cmpi slt, %add3A_419, %lt3A_420 : i32
      %convert_element_type3A_422 = arith.extui %lt3A_421 : i1 to i32
      %cond3A_423 = arith.constant 0 : i32
      %cond3A_424 = arith.cmpi ne, %convert_element_type3A_422, %cond3A_423 : i32
      scf.if %cond3A_424 {
        %add3A_442 = arith.constant 6 : i32
        %add3A_443 = arith.addi %mul3A_141, %add3A_442 : i32
        %add3A_444 = arith.constant 8 : i32
        %add3A_445 = arith.addi %add3A_443, %add3A_444 : i32
        %dma_start3A_446 = arith.constant 0 : i32
        %dma_start3A_447 = arith.constant 0 : i32
        %dma_start3A_448 = tpu.memref_slice %arg5[%add3A_445, %dma_start3A_447] : memref<80x125xi32, #tpu.memory_space<vmem>> -> memref<1x125xi32, #tpu.memory_space<vmem>>
        %dma_start3A_449 = tpu.memref_squeeze %dma_start3A_448 : memref<1x125xi32, #tpu.memory_space<vmem>> -> memref<125xi32, #tpu.memory_space<vmem>>
        %dma_start3A_450 = arith.constant 0 : i32
        %dma_start3A_451 = arith.constant 0 : i32
        %dma_start3A_452 = tpu.memref_slice %arg2[%dma_start3A_446, %dma_start3A_450, %dma_start3A_451] : memref<1x10000x64xf32, #tpu.memory_space<hbm>> -> memref<1x10000x64xf32, #tpu.memory_space<hbm>>
        %dma_start3A_453 = tpu.memref_squeeze %dma_start3A_452 : memref<1x10000x64xf32, #tpu.memory_space<hbm>> -> memref<10000x64xf32, #tpu.memory_space<hbm>>
        %dma_start3A_454 = arith.constant 0 : i32
        %dma_start3A_455 = arith.constant 0 : i32
        %dma_start3A_456 = tpu.memref_slice %dma_start3A_453[%dma_start3A_454, %dma_start3A_455] : memref<10000x64xf32, #tpu.memory_space<hbm>> -> memref<10000x64xf32, #tpu.memory_space<hbm>>
        tpu.enqueue_indirect_dma source(%dma_start3A_456 : memref<10000x64xf32, #tpu.memory_space<hbm>>) target(%arg13 : memref<125x64xf32, #tpu.memory_space<vmem>>) offsets(%dma_start3A_449 : memref<125xi32, #tpu.memory_space<vmem>>) semaphore(%arg21 : memref<!tpu.dma_semaphore, #tpu.memory_space<semaphore_mem>>)
      } else {
      }
      %add3A_425 = arith.constant 7 : i32
      %add3A_426 = arith.addi %mul3A_141, %add3A_425 : i32
      %dma_wait3A_427 = arith.constant 0 : i32
      %dma_wait3A_428 = tpu.memref_slice %arg6[%add3A_426, %dma_wait3A_427] : memref<80x125xi32, #tpu.memory_space<vmem>> -> memref<1x125xi32, #tpu.memory_space<vmem>>
      %dma_wait3A_429 = tpu.memref_squeeze %dma_wait3A_428 : memref<1x125xi32, #tpu.memory_space<vmem>> -> memref<125xi32, #tpu.memory_space<vmem>>
      %dma_wait3A_430 = arith.constant 0 : i32
      %dma_wait3A_431 = arith.constant 0 : i32
      %dma_wait3A_432 = tpu.memref_slice %arg31[%dma_wait3A_430, %dma_wait3A_431] : memref<10240x64xf32, #tpu.memory_space<vmem_shared>> -> memref<10240x64xf32, #tpu.memory_space<vmem_shared>>
      tpu.wait_indirect_dma semaphore(%arg30 : memref<!tpu.dma_semaphore, #tpu.memory_space<semaphore_mem>>) src(%arg14 : memref<125x64xf32, #tpu.memory_space<vmem>>) dst(%dma_wait3A_432 : memref<10240x64xf32, #tpu.memory_space<vmem_shared>>)
      %add3A_433 = arith.constant 7 : i32
      %add3A_434 = arith.addi %mul3A_141, %add3A_433 : i32
      %add3A_435 = arith.constant 8 : i32
      %add3A_436 = arith.addi %add3A_434, %add3A_435 : i32
      %lt3A_437 = arith.constant 80 : i32
      %lt3A_438 = arith.cmpi slt, %add3A_436, %lt3A_437 : i32
      %convert_element_type3A_439 = arith.extui %lt3A_438 : i1 to i32
      %cond3A_440 = arith.constant 0 : i32
      %cond3A_441 = arith.cmpi ne, %convert_element_type3A_439, %cond3A_440 : i32
      scf.if %cond3A_441 {
        %add3A_442 = arith.constant 7 : i32
        %add3A_443 = arith.addi %mul3A_141, %add3A_442 : i32
        %add3A_444 = arith.constant 8 : i32
        %add3A_445 = arith.addi %add3A_443, %add3A_444 : i32
        %dma_start3A_446 = arith.constant 0 : i32
        %dma_start3A_447 = arith.constant 0 : i32
        %dma_start3A_448 = tpu.memref_slice %arg5[%add3A_445, %dma_start3A_447] : memref<80x125xi32, #tpu.memory_space<vmem>> -> memref<1x125xi32, #tpu.memory_space<vmem>>
        %dma_start3A_449 = tpu.memref_squeeze %dma_start3A_448 : memref<1x125xi32, #tpu.memory_space<vmem>> -> memref<125xi32, #tpu.memory_space<vmem>>
        %dma_start3A_450 = arith.constant 0 : i32
        %dma_start3A_451 = arith.constant 0 : i32
        %dma_start3A_452 = tpu.memref_slice %arg2[%dma_start3A_446, %dma_start3A_450, %dma_start3A_451] : memref<1x10000x64xf32, #tpu.memory_space<hbm>> -> memref<1x10000x64xf32, #tpu.memory_space<hbm>>
        %dma_start3A_453 = tpu.memref_squeeze %dma_start3A_452 : memref<1x10000x64xf32, #tpu.memory_space<hbm>> -> memref<10000x64xf32, #tpu.memory_space<hbm>>
        %dma_start3A_454 = arith.constant 0 : i32
        %dma_start3A_455 = arith.constant 0 : i32
        %dma_start3A_456 = tpu.memref_slice %dma_start3A_453[%dma_start3A_454, %dma_start3A_455] : memref<10000x64xf32, #tpu.memory_space<hbm>> -> memref<10000x64xf32, #tpu.memory_space<hbm>>
        tpu.enqueue_indirect_dma source(%dma_start3A_456 : memref<10000x64xf32, #tpu.memory_space<hbm>>) target(%arg14 : memref<125x64xf32, #tpu.memory_space<vmem>>) offsets(%dma_start3A_449 : memref<125xi32, #tpu.memory_space<vmem>>) semaphore(%arg22 : memref<!tpu.dma_semaphore, #tpu.memory_space<semaphore_mem>>)
      } else {
      }
    }
    %scan3A_132 = arith.constant 10 : i32
    %barrier3A_133 = arith.constant 0 : index
    tpu.barrier barrier_id(%barrier3A_133)
    %mul3A_134 = arith.constant 640 : i32
    %mul3A_135 = arith.muli %arg1, %mul3A_134 : i32
    %mul3A_136 = arith.constant 640 : i32
    %mul3A_137 = arith.muli %arg1, %mul3A_136 : i32
    %run_scoped3A_138 = arith.constant 0 : i32
    "tpu.region"() ({
      %run_scoped3A_139 = tpu.sem_alloc : memref<!tpu.dma_semaphore, #tpu.memory_space<semaphore_mem>>
      %dma_start3A_140 = arith.constant 0 : i32
      %dma_start3A_141 = tpu.memref_slice %arg4[%arg0, %run_scoped3A_138, %mul3A_137, %dma_start3A_140] : memref<2x1x10240x64xf32, #tpu.memory_space<hbm>> -> memref<1x1x640x64xf32, #tpu.memory_space<hbm>>
      %dma_start3A_142 = tpu.memref_squeeze %dma_start3A_141 : memref<1x1x640x64xf32, #tpu.memory_space<hbm>> -> memref<640x64xf32, #tpu.memory_space<hbm>>
      %dma_start3A_143 = arith.constant 0 : i32
      %dma_start3A_144 = tpu.memref_slice %arg31[%mul3A_135, %dma_start3A_143] : memref<10240x64xf32, #tpu.memory_space<vmem_shared>> -> memref<640x64xf32, #tpu.memory_space<vmem_shared>>
      tpu.enqueue_dma source(%dma_start3A_144 : memref<640x64xf32, #tpu.memory_space<vmem_shared>>) target(%dma_start3A_142 : memref<640x64xf32, #tpu.memory_space<hbm>>) target_semaphore(%run_scoped3A_139 : memref<!tpu.dma_semaphore, #tpu.memory_space<semaphore_mem>>)
      %dma_wait3A = arith.constant 0 : i32
      %dma_wait3A_145 = tpu.memref_slice %arg4[%arg0, %run_scoped3A_138, %mul3A_137, %dma_wait3A] : memref<2x1x10240x64xf32, #tpu.memory_space<hbm>> -> memref<1x1x640x64xf32, #tpu.memory_space<hbm>>
      %dma_wait3A_146 = tpu.memref_squeeze %dma_wait3A_145 : memref<1x1x640x64xf32, #tpu.memory_space<hbm>> -> memref<640x64xf32, #tpu.memory_space<hbm>>
      %dma_wait3A_147 = arith.constant 0 : i32
      %dma_wait3A_148 = tpu.memref_slice %arg31[%mul3A_135, %dma_wait3A_147] : memref<10240x64xf32, #tpu.memory_space<vmem_shared>> -> memref<640x64xf32, #tpu.memory_space<vmem_shared>>
      tpu.wait_dma2 semaphore(%run_scoped3A_139 : memref<!tpu.dma_semaphore, #tpu.memory_space<semaphore_mem>>) src(%dma_wait3A_148 : memref<640x64xf32, #tpu.memory_space<vmem_shared>>) dst(%dma_wait3A_146 : memref<640x64xf32, #tpu.memory_space<hbm>>)
      tpu.yield
    }) : () -> ()
    return
  }
}

module attributes {stable_mosaic.version = 14 : i64} {
  func.func @_tc_mm1_body(%arg0: memref<10000x128xf32, #tpu.memory_space<vmem>>, %arg1: memref<128x128xf32, #tpu.memory_space<vmem>>, %arg2: memref<10000x128xf32, #tpu.memory_space<vmem>>) attributes {dimension_semantics = [], scalar_prefetch = 0 : i64, scratch_operands = 0 : i64, tpu.core_type = #tpu.core_type<tc>} {
    %get3A = arith.constant 0 : index
    %get3A_0 = arith.constant 0 : index
    %get3A_1 = vector.load %arg0[%get3A, %get3A_0] : memref<10000x128xf32, #tpu.memory_space<vmem>>, vector<10000x128xf32>
    %get3A_2 = arith.constant 0 : index
    %get3A_3 = arith.constant 0 : index
    %get3A_4 = vector.load %arg1[%get3A_2, %get3A_3] : memref<128x128xf32, #tpu.memory_space<vmem>>, vector<128x128xf32>
    %dot_general3A = arith.constant dense<0.000000e+00> : vector<10000x128xf32>
    %dot_general3A_5 = tpu.matmul %get3A_1, %get3A_4, %dot_general3A {dimension_numbers = #tpu.dot_dimension_numbers<[1], [0], [0], [1], [0, 0, 1, 1], [], []>, transpose_lhs_hint = false} : vector<10000x128xf32>, vector<128x128xf32>, vector<10000x128xf32> -> vector<10000x128xf32>
    %swap3A = arith.constant 0 : index
    %swap3A_6 = arith.constant 0 : index
    %swap3A_7 = vector.load %arg2[%swap3A, %swap3A_6] : memref<10000x128xf32, #tpu.memory_space<vmem>>, vector<10000x128xf32>
    tpu.vector_store %arg2[%swap3A, %swap3A_6], %dot_general3A_5 {strides = array<i32>} : memref<10000x128xf32, #tpu.memory_space<vmem>>, vector<10000x128xf32>,
    return
  }
}

module attributes {stable_mosaic.version = 14 : i64} {
  func.func @_tc_scale_body(%arg0: memref<10000x128xf32, #tpu.memory_space<vmem>>, %arg1: memref<2x10240x16xf32, #tpu.memory_space<vmem>>, %arg2: memref<2x10000x64xf32, #tpu.memory_space<vmem>>) attributes {dimension_semantics = [], scalar_prefetch = 0 : i64, scratch_operands = 0 : i64, tpu.core_type = #tpu.core_type<tc>} {
    %get3A = arith.constant 0 : index
    %get3A_0 = arith.constant 0 : index
    %get3A_1 = arith.constant 0 : index
    %get3A_2 = vector.load %arg1[%get3A, %get3A_0, %get3A_1] : memref<2x10240x16xf32, #tpu.memory_space<vmem>>, vector<2x10240x16xf32>
    %slice3A = vector.extract_strided_slice %get3A_2 {offsets = [0, 0, 0], sizes = [1, 10000, 1], strides = [1, 1, 1]} : vector<2x10240x16xf32> to vector<1x10000x1xf32>
    %squeeze3A = vector.shape_cast %slice3A : vector<1x10000x1xf32> to vector<10000x1xf32>
    %max3A = arith.constant 1.000000e+00 : f32
    %max3A_3 = vector.broadcast %max3A : f32 to vector<10000x1xf32>
    %max3A_4 = arith.maximumf %squeeze3A, %max3A_3 : vector<10000x1xf32>
    %rsqrt3A = math.rsqrt %max3A_4 : vector<10000x1xf32>
    %get3A_5 = arith.constant 0 : index
    %get3A_6 = arith.constant 0 : index
    %get3A_7 = vector.load %arg0[%get3A_5, %get3A_6] : memref<10000x128xf32, #tpu.memory_space<vmem>>, vector<10000x128xf32>
    %mul3A = vector.broadcast %rsqrt3A : vector<10000x1xf32> to vector<10000x128xf32>
    %mul3A_8 = arith.mulf %get3A_7, %mul3A : vector<10000x128xf32>
    %slice3A_9 = vector.extract_strided_slice %mul3A_8 {offsets = [0, 0], sizes = [10000, 64], strides = [1, 1]} : vector<10000x128xf32> to vector<10000x64xf32>
    %slice3A_10 = vector.extract_strided_slice %mul3A_8 {offsets = [0, 64], sizes = [10000, 64], strides = [1, 1]} : vector<10000x128xf32> to vector<10000x64xf32>
    %stack3A = vector.shape_cast %slice3A_9 : vector<10000x64xf32> to vector<1x10000x64xf32>
    %stack3A_11 = vector.shape_cast %slice3A_10 : vector<10000x64xf32> to vector<1x10000x64xf32>
    %stack3A_12 = tpu.concatenate %stack3A, %stack3A_11 in 0 : vector<1x10000x64xf32>, vector<1x10000x64xf32> -> vector<2x10000x64xf32>
    %swap3A = arith.constant 0 : index
    %swap3A_13 = arith.constant 0 : index
    %swap3A_14 = arith.constant 0 : index
    %swap3A_15 = vector.load %arg2[%swap3A, %swap3A_13, %swap3A_14] : memref<2x10000x64xf32, #tpu.memory_space<vmem>>, vector<2x10000x64xf32>
    tpu.vector_store %arg2[%swap3A, %swap3A_13, %swap3A_14], %stack3A_12 {strides = array<i32>} : memref<2x10000x64xf32, #tpu.memory_space<vmem>>, vector<2x10000x64xf32>,
    return
  }
}

module attributes {stable_mosaic.version = 14 : i64} {
  func.func @_tc_b_body(%arg0: memref<2x2x10240x64xf32, #tpu.memory_space<vmem>>, %arg1: memref<2x10240x16xf32, #tpu.memory_space<vmem>>, %arg2: memref<128x64xf32, #tpu.memory_space<vmem>>, %arg3: memref<1x10000x64xf32, #tpu.memory_space<vmem>>) attributes {dimension_semantics = [], scalar_prefetch = 0 : i64, scratch_operands = 0 : i64, tpu.core_type = #tpu.core_type<tc>} {
    %get3A = arith.constant 0 : index
    %get3A_0 = arith.constant 0 : index
    %get3A_1 = arith.constant 0 : index
    %get3A_2 = vector.load %arg1[%get3A, %get3A_0, %get3A_1] : memref<2x10240x16xf32, #tpu.memory_space<vmem>>, vector<2x10240x16xf32>
    %slice3A = vector.extract_strided_slice %get3A_2 {offsets = [0, 0, 0], sizes = [1, 10000, 1], strides = [1, 1, 1]} : vector<2x10240x16xf32> to vector<1x10000x1xf32>
    %squeeze3A = vector.shape_cast %slice3A : vector<1x10000x1xf32> to vector<10000x1xf32>
    %max3A = arith.constant 1.000000e+00 : f32
    %max3A_3 = vector.broadcast %max3A : f32 to vector<10000x1xf32>
    %max3A_4 = arith.maximumf %squeeze3A, %max3A_3 : vector<10000x1xf32>
    %rsqrt3A = math.rsqrt %max3A_4 : vector<10000x1xf32>
    %slice3A_5 = vector.extract_strided_slice %get3A_2 {offsets = [1, 0, 0], sizes = [1, 10000, 1], strides = [1, 1, 1]} : vector<2x10240x16xf32> to vector<1x10000x1xf32>
    %squeeze3A_6 = vector.shape_cast %slice3A_5 : vector<1x10000x1xf32> to vector<10000x1xf32>
    %max3A_7 = arith.constant 1.000000e+00 : f32
    %max3A_8 = vector.broadcast %max3A_7 : f32 to vector<10000x1xf32>
    %max3A_9 = arith.maximumf %squeeze3A_6, %max3A_8 : vector<10000x1xf32>
    %rsqrt3A_10 = math.rsqrt %max3A_9 : vector<10000x1xf32>
    %get3A_11 = arith.constant 0 : index
    %get3A_12 = arith.constant 0 : index
    %get3A_13 = arith.constant 0 : index
    %get3A_14 = arith.constant 0 : index
    %get3A_15 = vector.load %arg0[%get3A_11, %get3A_12, %get3A_13, %get3A_14] : memref<2x2x10240x64xf32, #tpu.memory_space<vmem>>, vector<1x2x10240x64xf32>
    %get3A_16 = vector.shape_cast %get3A_15 : vector<1x2x10240x64xf32> to vector<2x10240x64xf32>
    %get3A_17 = arith.constant 1 : index
    %get3A_18 = arith.constant 0 : index
    %get3A_19 = arith.constant 0 : index
    %get3A_20 = arith.constant 0 : index
    %get3A_21 = vector.load %arg0[%get3A_17, %get3A_18, %get3A_19, %get3A_20] : memref<2x2x10240x64xf32, #tpu.memory_space<vmem>>, vector<1x2x10240x64xf32>
    %get3A_22 = vector.shape_cast %get3A_21 : vector<1x2x10240x64xf32> to vector<2x10240x64xf32>
    %add3A = arith.addf %get3A_16, %get3A_22 : vector<2x10240x64xf32>
    %slice3A_23 = vector.extract_strided_slice %add3A {offsets = [0, 0, 0], sizes = [1, 10000, 64], strides = [1, 1, 1]} : vector<2x10240x64xf32> to vector<1x10000x64xf32>
    %squeeze3A_24 = vector.shape_cast %slice3A_23 : vector<1x10000x64xf32> to vector<10000x64xf32>
    %slice3A_25 = vector.extract_strided_slice %add3A {offsets = [1, 0, 0], sizes = [1, 10000, 64], strides = [1, 1, 1]} : vector<2x10240x64xf32> to vector<1x10000x64xf32>
    %squeeze3A_26 = vector.shape_cast %slice3A_25 : vector<1x10000x64xf32> to vector<10000x64xf32>
    %concatenate3A = tpu.concatenate %squeeze3A_24, %squeeze3A_26 in 1 : vector<10000x64xf32>, vector<10000x64xf32> -> vector<10000x128xf32>
    %mul3A = vector.broadcast %rsqrt3A_10 : vector<10000x1xf32> to vector<10000x128xf32>
    %mul3A_27 = arith.mulf %concatenate3A, %mul3A : vector<10000x128xf32>
    %max3A_28 = arith.constant 0.000000e+00 : f32
    %max3A_29 = vector.broadcast %max3A_28 : f32 to vector<10000x128xf32>
    %max3A_30 = arith.maximumf %mul3A_27, %max3A_29 : vector<10000x128xf32>
    %mul3A_31 = vector.broadcast %rsqrt3A : vector<10000x1xf32> to vector<10000x128xf32>
    %mul3A_32 = arith.mulf %max3A_30, %mul3A_31 : vector<10000x128xf32>
    %get3A_33 = arith.constant 0 : index
    %get3A_34 = arith.constant 0 : index
    %get3A_35 = vector.load %arg2[%get3A_33, %get3A_34] : memref<128x64xf32, #tpu.memory_space<vmem>>, vector<128x64xf32>
    %dot_general3A = arith.constant dense<0.000000e+00> : vector<10000x64xf32>
    %dot_general3A_36 = tpu.matmul %mul3A_32, %get3A_35, %dot_general3A {dimension_numbers = #tpu.dot_dimension_numbers<[1], [0], [0], [1], [0, 0, 1, 1], [], []>, transpose_lhs_hint = false} : vector<10000x128xf32>, vector<128x64xf32>, vector<10000x64xf32> -> vector<10000x64xf32>
    %broadcast_in_dim3A = vector.shape_cast %dot_general3A_36 : vector<10000x64xf32> to vector<1x10000x64xf32>
    %swap3A = arith.constant 0 : index
    %swap3A_37 = arith.constant 0 : index
    %swap3A_38 = arith.constant 0 : index
    %swap3A_39 = vector.load %arg3[%swap3A, %swap3A_37, %swap3A_38] : memref<1x10000x64xf32, #tpu.memory_space<vmem>>, vector<1x10000x64xf32>
    tpu.vector_store %arg3[%swap3A, %swap3A_37, %swap3A_38], %broadcast_in_dim3A {strides = array<i32>} : memref<1x10000x64xf32, #tpu.memory_space<vmem>>, vector<1x10000x64xf32>,
    return
  }
}

module attributes {stable_mosaic.version = 14 : i64} {
  func.func @_tc_c_body(%arg0: memref<2x1x10240x64xf32, #tpu.memory_space<vmem>>, %arg1: memref<2x10240x16xf32, #tpu.memory_space<vmem>>, %arg2: memref<10000x64xf32, #tpu.memory_space<vmem>>) attributes {dimension_semantics = [], scalar_prefetch = 0 : i64, scratch_operands = 0 : i64, tpu.core_type = #tpu.core_type<tc>} {
    %get3A = arith.constant 0 : index
    %get3A_0 = arith.constant 0 : index
    %get3A_1 = arith.constant 0 : index
    %get3A_2 = vector.load %arg1[%get3A, %get3A_0, %get3A_1] : memref<2x10240x16xf32, #tpu.memory_space<vmem>>, vector<2x10240x16xf32>
    %slice3A = vector.extract_strided_slice %get3A_2 {offsets = [1, 0, 0], sizes = [1, 10000, 1], strides = [1, 1, 1]} : vector<2x10240x16xf32> to vector<1x10000x1xf32>
    %squeeze3A = vector.shape_cast %slice3A : vector<1x10000x1xf32> to vector<10000x1xf32>
    %max3A = arith.constant 1.000000e+00 : f32
    %max3A_3 = vector.broadcast %max3A : f32 to vector<10000x1xf32>
    %max3A_4 = arith.maximumf %squeeze3A, %max3A_3 : vector<10000x1xf32>
    %rsqrt3A = math.rsqrt %max3A_4 : vector<10000x1xf32>
    %get3A_5 = arith.constant 0 : index
    %get3A_6 = arith.constant 0 : index
    %get3A_7 = arith.constant 0 : index
    %get3A_8 = arith.constant 0 : index
    %get3A_9 = vector.load %arg0[%get3A_5, %get3A_6, %get3A_7, %get3A_8] : memref<2x1x10240x64xf32, #tpu.memory_space<vmem>>, vector<1x1x10000x64xf32>
    %get3A_10 = vector.shape_cast %get3A_9 : vector<1x1x10000x64xf32> to vector<10000x64xf32>
    %get3A_11 = arith.constant 1 : index
    %get3A_12 = arith.constant 0 : index
    %get3A_13 = arith.constant 0 : index
    %get3A_14 = arith.constant 0 : index
    %get3A_15 = vector.load %arg0[%get3A_11, %get3A_12, %get3A_13, %get3A_14] : memref<2x1x10240x64xf32, #tpu.memory_space<vmem>>, vector<1x1x10000x64xf32>
    %get3A_16 = vector.shape_cast %get3A_15 : vector<1x1x10000x64xf32> to vector<10000x64xf32>
    %add3A = arith.addf %get3A_10, %get3A_16 : vector<10000x64xf32>
    %mul3A = vector.broadcast %rsqrt3A : vector<10000x1xf32> to vector<10000x64xf32>
    %mul3A_17 = arith.mulf %add3A, %mul3A : vector<10000x64xf32>
    %swap3A = arith.constant 0 : index
    %swap3A_18 = arith.constant 0 : index
    %swap3A_19 = vector.load %arg2[%swap3A, %swap3A_18] : memref<10000x64xf32, #tpu.memory_space<vmem>>, vector<10000x64xf32>
    tpu.vector_store %arg2[%swap3A, %swap3A_18], %mul3A_17 {strides = array<i32>} : memref<10000x64xf32, #tpu.memory_space<vmem>>, vector<10000x64xf32>,
    return
  }
}

</mosaic_0001>

<sc_bundles>
// kernel: kernel.12.cloned.1.call-start
scs
__scs_entry_jumppad:
0x0: {  	(pc) =	sbr.rel $0x88, $3  }
0x1: {  	(tag) =	ssettag $0x0;
	lr =	simm.s32 $0x1  }
0x2: {  	[smem:$0x3F9D] =	sst lr;
	_ =	strace $0xD0000000  }
0x3: {  	_ = 	snop  }
0x4: {  	_ = 	snop  }
0x5: {  	_ = 	snop  }
0x6: {  	_ = 	snop  }
0x7: {  	_ = 	snop  }
__scs_overlays_trampoline_lowered:
0x8: {  	[smem:$0x3FAC] =	sst s0  }
0x9: {  	[smem:$0x3FAD] =	sst s1  }
0xa: {  	[smem:$0x3FAE] =	sst s2  }
0xb: {  	[smem:$0x3FAF] =	sst s3  }
0xc: {  	[smem:$0x3FB0] =	sst s4  }
0xd: {  	[smem:$0x3FB1] =	sst s5  }
0xe: {  	[smem:$0x3FB2] =	sst s6  }
0xf: {  	[smem:$0x3FB3] =	sst s7  }
0x10: {  	[smem:$0x3FB4] =	sst s8  }
0x11: {  	[smem:$0x3FB5] =	sst s9;
	s0 =	simm.s32 @!p0 $0x0  }
0x12: {  	s1 =	sld [smem:$0x3F9B];
	s0 =	simm.s32 @p0 $0x1  }
0x13: {  	[smem:$0x3FB6] =	sst s0;
	s0 =	simm.s32 @!p1 $0x0  }
0x14: {  	s2 =	sld [smem:$0x3F9A];
	s0 =	simm.s32 @p1 $0x1  }
0x15: {  	[smem:$0x3FB7] =	sst s0;
	s0 =	simm.s32 @!p2 $0x0  }
0x16: {  	s3 =	sld [smem:$0x3FDB];
	s0 =	simm.s32 @p2 $0x1  }
0x17: {  	s4 =	simm.s32 $0x1BF5;
	[smem:$0x3FB9] =	sst s0  }
0x18: {  	s0 =	sld [smem:$0x3F9C];
	_ =	swait.ge [sflag:s4], $0x0  }
0x19: {  	s7 =	sld [smem:$0x3F9D]  }
0x1a: {  	s8 =	sadd.s32 $0xFFFFE003, lr  }
0x1b: {  	s9 =	sadd.s32 $0xFFFFFEF7, lr;
	s5 =	simm.s32 $0xFFFFFFFF;
	p2 =	slt.u32 s8, $0xFFFFF086  }
0x1c: {  	p1 =	slt.u32 s9, $0xF7A;
	s5 =	simm.s32 @!p2 $0x0  }
0x1d: {  	s5 =	simm.s32 @p1 $0x1;
	p0 =	seq.s32 s7, s2  }
0x1e: {  	s7 =	smul.u32 @!p0 $0xF7A, s2;
	p2 =	seq.s32 @!p0 s5, $0x0  }
0x1f: {  	s9 =	smul.u32 $0xF7A, s1;
	s8 =	simm.s32 @!p0 $0x1BF5;
	p2 =	por !p2, p0  }
0x20: {  	[sflag:s8] =	ssyncset.s32 @!p0 $0xFFFFF086;
	s6 =	sadd.s32 @!p0 s3, s7;
	s7 =	simm.s32 @!p0 $0x108  }
0x21: {  	s3 =	sadd.s32 s3, s9;
	s6 =	sadd.s32 @!p0 $0x88, s6;
	s7 =	simm.s32 @p2 $0x1082  }
0x22: {  	[simem:s7], [sflag:s8] =	dma.local @!p0 [hbm:s6], $0xF7A  }
0x23: {  	s9 =	sor.u32 $0xD0000000, s2;
	s6 =	simm.s32 $0x108;
	_ =	swait.ge @!p0 [sflag:s8], $0x0  }
0x24: {  	s3 =	sadd.s32 $0x88, s3;
	s6 =	simm.s32 @!p1 $0x1082;
	[sflag:s4] =	ssyncset.s32 $0xFFFFF086  }
0x25: {  	[simem:s6], [sflag:s4] =	dma.local [hbm:s3], $0xF7A  }
0x26: {  	[smem:$0x3F9D] =	sst s1;
	(tag) =	ssettag s2;
	_ =	strace s9  }
0x27: {  	s1 =	sld [smem:$0x3FAD]  }
0x28: {  	s2 =	sld [smem:$0x3FAE]  }
0x29: {  	s4 =	sld [smem:$0x3FB0]  }
0x2a: {  	p0 =	seq.s32 s5, $0x0;
	s5 =	sld [smem:$0x3FB1]  }
0x2b: {  	s6 =	sld [smem:$0x3FB2]  }
0x2c: {  	s7 =	sld [smem:$0x3FB3]  }
0x2d: {  	s3 =	simm.s32 $0x108;
	s8 =	sld [smem:$0x3FB4]  }
0x2e: {  	s3 =	simm.s32 @!p0 $0x1082;
	s9 =	sld [smem:$0x3FB5]  }
0x2f: {  	lr =	sadd.s32 s0, s3;
	s0 =	sld [smem:$0x3FAC]  }
0x30: {  	s3 =	sld [smem:$0x3FAF]  }
0x31: {  	[smem:$0x3FB8] =	sst s10  }
0x32: {  	s10 =	sld [smem:$0x3FB6];
	_ =	sdelay $0x3  }
0x33: {  	p0 =	seq.s32 s10, $0x1;
	s10 =	sld [smem:$0x3FB8];
	_ =	sdelay $0x3  }
0x34: {  	[smem:$0x3FB8] =	sst s10  }
0x35: {  	s10 =	sld [smem:$0x3FB7];
	_ =	sdelay $0x3  }
0x36: {  	p1 =	seq.s32 s10, $0x1;
	s10 =	sld [smem:$0x3FB8];
	_ =	sdelay $0x3  }
0x37: {  	[smem:$0x3FB8] =	sst s10  }
0x38: {  	s10 =	sld [smem:$0x3FB9]  }
0x39: {  	_ = 	snop;
	(pc) =	sbr.ind lr, $3  }
0x3a: {  	_ = 	snop  }
0x3b: {  	_ = 	snop  }
0x3c: {  	p2 =	seq.s32 s10, $0x1;
	s10 =	sld [smem:$0x3FB8]  }
0x3d: {  	_ =	shalt  }
0x3e: {  	_ =	shalt  }
0x3f: {  	_ =	shalt  }
0x40: {  	_ =	shalt  }
0x41: {  	_ =	shalt  }
0x42: {  	_ =	shalt  }
0x43: {  	_ =	shalt  }
0x44: {  	_ =	shalt  }
0x45: {  	_ =	shalt  }
0x46: {  	_ =	shalt  }
0x47: {  	_ =	shalt  }
0x48: {  	_ =	shalt  }
0x49: {  	_ =	shalt  }
0x4a: {  	_ =	shalt  }
0x4b: {  	_ =	shalt  }
0x4c: {  	_ =	shalt  }
0x4d: {  	_ =	shalt  }
0x4e: {  	_ =	shalt  }
0x4f: {  	_ =	shalt  }
0x50: {  	_ =	shalt  }
0x51: {  	_ =	shalt  }
0x52: {  	_ =	shalt  }
0x53: {  	_ =	shalt  }
0x54: {  	_ =	shalt  }
0x55: {  	_ =	shalt  }
0x56: {  	_ =	shalt  }
0x57: {  	_ =	shalt  }
0x58: {  	_ =	shalt  }
0x59: {  	_ =	shalt  }
0x5a: {  	_ =	shalt  }
0x5b: {  	_ =	shalt  }
0x5c: {  	_ =	shalt  }
0x5d: {  	_ =	shalt  }
0x5e: {  	_ =	shalt  }
0x5f: {  	_ =	shalt  }
0x60: {  	_ =	shalt  }
0x61: {  	_ =	shalt  }
0x62: {  	_ =	shalt  }
0x63: {  	_ =	shalt  }
0x64: {  	_ =	shalt  }
0x65: {  	_ =	shalt  }
0x66: {  	_ =	shalt  }
0x67: {  	_ =	shalt  }
0x68: {  	_ =	shalt  }
0x69: {  	_ =	shalt  }
0x6a: {  	_ =	shalt  }
0x6b: {  	_ =	shalt  }
0x6c: {  	_ =	shalt  }
0x6d: {  	_ =	shalt  }
0x6e: {  	_ =	shalt  }
0x6f: {  	_ =	shalt  }
0x70: {  	_ =	shalt  }
0x71: {  	_ =	shalt  }
0x72: {  	_ =	shalt  }
0x73: {  	_ =	shalt  }
0x74: {  	_ =	shalt  }
0x75: {  	_ =	shalt  }
0x76: {  	_ =	shalt  }
0x77: {  	_ =	shalt  }
0x78: {  	_ =	shalt  }
0x79: {  	_ =	shalt  }
0x7a: {  	_ =	shalt  }
0x7b: {  	_ =	shalt  }
0x7c: {  	_ =	shalt  }
0x7d: {  	_ =	shalt  }
0x7e: {  	_ =	shalt  }
0x7f: {  	_ =	shalt  }
0x80: {  	_ =	shalt  }
0x81: {  	_ =	shalt  }
0x82: {  	_ =	shalt  }
0x83: {  	_ =	shalt  }
0x84: {  	_ =	shalt  }
0x85: {  	_ =	shalt  }
0x86: {  	_ =	shalt  }
0x87: {  	_ =	shalt  }
.Lfunc_end0:
.L_simem_size_0:
called_computation.1_lowered:
.L_overlay_start_0:
0x88: {  	s2 =	sld [smem:$0x3FD9]  }
0x89: {  	s3 =	sld [smem:$0x3FFE];
	_ =	sdelay $0x1  }
0x8a: {  	s1 =	srdreg.scid  }
0x8b: {  	s0 =	sand.u32 $0x1, s1  }
0x8c: {  	s16 =	sshll.u32 s0, $0xA;
	s2 =	sadd.s32 s3, s2  }
0x8d: {  	s2 =	sadd.s32 s2, s16  }
0x8e: {  	[smem:$0x3FC4] =	sst s2  }
0x8f: {  	_ = 	snop  }
0x90: {  	(tm) =	ssettm $0x1  }
0x91: {  	s17 =	sld [smem:$0x3FFB];
	_ =	sdelay $0x3  }
0x92: {  	_ =	strace s17  }
0x93: {  	s2 =	sld [smem:$0x3FFC];
	_ =	sdelay $0x3  }
0x94: {  	_ =	strace s2  }
0x95: {  	s2 =	sld [smem:$0x3FFD];
	_ =	sdelay $0x3  }
0x96: {  	_ =	strace s2  }
0x97: {  	_ =	strace $0x8FFFFFFF  }
0x98: {  	s18 =	sld [smem:$0x3FDB];
	_ =	sdelay $0x1  }
0x99: {  	s19 =	simm.s32 $_scs_section_size  }
0x9a: {  	s4 =	simm.s32 $_size__tile_overlayer_lowered;
	s5 =	simm.s32 $_tile_overlayer_lowered  }
0x9b: {  	s22 =	simm.s32 $0x1BFF;
	s21 =	sshll.u32 s5, $0x1;
	s2 =	sadd.s32 s19, s18  }
0x9c: {  	s6 =	simm.s32 $0x0;
	s20 =	sshll.u32 s4, $0x1;
	s4 =	sadd.s32 s21, s2  }
0x9d: {  	[timem:s6], [sflag:s22] =	dma.local [hbm:s4], s20  }
0x9e: {  	_ =	swait.ge [sflag:s22], s20  }
0x9f: {  	s3 =	ssub.s32 $0x0, s20;
	[sflag:s22] =	ssyncset.done $0x0  }
0xa0: {  	[sflag:s22] =	ssyncadd.s32 s3;
	_ =	sdelay $0x1  }
0xa1: {  	s23 =	simm.s32 $0x1B8B  }
0xa2: {  	_ =	swait.ge [sflag:s23], $0x1  }
0xa3: {  	[sflag:s23] =	ssyncset.done $0x0  }
0xa4: {  	s25 =	simm.s32 $0x1B8E;
	s24 =	sld [smem:$0x3FFE];
	[sflag:s23] =	ssyncadd.s32 $0xFFFFFFFF  }
0xa5: {  	s26 =	simm.s32 $execute0_lowered;
	[smem:$0x3FD2] =	sst s25  }
0xa6: {  	s4 =	sshll.u32 s26, $0x1;
	_ =	strace $0x80000049;
	[dreg:$0x1] =	wrdreg $0xFFFFFFFF  }
0xa7: {  	s28 =	simm.s32 $_size_execute0_lowered;
	s2 =	sadd.s32 s2, s4;
	[dreg:$0x0] =	wrdreg $0x0  }
0xa8: {  	s4 =	sshll.u32 s28, $0x1;
	[dreg:$0x2] =	wrdreg s2  }
0xa9: {  	[dreg:$0x3] =	wrdreg s4  }
0xaa: {  	[dreg:$0x4] =	wrdreg $0xC0  }
0xab: {  	_ =	task [dreg:s6], $0x5FFFF  }
0xac: {  	[dreg:$0x1] =	wrdreg $0xFFFFFFFF  }
0xad: {  	[dreg:$0x0] =	wrdreg $0x60  }
0xae: {  	[dreg:$0x2] =	wrdreg s24  }
0xaf: {  	[dreg:$0x3] =	wrdreg $0x14A000  }
0xb0: {  	[dreg:$0x4] =	wrdreg $0x9  }
0xb1: {  	_ =	task.clear_ibuf [dreg:s6], $0x5FFFF;
	_ =	strace $0x90000049  }
0xb2: {  	s29 =	simm.s32 $0x9;
	_ =	strace $0x8000004B  }
0xb3: {  	_ =	swait.ge [sflag:s29], $0x1  }
0xb4: {  	[sflag:s29] =	ssyncadd.s32 $0xFFFFFFFF  }
0xb5: {  	_ =	strace $0x9000004B  }
0xb6: {  	_ =	sfence  }
0xb7: {  	s30 =	sld [smem:$0x0];
	_ =	sdelay $0x2  }
0xb8: {  	s31 =	sshll.u32 s1, $0xD;
	s1 =	sshrl.u32 s1, $0x2  }
0xb9: {  	s3 =	sand.u32 $0x4000, s31;
	s1 =	sadd.s32 s1, s30  }
0xba: {  	s0 =	sor.u32 s3, s0;
	s1 =	sshll.u32 s1, $0x11  }
0xbb: {  	s0 =	sor.u32 s1, s0  }
0xbc: {  	s0 =	sadd.s32 $0x8F2B, s0  }
0xbd: {  	[sflag:s0] =	ssyncadd.remote.s32 $0x1  }
0xbe: {  	_ =	sfence.sel $0xFFFF  }
0xbf: {  	[dreg:$0x0] =	wrdreg $0xFFFFFFFF;
	(pc) =	sbr.abs _section_cstart, $3  }
0xc0: {  	[dreg:$0x1] =	wrdreg $0xFFFFFFFF  }
0xc1: {  	_ =	task.clear_ibuf [dreg:s6], $0x2FFFF;
	_ =	strace $0x9FFFFFFF  }
0xc2: {  	(tm) =	ssettm $0x7FFFFFFF  }
0xc3: {  	_ =	shalt  }
tec
execute0_lowered:
.L_overlay_start_1:
0x0: {  	(tag) =	ssettag $0x1  }
0x1: {  	s0 =	srdreg.scid  }
0x2: {  	s7 =	stileid.u32;
	s3 =	rddreg [dreg:$0x0]  }
0x3: {  	s2 =	rddreg [dreg:$0x1];
	s4 =	simm.s32 $0x0;
	s17 =	simm.s32 $0x11  }
0x4: {  	s29 =	simm.s32 $0xCD00;
	s31 =	simm.s32 $0xEC40;
	s18 =	simm.s32 $0x10B80  }
0x5: {  	s13 =	simm.s32 $0x3;
	s15 =	simm.s32 $0x5;
	s16 =	simm.s32 $0x6  }
0x6: {  	s28 =	simm.s32 $0x9;
	s30 =	simm.s32 $0xA;
	s9 =	simm.s32 $0xE  }
0x7: {  	s10 =	simm.s32 $0xF;
	s11 =	simm.s32 $0x10;
	s12 =	simm.s32 $0x0  }
0x8: {  	s0 =	sand.u32 $0x1, s0;
	s5 =	smul.u32 $0xA000, s7;
	[smem:$0x7FF] =	sst s4  }
0x9: {  	s4 =	sadd.s32 $0x66400, s3;
	s14 =	sadd.s32 $0x79C80, s3;
	s1 =	sshll.u32 s0, $0x4  }
0xa: {  	s6 =	smul.u32 $0x140000, s0;
	_ =	strace $0x8000004A;
	s0 =	ssub.s32 $0x2, s0  }
0xb: {  	s1 =	sor.u32 s7, s1;
	s7 =	smul.u32 $0x28000, s7;
	s8 =	sshrl.u32 s0, $0x1  }
0xc: {  	s1 =	smul.u32 $0x2800, s1;
	s6 =	sadd.s32 s5, s6;
	s0 =	ssub.s32 s0, s8  }
0xd: {  	s5 =	sadd.s32 s5, s2;
	s8 =	simm.s32 $0xD;
	s6 =	sshrl.u32 s6, $0x3  }
0xe: {  	s7 =	sshrl.u32 s7, $0x2;
	[dreg:$0x5] =	wrdreg s5;
	s0 =	smax.u32 s0, $0x1  }
0xf: {  	s5 =	simm.s32 $0x1;
	s1 =	sshrl.u32 s1, $0x3;
	s20 =	sadd.s32 s7, s2  }
0x10: {  	s6 =	sadd.s32 s6, s3;
	[dreg:$0xd] =	wrdreg s0;
	s21 =	sadd.s32 $0x1F40, s20  }
0x11: {  	s0 =	simm.s32 $0xC;
	s22 =	sadd.s32 $0x3E80, s20;
	[dreg:$0x6] =	wrdreg s21  }
0x12: {  	s1 =	sadd.s32 s1, s3;
	s23 =	sadd.s32 $0x5DC0, s20;
	[dreg:$0x7] =	wrdreg s22  }
0x13: {  	s24 =	sadd.s32 $0x7D00, s20;
	s25 =	sadd.s32 $0x8D600, s6;
	[dreg:$0x8] =	wrdreg s23  }
0x14: {  	s26 =	sadd.s32 $0xA1600, s6;
	s3 =	simm.s32 $0x12AC0;
	[dreg:$0x9] =	wrdreg s24  }
0x15: {  	s6 =	simm.s32 $0x2;
	s19 =	sadd.s32 $0x2400, s1;
	[dreg:$0xb] =	wrdreg s25  }
.Ltmp0:
0x16: {  	s1 =	sadd.s32 $0xC400, s1;
	[dreg:$0xc] =	wrdreg s26;
	(pc) =	sbr.rel .LBB2_1-.Ltmp0, $4  }
0x17: {  	s24 =	simm.s32 $0x8E80;
	s26 =	simm.s32 $0xADC0;
	s21 =	simm.s32 $0x4  }
0x18: {  	s23 =	simm.s32 $0x7;
	s25 =	simm.s32 $0x8;
	[dreg:$0x3] =	wrdreg s19  }
0x19: {  	[dreg:$0x4] =	wrdreg s1;
	s1 =	sadd.s32 $0x9C40, s20;
	s19 =	simm.s32 $0x5000  }
0x1a: {  	v0 =	vimm.f32 $0.0e+00;
	s20 =	simm.s32 $0x7D;
	[dreg:$0xa] =	wrdreg s1;
	s1 =	simm.s32 $0xB  }
.LBB2_11:
0x1b: {  	_ =	swait.ge [sflag:s30], $0x1F40  }
0x1c: {  	[sflag:s30] =	ssyncset.done $0x0  }
0x1d: {  	[sflag:s30] =	ssyncadd.s32 $0xFFFFE0C0  }
0x1e: {  	_ =	swait.ge [sflag:s1], $0x1F40  }
0x1f: {  	[sflag:s1] =	ssyncset.done $0x0  }
0x20: {  	[sflag:s1] =	ssyncadd.s32 $0xFFFFE0C0  }
0x21: {  	_ =	swait.ge [sflag:s0], $0x1F40  }
0x22: {  	[sflag:s0] =	ssyncset.done $0x0  }
0x23: {  	[sflag:s0] =	ssyncadd.s32 $0xFFFFE0C0  }
0x24: {  	_ =	swait.ge [sflag:s8], $0x1F40  }
0x25: {  	[sflag:s8] =	ssyncset.done $0x0  }
0x26: {  	[sflag:s8] =	ssyncadd.s32 $0xFFFFE0C0  }
0x27: {  	_ =	swait.ge [sflag:s9], $0x1F40  }
0x28: {  	[sflag:s9] =	ssyncset.done $0x0  }
0x29: {  	[sflag:s9] =	ssyncadd.s32 $0xFFFFE0C0  }
0x2a: {  	_ =	swait.ge [sflag:s10], $0x1F40  }
0x2b: {  	[sflag:s10] =	ssyncset.done $0x0  }
0x2c: {  	[sflag:s10] =	ssyncadd.s32 $0xFFFFE0C0  }
0x2d: {  	_ =	swait.ge [sflag:s11], $0x1F40  }
0x2e: {  	[sflag:s11] =	ssyncset.done $0x0  }
0x2f: {  	[sflag:s11] =	ssyncadd.s32 $0xFFFFE0C0  }
0x30: {  	[bflag:$0x0] =	sbarrier.arrive $0xFFFF  }
0x31: {  	s7 =	rddreg [dreg:$0xc]  }
0x32: {  	s12 =	rddreg [dreg:$0xf]  }
0x33: {  	s17 =	rddreg [dreg:$0x10]  }
0x34: {  	[hbm:s7], [sflag:s12] =	dma.local [spmem:s17], $0x1400  }
0x35: {  	s17 =	simm.s32 $0x11  }
0x36: {  	_ =	swait.ge [sflag:s17], $0x1400  }
0x37: {  	s7 =	rddreg [dreg:$0xe]  }
0x38: {  	s22 =	rddreg [dreg:$0xd];
	s12 =	sadd.s32 $0x1, s7  }
0x39: {  	p0 =	sne.s32 s12, s22  }
.Ltmp1:
0x3a: {  	_ = 	snop;
	(pc) =	sbr.rel @!p0 .LBB2_12-.Ltmp1, $3  }
0x3b: {  	_ =	sdelay $0x1  }
0x3c: {  	[sflag:s17] =	ssyncset.done $0x0  }
0x3d: {  	[sflag:s17] =	ssyncadd.s32 $0xFFFFEC00  }
.LBB2_1:
0x3e: {  	[dreg:$0xe] =	wrdreg s12  }
0x3f: {  	s7 =	simm.s32 $0x0;
	s22 =	rddreg [dreg:$0x3]  }
0x40: {  	[tilespmem:s7], [sflag:$0x11] =	stream.linear.gather [hbm4b:s22+s7], $0x2800, $0x38;
	[tilespmem:$0x1EA00] =	vst v63  }
0x41: {  	_ =	swait.ge [sflag:s17], $0x2800  }
0x42: {  	s7 =	simm.s32 $0x2800;
	[sflag:s17] =	ssyncset.done $0x0  }
0x43: {  	s22 =	simm.s32 $0x0;
	s12 =	rddreg [dreg:$0x4];
	[sflag:s17] =	ssyncadd.s32 $0xFFFFD800  }
0x44: {  	[tilespmem:s7], [sflag:$0x11] =	stream.linear.gather [hbm4b:s12+s22], $0x2800, $0x38;
	[tilespmem:$0x1EA00] =	vst v63  }
0x45: {  	_ =	swait.ge [sflag:s17], $0x2800  }
0x46: {  	[sflag:s17] =	ssyncset.done $0x0  }
0x47: {  	s12 =	simm.s32 $0x100;
	s7 =	simm.s32 $0x0;
	[sflag:s17] =	ssyncadd.s32 $0xFFFFD800  }
.LBB2_2:
0x48: {  	p0 =	sne.s32 s12, $0x7C00;
	[tilespmem:s7+$0x5030] =	vst v0;
	s17 =	smov.u32 s12;
	s12 =	sadd.s32 $0x100, s12  }
.Ltmp2:
0x49: {  	[tilespmem:s7+$0x5020] =	vst v0;
	(pc) =	sbr.rel @p0 .LBB2_2-.Ltmp2, $3  }
0x4a: {  	[tilespmem:s7+$0x5000] =	vst v0  }
0x4b: {  	[tilespmem:s7+$0x5010] =	vst v0;
	_ =	sdelay $0x1  }
0x4c: {  	s7 =	sshra.s32 s17, $0x2  }
0x4d: {  	[tilespmem:s7+$0x5030] =	vst v0  }
0x4e: {  	[tilespmem:s7+$0x5020] =	vst v0  }
0x4f: {  	[tilespmem:s7+$0x5000] =	vst v0  }
0x50: {  	[tilespmem:s7+$0x5010] =	vst v0;
	s17 =	rddreg [dreg:$0x5];
	s12 =	simm.s32 $0x11  }
0x51: {  	[spmem:s17] =	stream.linear.scatter [tilespmem:s19], [sflag:$0x11], $0x1F40, $0x38;
	[tilespmem:$0x1EA00] =	vst v63  }
0x52: {  	_ =	swait.ge [sflag:s12], $0x1F40  }
0x53: {  	[sflag:s12] =	ssyncset.done $0x0  }
0x54: {  	s22 =	rddreg [dreg:$0x6];
	[sflag:s12] =	ssyncadd.s32 $0xFFFFE0C0  }
0x55: {  	[spmem:s22] =	stream.linear.scatter [tilespmem:s19], [sflag:$0x11], $0x1F40, $0x38;
	[tilespmem:$0x1EA00] =	vst v63  }
0x56: {  	_ =	swait.ge [sflag:s12], $0x1F40  }
0x57: {  	[sflag:s12] =	ssyncset.done $0x0  }
0x58: {  	s17 =	rddreg [dreg:$0x7];
	[sflag:s12] =	ssyncadd.s32 $0xFFFFE0C0  }
0x59: {  	[spmem:s17] =	stream.linear.scatter [tilespmem:s19], [sflag:$0x11], $0x1F40, $0x38;
	[tilespmem:$0x1EA00] =	vst v63  }
0x5a: {  	_ =	swait.ge [sflag:s12], $0x1F40  }
0x5b: {  	[sflag:s12] =	ssyncset.done $0x0  }
0x5c: {  	s22 =	rddreg [dreg:$0x8];
	[sflag:s12] =	ssyncadd.s32 $0xFFFFE0C0  }
0x5d: {  	[spmem:s22] =	stream.linear.scatter [tilespmem:s19], [sflag:$0x11], $0x1F40, $0x38;
	[tilespmem:$0x1EA00] =	vst v63  }
0x5e: {  	_ =	swait.ge [sflag:s12], $0x1F40  }
0x5f: {  	[sflag:s12] =	ssyncset.done $0x0  }
0x60: {  	s17 =	rddreg [dreg:$0x9];
	[sflag:s12] =	ssyncadd.s32 $0xFFFFE0C0  }
0x61: {  	[spmem:s17] =	stream.linear.scatter [tilespmem:s19], [sflag:$0x11], $0x1F40, $0x38;
	[tilespmem:$0x1EA00] =	vst v63  }
0x62: {  	_ =	swait.ge [sflag:s12], $0x1F40  }
0x63: {  	[sflag:s12] =	ssyncset.done $0x0  }
0x64: {  	s22 =	rddreg [dreg:$0xa];
	[sflag:s12] =	ssyncadd.s32 $0xFFFFE0C0  }
0x65: {  	[spmem:s22] =	stream.linear.scatter [tilespmem:s19], [sflag:$0x11], $0x3C0, $0x38;
	[tilespmem:$0x1EA00] =	vst v63  }
0x66: {  	_ =	swait.ge [sflag:s12], $0x3C0  }
0x67: {  	[sflag:s12] =	ssyncset.done $0x0  }
0x68: {  	[sflag:s12] =	ssyncadd.s32 $0xFFFFFC40  }
0x69: {  	s7 =	simm.s32 $0x0;
	[bflag:$0x0] =	sbarrier.arrive $0xFFFF  }
0x6a: {  	[tilespmem:s19], [sflag:$0x1] =	stream.indirect.gather [hbm4b:s4+s20], $0x40, s7, s20, $0xb8;
	[tilespmem:$0x1EA00] =	vst v63  }
0x6b: {  	s17 =	simm.s32 $0x80;
	s22 =	simm.s32 $0x6F40  }
0x6c: {  	[tilespmem:s22], [sflag:$0x2] =	stream.indirect.gather [hbm4b:s4+s20], $0x40, s17, s20, $0xb8;
	[tilespmem:$0x1EA00] =	vst v63  }
0x6d: {  	s17 =	simm.s32 $0x100  }
0x6e: {  	[tilespmem:s24], [sflag:$0x3] =	stream.indirect.gather [hbm4b:s4+s20], $0x40, s17, s20, $0xb8;
	[tilespmem:$0x1EA00] =	vst v63  }
0x6f: {  	s17 =	simm.s32 $0x180  }
0x70: {  	[tilespmem:s26], [sflag:$0x4] =	stream.indirect.gather [hbm4b:s4+s20], $0x40, s17, s20, $0xb8;
	[tilespmem:$0x1EA00] =	vst v63  }
0x71: {  	s17 =	simm.s32 $0x200  }
0x72: {  	[tilespmem:s29], [sflag:$0x5] =	stream.indirect.gather [hbm4b:s4+s20], $0x40, s17, s20, $0xb8;
	[tilespmem:$0x1EA00] =	vst v63  }
0x73: {  	s17 =	simm.s32 $0x280  }
0x74: {  	[tilespmem:s31], [sflag:$0x6] =	stream.indirect.gather [hbm4b:s4+s20], $0x40, s17, s20, $0xb8;
	[tilespmem:$0x1EA00] =	vst v63  }
0x75: {  	s17 =	simm.s32 $0x300  }
0x76: {  	[tilespmem:s18], [sflag:$0x7] =	stream.indirect.gather [hbm4b:s4+s20], $0x40, s17, s20, $0xb8;
	[tilespmem:$0x1EA00] =	vst v63  }
0x77: {  	s17 =	simm.s32 $0x380  }
0x78: {  	[tilespmem:s3], [sflag:$0x8] =	stream.indirect.gather [hbm4b:s4+s20], $0x40, s17, s20, $0xb8;
	[tilespmem:$0x1EA00] =	vst v63  }
.LBB2_4:
0x79: {  	_ =	swait.ge [sflag:s5], $0x1F40  }
0x7a: {  	s12 =	sshra.s32 s7, $0x2;
	[sflag:s5] =	ssyncset.done $0x0  }
0x7b: {  	s17 =	sadd.s32 $0x2800, s12;
	[sflag:s5] =	ssyncadd.s32 $0xFFFFE0C0  }
0x7c: {  	[spmem:s2] =	stream.indirect.scatter.add.f32 [tilespmem:s19], [sflag:$0x9], $0x40, s17, s20, $0xb8;
	[tilespmem:$0x1EA00] =	vst v63  }
0x7d: {  	_ =	swait.ge [sflag:s6], $0x1F40  }
0x7e: {  	[sflag:s6] =	ssyncset.done $0x0  }
0x7f: {  	s17 =	sadd.s32 $0x2880, s12;
	[sflag:s6] =	ssyncadd.s32 $0xFFFFE0C0  }
0x80: {  	[spmem:s2] =	stream.indirect.scatter.add.f32 [tilespmem:s22], [sflag:$0xA], $0x40, s17, s20, $0xb8;
	[tilespmem:$0x1EA00] =	vst v63  }
0x81: {  	_ =	swait.ge [sflag:s13], $0x1F40  }
0x82: {  	[sflag:s13] =	ssyncset.done $0x0  }
0x83: {  	s17 =	sadd.s32 $0x2900, s12;
	[sflag:s13] =	ssyncadd.s32 $0xFFFFE0C0  }
0x84: {  	[spmem:s2] =	stream.indirect.scatter.add.f32 [tilespmem:s24], [sflag:$0xB], $0x40, s17, s20, $0xb8;
	[tilespmem:$0x1EA00] =	vst v63  }
0x85: {  	_ =	swait.ge [sflag:s21], $0x1F40  }
0x86: {  	[sflag:s21] =	ssyncset.done $0x0  }
0x87: {  	s17 =	sadd.s32 $0x2980, s12;
	[sflag:s21] =	ssyncadd.s32 $0xFFFFE0C0  }
0x88: {  	[spmem:s2] =	stream.indirect.scatter.add.f32 [tilespmem:s26], [sflag:$0xC], $0x40, s17, s20, $0xb8;
	[tilespmem:$0x1EA00] =	vst v63  }
0x89: {  	_ =	swait.ge [sflag:s15], $0x1F40  }
0x8a: {  	[sflag:s15] =	ssyncset.done $0x0  }
0x8b: {  	s17 =	sadd.s32 $0x2A00, s12;
	[sflag:s15] =	ssyncadd.s32 $0xFFFFE0C0  }
0x8c: {  	[spmem:s2] =	stream.indirect.scatter.add.f32 [tilespmem:s29], [sflag:$0xD], $0x40, s17, s20, $0xb8;
	[tilespmem:$0x1EA00] =	vst v63  }
0x8d: {  	_ =	swait.ge [sflag:s16], $0x1F40  }
0x8e: {  	[sflag:s16] =	ssyncset.done $0x0  }
0x8f: {  	s17 =	sadd.s32 $0x2A80, s12;
	[sflag:s16] =	ssyncadd.s32 $0xFFFFE0C0  }
0x90: {  	[spmem:s2] =	stream.indirect.scatter.add.f32 [tilespmem:s31], [sflag:$0xE], $0x40, s17, s20, $0xb8;
	[tilespmem:$0x1EA00] =	vst v63  }
0x91: {  	_ =	swait.ge [sflag:s23], $0x1F40  }
0x92: {  	[sflag:s23] =	ssyncset.done $0x0  }
0x93: {  	s17 =	sadd.s32 $0x2B00, s12;
	[sflag:s23] =	ssyncadd.s32 $0xFFFFE0C0  }
0x94: {  	[spmem:s2] =	stream.indirect.scatter.add.f32 [tilespmem:s18], [sflag:$0xF], $0x40, s17, s20, $0xb8;
	[tilespmem:$0x1EA00] =	vst v63  }
0x95: {  	_ =	swait.ge [sflag:s25], $0x1F40  }
0x96: {  	p0 =	seq.s32 s7, $0x9000;
	[sflag:s25] =	ssyncset.done $0x0  }
.Ltmp3:
0x97: {  	s17 =	sadd.s32 $0x2B80, s12;
	[sflag:s25] =	ssyncadd.s32 $0xFFFFE0C0;
	(pc) =	sbr.rel @p0 .LBB2_6-.Ltmp3, $4  }
0x98: {  	[spmem:s2] =	stream.indirect.scatter.add.f32 [tilespmem:s3], [sflag:$0x10], $0x40, s17, s20, $0xb8;
	[tilespmem:$0x1EA00] =	vst v63  }
0x99: {  	_ =	swait.ge [sflag:s28], $0x1F40  }
0x9a: {  	[sflag:s28] =	ssyncset.done $0x0  }
0x9b: {  	[sflag:s28] =	ssyncadd.s32 $0xFFFFE0C0  }
0x9c: {  	s17 =	sadd.s32 $0x400, s12  }
0x9d: {  	[tilespmem:s19], [sflag:$0x1] =	stream.indirect.gather [hbm4b:s4+s20], $0x40, s17, s20, $0xb8;
	[tilespmem:$0x1EA00] =	vst v63  }
0x9e: {  	_ =	swait.ge [sflag:s30], $0x1F40  }
0x9f: {  	[sflag:s30] =	ssyncset.done $0x0  }
0xa0: {  	s17 =	sadd.s32 $0x480, s12;
	[sflag:s30] =	ssyncadd.s32 $0xFFFFE0C0  }
0xa1: {  	[tilespmem:s22], [sflag:$0x2] =	stream.indirect.gather [hbm4b:s4+s20], $0x40, s17, s20, $0xb8;
	[tilespmem:$0x1EA00] =	vst v63  }
0xa2: {  	_ =	swait.ge [sflag:s1], $0x1F40  }
0xa3: {  	[sflag:s1] =	ssyncset.done $0x0  }
0xa4: {  	s17 =	sadd.s32 $0x500, s12;
	[sflag:s1] =	ssyncadd.s32 $0xFFFFE0C0  }
0xa5: {  	[tilespmem:s24], [sflag:$0x3] =	stream.indirect.gather [hbm4b:s4+s20], $0x40, s17, s20, $0xb8;
	[tilespmem:$0x1EA00] =	vst v63  }
0xa6: {  	_ =	swait.ge [sflag:s0], $0x1F40  }
0xa7: {  	[sflag:s0] =	ssyncset.done $0x0  }
0xa8: {  	s17 =	sadd.s32 $0x580, s12;
	[sflag:s0] =	ssyncadd.s32 $0xFFFFE0C0  }
0xa9: {  	[tilespmem:s26], [sflag:$0x4] =	stream.indirect.gather [hbm4b:s4+s20], $0x40, s17, s20, $0xb8;
	[tilespmem:$0x1EA00] =	vst v63  }
0xaa: {  	_ =	swait.ge [sflag:s8], $0x1F40  }
0xab: {  	[sflag:s8] =	ssyncset.done $0x0  }
0xac: {  	s17 =	sadd.s32 $0x600, s12;
	[sflag:s8] =	ssyncadd.s32 $0xFFFFE0C0  }
0xad: {  	[tilespmem:s29], [sflag:$0x5] =	stream.indirect.gather [hbm4b:s4+s20], $0x40, s17, s20, $0xb8;
	[tilespmem:$0x1EA00] =	vst v63  }
0xae: {  	_ =	swait.ge [sflag:s9], $0x1F40  }
0xaf: {  	[sflag:s9] =	ssyncset.done $0x0  }
0xb0: {  	s17 =	sadd.s32 $0x680, s12;
	[sflag:s9] =	ssyncadd.s32 $0xFFFFE0C0  }
0xb1: {  	[tilespmem:s31], [sflag:$0x6] =	stream.indirect.gather [hbm4b:s4+s20], $0x40, s17, s20, $0xb8;
	[tilespmem:$0x1EA00] =	vst v63  }
0xb2: {  	_ =	swait.ge [sflag:s10], $0x1F40  }
0xb3: {  	[sflag:s10] =	ssyncset.done $0x0  }
0xb4: {  	s17 =	sadd.s32 $0x700, s12;
	[sflag:s10] =	ssyncadd.s32 $0xFFFFE0C0  }
0xb5: {  	[tilespmem:s18], [sflag:$0x7] =	stream.indirect.gather [hbm4b:s4+s20], $0x40, s17, s20, $0xb8;
	[tilespmem:$0x1EA00] =	vst v63  }
.Ltmp4:
0xb6: {  	_ = 	snop;
	(pc) =	sbr.rel .LBB2_4-.Ltmp4, $4  }
0xb7: {  	_ =	swait.ge [sflag:s11], $0x1F40  }
0xb8: {  	[sflag:s11] =	ssyncset.done $0x0  }
0xb9: {  	s7 =	sadd.s32 $0x1000, s7;
	s17 =	sadd.s32 $0x780, s12;
	[sflag:s11] =	ssyncadd.s32 $0xFFFFE0C0  }
0xba: {  	[tilespmem:s3], [sflag:$0x8] =	stream.indirect.gather [hbm4b:s4+s20], $0x40, s17, s20, $0xb8;
	[tilespmem:$0x1EA00] =	vst v63  }
.LBB2_6:
0xbb: {  	_ =	swait.ge [sflag:s30], $0x1F40  }
0xbc: {  	[sflag:s30] =	ssyncset.done $0x0  }
0xbd: {  	[sflag:s30] =	ssyncadd.s32 $0xFFFFE0C0  }
0xbe: {  	_ =	swait.ge [sflag:s1], $0x1F40  }
0xbf: {  	[sflag:s1] =	ssyncset.done $0x0  }
0xc0: {  	[sflag:s1] =	ssyncadd.s32 $0xFFFFE0C0  }
0xc1: {  	_ =	swait.ge [sflag:s0], $0x1F40  }
0xc2: {  	[sflag:s0] =	ssyncset.done $0x0  }
0xc3: {  	[sflag:s0] =	ssyncadd.s32 $0xFFFFE0C0  }
0xc4: {  	_ =	swait.ge [sflag:s8], $0x1F40  }
0xc5: {  	[sflag:s8] =	ssyncset.done $0x0  }
0xc6: {  	[sflag:s8] =	ssyncadd.s32 $0xFFFFE0C0  }
0xc7: {  	_ =	swait.ge [sflag:s9], $0x1F40  }
0xc8: {  	[sflag:s9] =	ssyncset.done $0x0  }
0xc9: {  	[sflag:s9] =	ssyncadd.s32 $0xFFFFE0C0  }
0xca: {  	_ =	swait.ge [sflag:s10], $0x1F40  }
0xcb: {  	[sflag:s10] =	ssyncset.done $0x0  }
0xcc: {  	[sflag:s10] =	ssyncadd.s32 $0xFFFFE0C0  }
0xcd: {  	_ =	swait.ge [sflag:s11], $0x1F40  }
0xce: {  	[sflag:s11] =	ssyncset.done $0x0  }
0xcf: {  	[sflag:s11] =	ssyncadd.s32 $0xFFFFE0C0  }
0xd0: {  	s7 =	stileid.u32;
	[bflag:$0x0] =	sbarrier.arrive $0xFFFF  }
0xd1: {  	s7 =	sshll.u32 s7, $0x6;
	s17 =	rddreg [dreg:$0x5]  }
0xd2: {  	s12 =	sor.u32 $0x1C11, s7;
	s7 =	rddreg [dreg:$0xb]  }
0xd3: {  	[dreg:$0xf] =	wrdreg s12;
	s17 =	sshrl.u32 s17, $0x3  }
0xd4: {  	[dreg:$0x10] =	wrdreg s17  }
0xd5: {  	[hbm:s7], [sflag:s12] =	dma.local [spmem:s17], $0x1400  }
0xd6: {  	s17 =	simm.s32 $0x11  }
0xd7: {  	_ =	swait.ge [sflag:s17], $0x1400  }
0xd8: {  	[sflag:s17] =	ssyncset.done $0x0  }
0xd9: {  	s12 =	simm.s32 $0x100;
	s7 =	simm.s32 $0x0;
	[sflag:s17] =	ssyncadd.s32 $0xFFFFEC00  }
.LBB2_7:
0xda: {  	p0 =	sne.s32 s12, $0x7C00;
	[tilespmem:s7+$0x5030] =	vst v0;
	s17 =	smov.u32 s12;
	s12 =	sadd.s32 $0x100, s12  }
.Ltmp5:
0xdb: {  	[tilespmem:s7+$0x5020] =	vst v0;
	(pc) =	sbr.rel @p0 .LBB2_7-.Ltmp5, $3  }
0xdc: {  	[tilespmem:s7+$0x5000] =	vst v0  }
0xdd: {  	[tilespmem:s7+$0x5010] =	vst v0;
	_ =	sdelay $0x1  }
0xde: {  	s7 =	sshra.s32 s17, $0x2  }
0xdf: {  	[tilespmem:s7+$0x5030] =	vst v0  }
0xe0: {  	[tilespmem:s7+$0x5020] =	vst v0  }
0xe1: {  	[tilespmem:s7+$0x5000] =	vst v0  }
0xe2: {  	[tilespmem:s7+$0x5010] =	vst v0;
	s12 =	rddreg [dreg:$0x5]  }
0xe3: {  	[spmem:s12] =	stream.linear.scatter [tilespmem:s19], [sflag:$0x11], $0x1F40, $0x38;
	[tilespmem:$0x1EA00] =	vst v63  }
0xe4: {  	s12 =	simm.s32 $0x11  }
0xe5: {  	_ =	swait.ge [sflag:s12], $0x1F40  }
0xe6: {  	[sflag:s12] =	ssyncset.done $0x0  }
0xe7: {  	s17 =	rddreg [dreg:$0x6];
	[sflag:s12] =	ssyncadd.s32 $0xFFFFE0C0  }
0xe8: {  	[spmem:s17] =	stream.linear.scatter [tilespmem:s19], [sflag:$0x11], $0x1F40, $0x38;
	[tilespmem:$0x1EA00] =	vst v63  }
0xe9: {  	_ =	swait.ge [sflag:s12], $0x1F40  }
0xea: {  	[sflag:s12] =	ssyncset.done $0x0  }
0xeb: {  	s17 =	rddreg [dreg:$0x7];
	[sflag:s12] =	ssyncadd.s32 $0xFFFFE0C0  }
0xec: {  	[spmem:s17] =	stream.linear.scatter [tilespmem:s19], [sflag:$0x11], $0x1F40, $0x38;
	[tilespmem:$0x1EA00] =	vst v63  }
0xed: {  	_ =	swait.ge [sflag:s12], $0x1F40  }
0xee: {  	[sflag:s12] =	ssyncset.done $0x0  }
0xef: {  	s17 =	rddreg [dreg:$0x8];
	[sflag:s12] =	ssyncadd.s32 $0xFFFFE0C0  }
0xf0: {  	[spmem:s17] =	stream.linear.scatter [tilespmem:s19], [sflag:$0x11], $0x1F40, $0x38;
	[tilespmem:$0x1EA00] =	vst v63  }
0xf1: {  	_ =	swait.ge [sflag:s12], $0x1F40  }
0xf2: {  	[sflag:s12] =	ssyncset.done $0x0  }
0xf3: {  	s17 =	rddreg [dreg:$0x9];
	[sflag:s12] =	ssyncadd.s32 $0xFFFFE0C0  }
0xf4: {  	[spmem:s17] =	stream.linear.scatter [tilespmem:s19], [sflag:$0x11], $0x1F40, $0x38;
	[tilespmem:$0x1EA00] =	vst v63  }
0xf5: {  	_ =	swait.ge [sflag:s12], $0x1F40  }
0xf6: {  	[sflag:s12] =	ssyncset.done $0x0  }
0xf7: {  	s17 =	rddreg [dreg:$0xa];
	[sflag:s12] =	ssyncadd.s32 $0xFFFFE0C0  }
0xf8: {  	[spmem:s17] =	stream.linear.scatter [tilespmem:s19], [sflag:$0x11], $0x3C0, $0x38;
	[tilespmem:$0x1EA00] =	vst v63  }
0xf9: {  	_ =	swait.ge [sflag:s12], $0x3C0  }
0xfa: {  	[sflag:s12] =	ssyncset.done $0x0  }
0xfb: {  	[sflag:s12] =	ssyncadd.s32 $0xFFFFFC40  }
0xfc: {  	s7 =	simm.s32 $0x0;
	[bflag:$0x0] =	sbarrier.arrive $0xFFFF  }
0xfd: {  	[tilespmem:s19], [sflag:$0x1] =	stream.indirect.gather [hbm4b:s14+s20], $0x40, s7, s20, $0xb8;
	[tilespmem:$0x1EA00] =	vst v63  }
0xfe: {  	s17 =	simm.s32 $0x80  }
0xff: {  	[tilespmem:s22], [sflag:$0x2] =	stream.indirect.gather [hbm4b:s14+s20], $0x40, s17, s20, $0xb8;
	[tilespmem:$0x1EA00] =	vst v63  }
0x100: {  	s17 =	simm.s32 $0x100  }
0x101: {  	[tilespmem:s24], [sflag:$0x3] =	stream.indirect.gather [hbm4b:s14+s20], $0x40, s17, s20, $0xb8;
	[tilespmem:$0x1EA00] =	vst v63  }
0x102: {  	s17 =	simm.s32 $0x180  }
0x103: {  	[tilespmem:s26], [sflag:$0x4] =	stream.indirect.gather [hbm4b:s14+s20], $0x40, s17, s20, $0xb8;
	[tilespmem:$0x1EA00] =	vst v63  }
0x104: {  	s17 =	simm.s32 $0x200  }
0x105: {  	[tilespmem:s29], [sflag:$0x5] =	stream.indirect.gather [hbm4b:s14+s20], $0x40, s17, s20, $0xb8;
	[tilespmem:$0x1EA00] =	vst v63  }
0x106: {  	s17 =	simm.s32 $0x280  }
0x107: {  	[tilespmem:s31], [sflag:$0x6] =	stream.indirect.gather [hbm4b:s14+s20], $0x40, s17, s20, $0xb8;
	[tilespmem:$0x1EA00] =	vst v63  }
0x108: {  	s17 =	simm.s32 $0x300  }
0x109: {  	[tilespmem:s18], [sflag:$0x7] =	stream.indirect.gather [hbm4b:s14+s20], $0x40, s17, s20, $0xb8;
	[tilespmem:$0x1EA00] =	vst v63  }
0x10a: {  	s17 =	simm.s32 $0x380  }
0x10b: {  	[tilespmem:s3], [sflag:$0x8] =	stream.indirect.gather [hbm4b:s14+s20], $0x40, s17, s20, $0xb8;
	[tilespmem:$0x1EA00] =	vst v63  }
.LBB2_9:
0x10c: {  	_ =	swait.ge [sflag:s5], $0x1F40  }
0x10d: {  	s12 =	sshra.s32 s7, $0x2;
	[sflag:s5] =	ssyncset.done $0x0  }
0x10e: {  	s17 =	sadd.s32 $0x2800, s12;
	[sflag:s5] =	ssyncadd.s32 $0xFFFFE0C0  }
0x10f: {  	[spmem:s2] =	stream.indirect.scatter.add.f32 [tilespmem:s19], [sflag:$0x9], $0x40, s17, s20, $0xb8;
	[tilespmem:$0x1EA00] =	vst v63  }
0x110: {  	_ =	swait.ge [sflag:s6], $0x1F40  }
0x111: {  	[sflag:s6] =	ssyncset.done $0x0  }
0x112: {  	s17 =	sadd.s32 $0x2880, s12;
	[sflag:s6] =	ssyncadd.s32 $0xFFFFE0C0  }
0x113: {  	[spmem:s2] =	stream.indirect.scatter.add.f32 [tilespmem:s22], [sflag:$0xA], $0x40, s17, s20, $0xb8;
	[tilespmem:$0x1EA00] =	vst v63  }
0x114: {  	_ =	swait.ge [sflag:s13], $0x1F40  }
0x115: {  	[sflag:s13] =	ssyncset.done $0x0  }
0x116: {  	s17 =	sadd.s32 $0x2900, s12;
	[sflag:s13] =	ssyncadd.s32 $0xFFFFE0C0  }
0x117: {  	[spmem:s2] =	stream.indirect.scatter.add.f32 [tilespmem:s24], [sflag:$0xB], $0x40, s17, s20, $0xb8;
	[tilespmem:$0x1EA00] =	vst v63  }
0x118: {  	_ =	swait.ge [sflag:s21], $0x1F40  }
0x119: {  	[sflag:s21] =	ssyncset.done $0x0  }
0x11a: {  	s17 =	sadd.s32 $0x2980, s12;
	[sflag:s21] =	ssyncadd.s32 $0xFFFFE0C0  }
0x11b: {  	[spmem:s2] =	stream.indirect.scatter.add.f32 [tilespmem:s26], [sflag:$0xC], $0x40, s17, s20, $0xb8;
	[tilespmem:$0x1EA00] =	vst v63  }
0x11c: {  	_ =	swait.ge [sflag:s15], $0x1F40  }
0x11d: {  	[sflag:s15] =	ssyncset.done $0x0  }
0x11e: {  	s17 =	sadd.s32 $0x2A00, s12;
	[sflag:s15] =	ssyncadd.s32 $0xFFFFE0C0  }
0x11f: {  	[spmem:s2] =	stream.indirect.scatter.add.f32 [tilespmem:s29], [sflag:$0xD], $0x40, s17, s20, $0xb8;
	[tilespmem:$0x1EA00] =	vst v63  }
0x120: {  	_ =	swait.ge [sflag:s16], $0x1F40  }
0x121: {  	[sflag:s16] =	ssyncset.done $0x0  }
0x122: {  	s17 =	sadd.s32 $0x2A80, s12;
	[sflag:s16] =	ssyncadd.s32 $0xFFFFE0C0  }
0x123: {  	[spmem:s2] =	stream.indirect.scatter.add.f32 [tilespmem:s31], [sflag:$0xE], $0x40, s17, s20, $0xb8;
	[tilespmem:$0x1EA00] =	vst v63  }
0x124: {  	_ =	swait.ge [sflag:s23], $0x1F40  }
0x125: {  	[sflag:s23] =	ssyncset.done $0x0  }
0x126: {  	s17 =	sadd.s32 $0x2B00, s12;
	[sflag:s23] =	ssyncadd.s32 $0xFFFFE0C0  }
0x127: {  	[spmem:s2] =	stream.indirect.scatter.add.f32 [tilespmem:s18], [sflag:$0xF], $0x40, s17, s20, $0xb8;
	[tilespmem:$0x1EA00] =	vst v63  }
0x128: {  	_ =	swait.ge [sflag:s25], $0x1F40  }
0x129: {  	p0 =	seq.s32 s7, $0x9000;
	[sflag:s25] =	ssyncset.done $0x0  }
.Ltmp6:
0x12a: {  	s17 =	sadd.s32 $0x2B80, s12;
	[sflag:s25] =	ssyncadd.s32 $0xFFFFE0C0;
	(pc) =	sbr.rel @p0 .LBB2_11-.Ltmp6, $4  }
0x12b: {  	[spmem:s2] =	stream.indirect.scatter.add.f32 [tilespmem:s3], [sflag:$0x10], $0x40, s17, s20, $0xb8;
	[tilespmem:$0x1EA00] =	vst v63  }
0x12c: {  	_ =	swait.ge [sflag:s28], $0x1F40  }
0x12d: {  	[sflag:s28] =	ssyncset.done $0x0  }
0x12e: {  	[sflag:s28] =	ssyncadd.s32 $0xFFFFE0C0  }
0x12f: {  	s17 =	sadd.s32 $0x400, s12  }
0x130: {  	[tilespmem:s19], [sflag:$0x1] =	stream.indirect.gather [hbm4b:s14+s20], $0x40, s17, s20, $0xb8;
	[tilespmem:$0x1EA00] =	vst v63  }
0x131: {  	_ =	swait.ge [sflag:s30], $0x1F40  }
0x132: {  	[sflag:s30] =	ssyncset.done $0x0  }
0x133: {  	s17 =	sadd.s32 $0x480, s12;
	[sflag:s30] =	ssyncadd.s32 $0xFFFFE0C0  }
0x134: {  	[tilespmem:s22], [sflag:$0x2] =	stream.indirect.gather [hbm4b:s14+s20], $0x40, s17, s20, $0xb8;
	[tilespmem:$0x1EA00] =	vst v63  }
0x135: {  	_ =	swait.ge [sflag:s1], $0x1F40  }
0x136: {  	[sflag:s1] =	ssyncset.done $0x0  }
0x137: {  	s17 =	sadd.s32 $0x500, s12;
	[sflag:s1] =	ssyncadd.s32 $0xFFFFE0C0  }
0x138: {  	[tilespmem:s24], [sflag:$0x3] =	stream.indirect.gather [hbm4b:s14+s20], $0x40, s17, s20, $0xb8;
	[tilespmem:$0x1EA00] =	vst v63  }
0x139: {  	_ =	swait.ge [sflag:s0], $0x1F40  }
0x13a: {  	[sflag:s0] =	ssyncset.done $0x0  }
0x13b: {  	s17 =	sadd.s32 $0x580, s12;
	[sflag:s0] =	ssyncadd.s32 $0xFFFFE0C0  }
0x13c: {  	[tilespmem:s26], [sflag:$0x4] =	stream.indirect.gather [hbm4b:s14+s20], $0x40, s17, s20, $0xb8;
	[tilespmem:$0x1EA00] =	vst v63  }
0x13d: {  	_ =	swait.ge [sflag:s8], $0x1F40  }
0x13e: {  	[sflag:s8] =	ssyncset.done $0x0  }
0x13f: {  	s17 =	sadd.s32 $0x600, s12;
	[sflag:s8] =	ssyncadd.s32 $0xFFFFE0C0  }
0x140: {  	[tilespmem:s29], [sflag:$0x5] =	stream.indirect.gather [hbm4b:s14+s20], $0x40, s17, s20, $0xb8;
	[tilespmem:$0x1EA00] =	vst v63  }
0x141: {  	_ =	swait.ge [sflag:s9], $0x1F40  }
0x142: {  	[sflag:s9] =	ssyncset.done $0x0  }
0x143: {  	s17 =	sadd.s32 $0x680, s12;
	[sflag:s9] =	ssyncadd.s32 $0xFFFFE0C0  }
0x144: {  	[tilespmem:s31], [sflag:$0x6] =	stream.indirect.gather [hbm4b:s14+s20], $0x40, s17, s20, $0xb8;
	[tilespmem:$0x1EA00] =	vst v63  }
0x145: {  	_ =	swait.ge [sflag:s10], $0x1F40  }
0x146: {  	[sflag:s10] =	ssyncset.done $0x0  }
0x147: {  	s17 =	sadd.s32 $0x700, s12;
	[sflag:s10] =	ssyncadd.s32 $0xFFFFE0C0  }
0x148: {  	[tilespmem:s18], [sflag:$0x7] =	stream.indirect.gather [hbm4b:s14+s20], $0x40, s17, s20, $0xb8;
	[tilespmem:$0x1EA00] =	vst v63  }
.Ltmp7:
0x149: {  	_ = 	snop;
	(pc) =	sbr.rel .LBB2_9-.Ltmp7, $4  }
0x14a: {  	_ =	swait.ge [sflag:s11], $0x1F40  }
0x14b: {  	[sflag:s11] =	ssyncset.done $0x0  }
0x14c: {  	s7 =	sadd.s32 $0x1000, s7;
	s17 =	sadd.s32 $0x780, s12;
	[sflag:s11] =	ssyncadd.s32 $0xFFFFE0C0  }
0x14d: {  	[tilespmem:s3], [sflag:$0x8] =	stream.indirect.gather [hbm4b:s14+s20], $0x40, s17, s20, $0xb8;
	[tilespmem:$0x1EA00] =	vst v63  }
.LBB2_12:
0x14e: {  	_ =	sfence.sel $0x180000  }
0x14f: {  	[bflag:$0x0] =	sbarrier.arrive $0xFFFF  }
0x150: {  	_ =	strace $0x9000004A  }
0x151: {  	s0 =	stileid.u32;
	[bflag:$0x2] =	sbarrier.arrive $0xFFFF  }
0x152: {  	p0 =	sne.s32 s0, $0x0;
	s0 =	rddreg [dreg:$0x2]  }
0x153: {  	s0 =	sadd.s32 @!p0 $0x100000, s0  }
0x154: {  	[sflag:s0] =	ssyncadd.tile.s32 @!p0 $0x1;
	_ =	shalt  }
.Lfunc_end2:
_tile_overlayer_lowered:
.L_overlay_start_2:
0x155: {  	(tag) =	ssettag $0x2  }
0x156: {  	s0 =	rddreg [dreg:$0x0];
	s2 =	stileid.u32  }
0x157: {  	s1 =	rddreg [dreg:$0x1];
	p0 =	sne.s32 s2, $0x0  }
0x158: {  	s3 =	rddreg [dreg:$0x2];
	[bflag:$0x3] =	sbarrier.arrive $0xFFFF;
	s2 =	simm.s32 @!p0 $0x1C11  }
0x159: {  	[timem:s3], [sflag:s2] =	dma.local @!p0 [hbm:s0], s1  }
0x15a: {  	s0 =	simm.s32 @!p0 $0x11  }
0x15b: {  	_ =	swait.ge @!p0 [sflag:s0], s1  }
0x15c: {  	s1 =	ssub.s32 @!p0 $0x0, s1;
	[sflag:s0] =	ssyncset.done @!p0 $0x0  }
0x15d: {  	[sflag:s0] =	ssyncadd.s32 @!p0 s1  }
0x15e: {  	[bflag:$0x3] =	sbarrier.arrive $0xFFFF  }
0x15f: {  	_ =	shalt  }

// kernel: kernel.15.cloned.1.call-start
scs
__scs_entry_jumppad:
0x0: {  	(pc) =	sbr.rel $0x88, $3  }
0x1: {  	(tag) =	ssettag $0x0;
	lr =	simm.s32 $0x1  }
0x2: {  	[smem:$0x3F9D] =	sst lr;
	_ =	strace $0xD0000000  }
0x3: {  	_ = 	snop  }
0x4: {  	_ = 	snop  }
0x5: {  	_ = 	snop  }
0x6: {  	_ = 	snop  }
0x7: {  	_ = 	snop  }
__scs_overlays_trampoline_lowered:
0x8: {  	[smem:$0x3FAC] =	sst s0  }
0x9: {  	[smem:$0x3FAD] =	sst s1  }
0xa: {  	[smem:$0x3FAE] =	sst s2  }
0xb: {  	[smem:$0x3FAF] =	sst s3  }
0xc: {  	[smem:$0x3FB0] =	sst s4  }
0xd: {  	[smem:$0x3FB1] =	sst s5  }
0xe: {  	[smem:$0x3FB2] =	sst s6  }
0xf: {  	[smem:$0x3FB3] =	sst s7  }
0x10: {  	[smem:$0x3FB4] =	sst s8  }
0x11: {  	[smem:$0x3FB5] =	sst s9;
	s0 =	simm.s32 @!p0 $0x0  }
0x12: {  	s1 =	sld [smem:$0x3F9B];
	s0 =	simm.s32 @p0 $0x1  }
0x13: {  	[smem:$0x3FB6] =	sst s0;
	s0 =	simm.s32 @!p1 $0x0  }
0x14: {  	s2 =	sld [smem:$0x3F9A];
	s0 =	simm.s32 @p1 $0x1  }
0x15: {  	[smem:$0x3FB7] =	sst s0;
	s0 =	simm.s32 @!p2 $0x0  }
0x16: {  	s3 =	sld [smem:$0x3FDB];
	s0 =	simm.s32 @p2 $0x1  }
0x17: {  	s4 =	simm.s32 $0x1BF5;
	[smem:$0x3FB9] =	sst s0  }
0x18: {  	s0 =	sld [smem:$0x3F9C];
	_ =	swait.ge [sflag:s4], $0x0  }
0x19: {  	s7 =	sld [smem:$0x3F9D]  }
0x1a: {  	s8 =	sadd.s32 $0xFFFFE003, lr  }
0x1b: {  	s9 =	sadd.s32 $0xFFFFFEF7, lr;
	s5 =	simm.s32 $0xFFFFFFFF;
	p2 =	slt.u32 s8, $0xFFFFF086  }
0x1c: {  	p1 =	slt.u32 s9, $0xF7A;
	s5 =	simm.s32 @!p2 $0x0  }
0x1d: {  	s5 =	simm.s32 @p1 $0x1;
	p0 =	seq.s32 s7, s2  }
0x1e: {  	s7 =	smul.u32 @!p0 $0xF7A, s2;
	p2 =	seq.s32 @!p0 s5, $0x0  }
0x1f: {  	s9 =	smul.u32 $0xF7A, s1;
	s8 =	simm.s32 @!p0 $0x1BF5;
	p2 =	por !p2, p0  }
0x20: {  	[sflag:s8] =	ssyncset.s32 @!p0 $0xFFFFF086;
	s6 =	sadd.s32 @!p0 s3, s7;
	s7 =	simm.s32 @!p0 $0x108  }
0x21: {  	s3 =	sadd.s32 s3, s9;
	s6 =	sadd.s32 @!p0 $0x88, s6;
	s7 =	simm.s32 @p2 $0x1082  }
0x22: {  	[simem:s7], [sflag:s8] =	dma.local @!p0 [hbm:s6], $0xF7A  }
0x23: {  	s9 =	sor.u32 $0xD0000000, s2;
	s6 =	simm.s32 $0x108;
	_ =	swait.ge @!p0 [sflag:s8], $0x0  }
0x24: {  	s3 =	sadd.s32 $0x88, s3;
	s6 =	simm.s32 @!p1 $0x1082;
	[sflag:s4] =	ssyncset.s32 $0xFFFFF086  }
0x25: {  	[simem:s6], [sflag:s4] =	dma.local [hbm:s3], $0xF7A  }
0x26: {  	[smem:$0x3F9D] =	sst s1;
	(tag) =	ssettag s2;
	_ =	strace s9  }
0x27: {  	s1 =	sld [smem:$0x3FAD]  }
0x28: {  	s2 =	sld [smem:$0x3FAE]  }
0x29: {  	s4 =	sld [smem:$0x3FB0]  }
0x2a: {  	p0 =	seq.s32 s5, $0x0;
	s5 =	sld [smem:$0x3FB1]  }
0x2b: {  	s6 =	sld [smem:$0x3FB2]  }
0x2c: {  	s7 =	sld [smem:$0x3FB3]  }
0x2d: {  	s3 =	simm.s32 $0x108;
	s8 =	sld [smem:$0x3FB4]  }
0x2e: {  	s3 =	simm.s32 @!p0 $0x1082;
	s9 =	sld [smem:$0x3FB5]  }
0x2f: {  	lr =	sadd.s32 s0, s3;
	s0 =	sld [smem:$0x3FAC]  }
0x30: {  	s3 =	sld [smem:$0x3FAF]  }
0x31: {  	[smem:$0x3FB8] =	sst s10  }
0x32: {  	s10 =	sld [smem:$0x3FB6];
	_ =	sdelay $0x3  }
0x33: {  	p0 =	seq.s32 s10, $0x1;
	s10 =	sld [smem:$0x3FB8];
	_ =	sdelay $0x3  }
0x34: {  	[smem:$0x3FB8] =	sst s10  }
0x35: {  	s10 =	sld [smem:$0x3FB7];
	_ =	sdelay $0x3  }
0x36: {  	p1 =	seq.s32 s10, $0x1;
	s10 =	sld [smem:$0x3FB8];
	_ =	sdelay $0x3  }
0x37: {  	[smem:$0x3FB8] =	sst s10  }
0x38: {  	s10 =	sld [smem:$0x3FB9]  }
0x39: {  	_ = 	snop;
	(pc) =	sbr.ind lr, $3  }
0x3a: {  	_ = 	snop  }
0x3b: {  	_ = 	snop  }
0x3c: {  	p2 =	seq.s32 s10, $0x1;
	s10 =	sld [smem:$0x3FB8]  }
0x3d: {  	_ =	shalt  }
0x3e: {  	_ =	shalt  }
0x3f: {  	_ =	shalt  }
0x40: {  	_ =	shalt  }
0x41: {  	_ =	shalt  }
0x42: {  	_ =	shalt  }
0x43: {  	_ =	shalt  }
0x44: {  	_ =	shalt  }
0x45: {  	_ =	shalt  }
0x46: {  	_ =	shalt  }
0x47: {  	_ =	shalt  }
0x48: {  	_ =	shalt  }
0x49: {  	_ =	shalt  }
0x4a: {  	_ =	shalt  }
0x4b: {  	_ =	shalt  }
0x4c: {  	_ =	shalt  }
0x4d: {  	_ =	shalt  }
0x4e: {  	_ =	shalt  }
0x4f: {  	_ =	shalt  }
0x50: {  	_ =	shalt  }
0x51: {  	_ =	shalt  }
0x52: {  	_ =	shalt  }
0x53: {  	_ =	shalt  }
0x54: {  	_ =	shalt  }
0x55: {  	_ =	shalt  }
0x56: {  	_ =	shalt  }
0x57: {  	_ =	shalt  }
0x58: {  	_ =	shalt  }
0x59: {  	_ =	shalt  }
0x5a: {  	_ =	shalt  }
0x5b: {  	_ =	shalt  }
0x5c: {  	_ =	shalt  }
0x5d: {  	_ =	shalt  }
0x5e: {  	_ =	shalt  }
0x5f: {  	_ =	shalt  }
0x60: {  	_ =	shalt  }
0x61: {  	_ =	shalt  }
0x62: {  	_ =	shalt  }
0x63: {  	_ =	shalt  }
0x64: {  	_ =	shalt  }
0x65: {  	_ =	shalt  }
0x66: {  	_ =	shalt  }
0x67: {  	_ =	shalt  }
0x68: {  	_ =	shalt  }
0x69: {  	_ =	shalt  }
0x6a: {  	_ =	shalt  }
0x6b: {  	_ =	shalt  }
0x6c: {  	_ =	shalt  }
0x6d: {  	_ =	shalt  }
0x6e: {  	_ =	shalt  }
0x6f: {  	_ =	shalt  }
0x70: {  	_ =	shalt  }
0x71: {  	_ =	shalt  }
0x72: {  	_ =	shalt  }
0x73: {  	_ =	shalt  }
0x74: {  	_ =	shalt  }
0x75: {  	_ =	shalt  }
0x76: {  	_ =	shalt  }
0x77: {  	_ =	shalt  }
0x78: {  	_ =	shalt  }
0x79: {  	_ =	shalt  }
0x7a: {  	_ =	shalt  }
0x7b: {  	_ =	shalt  }
0x7c: {  	_ =	shalt  }
0x7d: {  	_ =	shalt  }
0x7e: {  	_ =	shalt  }
0x7f: {  	_ =	shalt  }
0x80: {  	_ =	shalt  }
0x81: {  	_ =	shalt  }
0x82: {  	_ =	shalt  }
0x83: {  	_ =	shalt  }
0x84: {  	_ =	shalt  }
0x85: {  	_ =	shalt  }
0x86: {  	_ =	shalt  }
0x87: {  	_ =	shalt  }
.Lfunc_end0:
.L_simem_size_0:
called_computation.2_lowered:
.L_overlay_start_0:
0x88: {  	s2 =	sld [smem:$0x3FD9]  }
0x89: {  	s3 =	sld [smem:$0x3FFE];
	_ =	sdelay $0x1  }
0x8a: {  	s1 =	srdreg.scid  }
0x8b: {  	s0 =	sand.u32 $0x1, s1  }
0x8c: {  	s17 =	sshll.u32 s0, $0xA;
	s2 =	sadd.s32 s3, s2  }
0x8d: {  	s2 =	sadd.s32 s2, s17  }
0x8e: {  	[smem:$0x3FC4] =	sst s2  }
0x8f: {  	_ = 	snop  }
0x90: {  	s2 =	sld [smem:$0x3FD0];
	(tm) =	ssettm $0x1  }
0x91: {  	s18 =	sld [smem:$0x3FFB];
	_ =	sdelay $0x3  }
0x92: {  	_ =	strace s18  }
0x93: {  	s3 =	sld [smem:$0x3FFC];
	_ =	sdelay $0x3  }
0x94: {  	_ =	strace s3  }
0x95: {  	s3 =	sld [smem:$0x3FFD];
	_ =	sdelay $0x3  }
0x96: {  	_ =	strace s3  }
0x97: {  	_ =	strace $0x8FFFFFFF  }
0x98: {  	s19 =	sld [smem:$0x3FDB];
	_ =	sdelay $0x1  }
0x99: {  	s4 =	simm.s32 $_scs_section_size  }
0x9a: {  	s5 =	simm.s32 $_size__tile_overlayer_lowered;
	s6 =	simm.s32 $_tile_overlayer_lowered  }
0x9b: {  	s22 =	simm.s32 $0x1BFF;
	s21 =	sshll.u32 s6, $0x1;
	s3 =	sadd.s32 s4, s19  }
0x9c: {  	s7 =	simm.s32 $0x0;
	s20 =	sshll.u32 s5, $0x1;
	s5 =	sadd.s32 s21, s3  }
0x9d: {  	[timem:s7], [sflag:s22] =	dma.local [hbm:s5], s20  }
0x9e: {  	_ =	swait.ge [sflag:s22], s20  }
0x9f: {  	s4 =	ssub.s32 $0x0, s20;
	[sflag:s22] =	ssyncset.done $0x0  }
0xa0: {  	[sflag:s22] =	ssyncadd.s32 s4;
	_ =	sdelay $0x1  }
0xa1: {  	s23 =	simm.s32 $0x1B8B  }
0xa2: {  	_ =	swait.ge [sflag:s23], $0x1  }
0xa3: {  	[sflag:s23] =	ssyncset.done $0x0  }
0xa4: {  	s25 =	simm.s32 $0x1B8E;
	s24 =	sld [smem:$0x3FFE];
	[sflag:s23] =	ssyncadd.s32 $0xFFFFFFFF  }
0xa5: {  	s26 =	simm.s32 $execute0_lowered;
	[smem:$0x3FD2] =	sst s25  }
0xa6: {  	s5 =	sshll.u32 s26, $0x1;
	_ =	strace $0x8000004C;
	[dreg:$0x1] =	wrdreg $0xFFFFFFFF  }
0xa7: {  	s28 =	simm.s32 $_size_execute0_lowered;
	s3 =	sadd.s32 s3, s5;
	[dreg:$0x0] =	wrdreg $0x0  }
0xa8: {  	s5 =	sshll.u32 s28, $0x1;
	[dreg:$0x2] =	wrdreg s3  }
0xa9: {  	[dreg:$0x3] =	wrdreg s5  }
0xaa: {  	[dreg:$0x4] =	wrdreg $0xC0  }
0xab: {  	_ =	task [dreg:s7], $0x5FFFF  }
0xac: {  	[dreg:$0x1] =	wrdreg $0xFFFFFFFF  }
0xad: {  	[dreg:$0x0] =	wrdreg $0x60  }
0xae: {  	[dreg:$0x2] =	wrdreg s2  }
0xaf: {  	[dreg:$0x3] =	wrdreg s24  }
0xb0: {  	[dreg:$0x4] =	wrdreg $0x14A000  }
0xb1: {  	[dreg:$0x5] =	wrdreg $0x9  }
0xb2: {  	_ =	task.clear_ibuf [dreg:s7], $0x6FFFF;
	_ =	strace $0x9000004C  }
0xb3: {  	s29 =	simm.s32 $0x9;
	_ =	strace $0x8000004E  }
0xb4: {  	_ =	swait.ge [sflag:s29], $0x1  }
0xb5: {  	[sflag:s29] =	ssyncadd.s32 $0xFFFFFFFF  }
0xb6: {  	_ =	strace $0x9000004E  }
0xb7: {  	_ =	sfence  }
0xb8: {  	s30 =	sld [smem:$0x0];
	_ =	sdelay $0x2  }
0xb9: {  	s31 =	sshll.u32 s1, $0xD;
	s1 =	sshrl.u32 s1, $0x2  }
0xba: {  	s3 =	sand.u32 $0x4000, s31;
	s1 =	sadd.s32 s1, s30  }
0xbb: {  	s0 =	sor.u32 s3, s0;
	s1 =	sshll.u32 s1, $0x11  }
0xbc: {  	s0 =	sor.u32 s1, s0  }
0xbd: {  	s0 =	sadd.s32 $0x8F2B, s0  }
0xbe: {  	[sflag:s0] =	ssyncadd.remote.s32 $0x1  }
0xbf: {  	_ =	sfence.sel $0xFFFF  }
0xc0: {  	[dreg:$0x0] =	wrdreg $0xFFFFFFFF;
	(pc) =	sbr.abs _section_cstart, $3  }
0xc1: {  	[dreg:$0x1] =	wrdreg $0xFFFFFFFF  }
0xc2: {  	_ =	task.clear_ibuf [dreg:s7], $0x2FFFF;
	_ =	strace $0x9FFFFFFF  }
0xc3: {  	(tm) =	ssettm $0x7FFFFFFF  }
tec
execute0_lowered:
.L_overlay_start_1:
0x0: {  	(tag) =	ssettag $0x1  }
0x1: {  	s0 =	srdreg.scid;
	s2 =	rddreg [dreg:$0x0]  }
0x2: {  	s7 =	stileid.u32;
	s4 =	rddreg [dreg:$0x1]  }
0x3: {  	s3 =	rddreg [dreg:$0x2];
	s8 =	simm.s32 $0x0;
	s15 =	simm.s32 $0x11  }
0x4: {  	s29 =	simm.s32 $0xEC40;
	s31 =	simm.s32 $0x10B80;
	s16 =	simm.s32 $0x1  }
0x5: {  	s28 =	simm.s32 $0x6;
	s30 =	simm.s32 $0x7;
	s9 =	simm.s32 $0xD  }
0x6: {  	s10 =	simm.s32 $0xE;
	s11 =	simm.s32 $0xF;
	s12 =	simm.s32 $0x10  }
0x7: {  	s13 =	simm.s32 $0x0;
	s0 =	sand.u32 $0x1, s0;
	s5 =	smul.u32 $0xA000, s7  }
0x8: {  	[smem:$0x7FF] =	sst s8;
	s8 =	simm.s32 $0xC;
	s1 =	sshll.u32 s0, $0x4  }
0x9: {  	s6 =	smul.u32 $0xA0000, s0;
	_ =	strace $0x8000004D;
	s0 =	ssub.s32 $0x2, s0  }
0xa: {  	s1 =	sor.u32 s7, s1;
	s7 =	smul.u32 $0x28000, s7;
	s17 =	sshrl.u32 s0, $0x1  }
0xb: {  	s20 =	sadd.s32 s5, s3;
	s1 =	smul.u32 $0x2800, s1;
	s6 =	sadd.s32 s5, s6  }
0xc: {  	s0 =	ssub.s32 s0, s17;
	[dreg:$0x6] =	wrdreg s20;
	s17 =	simm.s32 $0x5000  }
0xd: {  	s20 =	simm.s32 $0x6F40;
	s5 =	simm.s32 $0xA;
	s6 =	sshrl.u32 s6, $0x3  }
0xe: {  	s19 =	sshrl.u32 s7, $0x2;
	s0 =	smax.u32 s0, $0x1;
	s1 =	sshrl.u32 s1, $0x3  }
0xf: {  	s21 =	sadd.s32 s19, s3;
	[dreg:$0xd] =	wrdreg s0;
	s0 =	simm.s32 $0x12AC0  }
0x10: {  	s19 =	simm.s32 $0x2;
	s1 =	sadd.s32 s1, s4;
	s22 =	sadd.s32 $0x1F40, s21  }
0x11: {  	s4 =	sadd.s32 s6, s4;
	s23 =	sadd.s32 $0x3E80, s21;
	[dreg:$0x7] =	wrdreg s22  }
0x12: {  	s24 =	sadd.s32 $0x5DC0, s21;
	s25 =	sadd.s32 $0x7D00, s21;
	[dreg:$0x8] =	wrdreg s23  }
0x13: {  	s6 =	simm.s32 $0xB;
	s18 =	sadd.s32 $0x2400, s1;
	[dreg:$0x9] =	wrdreg s24  }
0x14: {  	s1 =	sadd.s32 $0xC400, s1;
	[dreg:$0xa] =	wrdreg s25;
	s26 =	sadd.s32 $0x66400, s4  }
.Ltmp0:
0x15: {  	s22 =	simm.s32 $0x8E80;
	s24 =	simm.s32 $0xADC0;
	(pc) =	sbr.rel .LBB2_1-.Ltmp0, $4  }
0x16: {  	s23 =	simm.s32 $0x4;
	s25 =	simm.s32 $0x5;
	[dreg:$0x4] =	wrdreg s18  }
0x17: {  	s4 =	simm.s32 $0x9;
	[dreg:$0x5] =	wrdreg s1;
	s1 =	sadd.s32 $0x9C40, s21  }
0x18: {  	[dreg:$0xc] =	wrdreg s26;
	s18 =	simm.s32 $0x7D;
	s26 =	simm.s32 $0xCD00  }
0x19: {  	v0 =	vimm.f32 $0.0e+00;
	s21 =	simm.s32 $0x3;
	[dreg:$0xb] =	wrdreg s1;
	s1 =	simm.s32 $0x8  }
.LBB2_6:
0x1a: {  	_ =	swait.ge [sflag:s5], $0x1F40  }
0x1b: {  	[sflag:s5] =	ssyncset.done $0x0  }
0x1c: {  	[sflag:s5] =	ssyncadd.s32 $0xFFFFE0C0  }
0x1d: {  	_ =	swait.ge [sflag:s6], $0x1F40  }
0x1e: {  	[sflag:s6] =	ssyncset.done $0x0  }
0x1f: {  	[sflag:s6] =	ssyncadd.s32 $0xFFFFE0C0  }
0x20: {  	_ =	swait.ge [sflag:s8], $0x1F40  }
0x21: {  	[sflag:s8] =	ssyncset.done $0x0  }
0x22: {  	[sflag:s8] =	ssyncadd.s32 $0xFFFFE0C0  }
0x23: {  	_ =	swait.ge [sflag:s9], $0x1F40  }
0x24: {  	[sflag:s9] =	ssyncset.done $0x0  }
0x25: {  	[sflag:s9] =	ssyncadd.s32 $0xFFFFE0C0  }
0x26: {  	_ =	swait.ge [sflag:s10], $0x1F40  }
0x27: {  	[sflag:s10] =	ssyncset.done $0x0  }
0x28: {  	[sflag:s10] =	ssyncadd.s32 $0xFFFFE0C0  }
0x29: {  	_ =	swait.ge [sflag:s11], $0x1F40  }
0x2a: {  	[sflag:s11] =	ssyncset.done $0x0  }
0x2b: {  	[sflag:s11] =	ssyncadd.s32 $0xFFFFE0C0  }
0x2c: {  	_ =	swait.ge [sflag:s12], $0x1F40  }
0x2d: {  	[sflag:s12] =	ssyncset.done $0x0  }
0x2e: {  	[sflag:s12] =	ssyncadd.s32 $0xFFFFE0C0  }
0x2f: {  	s7 =	stileid.u32;
	[bflag:$0x0] =	sbarrier.arrive $0xFFFF  }
0x30: {  	s7 =	sshll.u32 s7, $0x6;
	s13 =	rddreg [dreg:$0x6]  }
0x31: {  	s7 =	sor.u32 $0x1C11, s7;
	s14 =	rddreg [dreg:$0xc];
	s13 =	sshrl.u32 s13, $0x3  }
0x32: {  	[hbm:s14], [sflag:s7] =	dma.local [spmem:s13], $0x1400  }
0x33: {  	_ =	swait.ge [sflag:s15], $0x1400  }
0x34: {  	s7 =	rddreg [dreg:$0xe]  }
0x35: {  	s14 =	rddreg [dreg:$0xd];
	s13 =	sadd.s32 $0x1, s7  }
0x36: {  	p0 =	sne.s32 s13, s14  }
.Ltmp1:
0x37: {  	_ = 	snop;
	(pc) =	sbr.rel @!p0 .LBB2_7-.Ltmp1, $3  }
0x38: {  	_ =	sdelay $0x1  }
0x39: {  	[sflag:s15] =	ssyncset.done $0x0  }
0x3a: {  	[sflag:s15] =	ssyncadd.s32 $0xFFFFEC00  }
.LBB2_1:
0x3b: {  	[dreg:$0xe] =	wrdreg s13  }
0x3c: {  	s7 =	simm.s32 $0x0;
	s14 =	rddreg [dreg:$0x4]  }
0x3d: {  	[tilespmem:s7], [sflag:$0x11] =	stream.linear.gather [hbm4b:s14+s7], $0x2800, $0x38;
	[tilespmem:$0x1EA00] =	vst v63  }
0x3e: {  	_ =	swait.ge [sflag:s15], $0x2800  }
0x3f: {  	[sflag:s15] =	ssyncset.done $0x0  }
0x40: {  	s14 =	simm.s32 $0x2800;
	s13 =	rddreg [dreg:$0x5];
	[sflag:s15] =	ssyncadd.s32 $0xFFFFD800  }
0x41: {  	[tilespmem:s14], [sflag:$0x11] =	stream.linear.gather [hbm4b:s13+s7], $0x2800, $0x38;
	[tilespmem:$0x1EA00] =	vst v63  }
0x42: {  	_ =	swait.ge [sflag:s15], $0x2800  }
0x43: {  	[sflag:s15] =	ssyncset.done $0x0  }
0x44: {  	s14 =	simm.s32 $0x100;
	s7 =	simm.s32 $0x0;
	[sflag:s15] =	ssyncadd.s32 $0xFFFFD800  }
.LBB2_2:
0x45: {  	p0 =	sne.s32 s14, $0x7C00;
	[tilespmem:s7+$0x5030] =	vst v0;
	s13 =	smov.u32 s14;
	s14 =	sadd.s32 $0x100, s14  }
.Ltmp2:
0x46: {  	[tilespmem:s7+$0x5020] =	vst v0;
	(pc) =	sbr.rel @p0 .LBB2_2-.Ltmp2, $3  }
0x47: {  	[tilespmem:s7+$0x5000] =	vst v0  }
0x48: {  	[tilespmem:s7+$0x5010] =	vst v0;
	_ =	sdelay $0x1  }
0x49: {  	s7 =	sshra.s32 s13, $0x2  }
0x4a: {  	[tilespmem:s7+$0x5030] =	vst v0  }
0x4b: {  	[tilespmem:s7+$0x5020] =	vst v0  }
0x4c: {  	[tilespmem:s7+$0x5000] =	vst v0  }
0x4d: {  	[tilespmem:s7+$0x5010] =	vst v0;
	s13 =	rddreg [dreg:$0x6]  }
0x4e: {  	[spmem:s13] =	stream.linear.scatter [tilespmem:s17], [sflag:$0x11], $0x1F40, $0x38;
	[tilespmem:$0x1EA00] =	vst v63  }
0x4f: {  	_ =	swait.ge [sflag:s15], $0x1F40  }
0x50: {  	[sflag:s15] =	ssyncset.done $0x0  }
0x51: {  	s14 =	rddreg [dreg:$0x7];
	[sflag:s15] =	ssyncadd.s32 $0xFFFFE0C0  }
0x52: {  	[spmem:s14] =	stream.linear.scatter [tilespmem:s17], [sflag:$0x11], $0x1F40, $0x38;
	[tilespmem:$0x1EA00] =	vst v63  }
0x53: {  	_ =	swait.ge [sflag:s15], $0x1F40  }
0x54: {  	[sflag:s15] =	ssyncset.done $0x0  }
0x55: {  	s13 =	rddreg [dreg:$0x8];
	[sflag:s15] =	ssyncadd.s32 $0xFFFFE0C0  }
0x56: {  	[spmem:s13] =	stream.linear.scatter [tilespmem:s17], [sflag:$0x11], $0x1F40, $0x38;
	[tilespmem:$0x1EA00] =	vst v63  }
0x57: {  	_ =	swait.ge [sflag:s15], $0x1F40  }
0x58: {  	[sflag:s15] =	ssyncset.done $0x0  }
0x59: {  	s14 =	rddreg [dreg:$0x9];
	[sflag:s15] =	ssyncadd.s32 $0xFFFFE0C0  }
0x5a: {  	[spmem:s14] =	stream.linear.scatter [tilespmem:s17], [sflag:$0x11], $0x1F40, $0x38;
	[tilespmem:$0x1EA00] =	vst v63  }
0x5b: {  	_ =	swait.ge [sflag:s15], $0x1F40  }
0x5c: {  	[sflag:s15] =	ssyncset.done $0x0  }
0x5d: {  	s13 =	rddreg [dreg:$0xa];
	[sflag:s15] =	ssyncadd.s32 $0xFFFFE0C0  }
0x5e: {  	[spmem:s13] =	stream.linear.scatter [tilespmem:s17], [sflag:$0x11], $0x1F40, $0x38;
	[tilespmem:$0x1EA00] =	vst v63  }
0x5f: {  	_ =	swait.ge [sflag:s15], $0x1F40  }
0x60: {  	[sflag:s15] =	ssyncset.done $0x0  }
0x61: {  	s14 =	rddreg [dreg:$0xb];
	[sflag:s15] =	ssyncadd.s32 $0xFFFFE0C0  }
0x62: {  	[spmem:s14] =	stream.linear.scatter [tilespmem:s17], [sflag:$0x11], $0x3C0, $0x38;
	[tilespmem:$0x1EA00] =	vst v63  }
0x63: {  	_ =	swait.ge [sflag:s15], $0x3C0  }
0x64: {  	[sflag:s15] =	ssyncset.done $0x0  }
0x65: {  	[sflag:s15] =	ssyncadd.s32 $0xFFFFFC40  }
0x66: {  	s14 =	simm.s32 $0x0;
	[bflag:$0x0] =	sbarrier.arrive $0xFFFF  }
0x67: {  	[tilespmem:s17], [sflag:$0x1] =	stream.indirect.gather [hbm4b:s2+s18], $0x40, s14, s18, $0xb8;
	[tilespmem:$0x1EA00] =	vst v63  }
0x68: {  	s13 =	simm.s32 $0x80  }
0x69: {  	[tilespmem:s20], [sflag:$0x2] =	stream.indirect.gather [hbm4b:s2+s18], $0x40, s13, s18, $0xb8;
	[tilespmem:$0x1EA00] =	vst v63  }
0x6a: {  	s13 =	simm.s32 $0x100  }
0x6b: {  	[tilespmem:s22], [sflag:$0x3] =	stream.indirect.gather [hbm4b:s2+s18], $0x40, s13, s18, $0xb8;
	[tilespmem:$0x1EA00] =	vst v63  }
0x6c: {  	s13 =	simm.s32 $0x180  }
0x6d: {  	[tilespmem:s24], [sflag:$0x4] =	stream.indirect.gather [hbm4b:s2+s18], $0x40, s13, s18, $0xb8;
	[tilespmem:$0x1EA00] =	vst v63  }
0x6e: {  	s13 =	simm.s32 $0x200  }
0x6f: {  	[tilespmem:s26], [sflag:$0x5] =	stream.indirect.gather [hbm4b:s2+s18], $0x40, s13, s18, $0xb8;
	[tilespmem:$0x1EA00] =	vst v63  }
0x70: {  	s13 =	simm.s32 $0x280  }
0x71: {  	[tilespmem:s29], [sflag:$0x6] =	stream.indirect.gather [hbm4b:s2+s18], $0x40, s13, s18, $0xb8;
	[tilespmem:$0x1EA00] =	vst v63  }
0x72: {  	s13 =	simm.s32 $0x300  }
0x73: {  	[tilespmem:s31], [sflag:$0x7] =	stream.indirect.gather [hbm4b:s2+s18], $0x40, s13, s18, $0xb8;
	[tilespmem:$0x1EA00] =	vst v63  }
0x74: {  	s13 =	simm.s32 $0x380  }
0x75: {  	[tilespmem:s0], [sflag:$0x8] =	stream.indirect.gather [hbm4b:s2+s18], $0x40, s13, s18, $0xb8;
	[tilespmem:$0x1EA00] =	vst v63  }
.LBB2_4:
0x76: {  	_ =	swait.ge [sflag:s16], $0x1F40  }
0x77: {  	s7 =	sshra.s32 s14, $0x2;
	[sflag:s16] =	ssyncset.done $0x0  }
0x78: {  	s13 =	sadd.s32 $0x2800, s7;
	[sflag:s16] =	ssyncadd.s32 $0xFFFFE0C0  }
0x79: {  	[spmem:s3] =	stream.indirect.scatter.add.f32 [tilespmem:s17], [sflag:$0x9], $0x40, s13, s18, $0xb8;
	[tilespmem:$0x1EA00] =	vst v63  }
0x7a: {  	_ =	swait.ge [sflag:s19], $0x1F40  }
0x7b: {  	[sflag:s19] =	ssyncset.done $0x0  }
0x7c: {  	s13 =	sadd.s32 $0x2880, s7;
	[sflag:s19] =	ssyncadd.s32 $0xFFFFE0C0  }
0x7d: {  	[spmem:s3] =	stream.indirect.scatter.add.f32 [tilespmem:s20], [sflag:$0xA], $0x40, s13, s18, $0xb8;
	[tilespmem:$0x1EA00] =	vst v63  }
0x7e: {  	_ =	swait.ge [sflag:s21], $0x1F40  }
0x7f: {  	[sflag:s21] =	ssyncset.done $0x0  }
0x80: {  	s13 =	sadd.s32 $0x2900, s7;
	[sflag:s21] =	ssyncadd.s32 $0xFFFFE0C0  }
0x81: {  	[spmem:s3] =	stream.indirect.scatter.add.f32 [tilespmem:s22], [sflag:$0xB], $0x40, s13, s18, $0xb8;
	[tilespmem:$0x1EA00] =	vst v63  }
0x82: {  	_ =	swait.ge [sflag:s23], $0x1F40  }
0x83: {  	[sflag:s23] =	ssyncset.done $0x0  }
0x84: {  	s13 =	sadd.s32 $0x2980, s7;
	[sflag:s23] =	ssyncadd.s32 $0xFFFFE0C0  }
0x85: {  	[spmem:s3] =	stream.indirect.scatter.add.f32 [tilespmem:s24], [sflag:$0xC], $0x40, s13, s18, $0xb8;
	[tilespmem:$0x1EA00] =	vst v63  }
0x86: {  	_ =	swait.ge [sflag:s25], $0x1F40  }
0x87: {  	[sflag:s25] =	ssyncset.done $0x0  }
0x88: {  	s13 =	sadd.s32 $0x2A00, s7;
	[sflag:s25] =	ssyncadd.s32 $0xFFFFE0C0  }
0x89: {  	[spmem:s3] =	stream.indirect.scatter.add.f32 [tilespmem:s26], [sflag:$0xD], $0x40, s13, s18, $0xb8;
	[tilespmem:$0x1EA00] =	vst v63  }
0x8a: {  	_ =	swait.ge [sflag:s28], $0x1F40  }
0x8b: {  	[sflag:s28] =	ssyncset.done $0x0  }
0x8c: {  	s13 =	sadd.s32 $0x2A80, s7;
	[sflag:s28] =	ssyncadd.s32 $0xFFFFE0C0  }
0x8d: {  	[spmem:s3] =	stream.indirect.scatter.add.f32 [tilespmem:s29], [sflag:$0xE], $0x40, s13, s18, $0xb8;
	[tilespmem:$0x1EA00] =	vst v63  }
0x8e: {  	_ =	swait.ge [sflag:s30], $0x1F40  }
0x8f: {  	[sflag:s30] =	ssyncset.done $0x0  }
0x90: {  	s13 =	sadd.s32 $0x2B00, s7;
	[sflag:s30] =	ssyncadd.s32 $0xFFFFE0C0  }
0x91: {  	[spmem:s3] =	stream.indirect.scatter.add.f32 [tilespmem:s31], [sflag:$0xF], $0x40, s13, s18, $0xb8;
	[tilespmem:$0x1EA00] =	vst v63  }
0x92: {  	_ =	swait.ge [sflag:s1], $0x1F40  }
0x93: {  	p0 =	seq.s32 s14, $0x9000;
	[sflag:s1] =	ssyncset.done $0x0  }
.Ltmp3:
0x94: {  	s13 =	sadd.s32 $0x2B80, s7;
	[sflag:s1] =	ssyncadd.s32 $0xFFFFE0C0;
	(pc) =	sbr.rel @p0 .LBB2_6-.Ltmp3, $4  }
0x95: {  	[spmem:s3] =	stream.indirect.scatter.add.f32 [tilespmem:s0], [sflag:$0x10], $0x40, s13, s18, $0xb8;
	[tilespmem:$0x1EA00] =	vst v63  }
0x96: {  	_ =	swait.ge [sflag:s4], $0x1F40  }
0x97: {  	[sflag:s4] =	ssyncset.done $0x0  }
0x98: {  	[sflag:s4] =	ssyncadd.s32 $0xFFFFE0C0  }
0x99: {  	s13 =	sadd.s32 $0x400, s7  }
0x9a: {  	[tilespmem:s17], [sflag:$0x1] =	stream.indirect.gather [hbm4b:s2+s18], $0x40, s13, s18, $0xb8;
	[tilespmem:$0x1EA00] =	vst v63  }
0x9b: {  	_ =	swait.ge [sflag:s5], $0x1F40  }
0x9c: {  	[sflag:s5] =	ssyncset.done $0x0  }
0x9d: {  	s13 =	sadd.s32 $0x480, s7;
	[sflag:s5] =	ssyncadd.s32 $0xFFFFE0C0  }
0x9e: {  	[tilespmem:s20], [sflag:$0x2] =	stream.indirect.gather [hbm4b:s2+s18], $0x40, s13, s18, $0xb8;
	[tilespmem:$0x1EA00] =	vst v63  }
0x9f: {  	_ =	swait.ge [sflag:s6], $0x1F40  }
0xa0: {  	[sflag:s6] =	ssyncset.done $0x0  }
0xa1: {  	s13 =	sadd.s32 $0x500, s7;
	[sflag:s6] =	ssyncadd.s32 $0xFFFFE0C0  }
0xa2: {  	[tilespmem:s22], [sflag:$0x3] =	stream.indirect.gather [hbm4b:s2+s18], $0x40, s13, s18, $0xb8;
	[tilespmem:$0x1EA00] =	vst v63  }
0xa3: {  	_ =	swait.ge [sflag:s8], $0x1F40  }
0xa4: {  	[sflag:s8] =	ssyncset.done $0x0  }
0xa5: {  	s13 =	sadd.s32 $0x580, s7;
	[sflag:s8] =	ssyncadd.s32 $0xFFFFE0C0  }
0xa6: {  	[tilespmem:s24], [sflag:$0x4] =	stream.indirect.gather [hbm4b:s2+s18], $0x40, s13, s18, $0xb8;
	[tilespmem:$0x1EA00] =	vst v63  }
0xa7: {  	_ =	swait.ge [sflag:s9], $0x1F40  }
0xa8: {  	[sflag:s9] =	ssyncset.done $0x0  }
0xa9: {  	s13 =	sadd.s32 $0x600, s7;
	[sflag:s9] =	ssyncadd.s32 $0xFFFFE0C0  }
0xaa: {  	[tilespmem:s26], [sflag:$0x5] =	stream.indirect.gather [hbm4b:s2+s18], $0x40, s13, s18, $0xb8;
	[tilespmem:$0x1EA00] =	vst v63  }
0xab: {  	_ =	swait.ge [sflag:s10], $0x1F40  }
0xac: {  	[sflag:s10] =	ssyncset.done $0x0  }
0xad: {  	s13 =	sadd.s32 $0x680, s7;
	[sflag:s10] =	ssyncadd.s32 $0xFFFFE0C0  }
0xae: {  	[tilespmem:s29], [sflag:$0x6] =	stream.indirect.gather [hbm4b:s2+s18], $0x40, s13, s18, $0xb8;
	[tilespmem:$0x1EA00] =	vst v63  }
0xaf: {  	_ =	swait.ge [sflag:s11], $0x1F40  }
0xb0: {  	[sflag:s11] =	ssyncset.done $0x0  }
0xb1: {  	s13 =	sadd.s32 $0x700, s7;
	[sflag:s11] =	ssyncadd.s32 $0xFFFFE0C0  }
0xb2: {  	[tilespmem:s31], [sflag:$0x7] =	stream.indirect.gather [hbm4b:s2+s18], $0x40, s13, s18, $0xb8;
	[tilespmem:$0x1EA00] =	vst v63  }
.Ltmp4:
0xb3: {  	_ = 	snop;
	(pc) =	sbr.rel .LBB2_4-.Ltmp4, $4  }
0xb4: {  	_ =	swait.ge [sflag:s12], $0x1F40  }
0xb5: {  	[sflag:s12] =	ssyncset.done $0x0  }
0xb6: {  	s14 =	sadd.s32 $0x1000, s14;
	s13 =	sadd.s32 $0x780, s7;
	[sflag:s12] =	ssyncadd.s32 $0xFFFFE0C0  }
0xb7: {  	[tilespmem:s0], [sflag:$0x8] =	stream.indirect.gather [hbm4b:s2+s18], $0x40, s13, s18, $0xb8;
	[tilespmem:$0x1EA00] =	vst v63  }
.LBB2_7:
0xb8: {  	_ =	sfence.sel $0x180000  }
0xb9: {  	[bflag:$0x0] =	sbarrier.arrive $0xFFFF  }
0xba: {  	_ =	strace $0x9000004D  }
0xbb: {  	s0 =	stileid.u32;
	[bflag:$0x2] =	sbarrier.arrive $0xFFFF  }
0xbc: {  	p0 =	sne.s32 s0, $0x0;
	s0 =	rddreg [dreg:$0x3]  }
0xbd: {  	s0 =	sadd.s32 @!p0 $0x100000, s0  }
0xbe: {  	[sflag:s0] =	ssyncadd.tile.s32 @!p0 $0x1;
	_ =	shalt  }
.Lfunc_end2:
_tile_overlayer_lowered:
.L_overlay_start_2:
0xbf: {  	(tag) =	ssettag $0x2  }
0xc0: {  	s0 =	rddreg [dreg:$0x0];
	s2 =	stileid.u32  }
0xc1: {  	s1 =	rddreg [dreg:$0x1];
	p0 =	sne.s32 s2, $0x0  }
0xc2: {  	s3 =	rddreg [dreg:$0x2];
	[bflag:$0x3] =	sbarrier.arrive $0xFFFF;
	s2 =	simm.s32 @!p0 $0x1C11  }
0xc3: {  	[timem:s3], [sflag:s2] =	dma.local @!p0 [hbm:s0], s1  }
0xc4: {  	s0 =	simm.s32 @!p0 $0x11  }
0xc5: {  	_ =	swait.ge @!p0 [sflag:s0], s1  }
0xc6: {  	s1 =	ssub.s32 @!p0 $0x0, s1;
	[sflag:s0] =	ssyncset.done @!p0 $0x0  }
0xc7: {  	[sflag:s0] =	ssyncadd.s32 @!p0 s1  }
0xc8: {  	[bflag:$0x3] =	sbarrier.arrive $0xFFFF  }
0xc9: {  	_ =	shalt  }

// kernel: kernel.9.cloned.1.call-start
scs
__scs_entry_jumppad:
0x0: {  	(pc) =	sbr.rel $0x88, $3  }
0x1: {  	(tag) =	ssettag $0x0;
	lr =	simm.s32 $0x1  }
0x2: {  	[smem:$0x3F9D] =	sst lr;
	_ =	strace $0xD0000000  }
0x3: {  	_ = 	snop  }
0x4: {  	_ = 	snop  }
0x5: {  	_ = 	snop  }
0x6: {  	_ = 	snop  }
0x7: {  	_ = 	snop  }
__scs_overlays_trampoline_lowered:
0x8: {  	[smem:$0x3FAC] =	sst s0  }
0x9: {  	[smem:$0x3FAD] =	sst s1  }
0xa: {  	[smem:$0x3FAE] =	sst s2  }
0xb: {  	[smem:$0x3FAF] =	sst s3  }
0xc: {  	[smem:$0x3FB0] =	sst s4  }
0xd: {  	[smem:$0x3FB1] =	sst s5  }
0xe: {  	[smem:$0x3FB2] =	sst s6  }
0xf: {  	[smem:$0x3FB3] =	sst s7  }
0x10: {  	[smem:$0x3FB4] =	sst s8  }
0x11: {  	[smem:$0x3FB5] =	sst s9;
	s0 =	simm.s32 @!p0 $0x0  }
0x12: {  	s1 =	sld [smem:$0x3F9B];
	s0 =	simm.s32 @p0 $0x1  }
0x13: {  	[smem:$0x3FB6] =	sst s0;
	s0 =	simm.s32 @!p1 $0x0  }
0x14: {  	s2 =	sld [smem:$0x3F9A];
	s0 =	simm.s32 @p1 $0x1  }
0x15: {  	[smem:$0x3FB7] =	sst s0;
	s0 =	simm.s32 @!p2 $0x0  }
0x16: {  	s3 =	sld [smem:$0x3FDB];
	s0 =	simm.s32 @p2 $0x1  }
0x17: {  	s4 =	simm.s32 $0x1BF5;
	[smem:$0x3FB9] =	sst s0  }
0x18: {  	s0 =	sld [smem:$0x3F9C];
	_ =	swait.ge [sflag:s4], $0x0  }
0x19: {  	s7 =	sld [smem:$0x3F9D]  }
0x1a: {  	s8 =	sadd.s32 $0xFFFFE003, lr  }
0x1b: {  	s9 =	sadd.s32 $0xFFFFFEF7, lr;
	s5 =	simm.s32 $0xFFFFFFFF;
	p2 =	slt.u32 s8, $0xFFFFF086  }
0x1c: {  	p1 =	slt.u32 s9, $0xF7A;
	s5 =	simm.s32 @!p2 $0x0  }
0x1d: {  	s5 =	simm.s32 @p1 $0x1;
	p0 =	seq.s32 s7, s2  }
0x1e: {  	s7 =	smul.u32 @!p0 $0xF7A, s2;
	p2 =	seq.s32 @!p0 s5, $0x0  }
0x1f: {  	s9 =	smul.u32 $0xF7A, s1;
	s8 =	simm.s32 @!p0 $0x1BF5;
	p2 =	por !p2, p0  }
0x20: {  	[sflag:s8] =	ssyncset.s32 @!p0 $0xFFFFF086;
	s6 =	sadd.s32 @!p0 s3, s7;
	s7 =	simm.s32 @!p0 $0x108  }
0x21: {  	s3 =	sadd.s32 s3, s9;
	s6 =	sadd.s32 @!p0 $0x88, s6;
	s7 =	simm.s32 @p2 $0x1082  }
0x22: {  	[simem:s7], [sflag:s8] =	dma.local @!p0 [hbm:s6], $0xF7A  }
0x23: {  	s9 =	sor.u32 $0xD0000000, s2;
	s6 =	simm.s32 $0x108;
	_ =	swait.ge @!p0 [sflag:s8], $0x0  }
0x24: {  	s3 =	sadd.s32 $0x88, s3;
	s6 =	simm.s32 @!p1 $0x1082;
	[sflag:s4] =	ssyncset.s32 $0xFFFFF086  }
0x25: {  	[simem:s6], [sflag:s4] =	dma.local [hbm:s3], $0xF7A  }
0x26: {  	[smem:$0x3F9D] =	sst s1;
	(tag) =	ssettag s2;
	_ =	strace s9  }
0x27: {  	s1 =	sld [smem:$0x3FAD]  }
0x28: {  	s2 =	sld [smem:$0x3FAE]  }
0x29: {  	s4 =	sld [smem:$0x3FB0]  }
0x2a: {  	p0 =	seq.s32 s5, $0x0;
	s5 =	sld [smem:$0x3FB1]  }
0x2b: {  	s6 =	sld [smem:$0x3FB2]  }
0x2c: {  	s7 =	sld [smem:$0x3FB3]  }
0x2d: {  	s3 =	simm.s32 $0x108;
	s8 =	sld [smem:$0x3FB4]  }
0x2e: {  	s3 =	simm.s32 @!p0 $0x1082;
	s9 =	sld [smem:$0x3FB5]  }
0x2f: {  	lr =	sadd.s32 s0, s3;
	s0 =	sld [smem:$0x3FAC]  }
0x30: {  	s3 =	sld [smem:$0x3FAF]  }
0x31: {  	[smem:$0x3FB8] =	sst s10  }
0x32: {  	s10 =	sld [smem:$0x3FB6];
	_ =	sdelay $0x3  }
0x33: {  	p0 =	seq.s32 s10, $0x1;
	s10 =	sld [smem:$0x3FB8];
	_ =	sdelay $0x3  }
0x34: {  	[smem:$0x3FB8] =	sst s10  }
0x35: {  	s10 =	sld [smem:$0x3FB7];
	_ =	sdelay $0x3  }
0x36: {  	p1 =	seq.s32 s10, $0x1;
	s10 =	sld [smem:$0x3FB8];
	_ =	sdelay $0x3  }
0x37: {  	[smem:$0x3FB8] =	sst s10  }
0x38: {  	s10 =	sld [smem:$0x3FB9]  }
0x39: {  	_ = 	snop;
	(pc) =	sbr.ind lr, $3  }
0x3a: {  	_ = 	snop  }
0x3b: {  	_ = 	snop  }
0x3c: {  	p2 =	seq.s32 s10, $0x1;
	s10 =	sld [smem:$0x3FB8]  }
0x3d: {  	_ =	shalt  }
0x3e: {  	_ =	shalt  }
0x3f: {  	_ =	shalt  }
0x40: {  	_ =	shalt  }
0x41: {  	_ =	shalt  }
0x42: {  	_ =	shalt  }
0x43: {  	_ =	shalt  }
0x44: {  	_ =	shalt  }
0x45: {  	_ =	shalt  }
0x46: {  	_ =	shalt  }
0x47: {  	_ =	shalt  }
0x48: {  	_ =	shalt  }
0x49: {  	_ =	shalt  }
0x4a: {  	_ =	shalt  }
0x4b: {  	_ =	shalt  }
0x4c: {  	_ =	shalt  }
0x4d: {  	_ =	shalt  }
0x4e: {  	_ =	shalt  }
0x4f: {  	_ =	shalt  }
0x50: {  	_ =	shalt  }
0x51: {  	_ =	shalt  }
0x52: {  	_ =	shalt  }
0x53: {  	_ =	shalt  }
0x54: {  	_ =	shalt  }
0x55: {  	_ =	shalt  }
0x56: {  	_ =	shalt  }
0x57: {  	_ =	shalt  }
0x58: {  	_ =	shalt  }
0x59: {  	_ =	shalt  }
0x5a: {  	_ =	shalt  }
0x5b: {  	_ =	shalt  }
0x5c: {  	_ =	shalt  }
0x5d: {  	_ =	shalt  }
0x5e: {  	_ =	shalt  }
0x5f: {  	_ =	shalt  }
0x60: {  	_ =	shalt  }
0x61: {  	_ =	shalt  }
0x62: {  	_ =	shalt  }
0x63: {  	_ =	shalt  }
0x64: {  	_ =	shalt  }
0x65: {  	_ =	shalt  }
0x66: {  	_ =	shalt  }
0x67: {  	_ =	shalt  }
0x68: {  	_ =	shalt  }
0x69: {  	_ =	shalt  }
0x6a: {  	_ =	shalt  }
0x6b: {  	_ =	shalt  }
0x6c: {  	_ =	shalt  }
0x6d: {  	_ =	shalt  }
0x6e: {  	_ =	shalt  }
0x6f: {  	_ =	shalt  }
0x70: {  	_ =	shalt  }
0x71: {  	_ =	shalt  }
0x72: {  	_ =	shalt  }
0x73: {  	_ =	shalt  }
0x74: {  	_ =	shalt  }
0x75: {  	_ =	shalt  }
0x76: {  	_ =	shalt  }
0x77: {  	_ =	shalt  }
0x78: {  	_ =	shalt  }
0x79: {  	_ =	shalt  }
0x7a: {  	_ =	shalt  }
0x7b: {  	_ =	shalt  }
0x7c: {  	_ =	shalt  }
0x7d: {  	_ =	shalt  }
0x7e: {  	_ =	shalt  }
0x7f: {  	_ =	shalt  }
0x80: {  	_ =	shalt  }
0x81: {  	_ =	shalt  }
0x82: {  	_ =	shalt  }
0x83: {  	_ =	shalt  }
0x84: {  	_ =	shalt  }
0x85: {  	_ =	shalt  }
0x86: {  	_ =	shalt  }
0x87: {  	_ =	shalt  }
.Lfunc_end0:
.L_simem_size_0:
called_computation_lowered:
.L_overlay_start_0:
0x88: {  	s2 =	sld [smem:$0x3FD9]  }
0x89: {  	s3 =	sld [smem:$0x3FFE];
	_ =	sdelay $0x1  }
0x8a: {  	s1 =	srdreg.scid  }
0x8b: {  	s0 =	sand.u32 $0x1, s1  }
0x8c: {  	s17 =	sshll.u32 s0, $0xA;
	s2 =	sadd.s32 s3, s2  }
0x8d: {  	s2 =	sadd.s32 s2, s17  }
0x8e: {  	[smem:$0x3FC4] =	sst s2  }
0x8f: {  	_ = 	snop  }
0x90: {  	s2 =	sld [smem:$0x3FD0];
	(tm) =	ssettm $0x1  }
0x91: {  	s18 =	sld [smem:$0x3FFB];
	_ =	sdelay $0x3  }
0x92: {  	_ =	strace s18  }
0x93: {  	s3 =	sld [smem:$0x3FFC];
	_ =	sdelay $0x3  }
0x94: {  	_ =	strace s3  }
0x95: {  	s3 =	sld [smem:$0x3FFD];
	_ =	sdelay $0x3  }
0x96: {  	_ =	strace s3  }
0x97: {  	_ =	strace $0x8FFFFFFF  }
0x98: {  	s19 =	sld [smem:$0x3FDB];
	_ =	sdelay $0x1  }
0x99: {  	s4 =	simm.s32 $_scs_section_size  }
0x9a: {  	s5 =	simm.s32 $_size__tile_overlayer_lowered;
	s6 =	simm.s32 $_tile_overlayer_lowered  }
0x9b: {  	s22 =	simm.s32 $0x1BFF;
	s21 =	sshll.u32 s6, $0x1;
	s3 =	sadd.s32 s4, s19  }
0x9c: {  	s7 =	simm.s32 $0x0;
	s20 =	sshll.u32 s5, $0x1;
	s5 =	sadd.s32 s21, s3  }
0x9d: {  	[timem:s7], [sflag:s22] =	dma.local [hbm:s5], s20  }
0x9e: {  	_ =	swait.ge [sflag:s22], s20  }
0x9f: {  	s4 =	ssub.s32 $0x0, s20;
	[sflag:s22] =	ssyncset.done $0x0  }
0xa0: {  	[sflag:s22] =	ssyncadd.s32 s4;
	_ =	sdelay $0x1  }
0xa1: {  	s23 =	simm.s32 $0x1B8B  }
0xa2: {  	_ =	swait.ge [sflag:s23], $0x1  }
0xa3: {  	[sflag:s23] =	ssyncset.done $0x0  }
0xa4: {  	s25 =	simm.s32 $0x1B8E;
	s24 =	sld [smem:$0x3FFE];
	[sflag:s23] =	ssyncadd.s32 $0xFFFFFFFF  }
0xa5: {  	s26 =	simm.s32 $execute0_lowered;
	[smem:$0x3FD2] =	sst s25  }
0xa6: {  	s5 =	sshll.u32 s26, $0x1;
	_ =	strace $0x80000046;
	[dreg:$0x1] =	wrdreg $0xFFFFFFFF  }
0xa7: {  	s28 =	simm.s32 $_size_execute0_lowered;
	s3 =	sadd.s32 s3, s5;
	[dreg:$0x0] =	wrdreg $0x0  }
0xa8: {  	s5 =	sshll.u32 s28, $0x1;
	[dreg:$0x2] =	wrdreg s3  }
0xa9: {  	[dreg:$0x3] =	wrdreg s5  }
0xaa: {  	[dreg:$0x4] =	wrdreg $0xC0  }
0xab: {  	_ =	task [dreg:s7], $0x5FFFF  }
0xac: {  	[dreg:$0x1] =	wrdreg $0xFFFFFFFF  }
0xad: {  	[dreg:$0x0] =	wrdreg $0x60  }
0xae: {  	[dreg:$0x2] =	wrdreg s24  }
0xaf: {  	[dreg:$0x3] =	wrdreg s2  }
0xb0: {  	[dreg:$0x4] =	wrdreg $0x2FD00  }
0xb1: {  	[dreg:$0x5] =	wrdreg $0x9  }
0xb2: {  	_ =	task.clear_ibuf [dreg:s7], $0x6FFFF;
	_ =	strace $0x90000046  }
0xb3: {  	s29 =	simm.s32 $0x9;
	_ =	strace $0x80000048  }
0xb4: {  	_ =	swait.ge [sflag:s29], $0x1  }
0xb5: {  	[sflag:s29] =	ssyncadd.s32 $0xFFFFFFFF  }
0xb6: {  	_ =	strace $0x90000048  }
0xb7: {  	_ =	sfence  }
0xb8: {  	s30 =	sld [smem:$0x0];
	_ =	sdelay $0x2  }
0xb9: {  	s31 =	sshll.u32 s1, $0xD;
	s1 =	sshrl.u32 s1, $0x2  }
0xba: {  	s3 =	sand.u32 $0x4000, s31;
	s1 =	sadd.s32 s1, s30  }
0xbb: {  	s0 =	sor.u32 s3, s0;
	s1 =	sshll.u32 s1, $0x11  }
0xbc: {  	s0 =	sor.u32 s1, s0  }
0xbd: {  	s0 =	sadd.s32 $0x8F2B, s0  }
0xbe: {  	[sflag:s0] =	ssyncadd.remote.s32 $0x1  }
0xbf: {  	_ =	sfence.sel $0xFFFF  }
0xc0: {  	[dreg:$0x0] =	wrdreg $0xFFFFFFFF;
	(pc) =	sbr.abs _section_cstart, $3  }
0xc1: {  	[dreg:$0x1] =	wrdreg $0xFFFFFFFF  }
0xc2: {  	_ =	task.clear_ibuf [dreg:s7], $0x2FFFF;
	_ =	strace $0x9FFFFFFF  }
0xc3: {  	(tm) =	ssettm $0x7FFFFFFF  }
tec
execute0_lowered:
.L_overlay_start_1:
0x0: {  	(tag) =	ssettag $0x1  }
0x1: {  	s0 =	rddreg [dreg:$0x0]  }
0x2: {  	s1 =	rddreg [dreg:$0x1]  }
0x3: {  	s2 =	rddreg [dreg:$0x2];
	s4 =	srdreg.scid;
	s3 =	simm.s32 $0x0  }
0x4: {  	s10 =	stileid.u32;
	s13 =	simm.s32 $0x2000;
	s11 =	simm.s32 $0x2080  }
0x5: {  	s14 =	simm.s32 $0x2100;
	s28 =	simm.s32 $0x2600;
	s29 =	simm.s32 $0x2680  }
0x6: {  	s30 =	simm.s32 $0x2700;
	s31 =	simm.s32 $0x2780;
	s7 =	smul.u32 $0xA000, s10  }
0x7: {  	s5 =	sand.u32 $0x1, s4;
	[smem:$0x7FF] =	sst s3;
	s9 =	smul.u32 $0x2800, s10  }
0x8: {  	s4 =	sadd.s32 $0x2400, s0;
	s25 =	sshll.u32 s10, $0x1;
	s15 =	sshllo.u32 s10, $0x1  }
0x9: {  	s10 =	simm.s32 $0x1F80;
	s6 =	ssub.s32 $0x2, s5;
	s19 =	smul.u32 $0x28000, s5  }
0xa: {  	_ =	strace $0x80000047;
	[dreg:$0xa] =	wrdreg s25;
	s12 =	smul.u32 $0x50000, s5  }
0xb: {  	s5 =	simm.s32 $0x2180;
	s25 =	simm.s32 $0x2500;
	s8 =	sshrl.u32 s6, $0x1  }
0xc: {  	s17 =	sshrl.u32 s7, $0x2;
	s18 =	sadd.s32 s9, s2;
	s7 =	simm.s32 $0x1E80  }
0xd: {  	s16 =	ssub.s32 s6, s8;
	[dreg:$0x4] =	wrdreg s18;
	s6 =	sadd.s32 s17, s2  }
0xe: {  	s24 =	sadd.s32 s9, s19;
	s17 =	simm.s32 $0x2;
	s18 =	simm.s32 $0x7D  }
0xf: {  	s8 =	simm.s32 $0x1;
	s9 =	simm.s32 $0x1F00;
	s20 =	sadd.s32 $0x7D0, s6  }
0x10: {  	s19 =	simm.s32 $0x2200;
	s21 =	sadd.s32 $0xFA0, s6;
	[dreg:$0x5] =	wrdreg s20  }
0x11: {  	s22 =	sadd.s32 $0x1770, s6;
	s23 =	sadd.s32 $0x1F40, s6;
	[dreg:$0x6] =	wrdreg s21  }
0x12: {  	s6 =	sadd.s32 $0x2710, s6;
	s26 =	sshrl.u32 s24, $0x3;
	[dreg:$0x7] =	wrdreg s22  }
0x13: {  	s0 =	smax.u32 s16, $0x1;
	s16 =	simm.s32 $0x2800;
	[dreg:$0x8] =	wrdreg s23  }
0x14: {  	s24 =	simm.s32 $0x2480;
	[dreg:$0x9] =	wrdreg s6;
	s1 =	sadd.s32 s1, s26  }
0x15: {  	[dreg:$0xc] =	wrdreg s0;
	s6 =	simm.s32 $0x80;
	s20 =	simm.s32 $0x2280  }
0x16: {  	s21 =	simm.s32 $0x2300;
	s22 =	simm.s32 $0x2380;
	s23 =	simm.s32 $0x2400  }
0x17: {  	v0 =	vimm.f32 $0.0e+00;
	v1 =	vimm.f32 $1.000000000e+00;
	s26 =	simm.s32 $0x2580;
	[dreg:$0xb] =	wrdreg s1;
	s1 =	simm.s32 $0x0  }
.LBB2_1:
0x18: {  	[dreg:$0xd] =	wrdreg s1;
	s0 =	simm.s32 $0x40;
	s1 =	simm.s32 $0x0  }
.LBB2_2:
0x19: {  	p0 =	sne.s32 s0, $0x1F00;
	[tilespmem:s1+$0x2800] =	vst v0;
	s1 =	smov.u32 s0;
	s0 =	sadd.s32 $0x40, s0  }
.Ltmp0:
0x1a: {  	(pc) =	sbr.rel @p0 .LBB2_2-.Ltmp0, $2  }
0x1b: {  	_ =	sdelay $0x2  }
0x1c: {  	s1 =	sshra.s32 s1, $0x2  }
0x1d: {  	[tilespmem:s1+$0x2800] =	vst v0;
	s0 =	rddreg [dreg:$0x4]  }
0x1e: {  	[spmem:s0] =	stream.linear.scatter [tilespmem:s16], [sflag:$0x2], $0x7D0, $0x38;
	[tilespmem:$0x57D0] =	vst v63  }
0x1f: {  	_ =	swait.ge [sflag:s17], $0x7D0  }
0x20: {  	[sflag:s17] =	ssyncset.done $0x0  }
0x21: {  	s1 =	rddreg [dreg:$0x5];
	[sflag:s17] =	ssyncadd.s32 $0xFFFFF830  }
0x22: {  	[spmem:s1] =	stream.linear.scatter [tilespmem:s16], [sflag:$0x2], $0x7D0, $0x38;
	[tilespmem:$0x57D0] =	vst v63  }
0x23: {  	_ =	swait.ge [sflag:s17], $0x7D0  }
0x24: {  	[sflag:s17] =	ssyncset.done $0x0  }
0x25: {  	s1 =	rddreg [dreg:$0x6];
	[sflag:s17] =	ssyncadd.s32 $0xFFFFF830  }
0x26: {  	[spmem:s1] =	stream.linear.scatter [tilespmem:s16], [sflag:$0x2], $0x7D0, $0x38;
	[tilespmem:$0x57D0] =	vst v63  }
0x27: {  	_ =	swait.ge [sflag:s17], $0x7D0  }
0x28: {  	[sflag:s17] =	ssyncset.done $0x0  }
0x29: {  	s1 =	rddreg [dreg:$0x7];
	[sflag:s17] =	ssyncadd.s32 $0xFFFFF830  }
0x2a: {  	[spmem:s1] =	stream.linear.scatter [tilespmem:s16], [sflag:$0x2], $0x7D0, $0x38;
	[tilespmem:$0x57D0] =	vst v63  }
0x2b: {  	_ =	swait.ge [sflag:s17], $0x7D0  }
0x2c: {  	[sflag:s17] =	ssyncset.done $0x0  }
0x2d: {  	s1 =	rddreg [dreg:$0x8];
	[sflag:s17] =	ssyncadd.s32 $0xFFFFF830  }
0x2e: {  	[spmem:s1] =	stream.linear.scatter [tilespmem:s16], [sflag:$0x2], $0x7D0, $0x38;
	[tilespmem:$0x57D0] =	vst v63  }
0x2f: {  	_ =	swait.ge [sflag:s17], $0x7D0  }
0x30: {  	[sflag:s17] =	ssyncset.done $0x0  }
0x31: {  	s1 =	rddreg [dreg:$0x9];
	[sflag:s17] =	ssyncadd.s32 $0xFFFFF830  }
0x32: {  	[spmem:s1] =	stream.linear.scatter [tilespmem:s16], [sflag:$0x2], $0xF0, $0x38;
	[tilespmem:$0x57D0] =	vst v63  }
0x33: {  	_ =	swait.ge [sflag:s17], $0xF0  }
0x34: {  	[sflag:s17] =	ssyncset.done $0x0  }
0x35: {  	s0 =	simm.s32 $0x40;
	s1 =	simm.s32 $0x0;
	[sflag:s17] =	ssyncadd.s32 $0xFFFFFF10  }
.LBB2_4:
0x36: {  	p0 =	sne.s32 s0, $0x1F00;
	[tilespmem:s1+$0x2800] =	vst v1;
	s1 =	smov.u32 s0;
	s0 =	sadd.s32 $0x40, s0  }
.Ltmp1:
0x37: {  	(pc) =	sbr.rel @p0 .LBB2_4-.Ltmp1, $2  }
0x38: {  	_ =	sdelay $0x2  }
0x39: {  	s1 =	sshra.s32 s1, $0x2  }
0x3a: {  	[tilespmem:s1+$0x2800] =	vst v1  }
0x3b: {  	[bflag:$0x0] =	sbarrier.arrive $0xFFFF  }
0x3c: {  	s0 =	rddreg [dreg:$0xa]  }
.LBB2_6:
0x3d: {  	s1 =	smul.u32 $0x2800, s0;
	_ =	sdelay $0x1  }
0x3e: {  	s1 =	sadd.s32 s12, s1  }
0x3f: {  	s1 =	sshrl.u32 s1, $0x3  }
0x40: {  	s1 =	sadd.s32 s4, s1  }
0x41: {  	[tilespmem:s3], [sflag:$0x2] =	stream.linear.gather [hbm4b:s1+s3], $0x2800, $0x38;
	[tilespmem:$0x57D0] =	vst v63  }
0x42: {  	_ =	swait.ge [sflag:s17], $0x2800  }
0x43: {  	[sflag:s17] =	ssyncset.done $0x0  }
0x44: {  	[sflag:s17] =	ssyncadd.s32 $0xFFFFD800  }
0x45: {  	[spmem:s2] =	stream.indirect.scatter.add.f32 [tilespmem:s16], [sflag:$0x1], $0x10, s3, s18, $0xb8;
	[tilespmem:$0x57D0] =	vst v63  }
0x46: {  	_ = 	snop  }
0x47: {  	[spmem:s2] =	stream.indirect.scatter.add.f32 [tilespmem:s16], [sflag:$0x1], $0x10, s6, s18, $0xb8;
	[tilespmem:$0x57D0] =	vst v63  }
0x48: {  	s1 =	simm.s32 $0x100  }
0x49: {  	[spmem:s2] =	stream.indirect.scatter.add.f32 [tilespmem:s16], [sflag:$0x1], $0x10, s1, s18, $0xb8;
	[tilespmem:$0x57D0] =	vst v63  }
0x4a: {  	s1 =	simm.s32 $0x180  }
0x4b: {  	[spmem:s2] =	stream.indirect.scatter.add.f32 [tilespmem:s16], [sflag:$0x1], $0x10, s1, s18, $0xb8;
	[tilespmem:$0x57D0] =	vst v63  }
0x4c: {  	s1 =	simm.s32 $0x200  }
0x4d: {  	[spmem:s2] =	stream.indirect.scatter.add.f32 [tilespmem:s16], [sflag:$0x1], $0x10, s1, s18, $0xb8;
	[tilespmem:$0x57D0] =	vst v63  }
0x4e: {  	s1 =	simm.s32 $0x280  }
0x4f: {  	[spmem:s2] =	stream.indirect.scatter.add.f32 [tilespmem:s16], [sflag:$0x1], $0x10, s1, s18, $0xb8;
	[tilespmem:$0x57D0] =	vst v63  }
0x50: {  	s1 =	simm.s32 $0x300  }
0x51: {  	[spmem:s2] =	stream.indirect.scatter.add.f32 [tilespmem:s16], [sflag:$0x1], $0x10, s1, s18, $0xb8;
	[tilespmem:$0x57D0] =	vst v63  }
0x52: {  	s1 =	simm.s32 $0x380  }
0x53: {  	[spmem:s2] =	stream.indirect.scatter.add.f32 [tilespmem:s16], [sflag:$0x1], $0x10, s1, s18, $0xb8;
	[tilespmem:$0x57D0] =	vst v63  }
0x54: {  	s1 =	simm.s32 $0x400  }
0x55: {  	[spmem:s2] =	stream.indirect.scatter.add.f32 [tilespmem:s16], [sflag:$0x1], $0x10, s1, s18, $0xb8;
	[tilespmem:$0x57D0] =	vst v63  }
0x56: {  	s1 =	simm.s32 $0x480  }
0x57: {  	[spmem:s2] =	stream.indirect.scatter.add.f32 [tilespmem:s16], [sflag:$0x1], $0x10, s1, s18, $0xb8;
	[tilespmem:$0x57D0] =	vst v63  }
0x58: {  	s1 =	simm.s32 $0x500  }
0x59: {  	[spmem:s2] =	stream.indirect.scatter.add.f32 [tilespmem:s16], [sflag:$0x1], $0x10, s1, s18, $0xb8;
	[tilespmem:$0x57D0] =	vst v63  }
0x5a: {  	s1 =	simm.s32 $0x580  }
0x5b: {  	[spmem:s2] =	stream.indirect.scatter.add.f32 [tilespmem:s16], [sflag:$0x1], $0x10, s1, s18, $0xb8;
	[tilespmem:$0x57D0] =	vst v63  }
0x5c: {  	s1 =	simm.s32 $0x600  }
0x5d: {  	[spmem:s2] =	stream.indirect.scatter.add.f32 [tilespmem:s16], [sflag:$0x1], $0x10, s1, s18, $0xb8;
	[tilespmem:$0x57D0] =	vst v63  }
0x5e: {  	s1 =	simm.s32 $0x680  }
0x5f: {  	[spmem:s2] =	stream.indirect.scatter.add.f32 [tilespmem:s16], [sflag:$0x1], $0x10, s1, s18, $0xb8;
	[tilespmem:$0x57D0] =	vst v63  }
0x60: {  	s1 =	simm.s32 $0x700  }
0x61: {  	[spmem:s2] =	stream.indirect.scatter.add.f32 [tilespmem:s16], [sflag:$0x1], $0x10, s1, s18, $0xb8;
	[tilespmem:$0x57D0] =	vst v63  }
0x62: {  	s1 =	simm.s32 $0x780  }
0x63: {  	[spmem:s2] =	stream.indirect.scatter.add.f32 [tilespmem:s16], [sflag:$0x1], $0x10, s1, s18, $0xb8;
	[tilespmem:$0x57D0] =	vst v63  }
0x64: {  	s1 =	simm.s32 $0x800  }
0x65: {  	[spmem:s2] =	stream.indirect.scatter.add.f32 [tilespmem:s16], [sflag:$0x1], $0x10, s1, s18, $0xb8;
	[tilespmem:$0x57D0] =	vst v63  }
0x66: {  	s1 =	simm.s32 $0x880  }
0x67: {  	[spmem:s2] =	stream.indirect.scatter.add.f32 [tilespmem:s16], [sflag:$0x1], $0x10, s1, s18, $0xb8;
	[tilespmem:$0x57D0] =	vst v63  }
0x68: {  	s1 =	simm.s32 $0x900  }
0x69: {  	[spmem:s2] =	stream.indirect.scatter.add.f32 [tilespmem:s16], [sflag:$0x1], $0x10, s1, s18, $0xb8;
	[tilespmem:$0x57D0] =	vst v63  }
0x6a: {  	s1 =	simm.s32 $0x980  }
0x6b: {  	[spmem:s2] =	stream.indirect.scatter.add.f32 [tilespmem:s16], [sflag:$0x1], $0x10, s1, s18, $0xb8;
	[tilespmem:$0x57D0] =	vst v63  }
0x6c: {  	s1 =	simm.s32 $0xA00  }
0x6d: {  	[spmem:s2] =	stream.indirect.scatter.add.f32 [tilespmem:s16], [sflag:$0x1], $0x10, s1, s18, $0xb8;
	[tilespmem:$0x57D0] =	vst v63  }
0x6e: {  	s1 =	simm.s32 $0xA80  }
0x6f: {  	[spmem:s2] =	stream.indirect.scatter.add.f32 [tilespmem:s16], [sflag:$0x1], $0x10, s1, s18, $0xb8;
	[tilespmem:$0x57D0] =	vst v63  }
0x70: {  	s1 =	simm.s32 $0xB00  }
0x71: {  	[spmem:s2] =	stream.indirect.scatter.add.f32 [tilespmem:s16], [sflag:$0x1], $0x10, s1, s18, $0xb8;
	[tilespmem:$0x57D0] =	vst v63  }
0x72: {  	s1 =	simm.s32 $0xB80  }
0x73: {  	[spmem:s2] =	stream.indirect.scatter.add.f32 [tilespmem:s16], [sflag:$0x1], $0x10, s1, s18, $0xb8;
	[tilespmem:$0x57D0] =	vst v63  }
0x74: {  	s1 =	simm.s32 $0xC00  }
0x75: {  	[spmem:s2] =	stream.indirect.scatter.add.f32 [tilespmem:s16], [sflag:$0x1], $0x10, s1, s18, $0xb8;
	[tilespmem:$0x57D0] =	vst v63  }
0x76: {  	s1 =	simm.s32 $0xC80  }
0x77: {  	[spmem:s2] =	stream.indirect.scatter.add.f32 [tilespmem:s16], [sflag:$0x1], $0x10, s1, s18, $0xb8;
	[tilespmem:$0x57D0] =	vst v63  }
0x78: {  	s1 =	simm.s32 $0xD00  }
0x79: {  	[spmem:s2] =	stream.indirect.scatter.add.f32 [tilespmem:s16], [sflag:$0x1], $0x10, s1, s18, $0xb8;
	[tilespmem:$0x57D0] =	vst v63  }
0x7a: {  	s1 =	simm.s32 $0xD80  }
0x7b: {  	[spmem:s2] =	stream.indirect.scatter.add.f32 [tilespmem:s16], [sflag:$0x1], $0x10, s1, s18, $0xb8;
	[tilespmem:$0x57D0] =	vst v63  }
0x7c: {  	s1 =	simm.s32 $0xE00  }
0x7d: {  	[spmem:s2] =	stream.indirect.scatter.add.f32 [tilespmem:s16], [sflag:$0x1], $0x10, s1, s18, $0xb8;
	[tilespmem:$0x57D0] =	vst v63  }
0x7e: {  	s1 =	simm.s32 $0xE80  }
0x7f: {  	[spmem:s2] =	stream.indirect.scatter.add.f32 [tilespmem:s16], [sflag:$0x1], $0x10, s1, s18, $0xb8;
	[tilespmem:$0x57D0] =	vst v63  }
0x80: {  	s1 =	simm.s32 $0xF00  }
0x81: {  	[spmem:s2] =	stream.indirect.scatter.add.f32 [tilespmem:s16], [sflag:$0x1], $0x10, s1, s18, $0xb8;
	[tilespmem:$0x57D0] =	vst v63  }
0x82: {  	s1 =	simm.s32 $0xF80  }
0x83: {  	[spmem:s2] =	stream.indirect.scatter.add.f32 [tilespmem:s16], [sflag:$0x1], $0x10, s1, s18, $0xb8;
	[tilespmem:$0x57D0] =	vst v63  }
0x84: {  	s1 =	simm.s32 $0x1000  }
0x85: {  	[spmem:s2] =	stream.indirect.scatter.add.f32 [tilespmem:s16], [sflag:$0x1], $0x10, s1, s18, $0xb8;
	[tilespmem:$0x57D0] =	vst v63  }
0x86: {  	s1 =	simm.s32 $0x1080  }
0x87: {  	[spmem:s2] =	stream.indirect.scatter.add.f32 [tilespmem:s16], [sflag:$0x1], $0x10, s1, s18, $0xb8;
	[tilespmem:$0x57D0] =	vst v63  }
0x88: {  	s1 =	simm.s32 $0x1100  }
0x89: {  	[spmem:s2] =	stream.indirect.scatter.add.f32 [tilespmem:s16], [sflag:$0x1], $0x10, s1, s18, $0xb8;
	[tilespmem:$0x57D0] =	vst v63  }
0x8a: {  	s1 =	simm.s32 $0x1180  }
0x8b: {  	[spmem:s2] =	stream.indirect.scatter.add.f32 [tilespmem:s16], [sflag:$0x1], $0x10, s1, s18, $0xb8;
	[tilespmem:$0x57D0] =	vst v63  }
0x8c: {  	s1 =	simm.s32 $0x1200  }
0x8d: {  	[spmem:s2] =	stream.indirect.scatter.add.f32 [tilespmem:s16], [sflag:$0x1], $0x10, s1, s18, $0xb8;
	[tilespmem:$0x57D0] =	vst v63  }
0x8e: {  	s1 =	simm.s32 $0x1280  }
0x8f: {  	[spmem:s2] =	stream.indirect.scatter.add.f32 [tilespmem:s16], [sflag:$0x1], $0x10, s1, s18, $0xb8;
	[tilespmem:$0x57D0] =	vst v63  }
0x90: {  	s1 =	simm.s32 $0x1300  }
0x91: {  	[spmem:s2] =	stream.indirect.scatter.add.f32 [tilespmem:s16], [sflag:$0x1], $0x10, s1, s18, $0xb8;
	[tilespmem:$0x57D0] =	vst v63  }
0x92: {  	s1 =	simm.s32 $0x1380  }
0x93: {  	[spmem:s2] =	stream.indirect.scatter.add.f32 [tilespmem:s16], [sflag:$0x1], $0x10, s1, s18, $0xb8;
	[tilespmem:$0x57D0] =	vst v63  }
0x94: {  	_ =	swait.ge [sflag:s8], $0x7D0  }
0x95: {  	s1 =	simm.s32 $0x27;
	[sflag:s8] =	ssyncset.done $0x0  }
.LBB2_7:
0x96: {  	p0 =	sne.s32 s1, $0x1;
	s1 =	sadd.s32 $0xFFFFFFFF, s1;
	[sflag:s8] =	ssyncadd.s32 $0xFFFFF830  }
.Ltmp2:
0x97: {  	(pc) =	sbr.rel @p0 .LBB2_7-.Ltmp2, $3  }
0x98: {  	_ =	sdelay $0x1  }
0x99: {  	_ =	swait.ge [sflag:s8], $0x7D0  }
0x9a: {  	[sflag:s8] =	ssyncset.done $0x0  }
0x9b: {  	[sflag:s8] =	ssyncadd.s32 $0xFFFFF830;
	s1 =	simm.s32 $0x1400  }
0x9c: {  	[spmem:s2] =	stream.indirect.scatter.add.f32 [tilespmem:s16], [sflag:$0x1], $0x10, s1, s18, $0xb8;
	[tilespmem:$0x57D0] =	vst v63  }
0x9d: {  	s1 =	simm.s32 $0x1480  }
0x9e: {  	[spmem:s2] =	stream.indirect.scatter.add.f32 [tilespmem:s16], [sflag:$0x1], $0x10, s1, s18, $0xb8;
	[tilespmem:$0x57D0] =	vst v63  }
0x9f: {  	s1 =	simm.s32 $0x1500  }
0xa0: {  	[spmem:s2] =	stream.indirect.scatter.add.f32 [tilespmem:s16], [sflag:$0x1], $0x10, s1, s18, $0xb8;
	[tilespmem:$0x57D0] =	vst v63  }
0xa1: {  	s1 =	simm.s32 $0x1580  }
0xa2: {  	[spmem:s2] =	stream.indirect.scatter.add.f32 [tilespmem:s16], [sflag:$0x1], $0x10, s1, s18, $0xb8;
	[tilespmem:$0x57D0] =	vst v63  }
0xa3: {  	s1 =	simm.s32 $0x1600  }
0xa4: {  	[spmem:s2] =	stream.indirect.scatter.add.f32 [tilespmem:s16], [sflag:$0x1], $0x10, s1, s18, $0xb8;
	[tilespmem:$0x57D0] =	vst v63  }
0xa5: {  	s1 =	simm.s32 $0x1680  }
0xa6: {  	[spmem:s2] =	stream.indirect.scatter.add.f32 [tilespmem:s16], [sflag:$0x1], $0x10, s1, s18, $0xb8;
	[tilespmem:$0x57D0] =	vst v63  }
0xa7: {  	s1 =	simm.s32 $0x1700  }
0xa8: {  	[spmem:s2] =	stream.indirect.scatter.add.f32 [tilespmem:s16], [sflag:$0x1], $0x10, s1, s18, $0xb8;
	[tilespmem:$0x57D0] =	vst v63  }
0xa9: {  	s1 =	simm.s32 $0x1780  }
0xaa: {  	[spmem:s2] =	stream.indirect.scatter.add.f32 [tilespmem:s16], [sflag:$0x1], $0x10, s1, s18, $0xb8;
	[tilespmem:$0x57D0] =	vst v63  }
0xab: {  	s1 =	simm.s32 $0x1800  }
0xac: {  	[spmem:s2] =	stream.indirect.scatter.add.f32 [tilespmem:s16], [sflag:$0x1], $0x10, s1, s18, $0xb8;
	[tilespmem:$0x57D0] =	vst v63  }
0xad: {  	s1 =	simm.s32 $0x1880  }
0xae: {  	[spmem:s2] =	stream.indirect.scatter.add.f32 [tilespmem:s16], [sflag:$0x1], $0x10, s1, s18, $0xb8;
	[tilespmem:$0x57D0] =	vst v63  }
0xaf: {  	s1 =	simm.s32 $0x1900  }
0xb0: {  	[spmem:s2] =	stream.indirect.scatter.add.f32 [tilespmem:s16], [sflag:$0x1], $0x10, s1, s18, $0xb8;
	[tilespmem:$0x57D0] =	vst v63  }
0xb1: {  	s1 =	simm.s32 $0x1980  }
0xb2: {  	[spmem:s2] =	stream.indirect.scatter.add.f32 [tilespmem:s16], [sflag:$0x1], $0x10, s1, s18, $0xb8;
	[tilespmem:$0x57D0] =	vst v63  }
0xb3: {  	s1 =	simm.s32 $0x1A00  }
0xb4: {  	[spmem:s2] =	stream.indirect.scatter.add.f32 [tilespmem:s16], [sflag:$0x1], $0x10, s1, s18, $0xb8;
	[tilespmem:$0x57D0] =	vst v63  }
0xb5: {  	s1 =	simm.s32 $0x1A80  }
0xb6: {  	[spmem:s2] =	stream.indirect.scatter.add.f32 [tilespmem:s16], [sflag:$0x1], $0x10, s1, s18, $0xb8;
	[tilespmem:$0x57D0] =	vst v63  }
0xb7: {  	s1 =	simm.s32 $0x1B00  }
0xb8: {  	[spmem:s2] =	stream.indirect.scatter.add.f32 [tilespmem:s16], [sflag:$0x1], $0x10, s1, s18, $0xb8;
	[tilespmem:$0x57D0] =	vst v63  }
0xb9: {  	s1 =	simm.s32 $0x1B80  }
0xba: {  	[spmem:s2] =	stream.indirect.scatter.add.f32 [tilespmem:s16], [sflag:$0x1], $0x10, s1, s18, $0xb8;
	[tilespmem:$0x57D0] =	vst v63  }
0xbb: {  	s1 =	simm.s32 $0x1C00  }
0xbc: {  	[spmem:s2] =	stream.indirect.scatter.add.f32 [tilespmem:s16], [sflag:$0x1], $0x10, s1, s18, $0xb8;
	[tilespmem:$0x57D0] =	vst v63  }
0xbd: {  	s1 =	simm.s32 $0x1C80  }
0xbe: {  	[spmem:s2] =	stream.indirect.scatter.add.f32 [tilespmem:s16], [sflag:$0x1], $0x10, s1, s18, $0xb8;
	[tilespmem:$0x57D0] =	vst v63  }
0xbf: {  	s1 =	simm.s32 $0x1D00  }
0xc0: {  	[spmem:s2] =	stream.indirect.scatter.add.f32 [tilespmem:s16], [sflag:$0x1], $0x10, s1, s18, $0xb8;
	[tilespmem:$0x57D0] =	vst v63  }
0xc1: {  	s1 =	simm.s32 $0x1D80  }
0xc2: {  	[spmem:s2] =	stream.indirect.scatter.add.f32 [tilespmem:s16], [sflag:$0x1], $0x10, s1, s18, $0xb8;
	[tilespmem:$0x57D0] =	vst v63  }
0xc3: {  	s1 =	simm.s32 $0x1E00  }
0xc4: {  	[spmem:s2] =	stream.indirect.scatter.add.f32 [tilespmem:s16], [sflag:$0x1], $0x10, s1, s18, $0xb8;
	[tilespmem:$0x57D0] =	vst v63  }
0xc5: {  	_ = 	snop  }
0xc6: {  	[spmem:s2] =	stream.indirect.scatter.add.f32 [tilespmem:s16], [sflag:$0x1], $0x10, s7, s18, $0xb8;
	[tilespmem:$0x57D0] =	vst v63  }
0xc7: {  	_ = 	snop  }
0xc8: {  	[spmem:s2] =	stream.indirect.scatter.add.f32 [tilespmem:s16], [sflag:$0x1], $0x10, s9, s18, $0xb8;
	[tilespmem:$0x57D0] =	vst v63  }
0xc9: {  	_ = 	snop  }
0xca: {  	[spmem:s2] =	stream.indirect.scatter.add.f32 [tilespmem:s16], [sflag:$0x1], $0x10, s10, s18, $0xb8;
	[tilespmem:$0x57D0] =	vst v63  }
0xcb: {  	_ = 	snop  }
0xcc: {  	[spmem:s2] =	stream.indirect.scatter.add.f32 [tilespmem:s16], [sflag:$0x1], $0x10, s13, s18, $0xb8;
	[tilespmem:$0x57D0] =	vst v63  }
0xcd: {  	_ = 	snop  }
0xce: {  	[spmem:s2] =	stream.indirect.scatter.add.f32 [tilespmem:s16], [sflag:$0x1], $0x10, s11, s18, $0xb8;
	[tilespmem:$0x57D0] =	vst v63  }
0xcf: {  	_ = 	snop  }
0xd0: {  	[spmem:s2] =	stream.indirect.scatter.add.f32 [tilespmem:s16], [sflag:$0x1], $0x10, s14, s18, $0xb8;
	[tilespmem:$0x57D0] =	vst v63  }
0xd1: {  	_ = 	snop  }
0xd2: {  	[spmem:s2] =	stream.indirect.scatter.add.f32 [tilespmem:s16], [sflag:$0x1], $0x10, s5, s18, $0xb8;
	[tilespmem:$0x57D0] =	vst v63  }
0xd3: {  	_ = 	snop  }
0xd4: {  	[spmem:s2] =	stream.indirect.scatter.add.f32 [tilespmem:s16], [sflag:$0x1], $0x10, s19, s18, $0xb8;
	[tilespmem:$0x57D0] =	vst v63  }
0xd5: {  	_ = 	snop  }
0xd6: {  	[spmem:s2] =	stream.indirect.scatter.add.f32 [tilespmem:s16], [sflag:$0x1], $0x10, s20, s18, $0xb8;
	[tilespmem:$0x57D0] =	vst v63  }
0xd7: {  	_ = 	snop  }
0xd8: {  	[spmem:s2] =	stream.indirect.scatter.add.f32 [tilespmem:s16], [sflag:$0x1], $0x10, s21, s18, $0xb8;
	[tilespmem:$0x57D0] =	vst v63  }
0xd9: {  	_ = 	snop  }
0xda: {  	[spmem:s2] =	stream.indirect.scatter.add.f32 [tilespmem:s16], [sflag:$0x1], $0x10, s22, s18, $0xb8;
	[tilespmem:$0x57D0] =	vst v63  }
0xdb: {  	_ = 	snop  }
0xdc: {  	[spmem:s2] =	stream.indirect.scatter.add.f32 [tilespmem:s16], [sflag:$0x1], $0x10, s23, s18, $0xb8;
	[tilespmem:$0x57D0] =	vst v63  }
0xdd: {  	_ = 	snop  }
0xde: {  	[spmem:s2] =	stream.indirect.scatter.add.f32 [tilespmem:s16], [sflag:$0x1], $0x10, s24, s18, $0xb8;
	[tilespmem:$0x57D0] =	vst v63  }
0xdf: {  	_ = 	snop  }
0xe0: {  	[spmem:s2] =	stream.indirect.scatter.add.f32 [tilespmem:s16], [sflag:$0x1], $0x10, s25, s18, $0xb8;
	[tilespmem:$0x57D0] =	vst v63  }
0xe1: {  	_ = 	snop  }
0xe2: {  	[spmem:s2] =	stream.indirect.scatter.add.f32 [tilespmem:s16], [sflag:$0x1], $0x10, s26, s18, $0xb8;
	[tilespmem:$0x57D0] =	vst v63  }
0xe3: {  	_ = 	snop  }
0xe4: {  	[spmem:s2] =	stream.indirect.scatter.add.f32 [tilespmem:s16], [sflag:$0x1], $0x10, s28, s18, $0xb8;
	[tilespmem:$0x57D0] =	vst v63  }
0xe5: {  	_ = 	snop  }
0xe6: {  	[spmem:s2] =	stream.indirect.scatter.add.f32 [tilespmem:s16], [sflag:$0x1], $0x10, s29, s18, $0xb8;
	[tilespmem:$0x57D0] =	vst v63  }
0xe7: {  	_ = 	snop  }
0xe8: {  	[spmem:s2] =	stream.indirect.scatter.add.f32 [tilespmem:s16], [sflag:$0x1], $0x10, s30, s18, $0xb8;
	[tilespmem:$0x57D0] =	vst v63  }
0xe9: {  	_ = 	snop  }
0xea: {  	[spmem:s2] =	stream.indirect.scatter.add.f32 [tilespmem:s16], [sflag:$0x1], $0x10, s31, s18, $0xb8;
	[tilespmem:$0x57D0] =	vst v63  }
0xeb: {  	_ =	swait.ge [sflag:s8], $0x7D0  }
0xec: {  	s1 =	simm.s32 $0x27;
	[sflag:s8] =	ssyncset.done $0x0  }
.LBB2_9:
0xed: {  	p0 =	sne.s32 s1, $0x1;
	s1 =	sadd.s32 $0xFFFFFFFF, s1;
	[sflag:s8] =	ssyncadd.s32 $0xFFFFF830  }
.Ltmp3:
0xee: {  	(pc) =	sbr.rel @p0 .LBB2_9-.Ltmp3, $3  }
0xef: {  	_ =	sdelay $0x1  }
0xf0: {  	_ =	swait.ge [sflag:s8], $0x7D0  }
0xf1: {  	[sflag:s8] =	ssyncset.done $0x0  }
0xf2: {  	p0 =	sne.s32 s0, s15  }
.Ltmp4:
0xf3: {  	_ = 	snop;
	(pc) =	sbr.rel @p0 .LBB2_6-.Ltmp4, $3  }
0xf4: {  	_ =	sdelay $0x1  }
0xf5: {  	s1 =	sadd.s32 $0x1, s0  }
0xf6: {  	[sflag:s8] =	ssyncadd.s32 $0xFFFFF830;
	s0 =	smov.u32 s1  }
0xf7: {  	s0 =	stileid.u32;
	[bflag:$0x0] =	sbarrier.arrive $0xFFFF  }
0xf8: {  	s0 =	sshll.u32 s0, $0x6;
	s1 =	rddreg [dreg:$0x4]  }
0xf9: {  	s6 =	rddreg [dreg:$0xb];
	s0 =	sor.u32 $0x1C02, s0;
	s1 =	sshrl.u32 s1, $0x3  }
0xfa: {  	[hbm:s6], [sflag:s0] =	dma.local [spmem:s1], $0x500  }
0xfb: {  	_ =	swait.ge [sflag:s17], $0x500  }
0xfc: {  	s0 =	rddreg [dreg:$0xd]  }
0xfd: {  	s1 =	sadd.s32 $0x1, s0;
	s0 =	rddreg [dreg:$0xc]  }
0xfe: {  	p0 =	sne.s32 s1, s0  }
.Ltmp5:
0xff: {  	_ = 	snop;
	(pc) =	sbr.rel @p0 .LBB2_1-.Ltmp5, $3  }
0x100: {  	_ =	sdelay $0x1  }
0x101: {  	[sflag:s17] =	ssyncset.done $0x0  }
0x102: {  	s6 =	simm.s32 $0x80;
	[sflag:s17] =	ssyncadd.s32 $0xFFFFFB00  }
0x103: {  	_ =	sfence.sel $0x180000  }
0x104: {  	[bflag:$0x0] =	sbarrier.arrive $0xFFFF  }
0x105: {  	_ =	strace $0x90000047  }
0x106: {  	s0 =	stileid.u32;
	[bflag:$0x2] =	sbarrier.arrive $0xFFFF  }
0x107: {  	p0 =	sne.s32 s0, $0x0;
	s0 =	rddreg [dreg:$0x3]  }
0x108: {  	s0 =	sadd.s32 @!p0 $0x100000, s0  }
0x109: {  	[sflag:s0] =	ssyncadd.tile.s32 @!p0 $0x1;
	_ =	shalt  }
.Lfunc_end2:
_tile_overlayer_lowered:
.L_overlay_start_2:
0x10a: {  	(tag) =	ssettag $0x2  }
0x10b: {  	s0 =	rddreg [dreg:$0x0];
	s2 =	stileid.u32  }
0x10c: {  	s1 =	rddreg [dreg:$0x1];
	p0 =	sne.s32 s2, $0x0  }
0x10d: {  	s3 =	rddreg [dreg:$0x2];
	[bflag:$0x3] =	sbarrier.arrive $0xFFFF;
	s2 =	simm.s32 @!p0 $0x1C02  }
0x10e: {  	[timem:s3], [sflag:s2] =	dma.local @!p0 [hbm:s0], s1  }
0x10f: {  	s0 =	simm.s32 @!p0 $0x2  }
0x110: {  	_ =	swait.ge @!p0 [sflag:s0], s1  }
0x111: {  	s1 =	ssub.s32 @!p0 $0x0, s1;
	[sflag:s0] =	ssyncset.done @!p0 $0x0  }
0x112: {  	[sflag:s0] =	ssyncadd.s32 @!p0 s1  }
0x113: {  	[bflag:$0x3] =	sbarrier.arrive $0xFFFF  }
0x114: {  	_ =	shalt  }

</sc_bundles>
